<compile_context>
chip_gen: v7x
topology: tpu7x:2x2x1
jax: 0.10.2.dev20260603
libtpu: 0.0.44.dev20260713+nightly
codegen_flags: <defaults>
</compile_context>

<pallas_src>
import functools
import math

import jax
import jax.numpy as jnp
from jax import lax
from jax.experimental import pallas as pl
from jax.experimental.pallas import tpu as pltpu
from jax.experimental.pallas import tpu_sc as plsc

_MARGIN = 0

_CW = 2944
_POS = _CW // 16
_SC_ROWS = 512


def _sc_gather(labels, indexes):
    b = indexes.shape[0]
    info = plsc.get_sparse_core_info()
    num_cores = info.num_cores
    nw = info.num_cores * info.num_subcores
    bpw = b // nw

    mesh = plsc.VectorSubcoreMesh(core_axis_name="c", subcore_axis_name="s")

    @functools.partial(
        pl.kernel,
        mesh=mesh,
        out_type=jax.ShapeDtypeStruct((b,), jnp.int32),
        scratch_types=[
            pltpu.VMEM((bpw,), jnp.int32),
            pltpu.VMEM((bpw,), jnp.int32),
            pltpu.SemaphoreType.DMA,
        ],
    )
    def sc_kernel(labels_hbm, idx_hbm, y_hbm, idx_v, y_v, sem):
        wid = lax.axis_index("s") * num_cores + lax.axis_index("c")
        base = wid * bpw
        pltpu.sync_copy(idx_hbm.at[pl.ds(base, bpw)], idx_v)
        pltpu.async_copy(labels_hbm.at[idx_v], y_v, sem).wait()
        pltpu.sync_copy(y_v, y_hbm.at[pl.ds(base, bpw)])

    return sc_kernel(labels, indexes)


def _sc_stream(x, labels_pad, indexes, row_base, s_rows):
    b, n = x.shape
    n_pad = labels_pad.shape[0]
    assert n_pad % _CW == 0
    n_chunks = n_pad // _CW
    pad_lanes = n_pad - n
    assert pad_lanes % 16 == 0 and pad_lanes < _CW
    info = plsc.get_sparse_core_info()
    nc = info.num_cores
    nw = info.num_cores * info.num_subcores
    rpw = s_rows // nw
    assert rpw % 8 == 0
    n_groups = rpw // 8
    rpw16 = max(rpw, 16)

    mesh = plsc.VectorSubcoreMesh(core_axis_name="c", subcore_axis_name="s")

    @functools.partial(
        pl.kernel,
        mesh=mesh,
        out_type=(
            jax.ShapeDtypeStruct((s_rows * 16,), jnp.float32),
            jax.ShapeDtypeStruct((s_rows * 16,), jnp.float32),
        ),
        scratch_types=[
            pltpu.VMEM((8, _CW), jnp.float32),
            pltpu.VMEM((8, _CW), jnp.float32),
            pltpu.VMEM((_CW,), jnp.int32),
            pltpu.VMEM((_CW,), jnp.int32),
            pltpu.VMEM((rpw16,), jnp.int32),
            pltpu.VMEM((rpw16,), jnp.int32),
            pltpu.VMEM((rpw * 16,), jnp.float32),
            pltpu.VMEM((rpw * 16,), jnp.float32),
            pltpu.SemaphoreType.DMA,
            pltpu.SemaphoreType.DMA,
            pltpu.SemaphoreType.DMA,
            pltpu.SemaphoreType.DMA,
        ],
    )
    def sc_kernel(x_hbm, lab_hbm, idx_hbm, p_hbm, z_hbm,
                  xb0, xb1, lb0, lb1, idx_v, y_v, p_acc, z_acc,
                  sem_x0, sem_x1, sem_l0, sem_l1):
        wid = lax.axis_index("s") * nc + lax.axis_index("c")
        row0 = row_base + wid * rpw
        out0 = wid * rpw
        pltpu.sync_copy(idx_hbm.at[pl.ds(row0, rpw)],
                        idx_v.at[pl.ds(0, rpw)])
        if rpw < 16:
            lane = lax.iota(jnp.int32, 16)
            iv = idx_v[pl.ds(0, 16)]
            idx_v[pl.ds(0, 16)] = jnp.where(lane < rpw, iv, 0)
        pltpu.async_copy(lab_hbm.at[idx_v], y_v, sem_l0).wait()

        iota = lax.iota(jnp.int32, 16)
        xbufs = (xb0, xb1)
        lbufs = (lb0, lb1)
        xsems = (sem_x0, sem_x1)
        lsems = (sem_l0, sem_l1)

        def do_group(g):
            grow = row0 + g * 8

            def start_dma(c, buf_i):
                pltpu.async_copy(
                    x_hbm.at[pl.ds(grow, 8), pl.ds(c * _CW, _CW)],
                    xbufs[buf_i], xsems[buf_i])
                pltpu.async_copy(
                    lab_hbm.at[pl.ds(c * _CW, _CW)],
                    lbufs[buf_i], lsems[buf_i])

            def wait_dma(buf_i):
                pltpu.make_async_copy(
                    x_hbm.at[pl.ds(grow, 8), pl.ds(0, _CW)],
                    xbufs[buf_i], xsems[buf_i]).wait()
                pltpu.make_async_copy(
                    lab_hbm.at[pl.ds(0, _CW)],
                    lbufs[buf_i], lsems[buf_i]).wait()

            yv16 = y_v[pl.ds((g // 2) * 16, 16)]
            iv16 = idx_v[pl.ds((g // 2) * 16, 16)]
            lo = (g % 2) * 8
            ys = [jnp.full((16,), yv16[lo + r], jnp.int32) for r in range(8)]
            ix = [jnp.full((16,), iv16[lo + r], jnp.int32) for r in range(8)]

            def do_chunk(c, buf_i):
                wait_dma(buf_i)
                xb = xbufs[buf_i]
                lb = lbufs[buf_i]

                @pl.when(c == n_chunks - 1)
                def _patch_pad():
                    ninf = jnp.full((16,), -jnp.inf, jnp.float32)
                    for r in range(8):
                        for t in range(pad_lanes // 16):
                            xb[r, pl.ds(_CW - pad_lanes + t * 16, 16)] = ninf

                accs0 = tuple(jnp.zeros((16,), jnp.float32)
                              for _ in range(16))

                def pos_step(i, carry):
                    accs = carry
                    colv = c * _CW + i * 16 + iota
                    lv = lb[pl.ds(i * 16, 16)]
                    out = []
                    for r in range(8):
                        az, ap = accs[2 * r], accs[2 * r + 1]
                        e = jnp.exp(xb[r, pl.ds(i * 16, 16)])
                        e = jnp.where(colv != ix[r], e, 0.0)
                        az = az + e
                        ap = ap + jnp.where(lv == ys[r], e, 0.0)
                        out.extend((az, ap))
                    return tuple(out)

                accs = lax.fori_loop(0, _POS, pos_step, accs0)
                for r in range(8):
                    o = pl.ds((g * 8 + r) * 16, 16)
                    z_acc[o] = z_acc[o] + accs[2 * r]
                    p_acc[o] = p_acc[o] + accs[2 * r + 1]

            for r in range(8):
                o = pl.ds((g * 8 + r) * 16, 16)
                z_acc[o] = jnp.zeros((16,), jnp.float32)
                p_acc[o] = jnp.zeros((16,), jnp.float32)
            start_dma(0, 0)

            def two_chunks(t, _):
                c0 = t * 2

                @pl.when(c0 + 1 < n_chunks)
                def _():
                    start_dma(c0 + 1, 1)
                do_chunk(c0, 0)

                @pl.when(c0 + 1 < n_chunks)
                def _():
                    @pl.when(c0 + 2 < n_chunks)
                    def _():
                        start_dma(c0 + 2, 0)
                    do_chunk(c0 + 1, 1)
                return 0

            lax.fori_loop(0, (n_chunks + 1) // 2, two_chunks, 0)

            pltpu.sync_copy(
                p_acc.at[pl.ds(g * 128, 128)],
                p_hbm.at[pl.ds((out0 + g * 8) * 16, 128)])
            pltpu.sync_copy(
                z_acc.at[pl.ds(g * 128, 128)],
                z_hbm.at[pl.ds((out0 + g * 8) * 16, 128)])

        for g in range(n_groups):
            do_group(g)

    return sc_kernel(x, labels_pad, indexes)


def _tc_body(n_cols, n_blocks, blk_w, bt,
             xa_ref, xb_ref, lab_ref, y_ref, idx_ref,
             p_out, z_out, p_acc, z_acc):
    j = pl.program_id(0)

    @pl.when(j == 0)
    def _init():
        p_acc[...] = jnp.zeros_like(p_acc)
        z_acc[...] = jnp.zeros_like(z_acc)

    half = bt // 2
    col = j * blk_w + lax.broadcasted_iota(jnp.int32, (1, blk_w), 1)
    valid = col < n_cols
    lab = lab_ref[...]
    for x_ref, r0 in ((xa_ref, 0), (xb_ref, half)):
        rows = pl.ds(r0, half)
        e = jnp.exp(x_ref[...])
        e = jnp.where(valid & (col != idx_ref[rows, :]), e, 0.0)
        same = lab == y_ref[rows, :]
        z_acc[rows, :] += jnp.sum(e, axis=1, keepdims=True)
        p_acc[rows, :] += jnp.sum(jnp.where(same, e, 0.0), axis=1,
                                  keepdims=True)

    @pl.when(j == n_blocks - 1)
    def _emit():
        p_out[...] = p_acc[...]
        z_out[...] = z_acc[...]


def _tc_main(x_full, bt, labels2d, y2d, idx2d, blk_w=4096):
    n_cols = x_full.shape[1]
    half = bt // 2
    n_blocks = pl.cdiv(n_cols, blk_w)
    outp = jax.ShapeDtypeStruct((bt, 1), jnp.float32)
    body = functools.partial(_tc_body, n_cols, n_blocks, blk_w, bt)
    return pl.pallas_call(
        body,
        grid=(n_blocks,),
        in_specs=[
            pl.BlockSpec((half, blk_w), lambda j: (0, j)),
            pl.BlockSpec((half, blk_w), lambda j: (1, j)),
            pl.BlockSpec((1, blk_w), lambda j: (0, j)),
            pl.BlockSpec((bt, 1), lambda j: (0, 0)),
            pl.BlockSpec((bt, 1), lambda j: (0, 0)),
        ],
        out_specs=[
            pl.BlockSpec((bt, 1), lambda j: (0, 0)),
            pl.BlockSpec((bt, 1), lambda j: (0, 0)),
        ],
        out_shape=[outp, outp],
        scratch_shapes=[
            pltpu.VMEM((bt, 1), jnp.float32),
            pltpu.VMEM((bt, 1), jnp.float32),
        ],
        compiler_params=pltpu.CompilerParams(
            dimension_semantics=("arbitrary",),
        ),
    )(x_full, x_full, labels2d, y2d, idx2d)


def _tc_finalize(p_t, z_t, p16_s, z16_s, batch):
    out11 = jax.ShapeDtypeStruct((1, 1), jnp.float32)

    def stats(p, z):
        prob = p / z
        nzm = prob != 0.0
        logp = jnp.where(nzm, jnp.log(jnp.where(nzm, prob, 1.0)), 0.0)
        return jnp.sum(logp), jnp.min(p), jnp.sum(p)

    def body(pt_ref, zt_ref, ps_ref, zs_ref, loss_ref, min_ref, mean_ref):
        scale = 1.0 / math.exp(_MARGIN)
        pt = pt_ref[...] * scale
        zt = zt_ref[...] - pt_ref[...] + pt
        ps = jnp.sum(ps_ref[...], axis=1, keepdims=True) * scale
        zs = (jnp.sum(zs_ref[...], axis=1, keepdims=True)
              - jnp.sum(ps_ref[...], axis=1, keepdims=True) + ps)
        lt, mt, st = stats(pt, zt)
        ls, ms, ss = stats(ps, zs)
        loss_ref[...] = jnp.full((1, 1), -1.0 / batch) * (lt + ls)
        min_ref[...] = jnp.full((1, 1), 1.0) * jnp.minimum(mt, ms)
        mean_ref[...] = jnp.full((1, 1), 1.0 / batch) * (st + ss)

    return pl.pallas_call(
        body,
        out_shape=[out11, out11, out11],
    )(p_t, z_t, p16_s, z16_s)


def kernel(x, features, labels, indexes):
    del features
    batch, n_cols = x.shape
    s_rows = _SC_ROWS
    bt = batch - s_rows
    n_pad = _CW * ((n_cols + _CW - 1) // _CW)
    labels_pad = jnp.pad(labels, (0, n_pad - n_cols), constant_values=-1)
    y = jnp.take(labels, indexes)
    p_t, z_t = _tc_main(
        x, bt,
        labels.reshape(1, n_cols),
        y[:bt].reshape(bt, 1),
        indexes[:bt].reshape(bt, 1),
    )
    p16_s, z16_s = _sc_stream(x, labels_pad, indexes, bt, s_rows)
    loss, pmin, pmean = _tc_finalize(
        p_t, z_t,
        p16_s.reshape(s_rows, 16), z16_s.reshape(s_rows, 16),
        batch)
    return (loss[0, 0], pmin[0, 0], pmean[0, 0])

# --- scband reference (transcript-rebuilt; emitter-appended) ---
"""Pipeline reference for scband-ncacross-entropy-7541962571866 (READ-ONLY COPY).

The authoritative reference and input builder live on the scoring server;
editing this copy changes nothing except your own understanding.
"""

import jax, jax.numpy as jnp
import numpy as np
import math

MARGIN = 0

def setup_inputs(seed: int = 0) -> dict:
    key = jax.random.key(seed)
    k1, k2, k3, k4 = jax.random.split(key, 4)
    x = jax.random.normal(k1, (1024, 100000), dtype=jnp.float32)
    features = jax.random.normal(k2, (1024, 128), dtype=jnp.float32)
    labels = jax.random.randint(k3, (100000,), 0, 1000, dtype=jnp.int32)
    indexes = jax.random.randint(k4, (1024,), 0, 100000, dtype=jnp.int32)
    return {"x": x, "features": features, "labels": labels, "indexes": indexes}

def reference(x, features, labels, indexes):
    batchSize, n = x.shape
    exp = jnp.exp(x)
    # gather labels of the batch instances: y[i] = labels[indexes[i]]
    y = jnp.take(labels, indexes, axis=0).reshape(batchSize, 1)
    # same[i, j] = (labels[indexes[i]] == labels[j])
    same = (y == labels[None, :])
    # zero out self-similarity: exp[i, indexes[i]] = 0  (scatter-overwrite)
    exp = exp.at[jnp.arange(batchSize), indexes].set(0.0)
    p = jnp.sum(exp * same.astype(x.dtype), axis=1)
    Z = jnp.sum(exp, axis=1)
    Z_exclude = Z - p
    p = p / math.exp(MARGIN)
    Z = Z_exclude + p
    prob = p / Z
    # masked_select(prob, prob != 0).log().sum() == sum of log(prob) over nonzero entries
    nz = prob != 0
    safe = jnp.where(nz, prob, 1.0)
    loss = jnp.sum(jnp.where(nz, jnp.log(safe), 0.0))
    return (-loss / batchSize, jnp.min(p), jnp.mean(p))

if __name__ == "__main__":
    import jax
    _d = setup_inputs()
    print(jax.jit(kernel)(*tuple(_d.values())))

</pallas_src>

<mosaic_0001>
#map = affine_map<(d0, d1) -> (0, 0)>
#map1 = affine_map<(d0, d1) -> (0)>
module attributes {stable_mosaic.version = 14 : i64} {
  func.func @sc_kernel(%arg0: i32, %arg1: i32, %arg2: memref<1024x100000xf32, #tpu.memory_space<hbm>>, %arg3: memref<100096xi32, #tpu.memory_space<hbm>>, %arg4: memref<1024xi32, #tpu.memory_space<hbm>>, %arg5: memref<8192xf32, #tpu.memory_space<hbm>>, %arg6: memref<8192xf32, #tpu.memory_space<hbm>>, %arg7: memref<8x2944xf32, #tpu.memory_space<vmem>>, %arg8: memref<8x2944xf32, #tpu.memory_space<vmem>>, %arg9: memref<2944xi32, #tpu.memory_space<vmem>>, %arg10: memref<2944xi32, #tpu.memory_space<vmem>>, %arg11: memref<16xi32, #tpu.memory_space<vmem>>, %arg12: memref<16xi32, #tpu.memory_space<vmem>>, %arg13: memref<256xf32, #tpu.memory_space<vmem>>, %arg14: memref<256xf32, #tpu.memory_space<vmem>>, %arg15: memref<!tpu.dma_semaphore, #tpu.memory_space<semaphore_mem>>, %arg16: memref<!tpu.dma_semaphore, #tpu.memory_space<semaphore_mem>>, %arg17: memref<!tpu.dma_semaphore, #tpu.memory_space<semaphore_mem>>, %arg18: memref<!tpu.dma_semaphore, #tpu.memory_space<semaphore_mem>>) attributes {dimension_semantics = [#tpu.dimension_semantics<core_parallel>, #tpu.dimension_semantics<subcore_parallel>], iteration_bounds = array<i64: 2, 16>, scalar_prefetch = 0 : i64, scratch_operands = 12 : i64, tpu.core_type = #tpu.core_type<sc_vector_subcore>, window_params = [{transform_indices = #map}, {transform_indices = #map1}, {transform_indices = #map1}, {transform_indices = #map1}, {transform_indices = #map1}]} {
    %mul3A = arith.constant 2 : i32
    %mul3A_0 = arith.muli %arg1, %mul3A : i32
    %add3A = arith.addi %mul3A_0, %arg0 : i32
    %mul3A_1 = arith.constant 16 : i32
    %mul3A_2 = arith.muli %add3A, %mul3A_1 : i32
    %add3A_3 = arith.constant 512 : i32
    %add3A_4 = arith.addi %add3A_3, %mul3A_2 : i32
    %mul3A_5 = arith.constant 16 : i32
    %mul3A_6 = arith.muli %add3A, %mul3A_5 : i32
    "tpu.region"() ({
      %run_scoped3A = tpu.sem_alloc : memref<!tpu.dma_semaphore, #tpu.memory_space<semaphore_mem>>
      %dma_start3A_353 = arith.constant 0 : i32
      %dma_start3A_354 = tpu.memref_slice %arg11[%dma_start3A_353] : memref<16xi32, #tpu.memory_space<vmem>> -> memref<16xi32, #tpu.memory_space<vmem>>
      %dma_start3A_355 = tpu.memref_slice %arg4[%add3A_4] : memref<1024xi32, #tpu.memory_space<hbm>> -> memref<16xi32, #tpu.memory_space<hbm>>
      %dma_start3A_356 = arith.constant 0 : i32
      %dma_start3A_357 = tpu.memref_slice %arg11[%dma_start3A_356] : memref<16xi32, #tpu.memory_space<vmem>> -> memref<16xi32, #tpu.memory_space<vmem>>
      %dma_start3A_358 = tpu.memref_slice %arg4[%add3A_4] : memref<1024xi32, #tpu.memory_space<hbm>> -> memref<16xi32, #tpu.memory_space<hbm>>
      tpu.enqueue_dma source(%dma_start3A_358 : memref<16xi32, #tpu.memory_space<hbm>>) target(%dma_start3A_357 : memref<16xi32, #tpu.memory_space<vmem>>) target_semaphore(%run_scoped3A : memref<!tpu.dma_semaphore, #tpu.memory_space<semaphore_mem>>)
      %dma_wait3A_359 = arith.constant 0 : i32
      %dma_wait3A_360 = tpu.memref_slice %arg11[%dma_wait3A_359] : memref<16xi32, #tpu.memory_space<vmem>> -> memref<16xi32, #tpu.memory_space<vmem>>
      %dma_wait3A_361 = tpu.memref_slice %arg4[%add3A_4] : memref<1024xi32, #tpu.memory_space<hbm>> -> memref<16xi32, #tpu.memory_space<hbm>>
      %dma_wait3A_362 = arith.constant 0 : i32
      %dma_wait3A_363 = tpu.memref_slice %arg11[%dma_wait3A_362] : memref<16xi32, #tpu.memory_space<vmem>> -> memref<16xi32, #tpu.memory_space<vmem>>
      %dma_wait3A_364 = tpu.memref_slice %arg4[%add3A_4] : memref<1024xi32, #tpu.memory_space<hbm>> -> memref<16xi32, #tpu.memory_space<hbm>>
      tpu.wait_dma2 semaphore(%run_scoped3A : memref<!tpu.dma_semaphore, #tpu.memory_space<semaphore_mem>>) src(%dma_wait3A_364 : memref<16xi32, #tpu.memory_space<hbm>>) dst(%dma_wait3A_363 : memref<16xi32, #tpu.memory_space<vmem>>)
      tpu.yield
    }) : () -> ()
    %dma_start3A = arith.constant 0 : i32
    %dma_start3A_7 = tpu.memref_slice %arg3[%dma_start3A] : memref<100096xi32, #tpu.memory_space<hbm>> -> memref<100096xi32, #tpu.memory_space<hbm>>
    tpu.enqueue_indirect_dma source(%dma_start3A_7 : memref<100096xi32, #tpu.memory_space<hbm>>) target(%arg12 : memref<16xi32, #tpu.memory_space<vmem>>) offsets(%arg11 : memref<16xi32, #tpu.memory_space<vmem>>) semaphore(%arg17 : memref<!tpu.dma_semaphore, #tpu.memory_space<semaphore_mem>>)
    %dma_wait3A = arith.constant 0 : i32
    %dma_wait3A_8 = tpu.memref_slice %arg3[%dma_wait3A] : memref<100096xi32, #tpu.memory_space<hbm>> -> memref<100096xi32, #tpu.memory_space<hbm>>
    tpu.wait_indirect_dma semaphore(%arg17 : memref<!tpu.dma_semaphore, #tpu.memory_space<semaphore_mem>>) src(%dma_wait3A_8 : memref<100096xi32, #tpu.memory_space<hbm>>) dst(%arg12 : memref<16xi32, #tpu.memory_space<vmem>>)
    %iota3A = tpu.iota {dimensions = array<i32: 0>} : vector<16xi32>
    %add3A_9 = arith.constant 0 : i32
    %add3A_10 = arith.addi %add3A_4, %add3A_9 : i32
    %get3A = arith.constant 0 : index
    %get3A_11 = tpu.vector_load %arg12[%get3A] {strides = array<i32>} : memref<16xi32, #tpu.memory_space<vmem>>, vector<16xi32>,
    %get3A_12 = vector.shape_cast %get3A_11 : vector<16xi32> to vector<16xi32>
    %get3A_13 = arith.constant 0 : index
    %get3A_14 = tpu.vector_load %arg11[%get3A_13] {strides = array<i32>} : memref<16xi32, #tpu.memory_space<vmem>>, vector<16xi32>,
    %get3A_15 = vector.shape_cast %get3A_14 : vector<16xi32> to vector<16xi32>
    %slice3A = vector.extract_strided_slice %get3A_12 {offsets = [0], sizes = [1], strides = [1]} : vector<16xi32> to vector<1xi32>
    %squeeze3A = vector.extract %slice3A[0] : i32 from vector<1xi32>
    %broadcast_in_dim3A = vector.broadcast %squeeze3A : i32 to vector<16xi32>
    %slice3A_16 = vector.extract_strided_slice %get3A_12 {offsets = [1], sizes = [1], strides = [1]} : vector<16xi32> to vector<1xi32>
    %squeeze3A_17 = vector.extract %slice3A_16[0] : i32 from vector<1xi32>
    %broadcast_in_dim3A_18 = vector.broadcast %squeeze3A_17 : i32 to vector<16xi32>
    %slice3A_19 = vector.extract_strided_slice %get3A_12 {offsets = [2], sizes = [1], strides = [1]} : vector<16xi32> to vector<1xi32>
    %squeeze3A_20 = vector.extract %slice3A_19[0] : i32 from vector<1xi32>
    %broadcast_in_dim3A_21 = vector.broadcast %squeeze3A_20 : i32 to vector<16xi32>
    %slice3A_22 = vector.extract_strided_slice %get3A_12 {offsets = [3], sizes = [1], strides = [1]} : vector<16xi32> to vector<1xi32>
    %squeeze3A_23 = vector.extract %slice3A_22[0] : i32 from vector<1xi32>
    %broadcast_in_dim3A_24 = vector.broadcast %squeeze3A_23 : i32 to vector<16xi32>
    %slice3A_25 = vector.extract_strided_slice %get3A_12 {offsets = [4], sizes = [1], strides = [1]} : vector<16xi32> to vector<1xi32>
    %squeeze3A_26 = vector.extract %slice3A_25[0] : i32 from vector<1xi32>
    %broadcast_in_dim3A_27 = vector.broadcast %squeeze3A_26 : i32 to vector<16xi32>
    %slice3A_28 = vector.extract_strided_slice %get3A_12 {offsets = [5], sizes = [1], strides = [1]} : vector<16xi32> to vector<1xi32>
    %squeeze3A_29 = vector.extract %slice3A_28[0] : i32 from vector<1xi32>
    %broadcast_in_dim3A_30 = vector.broadcast %squeeze3A_29 : i32 to vector<16xi32>
    %slice3A_31 = vector.extract_strided_slice %get3A_12 {offsets = [6], sizes = [1], strides = [1]} : vector<16xi32> to vector<1xi32>
    %squeeze3A_32 = vector.extract %slice3A_31[0] : i32 from vector<1xi32>
    %broadcast_in_dim3A_33 = vector.broadcast %squeeze3A_32 : i32 to vector<16xi32>
    %slice3A_34 = vector.extract_strided_slice %get3A_12 {offsets = [7], sizes = [1], strides = [1]} : vector<16xi32> to vector<1xi32>
    %squeeze3A_35 = vector.extract %slice3A_34[0] : i32 from vector<1xi32>
    %broadcast_in_dim3A_36 = vector.broadcast %squeeze3A_35 : i32 to vector<16xi32>
    %slice3A_37 = vector.extract_strided_slice %get3A_15 {offsets = [0], sizes = [1], strides = [1]} : vector<16xi32> to vector<1xi32>
    %squeeze3A_38 = vector.extract %slice3A_37[0] : i32 from vector<1xi32>
    %broadcast_in_dim3A_39 = vector.broadcast %squeeze3A_38 : i32 to vector<16xi32>
    %slice3A_40 = vector.extract_strided_slice %get3A_15 {offsets = [1], sizes = [1], strides = [1]} : vector<16xi32> to vector<1xi32>
    %squeeze3A_41 = vector.extract %slice3A_40[0] : i32 from vector<1xi32>
    %broadcast_in_dim3A_42 = vector.broadcast %squeeze3A_41 : i32 to vector<16xi32>
    %slice3A_43 = vector.extract_strided_slice %get3A_15 {offsets = [2], sizes = [1], strides = [1]} : vector<16xi32> to vector<1xi32>
    %squeeze3A_44 = vector.extract %slice3A_43[0] : i32 from vector<1xi32>
    %broadcast_in_dim3A_45 = vector.broadcast %squeeze3A_44 : i32 to vector<16xi32>
    %slice3A_46 = vector.extract_strided_slice %get3A_15 {offsets = [3], sizes = [1], strides = [1]} : vector<16xi32> to vector<1xi32>
    %squeeze3A_47 = vector.extract %slice3A_46[0] : i32 from vector<1xi32>
    %broadcast_in_dim3A_48 = vector.broadcast %squeeze3A_47 : i32 to vector<16xi32>
    %slice3A_49 = vector.extract_strided_slice %get3A_15 {offsets = [4], sizes = [1], strides = [1]} : vector<16xi32> to vector<1xi32>
    %squeeze3A_50 = vector.extract %slice3A_49[0] : i32 from vector<1xi32>
    %broadcast_in_dim3A_51 = vector.broadcast %squeeze3A_50 : i32 to vector<16xi32>
    %slice3A_52 = vector.extract_strided_slice %get3A_15 {offsets = [5], sizes = [1], strides = [1]} : vector<16xi32> to vector<1xi32>
    %squeeze3A_53 = vector.extract %slice3A_52[0] : i32 from vector<1xi32>
    %broadcast_in_dim3A_54 = vector.broadcast %squeeze3A_53 : i32 to vector<16xi32>
    %slice3A_55 = vector.extract_strided_slice %get3A_15 {offsets = [6], sizes = [1], strides = [1]} : vector<16xi32> to vector<1xi32>
    %squeeze3A_56 = vector.extract %slice3A_55[0] : i32 from vector<1xi32>
    %broadcast_in_dim3A_57 = vector.broadcast %squeeze3A_56 : i32 to vector<16xi32>
    %slice3A_58 = vector.extract_strided_slice %get3A_15 {offsets = [7], sizes = [1], strides = [1]} : vector<16xi32> to vector<1xi32>
    %squeeze3A_59 = vector.extract %slice3A_58[0] : i32 from vector<1xi32>
    %broadcast_in_dim3A_60 = vector.broadcast %squeeze3A_59 : i32 to vector<16xi32>
    %broadcast_in_dim3A_61 = arith.constant 0.000000e+00 : f32
    %broadcast_in_dim3A_62 = vector.broadcast %broadcast_in_dim3A_61 : f32 to vector<16xf32>
    %swap3A = arith.constant 0 : index
    %swap3A_63 = tpu.vector_load %arg14[%swap3A] {strides = array<i32>} : memref<256xf32, #tpu.memory_space<vmem>>, vector<16xf32>,
    %swap3A_64 = vector.shape_cast %swap3A_63 : vector<16xf32> to vector<16xf32>
    %swap3A_65 = vector.shape_cast %broadcast_in_dim3A_62 : vector<16xf32> to vector<16xf32>
    tpu.vector_store %arg14[%swap3A], %swap3A_65 {strides = array<i32>} : memref<256xf32, #tpu.memory_space<vmem>>, vector<16xf32>,
    %broadcast_in_dim3A_66 = arith.constant 0.000000e+00 : f32
    %broadcast_in_dim3A_67 = vector.broadcast %broadcast_in_dim3A_66 : f32 to vector<16xf32>
    %swap3A_68 = arith.constant 0 : index
    %swap3A_69 = tpu.vector_load %arg13[%swap3A_68] {strides = array<i32>} : memref<256xf32, #tpu.memory_space<vmem>>, vector<16xf32>,
    %swap3A_70 = vector.shape_cast %swap3A_69 : vector<16xf32> to vector<16xf32>
    %swap3A_71 = vector.shape_cast %broadcast_in_dim3A_67 : vector<16xf32> to vector<16xf32>
    tpu.vector_store %arg13[%swap3A_68], %swap3A_71 {strides = array<i32>} : memref<256xf32, #tpu.memory_space<vmem>>, vector<16xf32>,
    %broadcast_in_dim3A_72 = arith.constant 0.000000e+00 : f32
    %broadcast_in_dim3A_73 = vector.broadcast %broadcast_in_dim3A_72 : f32 to vector<16xf32>
    %swap3A_74 = arith.constant 16 : index
    %swap3A_75 = tpu.vector_load %arg14[%swap3A_74] {strides = array<i32>} : memref<256xf32, #tpu.memory_space<vmem>>, vector<16xf32>,
    %swap3A_76 = vector.shape_cast %swap3A_75 : vector<16xf32> to vector<16xf32>
    %swap3A_77 = vector.shape_cast %broadcast_in_dim3A_73 : vector<16xf32> to vector<16xf32>
    tpu.vector_store %arg14[%swap3A_74], %swap3A_77 {strides = array<i32>} : memref<256xf32, #tpu.memory_space<vmem>>, vector<16xf32>,
    %broadcast_in_dim3A_78 = arith.constant 0.000000e+00 : f32
    %broadcast_in_dim3A_79 = vector.broadcast %broadcast_in_dim3A_78 : f32 to vector<16xf32>
    %swap3A_80 = arith.constant 16 : index
    %swap3A_81 = tpu.vector_load %arg13[%swap3A_80] {strides = array<i32>} : memref<256xf32, #tpu.memory_space<vmem>>, vector<16xf32>,
    %swap3A_82 = vector.shape_cast %swap3A_81 : vector<16xf32> to vector<16xf32>
    %swap3A_83 = vector.shape_cast %broadcast_in_dim3A_79 : vector<16xf32> to vector<16xf32>
    tpu.vector_store %arg13[%swap3A_80], %swap3A_83 {strides = array<i32>} : memref<256xf32, #tpu.memory_space<vmem>>, vector<16xf32>,
    %broadcast_in_dim3A_84 = arith.constant 0.000000e+00 : f32
    %broadcast_in_dim3A_85 = vector.broadcast %broadcast_in_dim3A_84 : f32 to vector<16xf32>
    %swap3A_86 = arith.constant 32 : index
    %swap3A_87 = tpu.vector_load %arg14[%swap3A_86] {strides = array<i32>} : memref<256xf32, #tpu.memory_space<vmem>>, vector<16xf32>,
    %swap3A_88 = vector.shape_cast %swap3A_87 : vector<16xf32> to vector<16xf32>
    %swap3A_89 = vector.shape_cast %broadcast_in_dim3A_85 : vector<16xf32> to vector<16xf32>
    tpu.vector_store %arg14[%swap3A_86], %swap3A_89 {strides = array<i32>} : memref<256xf32, #tpu.memory_space<vmem>>, vector<16xf32>,
    %broadcast_in_dim3A_90 = arith.constant 0.000000e+00 : f32
    %broadcast_in_dim3A_91 = vector.broadcast %broadcast_in_dim3A_90 : f32 to vector<16xf32>
    %swap3A_92 = arith.constant 32 : index
    %swap3A_93 = tpu.vector_load %arg13[%swap3A_92] {strides = array<i32>} : memref<256xf32, #tpu.memory_space<vmem>>, vector<16xf32>,
    %swap3A_94 = vector.shape_cast %swap3A_93 : vector<16xf32> to vector<16xf32>
    %swap3A_95 = vector.shape_cast %broadcast_in_dim3A_91 : vector<16xf32> to vector<16xf32>
    tpu.vector_store %arg13[%swap3A_92], %swap3A_95 {strides = array<i32>} : memref<256xf32, #tpu.memory_space<vmem>>, vector<16xf32>,
    %broadcast_in_dim3A_96 = arith.constant 0.000000e+00 : f32
    %broadcast_in_dim3A_97 = vector.broadcast %broadcast_in_dim3A_96 : f32 to vector<16xf32>
    %swap3A_98 = arith.constant 48 : index
    %swap3A_99 = tpu.vector_load %arg14[%swap3A_98] {strides = array<i32>} : memref<256xf32, #tpu.memory_space<vmem>>, vector<16xf32>,
    %swap3A_100 = vector.shape_cast %swap3A_99 : vector<16xf32> to vector<16xf32>
    %swap3A_101 = vector.shape_cast %broadcast_in_dim3A_97 : vector<16xf32> to vector<16xf32>
    tpu.vector_store %arg14[%swap3A_98], %swap3A_101 {strides = array<i32>} : memref<256xf32, #tpu.memory_space<vmem>>, vector<16xf32>,
    %broadcast_in_dim3A_102 = arith.constant 0.000000e+00 : f32
    %broadcast_in_dim3A_103 = vector.broadcast %broadcast_in_dim3A_102 : f32 to vector<16xf32>
    %swap3A_104 = arith.constant 48 : index
    %swap3A_105 = tpu.vector_load %arg13[%swap3A_104] {strides = array<i32>} : memref<256xf32, #tpu.memory_space<vmem>>, vector<16xf32>,
    %swap3A_106 = vector.shape_cast %swap3A_105 : vector<16xf32> to vector<16xf32>
    %swap3A_107 = vector.shape_cast %broadcast_in_dim3A_103 : vector<16xf32> to vector<16xf32>
    tpu.vector_store %arg13[%swap3A_104], %swap3A_107 {strides = array<i32>} : memref<256xf32, #tpu.memory_space<vmem>>, vector<16xf32>,
    %broadcast_in_dim3A_108 = arith.constant 0.000000e+00 : f32
    %broadcast_in_dim3A_109 = vector.broadcast %broadcast_in_dim3A_108 : f32 to vector<16xf32>
    %swap3A_110 = arith.constant 64 : index
    %swap3A_111 = tpu.vector_load %arg14[%swap3A_110] {strides = array<i32>} : memref<256xf32, #tpu.memory_space<vmem>>, vector<16xf32>,
    %swap3A_112 = vector.shape_cast %swap3A_111 : vector<16xf32> to vector<16xf32>
    %swap3A_113 = vector.shape_cast %broadcast_in_dim3A_109 : vector<16xf32> to vector<16xf32>
    tpu.vector_store %arg14[%swap3A_110], %swap3A_113 {strides = array<i32>} : memref<256xf32, #tpu.memory_space<vmem>>, vector<16xf32>,
    %broadcast_in_dim3A_114 = arith.constant 0.000000e+00 : f32
    %broadcast_in_dim3A_115 = vector.broadcast %broadcast_in_dim3A_114 : f32 to vector<16xf32>
    %swap3A_116 = arith.constant 64 : index
    %swap3A_117 = tpu.vector_load %arg13[%swap3A_116] {strides = array<i32>} : memref<256xf32, #tpu.memory_space<vmem>>, vector<16xf32>,
    %swap3A_118 = vector.shape_cast %swap3A_117 : vector<16xf32> to vector<16xf32>
    %swap3A_119 = vector.shape_cast %broadcast_in_dim3A_115 : vector<16xf32> to vector<16xf32>
    tpu.vector_store %arg13[%swap3A_116], %swap3A_119 {strides = array<i32>} : memref<256xf32, #tpu.memory_space<vmem>>, vector<16xf32>,
    %broadcast_in_dim3A_120 = arith.constant 0.000000e+00 : f32
    %broadcast_in_dim3A_121 = vector.broadcast %broadcast_in_dim3A_120 : f32 to vector<16xf32>
    %swap3A_122 = arith.constant 80 : index
    %swap3A_123 = tpu.vector_load %arg14[%swap3A_122] {strides = array<i32>} : memref<256xf32, #tpu.memory_space<vmem>>, vector<16xf32>,
    %swap3A_124 = vector.shape_cast %swap3A_123 : vector<16xf32> to vector<16xf32>
    %swap3A_125 = vector.shape_cast %broadcast_in_dim3A_121 : vector<16xf32> to vector<16xf32>
    tpu.vector_store %arg14[%swap3A_122], %swap3A_125 {strides = array<i32>} : memref<256xf32, #tpu.memory_space<vmem>>, vector<16xf32>,
    %broadcast_in_dim3A_126 = arith.constant 0.000000e+00 : f32
    %broadcast_in_dim3A_127 = vector.broadcast %broadcast_in_dim3A_126 : f32 to vector<16xf32>
    %swap3A_128 = arith.constant 80 : index
    %swap3A_129 = tpu.vector_load %arg13[%swap3A_128] {strides = array<i32>} : memref<256xf32, #tpu.memory_space<vmem>>, vector<16xf32>,
    %swap3A_130 = vector.shape_cast %swap3A_129 : vector<16xf32> to vector<16xf32>
    %swap3A_131 = vector.shape_cast %broadcast_in_dim3A_127 : vector<16xf32> to vector<16xf32>
    tpu.vector_store %arg13[%swap3A_128], %swap3A_131 {strides = array<i32>} : memref<256xf32, #tpu.memory_space<vmem>>, vector<16xf32>,
    %broadcast_in_dim3A_132 = arith.constant 0.000000e+00 : f32
    %broadcast_in_dim3A_133 = vector.broadcast %broadcast_in_dim3A_132 : f32 to vector<16xf32>
    %swap3A_134 = arith.constant 96 : index
    %swap3A_135 = tpu.vector_load %arg14[%swap3A_134] {strides = array<i32>} : memref<256xf32, #tpu.memory_space<vmem>>, vector<16xf32>,
    %swap3A_136 = vector.shape_cast %swap3A_135 : vector<16xf32> to vector<16xf32>
    %swap3A_137 = vector.shape_cast %broadcast_in_dim3A_133 : vector<16xf32> to vector<16xf32>
    tpu.vector_store %arg14[%swap3A_134], %swap3A_137 {strides = array<i32>} : memref<256xf32, #tpu.memory_space<vmem>>, vector<16xf32>,
    %broadcast_in_dim3A_138 = arith.constant 0.000000e+00 : f32
    %broadcast_in_dim3A_139 = vector.broadcast %broadcast_in_dim3A_138 : f32 to vector<16xf32>
    %swap3A_140 = arith.constant 96 : index
    %swap3A_141 = tpu.vector_load %arg13[%swap3A_140] {strides = array<i32>} : memref<256xf32, #tpu.memory_space<vmem>>, vector<16xf32>,
    %swap3A_142 = vector.shape_cast %swap3A_141 : vector<16xf32> to vector<16xf32>
    %swap3A_143 = vector.shape_cast %broadcast_in_dim3A_139 : vector<16xf32> to vector<16xf32>
    tpu.vector_store %arg13[%swap3A_140], %swap3A_143 {strides = array<i32>} : memref<256xf32, #tpu.memory_space<vmem>>, vector<16xf32>,
    %broadcast_in_dim3A_144 = arith.constant 0.000000e+00 : f32
    %broadcast_in_dim3A_145 = vector.broadcast %broadcast_in_dim3A_144 : f32 to vector<16xf32>
    %swap3A_146 = arith.constant 112 : index
    %swap3A_147 = tpu.vector_load %arg14[%swap3A_146] {strides = array<i32>} : memref<256xf32, #tpu.memory_space<vmem>>, vector<16xf32>,
    %swap3A_148 = vector.shape_cast %swap3A_147 : vector<16xf32> to vector<16xf32>
    %swap3A_149 = vector.shape_cast %broadcast_in_dim3A_145 : vector<16xf32> to vector<16xf32>
    tpu.vector_store %arg14[%swap3A_146], %swap3A_149 {strides = array<i32>} : memref<256xf32, #tpu.memory_space<vmem>>, vector<16xf32>,
    %broadcast_in_dim3A_150 = arith.constant 0.000000e+00 : f32
    %broadcast_in_dim3A_151 = vector.broadcast %broadcast_in_dim3A_150 : f32 to vector<16xf32>
    %swap3A_152 = arith.constant 112 : index
    %swap3A_153 = tpu.vector_load %arg13[%swap3A_152] {strides = array<i32>} : memref<256xf32, #tpu.memory_space<vmem>>, vector<16xf32>,
    %swap3A_154 = vector.shape_cast %swap3A_153 : vector<16xf32> to vector<16xf32>
    %swap3A_155 = vector.shape_cast %broadcast_in_dim3A_151 : vector<16xf32> to vector<16xf32>
    tpu.vector_store %arg13[%swap3A_152], %swap3A_155 {strides = array<i32>} : memref<256xf32, #tpu.memory_space<vmem>>, vector<16xf32>,
    %dma_start3A_156 = arith.constant 0 : i32
    %dma_start3A_157 = tpu.memref_slice %arg2[%add3A_10, %dma_start3A_156] : memref<1024x100000xf32, #tpu.memory_space<hbm>> -> memref<8x2944xf32, #tpu.memory_space<hbm>>
    %dma_start3A_158 = arith.constant 0 : i32
    %dma_start3A_159 = tpu.memref_slice %arg2[%add3A_10, %dma_start3A_158] : memref<1024x100000xf32, #tpu.memory_space<hbm>> -> memref<8x2944xf32, #tpu.memory_space<hbm>>
    tpu.enqueue_dma source(%dma_start3A_159 : memref<8x2944xf32, #tpu.memory_space<hbm>>) target(%arg7 : memref<8x2944xf32, #tpu.memory_space<vmem>>) target_semaphore(%arg15 : memref<!tpu.dma_semaphore, #tpu.memory_space<semaphore_mem>>)
    %dma_start3A_160 = arith.constant 0 : i32
    %dma_start3A_161 = tpu.memref_slice %arg3[%dma_start3A_160] : memref<100096xi32, #tpu.memory_space<hbm>> -> memref<2944xi32, #tpu.memory_space<hbm>>
    %dma_start3A_162 = arith.constant 0 : i32
    %dma_start3A_163 = tpu.memref_slice %arg3[%dma_start3A_162] : memref<100096xi32, #tpu.memory_space<hbm>> -> memref<2944xi32, #tpu.memory_space<hbm>>
    tpu.enqueue_dma source(%dma_start3A_163 : memref<2944xi32, #tpu.memory_space<hbm>>) target(%arg9 : memref<2944xi32, #tpu.memory_space<vmem>>) target_semaphore(%arg17 : memref<!tpu.dma_semaphore, #tpu.memory_space<semaphore_mem>>)
    %scan3A = arith.constant 0 : i32
    %scan3A_164 = arith.constant 0 : i32
    %scan3A_165 = arith.constant 17 : i32
    %scan3A_166 = arith.addi %scan3A_164, %scan3A_165 : i32
    %scan3A_167 = arith.constant 1 : i32
    %scan3A_168 = scf.for %scan3A_353 = %scan3A_164 to %scan3A_166 step %scan3A_167 iter_args(%scan3A_354 = %scan3A) -> (i32)  : i32 {
      %mul3A_355 = arith.constant 2 : i32
      %mul3A_356 = arith.muli %scan3A_353, %mul3A_355 : i32
      %add3A_357 = arith.constant 1 : i32
      %add3A_358 = arith.addi %mul3A_356, %add3A_357 : i32
      %lt3A = arith.constant 34 : i32
      %lt3A_359 = arith.cmpi slt, %add3A_358, %lt3A : i32
      %convert_element_type3A = arith.extui %lt3A_359 : i1 to i32
      %cond3A = arith.constant 0 : i32
      %cond3A_360 = arith.cmpi ne, %convert_element_type3A, %cond3A : i32
      scf.if %cond3A_360 {
        %add3A_547 = arith.constant 1 : i32
        %add3A_548 = arith.addi %mul3A_356, %add3A_547 : i32
        %mul3A_549 = arith.constant 2944 : i32
        %mul3A_550 = arith.muli %add3A_548, %mul3A_549 : i32
        %dma_start3A_551 = tpu.memref_slice %arg2[%add3A_10, %mul3A_550] : memref<1024x100000xf32, #tpu.memory_space<hbm>> -> memref<8x2944xf32, #tpu.memory_space<hbm>>
        %dma_start3A_552 = tpu.memref_slice %arg2[%add3A_10, %mul3A_550] : memref<1024x100000xf32, #tpu.memory_space<hbm>> -> memref<8x2944xf32, #tpu.memory_space<hbm>>
        tpu.enqueue_dma source(%dma_start3A_552 : memref<8x2944xf32, #tpu.memory_space<hbm>>) target(%arg8 : memref<8x2944xf32, #tpu.memory_space<vmem>>) target_semaphore(%arg16 : memref<!tpu.dma_semaphore, #tpu.memory_space<semaphore_mem>>)
        %mul3A_553 = arith.constant 2944 : i32
        %mul3A_554 = arith.muli %add3A_548, %mul3A_553 : i32
        %dma_start3A_555 = tpu.memref_slice %arg3[%mul3A_554] : memref<100096xi32, #tpu.memory_space<hbm>> -> memref<2944xi32, #tpu.memory_space<hbm>>
        %dma_start3A_556 = tpu.memref_slice %arg3[%mul3A_554] : memref<100096xi32, #tpu.memory_space<hbm>> -> memref<2944xi32, #tpu.memory_space<hbm>>
        tpu.enqueue_dma source(%dma_start3A_556 : memref<2944xi32, #tpu.memory_space<hbm>>) target(%arg10 : memref<2944xi32, #tpu.memory_space<vmem>>) target_semaphore(%arg18 : memref<!tpu.dma_semaphore, #tpu.memory_space<semaphore_mem>>)
      } else {
      }
      %dma_wait3A_361 = arith.constant 0 : i32
      %dma_wait3A_362 = tpu.memref_slice %arg2[%add3A_10, %dma_wait3A_361] : memref<1024x100000xf32, #tpu.memory_space<hbm>> -> memref<8x2944xf32, #tpu.memory_space<hbm>>
      %dma_wait3A_363 = arith.constant 0 : i32
      %dma_wait3A_364 = tpu.memref_slice %arg2[%add3A_10, %dma_wait3A_363] : memref<1024x100000xf32, #tpu.memory_space<hbm>> -> memref<8x2944xf32, #tpu.memory_space<hbm>>
      tpu.wait_dma2 semaphore(%arg15 : memref<!tpu.dma_semaphore, #tpu.memory_space<semaphore_mem>>) src(%dma_wait3A_364 : memref<8x2944xf32, #tpu.memory_space<hbm>>) dst(%arg7 : memref<8x2944xf32, #tpu.memory_space<vmem>>)
      %dma_wait3A_365 = arith.constant 0 : i32
      %dma_wait3A_366 = tpu.memref_slice %arg3[%dma_wait3A_365] : memref<100096xi32, #tpu.memory_space<hbm>> -> memref<2944xi32, #tpu.memory_space<hbm>>
      %dma_wait3A_367 = arith.constant 0 : i32
      %dma_wait3A_368 = tpu.memref_slice %arg3[%dma_wait3A_367] : memref<100096xi32, #tpu.memory_space<hbm>> -> memref<2944xi32, #tpu.memory_space<hbm>>
      tpu.wait_dma2 semaphore(%arg17 : memref<!tpu.dma_semaphore, #tpu.memory_space<semaphore_mem>>) src(%dma_wait3A_368 : memref<2944xi32, #tpu.memory_space<hbm>>) dst(%arg9 : memref<2944xi32, #tpu.memory_space<vmem>>)
      %eq3A = arith.constant 33 : i32
      %eq3A_369 = arith.cmpi eq, %mul3A_356, %eq3A : i32
      %convert_element_type3A_370 = arith.extui %eq3A_369 : i1 to i32
      %cond3A_371 = arith.constant 0 : i32
      %cond3A_372 = arith.cmpi ne, %convert_element_type3A_370, %cond3A_371 : i32
      scf.if %cond3A_372 {
        %broadcast_in_dim3A_547 = arith.constant 0xFF800000 : f32
        %broadcast_in_dim3A_548 = vector.broadcast %broadcast_in_dim3A_547 : f32 to vector<16xf32>
        %swap3A_549 = arith.constant 0 : i32
        %swap3A_550 = arith.index_cast %swap3A_549 : i32 to index
        %swap3A_551 = arith.constant 2848 : index
        %swap3A_552 = tpu.vector_load %arg7[%swap3A_550, %swap3A_551] {strides = array<i32>} : memref<8x2944xf32, #tpu.memory_space<vmem>>, vector<1x16xf32>,
        %swap3A_553 = vector.shape_cast %swap3A_552 : vector<1x16xf32> to vector<16xf32>
        %swap3A_554 = vector.shape_cast %broadcast_in_dim3A_548 : vector<16xf32> to vector<1x16xf32>
        tpu.vector_store %arg7[%swap3A_550, %swap3A_551], %swap3A_554 {strides = array<i32>} : memref<8x2944xf32, #tpu.memory_space<vmem>>, vector<1x16xf32>,
        %swap3A_555 = arith.constant 0 : i32
        %swap3A_556 = arith.index_cast %swap3A_555 : i32 to index
        %swap3A_557 = arith.constant 2864 : index
        %swap3A_558 = tpu.vector_load %arg7[%swap3A_556, %swap3A_557] {strides = array<i32>} : memref<8x2944xf32, #tpu.memory_space<vmem>>, vector<1x16xf32>,
        %swap3A_559 = vector.shape_cast %swap3A_558 : vector<1x16xf32> to vector<16xf32>
        %swap3A_560 = vector.shape_cast %broadcast_in_dim3A_548 : vector<16xf32> to vector<1x16xf32>
        tpu.vector_store %arg7[%swap3A_556, %swap3A_557], %swap3A_560 {strides = array<i32>} : memref<8x2944xf32, #tpu.memory_space<vmem>>, vector<1x16xf32>,
        %swap3A_561 = arith.constant 0 : i32
        %swap3A_562 = arith.index_cast %swap3A_561 : i32 to index
        %swap3A_563 = arith.constant 2880 : index
        %swap3A_564 = tpu.vector_load %arg7[%swap3A_562, %swap3A_563] {strides = array<i32>} : memref<8x2944xf32, #tpu.memory_space<vmem>>, vector<1x16xf32>,
        %swap3A_565 = vector.shape_cast %swap3A_564 : vector<1x16xf32> to vector<16xf32>
        %swap3A_566 = vector.shape_cast %broadcast_in_dim3A_548 : vector<16xf32> to vector<1x16xf32>
        tpu.vector_store %arg7[%swap3A_562, %swap3A_563], %swap3A_566 {strides = array<i32>} : memref<8x2944xf32, #tpu.memory_space<vmem>>, vector<1x16xf32>,
        %swap3A_567 = arith.constant 0 : i32
        %swap3A_568 = arith.index_cast %swap3A_567 : i32 to index
        %swap3A_569 = arith.constant 2896 : index
        %swap3A_570 = tpu.vector_load %arg7[%swap3A_568, %swap3A_569] {strides = array<i32>} : memref<8x2944xf32, #tpu.memory_space<vmem>>, vector<1x16xf32>,
        %swap3A_571 = vector.shape_cast %swap3A_570 : vector<1x16xf32> to vector<16xf32>
        %swap3A_572 = vector.shape_cast %broadcast_in_dim3A_548 : vector<16xf32> to vector<1x16xf32>
        tpu.vector_store %arg7[%swap3A_568, %swap3A_569], %swap3A_572 {strides = array<i32>} : memref<8x2944xf32, #tpu.memory_space<vmem>>, vector<1x16xf32>,
        %swap3A_573 = arith.constant 0 : i32
        %swap3A_574 = arith.index_cast %swap3A_573 : i32 to index
        %swap3A_575 = arith.constant 2912 : index
        %swap3A_576 = tpu.vector_load %arg7[%swap3A_574, %swap3A_575] {strides = array<i32>} : memref<8x2944xf32, #tpu.memory_space<vmem>>, vector<1x16xf32>,
        %swap3A_577 = vector.shape_cast %swap3A_576 : vector<1x16xf32> to vector<16xf32>
        %swap3A_578 = vector.shape_cast %broadcast_in_dim3A_548 : vector<16xf32> to vector<1x16xf32>
        tpu.vector_store %arg7[%swap3A_574, %swap3A_575], %swap3A_578 {strides = array<i32>} : memref<8x2944xf32, #tpu.memory_space<vmem>>, vector<1x16xf32>,
        %swap3A_579 = arith.constant 0 : i32
        %swap3A_580 = arith.index_cast %swap3A_579 : i32 to index
        %swap3A_581 = arith.constant 2928 : index
        %swap3A_582 = tpu.vector_load %arg7[%swap3A_580, %swap3A_581] {strides = array<i32>} : memref<8x2944xf32, #tpu.memory_space<vmem>>, vector<1x16xf32>,
        %swap3A_583 = vector.shape_cast %swap3A_582 : vector<1x16xf32> to vector<16xf32>
        %swap3A_584 = vector.shape_cast %broadcast_in_dim3A_548 : vector<16xf32> to vector<1x16xf32>
        tpu.vector_store %arg7[%swap3A_580, %swap3A_581], %swap3A_584 {strides = array<i32>} : memref<8x2944xf32, #tpu.memory_space<vmem>>, vector<1x16xf32>,
        %swap3A_585 = arith.constant 1 : i32
        %swap3A_586 = arith.index_cast %swap3A_585 : i32 to index
        %swap3A_587 = arith.constant 2848 : index
        %swap3A_588 = tpu.vector_load %arg7[%swap3A_586, %swap3A_587] {strides = array<i32>} : memref<8x2944xf32, #tpu.memory_space<vmem>>, vector<1x16xf32>,
        %swap3A_589 = vector.shape_cast %swap3A_588 : vector<1x16xf32> to vector<16xf32>
        %swap3A_590 = vector.shape_cast %broadcast_in_dim3A_548 : vector<16xf32> to vector<1x16xf32>
        tpu.vector_store %arg7[%swap3A_586, %swap3A_587], %swap3A_590 {strides = array<i32>} : memref<8x2944xf32, #tpu.memory_space<vmem>>, vector<1x16xf32>,
        %swap3A_591 = arith.constant 1 : i32
        %swap3A_592 = arith.index_cast %swap3A_591 : i32 to index
        %swap3A_593 = arith.constant 2864 : index
        %swap3A_594 = tpu.vector_load %arg7[%swap3A_592, %swap3A_593] {strides = array<i32>} : memref<8x2944xf32, #tpu.memory_space<vmem>>, vector<1x16xf32>,
        %swap3A_595 = vector.shape_cast %swap3A_594 : vector<1x16xf32> to vector<16xf32>
        %swap3A_596 = vector.shape_cast %broadcast_in_dim3A_548 : vector<16xf32> to vector<1x16xf32>
        tpu.vector_store %arg7[%swap3A_592, %swap3A_593], %swap3A_596 {strides = array<i32>} : memref<8x2944xf32, #tpu.memory_space<vmem>>, vector<1x16xf32>,
        %swap3A_597 = arith.constant 1 : i32
        %swap3A_598 = arith.index_cast %swap3A_597 : i32 to index
        %swap3A_599 = arith.constant 2880 : index
        %swap3A_600 = tpu.vector_load %arg7[%swap3A_598, %swap3A_599] {strides = array<i32>} : memref<8x2944xf32, #tpu.memory_space<vmem>>, vector<1x16xf32>,
        %swap3A_601 = vector.shape_cast %swap3A_600 : vector<1x16xf32> to vector<16xf32>
        %swap3A_602 = vector.shape_cast %broadcast_in_dim3A_548 : vector<16xf32> to vector<1x16xf32>
        tpu.vector_store %arg7[%swap3A_598, %swap3A_599], %swap3A_602 {strides = array<i32>} : memref<8x2944xf32, #tpu.memory_space<vmem>>, vector<1x16xf32>,
        %swap3A_603 = arith.constant 1 : i32
        %swap3A_604 = arith.index_cast %swap3A_603 : i32 to index
        %swap3A_605 = arith.constant 2896 : index
        %swap3A_606 = tpu.vector_load %arg7[%swap3A_604, %swap3A_605] {strides = array<i32>} : memref<8x2944xf32, #tpu.memory_space<vmem>>, vector<1x16xf32>,
        %swap3A_607 = vector.shape_cast %swap3A_606 : vector<1x16xf32> to vector<16xf32>
        %swap3A_608 = vector.shape_cast %broadcast_in_dim3A_548 : vector<16xf32> to vector<1x16xf32>
        tpu.vector_store %arg7[%swap3A_604, %swap3A_605], %swap3A_608 {strides = array<i32>} : memref<8x2944xf32, #tpu.memory_space<vmem>>, vector<1x16xf32>,
        %swap3A_609 = arith.constant 1 : i32
        %swap3A_610 = arith.index_cast %swap3A_609 : i32 to index
        %swap3A_611 = arith.constant 2912 : index
        %swap3A_612 = tpu.vector_load %arg7[%swap3A_610, %swap3A_611] {strides = array<i32>} : memref<8x2944xf32, #tpu.memory_space<vmem>>, vector<1x16xf32>,
        %swap3A_613 = vector.shape_cast %swap3A_612 : vector<1x16xf32> to vector<16xf32>
        %swap3A_614 = vector.shape_cast %broadcast_in_dim3A_548 : vector<16xf32> to vector<1x16xf32>
        tpu.vector_store %arg7[%swap3A_610, %swap3A_611], %swap3A_614 {strides = array<i32>} : memref<8x2944xf32, #tpu.memory_space<vmem>>, vector<1x16xf32>,
        %swap3A_615 = arith.constant 1 : i32
        %swap3A_616 = arith.index_cast %swap3A_615 : i32 to index
        %swap3A_617 = arith.constant 2928 : index
        %swap3A_618 = tpu.vector_load %arg7[%swap3A_616, %swap3A_617] {strides = array<i32>} : memref<8x2944xf32, #tpu.memory_space<vmem>>, vector<1x16xf32>,
        %swap3A_619 = vector.shape_cast %swap3A_618 : vector<1x16xf32> to vector<16xf32>
        %swap3A_620 = vector.shape_cast %broadcast_in_dim3A_548 : vector<16xf32> to vector<1x16xf32>
        tpu.vector_store %arg7[%swap3A_616, %swap3A_617], %swap3A_620 {strides = array<i32>} : memref<8x2944xf32, #tpu.memory_space<vmem>>, vector<1x16xf32>,
        %swap3A_621 = arith.constant 2 : i32
        %swap3A_622 = arith.index_cast %swap3A_621 : i32 to index
        %swap3A_623 = arith.constant 2848 : index
        %swap3A_624 = tpu.vector_load %arg7[%swap3A_622, %swap3A_623] {strides = array<i32>} : memref<8x2944xf32, #tpu.memory_space<vmem>>, vector<1x16xf32>,
        %swap3A_625 = vector.shape_cast %swap3A_624 : vector<1x16xf32> to vector<16xf32>
        %swap3A_626 = vector.shape_cast %broadcast_in_dim3A_548 : vector<16xf32> to vector<1x16xf32>
        tpu.vector_store %arg7[%swap3A_622, %swap3A_623], %swap3A_626 {strides = array<i32>} : memref<8x2944xf32, #tpu.memory_space<vmem>>, vector<1x16xf32>,
        %swap3A_627 = arith.constant 2 : i32
        %swap3A_628 = arith.index_cast %swap3A_627 : i32 to index
        %swap3A_629 = arith.constant 2864 : index
        %swap3A_630 = tpu.vector_load %arg7[%swap3A_628, %swap3A_629] {strides = array<i32>} : memref<8x2944xf32, #tpu.memory_space<vmem>>, vector<1x16xf32>,
        %swap3A_631 = vector.shape_cast %swap3A_630 : vector<1x16xf32> to vector<16xf32>
        %swap3A_632 = vector.shape_cast %broadcast_in_dim3A_548 : vector<16xf32> to vector<1x16xf32>
        tpu.vector_store %arg7[%swap3A_628, %swap3A_629], %swap3A_632 {strides = array<i32>} : memref<8x2944xf32, #tpu.memory_space<vmem>>, vector<1x16xf32>,
        %swap3A_633 = arith.constant 2 : i32
        %swap3A_634 = arith.index_cast %swap3A_633 : i32 to index
        %swap3A_635 = arith.constant 2880 : index
        %swap3A_636 = tpu.vector_load %arg7[%swap3A_634, %swap3A_635] {strides = array<i32>} : memref<8x2944xf32, #tpu.memory_space<vmem>>, vector<1x16xf32>,
        %swap3A_637 = vector.shape_cast %swap3A_636 : vector<1x16xf32> to vector<16xf32>
        %swap3A_638 = vector.shape_cast %broadcast_in_dim3A_548 : vector<16xf32> to vector<1x16xf32>
        tpu.vector_store %arg7[%swap3A_634, %swap3A_635], %swap3A_638 {strides = array<i32>} : memref<8x2944xf32, #tpu.memory_space<vmem>>, vector<1x16xf32>,
        %swap3A_639 = arith.constant 2 : i32
        %swap3A_640 = arith.index_cast %swap3A_639 : i32 to index
        %swap3A_641 = arith.constant 2896 : index
        %swap3A_642 = tpu.vector_load %arg7[%swap3A_640, %swap3A_641] {strides = array<i32>} : memref<8x2944xf32, #tpu.memory_space<vmem>>, vector<1x16xf32>,
        %swap3A_643 = vector.shape_cast %swap3A_642 : vector<1x16xf32> to vector<16xf32>
        %swap3A_644 = vector.shape_cast %broadcast_in_dim3A_548 : vector<16xf32> to vector<1x16xf32>
        tpu.vector_store %arg7[%swap3A_640, %swap3A_641], %swap3A_644 {strides = array<i32>} : memref<8x2944xf32, #tpu.memory_space<vmem>>, vector<1x16xf32>,
        %swap3A_645 = arith.constant 2 : i32
        %swap3A_646 = arith.index_cast %swap3A_645 : i32 to index
        %swap3A_647 = arith.constant 2912 : index
        %swap3A_648 = tpu.vector_load %arg7[%swap3A_646, %swap3A_647] {strides = array<i32>} : memref<8x2944xf32, #tpu.memory_space<vmem>>, vector<1x16xf32>,
        %swap3A_649 = vector.shape_cast %swap3A_648 : vector<1x16xf32> to vector<16xf32>
        %swap3A_650 = vector.shape_cast %broadcast_in_dim3A_548 : vector<16xf32> to vector<1x16xf32>
        tpu.vector_store %arg7[%swap3A_646, %swap3A_647], %swap3A_650 {strides = array<i32>} : memref<8x2944xf32, #tpu.memory_space<vmem>>, vector<1x16xf32>,
        %swap3A_651 = arith.constant 2 : i32
        %swap3A_652 = arith.index_cast %swap3A_651 : i32 to index
        %swap3A_653 = arith.constant 2928 : index
        %swap3A_654 = tpu.vector_load %arg7[%swap3A_652, %swap3A_653] {strides = array<i32>} : memref<8x2944xf32, #tpu.memory_space<vmem>>, vector<1x16xf32>,
        %swap3A_655 = vector.shape_cast %swap3A_654 : vector<1x16xf32> to vector<16xf32>
        %swap3A_656 = vector.shape_cast %broadcast_in_dim3A_548 : vector<16xf32> to vector<1x16xf32>
        tpu.vector_store %arg7[%swap3A_652, %swap3A_653], %swap3A_656 {strides = array<i32>} : memref<8x2944xf32, #tpu.memory_space<vmem>>, vector<1x16xf32>,
        %swap3A_657 = arith.constant 3 : i32
        %swap3A_658 = arith.index_cast %swap3A_657 : i32 to index
        %swap3A_659 = arith.constant 2848 : index
        %swap3A_660 = tpu.vector_load %arg7[%swap3A_658, %swap3A_659] {strides = array<i32>} : memref<8x2944xf32, #tpu.memory_space<vmem>>, vector<1x16xf32>,
        %swap3A_661 = vector.shape_cast %swap3A_660 : vector<1x16xf32> to vector<16xf32>
        %swap3A_662 = vector.shape_cast %broadcast_in_dim3A_548 : vector<16xf32> to vector<1x16xf32>
        tpu.vector_store %arg7[%swap3A_658, %swap3A_659], %swap3A_662 {strides = array<i32>} : memref<8x2944xf32, #tpu.memory_space<vmem>>, vector<1x16xf32>,
        %swap3A_663 = arith.constant 3 : i32
        %swap3A_664 = arith.index_cast %swap3A_663 : i32 to index
        %swap3A_665 = arith.constant 2864 : index
        %swap3A_666 = tpu.vector_load %arg7[%swap3A_664, %swap3A_665] {strides = array<i32>} : memref<8x2944xf32, #tpu.memory_space<vmem>>, vector<1x16xf32>,
        %swap3A_667 = vector.shape_cast %swap3A_666 : vector<1x16xf32> to vector<16xf32>
        %swap3A_668 = vector.shape_cast %broadcast_in_dim3A_548 : vector<16xf32> to vector<1x16xf32>
        tpu.vector_store %arg7[%swap3A_664, %swap3A_665], %swap3A_668 {strides = array<i32>} : memref<8x2944xf32, #tpu.memory_space<vmem>>, vector<1x16xf32>,
        %swap3A_669 = arith.constant 3 : i32
        %swap3A_670 = arith.index_cast %swap3A_669 : i32 to index
        %swap3A_671 = arith.constant 2880 : index
        %swap3A_672 = tpu.vector_load %arg7[%swap3A_670, %swap3A_671] {strides = array<i32>} : memref<8x2944xf32, #tpu.memory_space<vmem>>, vector<1x16xf32>,
        %swap3A_673 = vector.shape_cast %swap3A_672 : vector<1x16xf32> to vector<16xf32>
        %swap3A_674 = vector.shape_cast %broadcast_in_dim3A_548 : vector<16xf32> to vector<1x16xf32>
        tpu.vector_store %arg7[%swap3A_670, %swap3A_671], %swap3A_674 {strides = array<i32>} : memref<8x2944xf32, #tpu.memory_space<vmem>>, vector<1x16xf32>,
        %swap3A_675 = arith.constant 3 : i32
        %swap3A_676 = arith.index_cast %swap3A_675 : i32 to index
        %swap3A_677 = arith.constant 2896 : index
        %swap3A_678 = tpu.vector_load %arg7[%swap3A_676, %swap3A_677] {strides = array<i32>} : memref<8x2944xf32, #tpu.memory_space<vmem>>, vector<1x16xf32>,
        %swap3A_679 = vector.shape_cast %swap3A_678 : vector<1x16xf32> to vector<16xf32>
        %swap3A_680 = vector.shape_cast %broadcast_in_dim3A_548 : vector<16xf32> to vector<1x16xf32>
        tpu.vector_store %arg7[%swap3A_676, %swap3A_677], %swap3A_680 {strides = array<i32>} : memref<8x2944xf32, #tpu.memory_space<vmem>>, vector<1x16xf32>,
        %swap3A_681 = arith.constant 3 : i32
        %swap3A_682 = arith.index_cast %swap3A_681 : i32 to index
        %swap3A_683 = arith.constant 2912 : index
        %swap3A_684 = tpu.vector_load %arg7[%swap3A_682, %swap3A_683] {strides = array<i32>} : memref<8x2944xf32, #tpu.memory_space<vmem>>, vector<1x16xf32>,
        %swap3A_685 = vector.shape_cast %swap3A_684 : vector<1x16xf32> to vector<16xf32>
        %swap3A_686 = vector.shape_cast %broadcast_in_dim3A_548 : vector<16xf32> to vector<1x16xf32>
        tpu.vector_store %arg7[%swap3A_682, %swap3A_683], %swap3A_686 {strides = array<i32>} : memref<8x2944xf32, #tpu.memory_space<vmem>>, vector<1x16xf32>,
        %swap3A_687 = arith.constant 3 : i32
        %swap3A_688 = arith.index_cast %swap3A_687 : i32 to index
        %swap3A_689 = arith.constant 2928 : index
        %swap3A_690 = tpu.vector_load %arg7[%swap3A_688, %swap3A_689] {strides = array<i32>} : memref<8x2944xf32, #tpu.memory_space<vmem>>, vector<1x16xf32>,
        %swap3A_691 = vector.shape_cast %swap3A_690 : vector<1x16xf32> to vector<16xf32>
        %swap3A_692 = vector.shape_cast %broadcast_in_dim3A_548 : vector<16xf32> to vector<1x16xf32>
        tpu.vector_store %arg7[%swap3A_688, %swap3A_689], %swap3A_692 {strides = array<i32>} : memref<8x2944xf32, #tpu.memory_space<vmem>>, vector<1x16xf32>,
        %swap3A_693 = arith.constant 4 : i32
        %swap3A_694 = arith.index_cast %swap3A_693 : i32 to index
        %swap3A_695 = arith.constant 2848 : index
        %swap3A_696 = tpu.vector_load %arg7[%swap3A_694, %swap3A_695] {strides = array<i32>} : memref<8x2944xf32, #tpu.memory_space<vmem>>, vector<1x16xf32>,
        %swap3A_697 = vector.shape_cast %swap3A_696 : vector<1x16xf32> to vector<16xf32>
        %swap3A_698 = vector.shape_cast %broadcast_in_dim3A_548 : vector<16xf32> to vector<1x16xf32>
        tpu.vector_store %arg7[%swap3A_694, %swap3A_695], %swap3A_698 {strides = array<i32>} : memref<8x2944xf32, #tpu.memory_space<vmem>>, vector<1x16xf32>,
        %swap3A_699 = arith.constant 4 : i32
        %swap3A_700 = arith.index_cast %swap3A_699 : i32 to index
        %swap3A_701 = arith.constant 2864 : index
        %swap3A_702 = tpu.vector_load %arg7[%swap3A_700, %swap3A_701] {strides = array<i32>} : memref<8x2944xf32, #tpu.memory_space<vmem>>, vector<1x16xf32>,
        %swap3A_703 = vector.shape_cast %swap3A_702 : vector<1x16xf32> to vector<16xf32>
        %swap3A_704 = vector.shape_cast %broadcast_in_dim3A_548 : vector<16xf32> to vector<1x16xf32>
        tpu.vector_store %arg7[%swap3A_700, %swap3A_701], %swap3A_704 {strides = array<i32>} : memref<8x2944xf32, #tpu.memory_space<vmem>>, vector<1x16xf32>,
        %swap3A_705 = arith.constant 4 : i32
        %swap3A_706 = arith.index_cast %swap3A_705 : i32 to index
        %swap3A_707 = arith.constant 2880 : index
        %swap3A_708 = tpu.vector_load %arg7[%swap3A_706, %swap3A_707] {strides = array<i32>} : memref<8x2944xf32, #tpu.memory_space<vmem>>, vector<1x16xf32>,
        %swap3A_709 = vector.shape_cast %swap3A_708 : vector<1x16xf32> to vector<16xf32>
        %swap3A_710 = vector.shape_cast %broadcast_in_dim3A_548 : vector<16xf32> to vector<1x16xf32>
        tpu.vector_store %arg7[%swap3A_706, %swap3A_707], %swap3A_710 {strides = array<i32>} : memref<8x2944xf32, #tpu.memory_space<vmem>>, vector<1x16xf32>,
        %swap3A_711 = arith.constant 4 : i32
        %swap3A_712 = arith.index_cast %swap3A_711 : i32 to index
        %swap3A_713 = arith.constant 2896 : index
        %swap3A_714 = tpu.vector_load %arg7[%swap3A_712, %swap3A_713] {strides = array<i32>} : memref<8x2944xf32, #tpu.memory_space<vmem>>, vector<1x16xf32>,
        %swap3A_715 = vector.shape_cast %swap3A_714 : vector<1x16xf32> to vector<16xf32>
        %swap3A_716 = vector.shape_cast %broadcast_in_dim3A_548 : vector<16xf32> to vector<1x16xf32>
        tpu.vector_store %arg7[%swap3A_712, %swap3A_713], %swap3A_716 {strides = array<i32>} : memref<8x2944xf32, #tpu.memory_space<vmem>>, vector<1x16xf32>,
        %swap3A_717 = arith.constant 4 : i32
        %swap3A_718 = arith.index_cast %swap3A_717 : i32 to index
        %swap3A_719 = arith.constant 2912 : index
        %swap3A_720 = tpu.vector_load %arg7[%swap3A_718, %swap3A_719] {strides = array<i32>} : memref<8x2944xf32, #tpu.memory_space<vmem>>, vector<1x16xf32>,
        %swap3A_721 = vector.shape_cast %swap3A_720 : vector<1x16xf32> to vector<16xf32>
        %swap3A_722 = vector.shape_cast %broadcast_in_dim3A_548 : vector<16xf32> to vector<1x16xf32>
        tpu.vector_store %arg7[%swap3A_718, %swap3A_719], %swap3A_722 {strides = array<i32>} : memref<8x2944xf32, #tpu.memory_space<vmem>>, vector<1x16xf32>,
        %swap3A_723 = arith.constant 4 : i32
        %swap3A_724 = arith.index_cast %swap3A_723 : i32 to index
        %swap3A_725 = arith.constant 2928 : index
        %swap3A_726 = tpu.vector_load %arg7[%swap3A_724, %swap3A_725] {strides = array<i32>} : memref<8x2944xf32, #tpu.memory_space<vmem>>, vector<1x16xf32>,
        %swap3A_727 = vector.shape_cast %swap3A_726 : vector<1x16xf32> to vector<16xf32>
        %swap3A_728 = vector.shape_cast %broadcast_in_dim3A_548 : vector<16xf32> to vector<1x16xf32>
        tpu.vector_store %arg7[%swap3A_724, %swap3A_725], %swap3A_728 {strides = array<i32>} : memref<8x2944xf32, #tpu.memory_space<vmem>>, vector<1x16xf32>,
        %swap3A_729 = arith.constant 5 : i32
        %swap3A_730 = arith.index_cast %swap3A_729 : i32 to index
        %swap3A_731 = arith.constant 2848 : index
        %swap3A_732 = tpu.vector_load %arg7[%swap3A_730, %swap3A_731] {strides = array<i32>} : memref<8x2944xf32, #tpu.memory_space<vmem>>, vector<1x16xf32>,
        %swap3A_733 = vector.shape_cast %swap3A_732 : vector<1x16xf32> to vector<16xf32>
        %swap3A_734 = vector.shape_cast %broadcast_in_dim3A_548 : vector<16xf32> to vector<1x16xf32>
        tpu.vector_store %arg7[%swap3A_730, %swap3A_731], %swap3A_734 {strides = array<i32>} : memref<8x2944xf32, #tpu.memory_space<vmem>>, vector<1x16xf32>,
        %swap3A_735 = arith.constant 5 : i32
        %swap3A_736 = arith.index_cast %swap3A_735 : i32 to index
        %swap3A_737 = arith.constant 2864 : index
        %swap3A_738 = tpu.vector_load %arg7[%swap3A_736, %swap3A_737] {strides = array<i32>} : memref<8x2944xf32, #tpu.memory_space<vmem>>, vector<1x16xf32>,
        %swap3A_739 = vector.shape_cast %swap3A_738 : vector<1x16xf32> to vector<16xf32>
        %swap3A_740 = vector.shape_cast %broadcast_in_dim3A_548 : vector<16xf32> to vector<1x16xf32>
        tpu.vector_store %arg7[%swap3A_736, %swap3A_737], %swap3A_740 {strides = array<i32>} : memref<8x2944xf32, #tpu.memory_space<vmem>>, vector<1x16xf32>,
        %swap3A_741 = arith.constant 5 : i32
        %swap3A_742 = arith.index_cast %swap3A_741 : i32 to index
        %swap3A_743 = arith.constant 2880 : index
        %swap3A_744 = tpu.vector_load %arg7[%swap3A_742, %swap3A_743] {strides = array<i32>} : memref<8x2944xf32, #tpu.memory_space<vmem>>, vector<1x16xf32>,
        %swap3A_745 = vector.shape_cast %swap3A_744 : vector<1x16xf32> to vector<16xf32>
        %swap3A_746 = vector.shape_cast %broadcast_in_dim3A_548 : vector<16xf32> to vector<1x16xf32>
        tpu.vector_store %arg7[%swap3A_742, %swap3A_743], %swap3A_746 {strides = array<i32>} : memref<8x2944xf32, #tpu.memory_space<vmem>>, vector<1x16xf32>,
        %swap3A_747 = arith.constant 5 : i32
        %swap3A_748 = arith.index_cast %swap3A_747 : i32 to index
        %swap3A_749 = arith.constant 2896 : index
        %swap3A_750 = tpu.vector_load %arg7[%swap3A_748, %swap3A_749] {strides = array<i32>} : memref<8x2944xf32, #tpu.memory_space<vmem>>, vector<1x16xf32>,
        %swap3A_751 = vector.shape_cast %swap3A_750 : vector<1x16xf32> to vector<16xf32>
        %swap3A_752 = vector.shape_cast %broadcast_in_dim3A_548 : vector<16xf32> to vector<1x16xf32>
        tpu.vector_store %arg7[%swap3A_748, %swap3A_749], %swap3A_752 {strides = array<i32>} : memref<8x2944xf32, #tpu.memory_space<vmem>>, vector<1x16xf32>,
        %swap3A_753 = arith.constant 5 : i32
        %swap3A_754 = arith.index_cast %swap3A_753 : i32 to index
        %swap3A_755 = arith.constant 2912 : index
        %swap3A_756 = tpu.vector_load %arg7[%swap3A_754, %swap3A_755] {strides = array<i32>} : memref<8x2944xf32, #tpu.memory_space<vmem>>, vector<1x16xf32>,
        %swap3A_757 = vector.shape_cast %swap3A_756 : vector<1x16xf32> to vector<16xf32>
        %swap3A_758 = vector.shape_cast %broadcast_in_dim3A_548 : vector<16xf32> to vector<1x16xf32>
        tpu.vector_store %arg7[%swap3A_754, %swap3A_755], %swap3A_758 {strides = array<i32>} : memref<8x2944xf32, #tpu.memory_space<vmem>>, vector<1x16xf32>,
        %swap3A_759 = arith.constant 5 : i32
        %swap3A_760 = arith.index_cast %swap3A_759 : i32 to index
        %swap3A_761 = arith.constant 2928 : index
        %swap3A_762 = tpu.vector_load %arg7[%swap3A_760, %swap3A_761] {strides = array<i32>} : memref<8x2944xf32, #tpu.memory_space<vmem>>, vector<1x16xf32>,
        %swap3A_763 = vector.shape_cast %swap3A_762 : vector<1x16xf32> to vector<16xf32>
        %swap3A_764 = vector.shape_cast %broadcast_in_dim3A_548 : vector<16xf32> to vector<1x16xf32>
        tpu.vector_store %arg7[%swap3A_760, %swap3A_761], %swap3A_764 {strides = array<i32>} : memref<8x2944xf32, #tpu.memory_space<vmem>>, vector<1x16xf32>,
        %swap3A_765 = arith.constant 6 : i32
        %swap3A_766 = arith.index_cast %swap3A_765 : i32 to index
        %swap3A_767 = arith.constant 2848 : index
        %swap3A_768 = tpu.vector_load %arg7[%swap3A_766, %swap3A_767] {strides = array<i32>} : memref<8x2944xf32, #tpu.memory_space<vmem>>, vector<1x16xf32>,
        %swap3A_769 = vector.shape_cast %swap3A_768 : vector<1x16xf32> to vector<16xf32>
        %swap3A_770 = vector.shape_cast %broadcast_in_dim3A_548 : vector<16xf32> to vector<1x16xf32>
        tpu.vector_store %arg7[%swap3A_766, %swap3A_767], %swap3A_770 {strides = array<i32>} : memref<8x2944xf32, #tpu.memory_space<vmem>>, vector<1x16xf32>,
        %swap3A_771 = arith.constant 6 : i32
        %swap3A_772 = arith.index_cast %swap3A_771 : i32 to index
        %swap3A_773 = arith.constant 2864 : index
        %swap3A_774 = tpu.vector_load %arg7[%swap3A_772, %swap3A_773] {strides = array<i32>} : memref<8x2944xf32, #tpu.memory_space<vmem>>, vector<1x16xf32>,
        %swap3A_775 = vector.shape_cast %swap3A_774 : vector<1x16xf32> to vector<16xf32>
        %swap3A_776 = vector.shape_cast %broadcast_in_dim3A_548 : vector<16xf32> to vector<1x16xf32>
        tpu.vector_store %arg7[%swap3A_772, %swap3A_773], %swap3A_776 {strides = array<i32>} : memref<8x2944xf32, #tpu.memory_space<vmem>>, vector<1x16xf32>,
        %swap3A_777 = arith.constant 6 : i32
        %swap3A_778 = arith.index_cast %swap3A_777 : i32 to index
        %swap3A_779 = arith.constant 2880 : index
        %swap3A_780 = tpu.vector_load %arg7[%swap3A_778, %swap3A_779] {strides = array<i32>} : memref<8x2944xf32, #tpu.memory_space<vmem>>, vector<1x16xf32>,
        %swap3A_781 = vector.shape_cast %swap3A_780 : vector<1x16xf32> to vector<16xf32>
        %swap3A_782 = vector.shape_cast %broadcast_in_dim3A_548 : vector<16xf32> to vector<1x16xf32>
        tpu.vector_store %arg7[%swap3A_778, %swap3A_779], %swap3A_782 {strides = array<i32>} : memref<8x2944xf32, #tpu.memory_space<vmem>>, vector<1x16xf32>,
        %swap3A_783 = arith.constant 6 : i32
        %swap3A_784 = arith.index_cast %swap3A_783 : i32 to index
        %swap3A_785 = arith.constant 2896 : index
        %swap3A_786 = tpu.vector_load %arg7[%swap3A_784, %swap3A_785] {strides = array<i32>} : memref<8x2944xf32, #tpu.memory_space<vmem>>, vector<1x16xf32>,
        %swap3A_787 = vector.shape_cast %swap3A_786 : vector<1x16xf32> to vector<16xf32>
        %swap3A_788 = vector.shape_cast %broadcast_in_dim3A_548 : vector<16xf32> to vector<1x16xf32>
        tpu.vector_store %arg7[%swap3A_784, %swap3A_785], %swap3A_788 {strides = array<i32>} : memref<8x2944xf32, #tpu.memory_space<vmem>>, vector<1x16xf32>,
        %swap3A_789 = arith.constant 6 : i32
        %swap3A_790 = arith.index_cast %swap3A_789 : i32 to index
        %swap3A_791 = arith.constant 2912 : index
        %swap3A_792 = tpu.vector_load %arg7[%swap3A_790, %swap3A_791] {strides = array<i32>} : memref<8x2944xf32, #tpu.memory_space<vmem>>, vector<1x16xf32>,
        %swap3A_793 = vector.shape_cast %swap3A_792 : vector<1x16xf32> to vector<16xf32>
        %swap3A_794 = vector.shape_cast %broadcast_in_dim3A_548 : vector<16xf32> to vector<1x16xf32>
        tpu.vector_store %arg7[%swap3A_790, %swap3A_791], %swap3A_794 {strides = array<i32>} : memref<8x2944xf32, #tpu.memory_space<vmem>>, vector<1x16xf32>,
        %swap3A_795 = arith.constant 6 : i32
        %swap3A_796 = arith.index_cast %swap3A_795 : i32 to index
        %swap3A_797 = arith.constant 2928 : index
        %swap3A_798 = tpu.vector_load %arg7[%swap3A_796, %swap3A_797] {strides = array<i32>} : memref<8x2944xf32, #tpu.memory_space<vmem>>, vector<1x16xf32>,
        %swap3A_799 = vector.shape_cast %swap3A_798 : vector<1x16xf32> to vector<16xf32>
        %swap3A_800 = vector.shape_cast %broadcast_in_dim3A_548 : vector<16xf32> to vector<1x16xf32>
        tpu.vector_store %arg7[%swap3A_796, %swap3A_797], %swap3A_800 {strides = array<i32>} : memref<8x2944xf32, #tpu.memory_space<vmem>>, vector<1x16xf32>,
        %swap3A_801 = arith.constant 7 : i32
        %swap3A_802 = arith.index_cast %swap3A_801 : i32 to index
        %swap3A_803 = arith.constant 2848 : index
        %swap3A_804 = tpu.vector_load %arg7[%swap3A_802, %swap3A_803] {strides = array<i32>} : memref<8x2944xf32, #tpu.memory_space<vmem>>, vector<1x16xf32>,
        %swap3A_805 = vector.shape_cast %swap3A_804 : vector<1x16xf32> to vector<16xf32>
        %swap3A_806 = vector.shape_cast %broadcast_in_dim3A_548 : vector<16xf32> to vector<1x16xf32>
        tpu.vector_store %arg7[%swap3A_802, %swap3A_803], %swap3A_806 {strides = array<i32>} : memref<8x2944xf32, #tpu.memory_space<vmem>>, vector<1x16xf32>,
        %swap3A_807 = arith.constant 7 : i32
        %swap3A_808 = arith.index_cast %swap3A_807 : i32 to index
        %swap3A_809 = arith.constant 2864 : index
        %swap3A_810 = tpu.vector_load %arg7[%swap3A_808, %swap3A_809] {strides = array<i32>} : memref<8x2944xf32, #tpu.memory_space<vmem>>, vector<1x16xf32>,
        %swap3A_811 = vector.shape_cast %swap3A_810 : vector<1x16xf32> to vector<16xf32>
        %swap3A_812 = vector.shape_cast %broadcast_in_dim3A_548 : vector<16xf32> to vector<1x16xf32>
        tpu.vector_store %arg7[%swap3A_808, %swap3A_809], %swap3A_812 {strides = array<i32>} : memref<8x2944xf32, #tpu.memory_space<vmem>>, vector<1x16xf32>,
        %swap3A_813 = arith.constant 7 : i32
        %swap3A_814 = arith.index_cast %swap3A_813 : i32 to index
        %swap3A_815 = arith.constant 2880 : index
        %swap3A_816 = tpu.vector_load %arg7[%swap3A_814, %swap3A_815] {strides = array<i32>} : memref<8x2944xf32, #tpu.memory_space<vmem>>, vector<1x16xf32>,
        %swap3A_817 = vector.shape_cast %swap3A_816 : vector<1x16xf32> to vector<16xf32>
        %swap3A_818 = vector.shape_cast %broadcast_in_dim3A_548 : vector<16xf32> to vector<1x16xf32>
        tpu.vector_store %arg7[%swap3A_814, %swap3A_815], %swap3A_818 {strides = array<i32>} : memref<8x2944xf32, #tpu.memory_space<vmem>>, vector<1x16xf32>,
        %swap3A_819 = arith.constant 7 : i32
        %swap3A_820 = arith.index_cast %swap3A_819 : i32 to index
        %swap3A_821 = arith.constant 2896 : index
        %swap3A_822 = tpu.vector_load %arg7[%swap3A_820, %swap3A_821] {strides = array<i32>} : memref<8x2944xf32, #tpu.memory_space<vmem>>, vector<1x16xf32>,
        %swap3A_823 = vector.shape_cast %swap3A_822 : vector<1x16xf32> to vector<16xf32>
        %swap3A_824 = vector.shape_cast %broadcast_in_dim3A_548 : vector<16xf32> to vector<1x16xf32>
        tpu.vector_store %arg7[%swap3A_820, %swap3A_821], %swap3A_824 {strides = array<i32>} : memref<8x2944xf32, #tpu.memory_space<vmem>>, vector<1x16xf32>,
        %swap3A_825 = arith.constant 7 : i32
        %swap3A_826 = arith.index_cast %swap3A_825 : i32 to index
        %swap3A_827 = arith.constant 2912 : index
        %swap3A_828 = tpu.vector_load %arg7[%swap3A_826, %swap3A_827] {strides = array<i32>} : memref<8x2944xf32, #tpu.memory_space<vmem>>, vector<1x16xf32>,
        %swap3A_829 = vector.shape_cast %swap3A_828 : vector<1x16xf32> to vector<16xf32>
        %swap3A_830 = vector.shape_cast %broadcast_in_dim3A_548 : vector<16xf32> to vector<1x16xf32>
        tpu.vector_store %arg7[%swap3A_826, %swap3A_827], %swap3A_830 {strides = array<i32>} : memref<8x2944xf32, #tpu.memory_space<vmem>>, vector<1x16xf32>,
        %swap3A_831 = arith.constant 7 : i32
        %swap3A_832 = arith.index_cast %swap3A_831 : i32 to index
        %swap3A_833 = arith.constant 2928 : index
        %swap3A_834 = tpu.vector_load %arg7[%swap3A_832, %swap3A_833] {strides = array<i32>} : memref<8x2944xf32, #tpu.memory_space<vmem>>, vector<1x16xf32>,
        %swap3A_835 = vector.shape_cast %swap3A_834 : vector<1x16xf32> to vector<16xf32>
        %swap3A_836 = vector.shape_cast %broadcast_in_dim3A_548 : vector<16xf32> to vector<1x16xf32>
        tpu.vector_store %arg7[%swap3A_832, %swap3A_833], %swap3A_836 {strides = array<i32>} : memref<8x2944xf32, #tpu.memory_space<vmem>>, vector<1x16xf32>,
      } else {
      }
      %broadcast_in_dim3A_373 = arith.constant 0.000000e+00 : f32
      %broadcast_in_dim3A_374 = vector.broadcast %broadcast_in_dim3A_373 : f32 to vector<16xf32>
      %broadcast_in_dim3A_375 = arith.constant 0.000000e+00 : f32
      %broadcast_in_dim3A_376 = vector.broadcast %broadcast_in_dim3A_375 : f32 to vector<16xf32>
      %broadcast_in_dim3A_377 = arith.constant 0.000000e+00 : f32
      %broadcast_in_dim3A_378 = vector.broadcast %broadcast_in_dim3A_377 : f32 to vector<16xf32>
      %broadcast_in_dim3A_379 = arith.constant 0.000000e+00 : f32
      %broadcast_in_dim3A_380 = vector.broadcast %broadcast_in_dim3A_379 : f32 to vector<16xf32>
      %broadcast_in_dim3A_381 = arith.constant 0.000000e+00 : f32
      %broadcast_in_dim3A_382 = vector.broadcast %broadcast_in_dim3A_381 : f32 to vector<16xf32>
      %broadcast_in_dim3A_383 = arith.constant 0.000000e+00 : f32
      %broadcast_in_dim3A_384 = vector.broadcast %broadcast_in_dim3A_383 : f32 to vector<16xf32>
      %broadcast_in_dim3A_385 = arith.constant 0.000000e+00 : f32
      %broadcast_in_dim3A_386 = vector.broadcast %broadcast_in_dim3A_385 : f32 to vector<16xf32>
      %broadcast_in_dim3A_387 = arith.constant 0.000000e+00 : f32
      %broadcast_in_dim3A_388 = vector.broadcast %broadcast_in_dim3A_387 : f32 to vector<16xf32>
      %broadcast_in_dim3A_389 = arith.constant 0.000000e+00 : f32
      %broadcast_in_dim3A_390 = vector.broadcast %broadcast_in_dim3A_389 : f32 to vector<16xf32>
      %broadcast_in_dim3A_391 = arith.constant 0.000000e+00 : f32
      %broadcast_in_dim3A_392 = vector.broadcast %broadcast_in_dim3A_391 : f32 to vector<16xf32>
      %broadcast_in_dim3A_393 = arith.constant 0.000000e+00 : f32
      %broadcast_in_dim3A_394 = vector.broadcast %broadcast_in_dim3A_393 : f32 to vector<16xf32>
      %broadcast_in_dim3A_395 = arith.constant 0.000000e+00 : f32
      %broadcast_in_dim3A_396 = vector.broadcast %broadcast_in_dim3A_395 : f32 to vector<16xf32>
      %broadcast_in_dim3A_397 = arith.constant 0.000000e+00 : f32
      %broadcast_in_dim3A_398 = vector.broadcast %broadcast_in_dim3A_397 : f32 to vector<16xf32>
      %broadcast_in_dim3A_399 = arith.constant 0.000000e+00 : f32
      %broadcast_in_dim3A_400 = vector.broadcast %broadcast_in_dim3A_399 : f32 to vector<16xf32>
      %broadcast_in_dim3A_401 = arith.constant 0.000000e+00 : f32
      %broadcast_in_dim3A_402 = vector.broadcast %broadcast_in_dim3A_401 : f32 to vector<16xf32>
      %broadcast_in_dim3A_403 = arith.constant 0.000000e+00 : f32
      %broadcast_in_dim3A_404 = vector.broadcast %broadcast_in_dim3A_403 : f32 to vector<16xf32>
      %scan3A_405 = arith.constant 0 : i32
      %scan3A_406 = arith.constant 184 : i32
      %scan3A_407 = arith.addi %scan3A_405, %scan3A_406 : i32
      %scan3A_408 = arith.constant 1 : i32
      %scan3A_409:16 = scf.for %scan3A_547 = %scan3A_405 to %scan3A_407 step %scan3A_408 iter_args(%scan3A_548 = %broadcast_in_dim3A_374, %scan3A_549 = %broadcast_in_dim3A_376, %scan3A_550 = %broadcast_in_dim3A_378, %scan3A_551 = %broadcast_in_dim3A_380, %scan3A_552 = %broadcast_in_dim3A_382, %scan3A_553 = %broadcast_in_dim3A_384, %scan3A_554 = %broadcast_in_dim3A_386, %scan3A_555 = %broadcast_in_dim3A_388, %scan3A_556 = %broadcast_in_dim3A_390, %scan3A_557 = %broadcast_in_dim3A_392, %scan3A_558 = %broadcast_in_dim3A_394, %scan3A_559 = %broadcast_in_dim3A_396, %scan3A_560 = %broadcast_in_dim3A_398, %scan3A_561 = %broadcast_in_dim3A_400, %scan3A_562 = %broadcast_in_dim3A_402, %scan3A_563 = %broadcast_in_dim3A_404) -> (vector<16xf32>, vector<16xf32>, vector<16xf32>, vector<16xf32>, vector<16xf32>, vector<16xf32>, vector<16xf32>, vector<16xf32>, vector<16xf32>, vector<16xf32>, vector<16xf32>, vector<16xf32>, vector<16xf32>, vector<16xf32>, vector<16xf32>, vector<16xf32>)  : i32 {
        %mul3A_564 = arith.constant 2944 : i32
        %mul3A_565 = arith.muli %mul3A_356, %mul3A_564 : i32
        %mul3A_566 = arith.constant 16 : i32
        %mul3A_567 = arith.muli %scan3A_547, %mul3A_566 : i32
        %add3A_568 = arith.addi %mul3A_565, %mul3A_567 : i32
        %add3A_569 = vector.broadcast %add3A_568 : i32 to vector<16xi32>
        %add3A_570 = arith.addi %add3A_569, %iota3A : vector<16xi32>
        %mul3A_571 = arith.constant 16 : i32
        %mul3A_572 = arith.muli %scan3A_547, %mul3A_571 : i32
        %get3A_573 = arith.index_cast %mul3A_572 : i32 to index
        %get3A_574 = tpu.vector_load %arg9[%get3A_573] {strides = array<i32>} : memref<2944xi32, #tpu.memory_space<vmem>>, vector<16xi32>,
        %get3A_575 = vector.shape_cast %get3A_574 : vector<16xi32> to vector<16xi32>
        %mul3A_576 = arith.constant 16 : i32
        %mul3A_577 = arith.muli %scan3A_547, %mul3A_576 : i32
        %get3A_578 = arith.constant 0 : i32
        %get3A_579 = arith.index_cast %get3A_578 : i32 to index
        %get3A_580 = arith.index_cast %mul3A_577 : i32 to index
        %get3A_581 = tpu.vector_load %arg7[%get3A_579, %get3A_580] {strides = array<i32>} : memref<8x2944xf32, #tpu.memory_space<vmem>>, vector<1x16xf32>,
        %get3A_582 = vector.shape_cast %get3A_581 : vector<1x16xf32> to vector<16xf32>
        %exp3A = math.exp %get3A_582 : vector<16xf32>
        %ne3A = arith.cmpi ne, %add3A_570, %broadcast_in_dim3A_39 : vector<16xi32>
        %jit3A = arith.constant 0.000000e+00 : f32
        %broadcast_in_dim3A_583 = vector.broadcast %jit3A : f32 to vector<16xf32>
        %select_n3A = arith.select %ne3A, %exp3A, %broadcast_in_dim3A_583 : vector<16xi1>, vector<16xf32>
        %add3A_584 = arith.addf %scan3A_548, %select_n3A : vector<16xf32>
        %eq3A_585 = arith.cmpi eq, %get3A_575, %broadcast_in_dim3A : vector<16xi32>
        %jit3A_586 = arith.constant 0.000000e+00 : f32
        %broadcast_in_dim3A_587 = vector.broadcast %jit3A_586 : f32 to vector<16xf32>
        %select_n3A_588 = arith.select %eq3A_585, %select_n3A, %broadcast_in_dim3A_587 : vector<16xi1>, vector<16xf32>
        %add3A_589 = arith.addf %scan3A_549, %select_n3A_588 : vector<16xf32>
        %mul3A_590 = arith.constant 16 : i32
        %mul3A_591 = arith.muli %scan3A_547, %mul3A_590 : i32
        %get3A_592 = arith.constant 1 : i32
        %get3A_593 = arith.index_cast %get3A_592 : i32 to index
        %get3A_594 = arith.index_cast %mul3A_591 : i32 to index
        %get3A_595 = tpu.vector_load %arg7[%get3A_593, %get3A_594] {strides = array<i32>} : memref<8x2944xf32, #tpu.memory_space<vmem>>, vector<1x16xf32>,
        %get3A_596 = vector.shape_cast %get3A_595 : vector<1x16xf32> to vector<16xf32>
        %exp3A_597 = math.exp %get3A_596 : vector<16xf32>
        %ne3A_598 = arith.cmpi ne, %add3A_570, %broadcast_in_dim3A_42 : vector<16xi32>
        %jit3A_599 = arith.constant 0.000000e+00 : f32
        %broadcast_in_dim3A_600 = vector.broadcast %jit3A_599 : f32 to vector<16xf32>
        %select_n3A_601 = arith.select %ne3A_598, %exp3A_597, %broadcast_in_dim3A_600 : vector<16xi1>, vector<16xf32>
        %add3A_602 = arith.addf %scan3A_550, %select_n3A_601 : vector<16xf32>
        %eq3A_603 = arith.cmpi eq, %get3A_575, %broadcast_in_dim3A_18 : vector<16xi32>
        %jit3A_604 = arith.constant 0.000000e+00 : f32
        %broadcast_in_dim3A_605 = vector.broadcast %jit3A_604 : f32 to vector<16xf32>
        %select_n3A_606 = arith.select %eq3A_603, %select_n3A_601, %broadcast_in_dim3A_605 : vector<16xi1>, vector<16xf32>
        %add3A_607 = arith.addf %scan3A_551, %select_n3A_606 : vector<16xf32>
        %mul3A_608 = arith.constant 16 : i32
        %mul3A_609 = arith.muli %scan3A_547, %mul3A_608 : i32
        %get3A_610 = arith.constant 2 : i32
        %get3A_611 = arith.index_cast %get3A_610 : i32 to index
        %get3A_612 = arith.index_cast %mul3A_609 : i32 to index
        %get3A_613 = tpu.vector_load %arg7[%get3A_611, %get3A_612] {strides = array<i32>} : memref<8x2944xf32, #tpu.memory_space<vmem>>, vector<1x16xf32>,
        %get3A_614 = vector.shape_cast %get3A_613 : vector<1x16xf32> to vector<16xf32>
        %exp3A_615 = math.exp %get3A_614 : vector<16xf32>
        %ne3A_616 = arith.cmpi ne, %add3A_570, %broadcast_in_dim3A_45 : vector<16xi32>
        %jit3A_617 = arith.constant 0.000000e+00 : f32
        %broadcast_in_dim3A_618 = vector.broadcast %jit3A_617 : f32 to vector<16xf32>
        %select_n3A_619 = arith.select %ne3A_616, %exp3A_615, %broadcast_in_dim3A_618 : vector<16xi1>, vector<16xf32>
        %add3A_620 = arith.addf %scan3A_552, %select_n3A_619 : vector<16xf32>
        %eq3A_621 = arith.cmpi eq, %get3A_575, %broadcast_in_dim3A_21 : vector<16xi32>
        %jit3A_622 = arith.constant 0.000000e+00 : f32
        %broadcast_in_dim3A_623 = vector.broadcast %jit3A_622 : f32 to vector<16xf32>
        %select_n3A_624 = arith.select %eq3A_621, %select_n3A_619, %broadcast_in_dim3A_623 : vector<16xi1>, vector<16xf32>
        %add3A_625 = arith.addf %scan3A_553, %select_n3A_624 : vector<16xf32>
        %mul3A_626 = arith.constant 16 : i32
        %mul3A_627 = arith.muli %scan3A_547, %mul3A_626 : i32
        %get3A_628 = arith.constant 3 : i32
        %get3A_629 = arith.index_cast %get3A_628 : i32 to index
        %get3A_630 = arith.index_cast %mul3A_627 : i32 to index
        %get3A_631 = tpu.vector_load %arg7[%get3A_629, %get3A_630] {strides = array<i32>} : memref<8x2944xf32, #tpu.memory_space<vmem>>, vector<1x16xf32>,
        %get3A_632 = vector.shape_cast %get3A_631 : vector<1x16xf32> to vector<16xf32>
        %exp3A_633 = math.exp %get3A_632 : vector<16xf32>
        %ne3A_634 = arith.cmpi ne, %add3A_570, %broadcast_in_dim3A_48 : vector<16xi32>
        %jit3A_635 = arith.constant 0.000000e+00 : f32
        %broadcast_in_dim3A_636 = vector.broadcast %jit3A_635 : f32 to vector<16xf32>
        %select_n3A_637 = arith.select %ne3A_634, %exp3A_633, %broadcast_in_dim3A_636 : vector<16xi1>, vector<16xf32>
        %add3A_638 = arith.addf %scan3A_554, %select_n3A_637 : vector<16xf32>
        %eq3A_639 = arith.cmpi eq, %get3A_575, %broadcast_in_dim3A_24 : vector<16xi32>
        %jit3A_640 = arith.constant 0.000000e+00 : f32
        %broadcast_in_dim3A_641 = vector.broadcast %jit3A_640 : f32 to vector<16xf32>
        %select_n3A_642 = arith.select %eq3A_639, %select_n3A_637, %broadcast_in_dim3A_641 : vector<16xi1>, vector<16xf32>
        %add3A_643 = arith.addf %scan3A_555, %select_n3A_642 : vector<16xf32>
        %mul3A_644 = arith.constant 16 : i32
        %mul3A_645 = arith.muli %scan3A_547, %mul3A_644 : i32
        %get3A_646 = arith.constant 4 : i32
        %get3A_647 = arith.index_cast %get3A_646 : i32 to index
        %get3A_648 = arith.index_cast %mul3A_645 : i32 to index
        %get3A_649 = tpu.vector_load %arg7[%get3A_647, %get3A_648] {strides = array<i32>} : memref<8x2944xf32, #tpu.memory_space<vmem>>, vector<1x16xf32>,
        %get3A_650 = vector.shape_cast %get3A_649 : vector<1x16xf32> to vector<16xf32>
        %exp3A_651 = math.exp %get3A_650 : vector<16xf32>
        %ne3A_652 = arith.cmpi ne, %add3A_570, %broadcast_in_dim3A_51 : vector<16xi32>
        %jit3A_653 = arith.constant 0.000000e+00 : f32
        %broadcast_in_dim3A_654 = vector.broadcast %jit3A_653 : f32 to vector<16xf32>
        %select_n3A_655 = arith.select %ne3A_652, %exp3A_651, %broadcast_in_dim3A_654 : vector<16xi1>, vector<16xf32>
        %add3A_656 = arith.addf %scan3A_556, %select_n3A_655 : vector<16xf32>
        %eq3A_657 = arith.cmpi eq, %get3A_575, %broadcast_in_dim3A_27 : vector<16xi32>
        %jit3A_658 = arith.constant 0.000000e+00 : f32
        %broadcast_in_dim3A_659 = vector.broadcast %jit3A_658 : f32 to vector<16xf32>
        %select_n3A_660 = arith.select %eq3A_657, %select_n3A_655, %broadcast_in_dim3A_659 : vector<16xi1>, vector<16xf32>
        %add3A_661 = arith.addf %scan3A_557, %select_n3A_660 : vector<16xf32>
        %mul3A_662 = arith.constant 16 : i32
        %mul3A_663 = arith.muli %scan3A_547, %mul3A_662 : i32
        %get3A_664 = arith.constant 5 : i32
        %get3A_665 = arith.index_cast %get3A_664 : i32 to index
        %get3A_666 = arith.index_cast %mul3A_663 : i32 to index
        %get3A_667 = tpu.vector_load %arg7[%get3A_665, %get3A_666] {strides = array<i32>} : memref<8x2944xf32, #tpu.memory_space<vmem>>, vector<1x16xf32>,
        %get3A_668 = vector.shape_cast %get3A_667 : vector<1x16xf32> to vector<16xf32>
        %exp3A_669 = math.exp %get3A_668 : vector<16xf32>
        %ne3A_670 = arith.cmpi ne, %add3A_570, %broadcast_in_dim3A_54 : vector<16xi32>
        %jit3A_671 = arith.constant 0.000000e+00 : f32
        %broadcast_in_dim3A_672 = vector.broadcast %jit3A_671 : f32 to vector<16xf32>
        %select_n3A_673 = arith.select %ne3A_670, %exp3A_669, %broadcast_in_dim3A_672 : vector<16xi1>, vector<16xf32>
        %add3A_674 = arith.addf %scan3A_558, %select_n3A_673 : vector<16xf32>
        %eq3A_675 = arith.cmpi eq, %get3A_575, %broadcast_in_dim3A_30 : vector<16xi32>
        %jit3A_676 = arith.constant 0.000000e+00 : f32
        %broadcast_in_dim3A_677 = vector.broadcast %jit3A_676 : f32 to vector<16xf32>
        %select_n3A_678 = arith.select %eq3A_675, %select_n3A_673, %broadcast_in_dim3A_677 : vector<16xi1>, vector<16xf32>
        %add3A_679 = arith.addf %scan3A_559, %select_n3A_678 : vector<16xf32>
        %mul3A_680 = arith.constant 16 : i32
        %mul3A_681 = arith.muli %scan3A_547, %mul3A_680 : i32
        %get3A_682 = arith.constant 6 : i32
        %get3A_683 = arith.index_cast %get3A_682 : i32 to index
        %get3A_684 = arith.index_cast %mul3A_681 : i32 to index
        %get3A_685 = tpu.vector_load %arg7[%get3A_683, %get3A_684] {strides = array<i32>} : memref<8x2944xf32, #tpu.memory_space<vmem>>, vector<1x16xf32>,
        %get3A_686 = vector.shape_cast %get3A_685 : vector<1x16xf32> to vector<16xf32>
        %exp3A_687 = math.exp %get3A_686 : vector<16xf32>
        %ne3A_688 = arith.cmpi ne, %add3A_570, %broadcast_in_dim3A_57 : vector<16xi32>
        %jit3A_689 = arith.constant 0.000000e+00 : f32
        %broadcast_in_dim3A_690 = vector.broadcast %jit3A_689 : f32 to vector<16xf32>
        %select_n3A_691 = arith.select %ne3A_688, %exp3A_687, %broadcast_in_dim3A_690 : vector<16xi1>, vector<16xf32>
        %add3A_692 = arith.addf %scan3A_560, %select_n3A_691 : vector<16xf32>
        %eq3A_693 = arith.cmpi eq, %get3A_575, %broadcast_in_dim3A_33 : vector<16xi32>
        %jit3A_694 = arith.constant 0.000000e+00 : f32
        %broadcast_in_dim3A_695 = vector.broadcast %jit3A_694 : f32 to vector<16xf32>
        %select_n3A_696 = arith.select %eq3A_693, %select_n3A_691, %broadcast_in_dim3A_695 : vector<16xi1>, vector<16xf32>
        %add3A_697 = arith.addf %scan3A_561, %select_n3A_696 : vector<16xf32>
        %mul3A_698 = arith.constant 16 : i32
        %mul3A_699 = arith.muli %scan3A_547, %mul3A_698 : i32
        %get3A_700 = arith.constant 7 : i32
        %get3A_701 = arith.index_cast %get3A_700 : i32 to index
        %get3A_702 = arith.index_cast %mul3A_699 : i32 to index
        %get3A_703 = tpu.vector_load %arg7[%get3A_701, %get3A_702] {strides = array<i32>} : memref<8x2944xf32, #tpu.memory_space<vmem>>, vector<1x16xf32>,
        %get3A_704 = vector.shape_cast %get3A_703 : vector<1x16xf32> to vector<16xf32>
        %exp3A_705 = math.exp %get3A_704 : vector<16xf32>
        %ne3A_706 = arith.cmpi ne, %add3A_570, %broadcast_in_dim3A_60 : vector<16xi32>
        %jit3A_707 = arith.constant 0.000000e+00 : f32
        %broadcast_in_dim3A_708 = vector.broadcast %jit3A_707 : f32 to vector<16xf32>
        %select_n3A_709 = arith.select %ne3A_706, %exp3A_705, %broadcast_in_dim3A_708 : vector<16xi1>, vector<16xf32>
        %add3A_710 = arith.addf %scan3A_562, %select_n3A_709 : vector<16xf32>
        %eq3A_711 = arith.cmpi eq, %get3A_575, %broadcast_in_dim3A_36 : vector<16xi32>
        %jit3A_712 = arith.constant 0.000000e+00 : f32
        %broadcast_in_dim3A_713 = vector.broadcast %jit3A_712 : f32 to vector<16xf32>
        %select_n3A_714 = arith.select %eq3A_711, %select_n3A_709, %broadcast_in_dim3A_713 : vector<16xi1>, vector<16xf32>
        %add3A_715 = arith.addf %scan3A_563, %select_n3A_714 : vector<16xf32>
        scf.yield %add3A_584, %add3A_589, %add3A_602, %add3A_607, %add3A_620, %add3A_625, %add3A_638, %add3A_643, %add3A_656, %add3A_661, %add3A_674, %add3A_679, %add3A_692, %add3A_697, %add3A_710, %add3A_715 : vector<16xf32>, vector<16xf32>, vector<16xf32>, vector<16xf32>, vector<16xf32>, vector<16xf32>, vector<16xf32>, vector<16xf32>, vector<16xf32>, vector<16xf32>, vector<16xf32>, vector<16xf32>, vector<16xf32>, vector<16xf32>, vector<16xf32>, vector<16xf32>
      }
      %scan3A_410 = arith.constant 184 : i32
      %get3A_411 = arith.constant 0 : index
      %get3A_412 = tpu.vector_load %arg14[%get3A_411] {strides = array<i32>} : memref<256xf32, #tpu.memory_space<vmem>>, vector<16xf32>,
      %get3A_413 = vector.shape_cast %get3A_412 : vector<16xf32> to vector<16xf32>
      %add3A_414 = arith.addf %get3A_413, %scan3A_409#0 : vector<16xf32>
      %swap3A_415 = arith.constant 0 : index
      %swap3A_416 = tpu.vector_load %arg14[%swap3A_415] {strides = array<i32>} : memref<256xf32, #tpu.memory_space<vmem>>, vector<16xf32>,
      %swap3A_417 = vector.shape_cast %swap3A_416 : vector<16xf32> to vector<16xf32>
      %swap3A_418 = vector.shape_cast %add3A_414 : vector<16xf32> to vector<16xf32>
      tpu.vector_store %arg14[%swap3A_415], %swap3A_418 {strides = array<i32>} : memref<256xf32, #tpu.memory_space<vmem>>, vector<16xf32>,
      %get3A_419 = arith.constant 0 : index
      %get3A_420 = tpu.vector_load %arg13[%get3A_419] {strides = array<i32>} : memref<256xf32, #tpu.memory_space<vmem>>, vector<16xf32>,
      %get3A_421 = vector.shape_cast %get3A_420 : vector<16xf32> to vector<16xf32>
      %add3A_422 = arith.addf %get3A_421, %scan3A_409#1 : vector<16xf32>
      %swap3A_423 = arith.constant 0 : index
      %swap3A_424 = tpu.vector_load %arg13[%swap3A_423] {strides = array<i32>} : memref<256xf32, #tpu.memory_space<vmem>>, vector<16xf32>,
      %swap3A_425 = vector.shape_cast %swap3A_424 : vector<16xf32> to vector<16xf32>
      %swap3A_426 = vector.shape_cast %add3A_422 : vector<16xf32> to vector<16xf32>
      tpu.vector_store %arg13[%swap3A_423], %swap3A_426 {strides = array<i32>} : memref<256xf32, #tpu.memory_space<vmem>>, vector<16xf32>,
      %get3A_427 = arith.constant 16 : index
      %get3A_428 = tpu.vector_load %arg14[%get3A_427] {strides = array<i32>} : memref<256xf32, #tpu.memory_space<vmem>>, vector<16xf32>,
      %get3A_429 = vector.shape_cast %get3A_428 : vector<16xf32> to vector<16xf32>
      %add3A_430 = arith.addf %get3A_429, %scan3A_409#2 : vector<16xf32>
      %swap3A_431 = arith.constant 16 : index
      %swap3A_432 = tpu.vector_load %arg14[%swap3A_431] {strides = array<i32>} : memref<256xf32, #tpu.memory_space<vmem>>, vector<16xf32>,
      %swap3A_433 = vector.shape_cast %swap3A_432 : vector<16xf32> to vector<16xf32>
      %swap3A_434 = vector.shape_cast %add3A_430 : vector<16xf32> to vector<16xf32>
      tpu.vector_store %arg14[%swap3A_431], %swap3A_434 {strides = array<i32>} : memref<256xf32, #tpu.memory_space<vmem>>, vector<16xf32>,
      %get3A_435 = arith.constant 16 : index
      %get3A_436 = tpu.vector_load %arg13[%get3A_435] {strides = array<i32>} : memref<256xf32, #tpu.memory_space<vmem>>, vector<16xf32>,
      %get3A_437 = vector.shape_cast %get3A_436 : vector<16xf32> to vector<16xf32>
      %add3A_438 = arith.addf %get3A_437, %scan3A_409#3 : vector<16xf32>
      %swap3A_439 = arith.constant 16 : index
      %swap3A_440 = tpu.vector_load %arg13[%swap3A_439] {strides = array<i32>} : memref<256xf32, #tpu.memory_space<vmem>>, vector<16xf32>,
      %swap3A_441 = vector.shape_cast %swap3A_440 : vector<16xf32> to vector<16xf32>
      %swap3A_442 = vector.shape_cast %add3A_438 : vector<16xf32> to vector<16xf32>
      tpu.vector_store %arg13[%swap3A_439], %swap3A_442 {strides = array<i32>} : memref<256xf32, #tpu.memory_space<vmem>>, vector<16xf32>,
      %get3A_443 = arith.constant 32 : index
      %get3A_444 = tpu.vector_load %arg14[%get3A_443] {strides = array<i32>} : memref<256xf32, #tpu.memory_space<vmem>>, vector<16xf32>,
      %get3A_445 = vector.shape_cast %get3A_444 : vector<16xf32> to vector<16xf32>
      %add3A_446 = arith.addf %get3A_445, %scan3A_409#4 : vector<16xf32>
      %swap3A_447 = arith.constant 32 : index
      %swap3A_448 = tpu.vector_load %arg14[%swap3A_447] {strides = array<i32>} : memref<256xf32, #tpu.memory_space<vmem>>, vector<16xf32>,
      %swap3A_449 = vector.shape_cast %swap3A_448 : vector<16xf32> to vector<16xf32>
      %swap3A_450 = vector.shape_cast %add3A_446 : vector<16xf32> to vector<16xf32>
      tpu.vector_store %arg14[%swap3A_447], %swap3A_450 {strides = array<i32>} : memref<256xf32, #tpu.memory_space<vmem>>, vector<16xf32>,
      %get3A_451 = arith.constant 32 : index
      %get3A_452 = tpu.vector_load %arg13[%get3A_451] {strides = array<i32>} : memref<256xf32, #tpu.memory_space<vmem>>, vector<16xf32>,
      %get3A_453 = vector.shape_cast %get3A_452 : vector<16xf32> to vector<16xf32>
      %add3A_454 = arith.addf %get3A_453, %scan3A_409#5 : vector<16xf32>
      %swap3A_455 = arith.constant 32 : index
      %swap3A_456 = tpu.vector_load %arg13[%swap3A_455] {strides = array<i32>} : memref<256xf32, #tpu.memory_space<vmem>>, vector<16xf32>,
      %swap3A_457 = vector.shape_cast %swap3A_456 : vector<16xf32> to vector<16xf32>
      %swap3A_458 = vector.shape_cast %add3A_454 : vector<16xf32> to vector<16xf32>
      tpu.vector_store %arg13[%swap3A_455], %swap3A_458 {strides = array<i32>} : memref<256xf32, #tpu.memory_space<vmem>>, vector<16xf32>,
      %get3A_459 = arith.constant 48 : index
      %get3A_460 = tpu.vector_load %arg14[%get3A_459] {strides = array<i32>} : memref<256xf32, #tpu.memory_space<vmem>>, vector<16xf32>,
      %get3A_461 = vector.shape_cast %get3A_460 : vector<16xf32> to vector<16xf32>
      %add3A_462 = arith.addf %get3A_461, %scan3A_409#6 : vector<16xf32>
      %swap3A_463 = arith.constant 48 : index
      %swap3A_464 = tpu.vector_load %arg14[%swap3A_463] {strides = array<i32>} : memref<256xf32, #tpu.memory_space<vmem>>, vector<16xf32>,
      %swap3A_465 = vector.shape_cast %swap3A_464 : vector<16xf32> to vector<16xf32>
      %swap3A_466 = vector.shape_cast %add3A_462 : vector<16xf32> to vector<16xf32>
      tpu.vector_store %arg14[%swap3A_463], %swap3A_466 {strides = array<i32>} : memref<256xf32, #tpu.memory_space<vmem>>, vector<16xf32>,
      %get3A_467 = arith.constant 48 : index
      %get3A_468 = tpu.vector_load %arg13[%get3A_467] {strides = array<i32>} : memref<256xf32, #tpu.memory_space<vmem>>, vector<16xf32>,
      %get3A_469 = vector.shape_cast %get3A_468 : vector<16xf32> to vector<16xf32>
      %add3A_470 = arith.addf %get3A_469, %scan3A_409#7 : vector<16xf32>
      %swap3A_471 = arith.constant 48 : index
      %swap3A_472 = tpu.vector_load %arg13[%swap3A_471] {strides = array<i32>} : memref<256xf32, #tpu.memory_space<vmem>>, vector<16xf32>,
      %swap3A_473 = vector.shape_cast %swap3A_472 : vector<16xf32> to vector<16xf32>
      %swap3A_474 = vector.shape_cast %add3A_470 : vector<16xf32> to vector<16xf32>
      tpu.vector_store %arg13[%swap3A_471], %swap3A_474 {strides = array<i32>} : memref<256xf32, #tpu.memory_space<vmem>>, vector<16xf32>,
      %get3A_475 = arith.constant 64 : index
      %get3A_476 = tpu.vector_load %arg14[%get3A_475] {strides = array<i32>} : memref<256xf32, #tpu.memory_space<vmem>>, vector<16xf32>,
      %get3A_477 = vector.shape_cast %get3A_476 : vector<16xf32> to vector<16xf32>
      %add3A_478 = arith.addf %get3A_477, %scan3A_409#8 : vector<16xf32>
      %swap3A_479 = arith.constant 64 : index
      %swap3A_480 = tpu.vector_load %arg14[%swap3A_479] {strides = array<i32>} : memref<256xf32, #tpu.memory_space<vmem>>, vector<16xf32>,
      %swap3A_481 = vector.shape_cast %swap3A_480 : vector<16xf32> to vector<16xf32>
      %swap3A_482 = vector.shape_cast %add3A_478 : vector<16xf32> to vector<16xf32>
      tpu.vector_store %arg14[%swap3A_479], %swap3A_482 {strides = array<i32>} : memref<256xf32, #tpu.memory_space<vmem>>, vector<16xf32>,
      %get3A_483 = arith.constant 64 : index
      %get3A_484 = tpu.vector_load %arg13[%get3A_483] {strides = array<i32>} : memref<256xf32, #tpu.memory_space<vmem>>, vector<16xf32>,
      %get3A_485 = vector.shape_cast %get3A_484 : vector<16xf32> to vector<16xf32>
      %add3A_486 = arith.addf %get3A_485, %scan3A_409#9 : vector<16xf32>
      %swap3A_487 = arith.constant 64 : index
      %swap3A_488 = tpu.vector_load %arg13[%swap3A_487] {strides = array<i32>} : memref<256xf32, #tpu.memory_space<vmem>>, vector<16xf32>,
      %swap3A_489 = vector.shape_cast %swap3A_488 : vector<16xf32> to vector<16xf32>
      %swap3A_490 = vector.shape_cast %add3A_486 : vector<16xf32> to vector<16xf32>
      tpu.vector_store %arg13[%swap3A_487], %swap3A_490 {strides = array<i32>} : memref<256xf32, #tpu.memory_space<vmem>>, vector<16xf32>,
      %get3A_491 = arith.constant 80 : index
      %get3A_492 = tpu.vector_load %arg14[%get3A_491] {strides = array<i32>} : memref<256xf32, #tpu.memory_space<vmem>>, vector<16xf32>,
      %get3A_493 = vector.shape_cast %get3A_492 : vector<16xf32> to vector<16xf32>
      %add3A_494 = arith.addf %get3A_493, %scan3A_409#10 : vector<16xf32>
      %swap3A_495 = arith.constant 80 : index
      %swap3A_496 = tpu.vector_load %arg14[%swap3A_495] {strides = array<i32>} : memref<256xf32, #tpu.memory_space<vmem>>, vector<16xf32>,
      %swap3A_497 = vector.shape_cast %swap3A_496 : vector<16xf32> to vector<16xf32>
      %swap3A_498 = vector.shape_cast %add3A_494 : vector<16xf32> to vector<16xf32>
      tpu.vector_store %arg14[%swap3A_495], %swap3A_498 {strides = array<i32>} : memref<256xf32, #tpu.memory_space<vmem>>, vector<16xf32>,
      %get3A_499 = arith.constant 80 : index
      %get3A_500 = tpu.vector_load %arg13[%get3A_499] {strides = array<i32>} : memref<256xf32, #tpu.memory_space<vmem>>, vector<16xf32>,
      %get3A_501 = vector.shape_cast %get3A_500 : vector<16xf32> to vector<16xf32>
      %add3A_502 = arith.addf %get3A_501, %scan3A_409#11 : vector<16xf32>
      %swap3A_503 = arith.constant 80 : index
      %swap3A_504 = tpu.vector_load %arg13[%swap3A_503] {strides = array<i32>} : memref<256xf32, #tpu.memory_space<vmem>>, vector<16xf32>,
      %swap3A_505 = vector.shape_cast %swap3A_504 : vector<16xf32> to vector<16xf32>
      %swap3A_506 = vector.shape_cast %add3A_502 : vector<16xf32> to vector<16xf32>
      tpu.vector_store %arg13[%swap3A_503], %swap3A_506 {strides = array<i32>} : memref<256xf32, #tpu.memory_space<vmem>>, vector<16xf32>,
      %get3A_507 = arith.constant 96 : index
      %get3A_508 = tpu.vector_load %arg14[%get3A_507] {strides = array<i32>} : memref<256xf32, #tpu.memory_space<vmem>>, vector<16xf32>,
      %get3A_509 = vector.shape_cast %get3A_508 : vector<16xf32> to vector<16xf32>
      %add3A_510 = arith.addf %get3A_509, %scan3A_409#12 : vector<16xf32>
      %swap3A_511 = arith.constant 96 : index
      %swap3A_512 = tpu.vector_load %arg14[%swap3A_511] {strides = array<i32>} : memref<256xf32, #tpu.memory_space<vmem>>, vector<16xf32>,
      %swap3A_513 = vector.shape_cast %swap3A_512 : vector<16xf32> to vector<16xf32>
      %swap3A_514 = vector.shape_cast %add3A_510 : vector<16xf32> to vector<16xf32>
      tpu.vector_store %arg14[%swap3A_511], %swap3A_514 {strides = array<i32>} : memref<256xf32, #tpu.memory_space<vmem>>, vector<16xf32>,
      %get3A_515 = arith.constant 96 : index
      %get3A_516 = tpu.vector_load %arg13[%get3A_515] {strides = array<i32>} : memref<256xf32, #tpu.memory_space<vmem>>, vector<16xf32>,
      %get3A_517 = vector.shape_cast %get3A_516 : vector<16xf32> to vector<16xf32>
      %add3A_518 = arith.addf %get3A_517, %scan3A_409#13 : vector<16xf32>
      %swap3A_519 = arith.constant 96 : index
      %swap3A_520 = tpu.vector_load %arg13[%swap3A_519] {strides = array<i32>} : memref<256xf32, #tpu.memory_space<vmem>>, vector<16xf32>,
      %swap3A_521 = vector.shape_cast %swap3A_520 : vector<16xf32> to vector<16xf32>
      %swap3A_522 = vector.shape_cast %add3A_518 : vector<16xf32> to vector<16xf32>
      tpu.vector_store %arg13[%swap3A_519], %swap3A_522 {strides = array<i32>} : memref<256xf32, #tpu.memory_space<vmem>>, vector<16xf32>,
      %get3A_523 = arith.constant 112 : index
      %get3A_524 = tpu.vector_load %arg14[%get3A_523] {strides = array<i32>} : memref<256xf32, #tpu.memory_space<vmem>>, vector<16xf32>,
      %get3A_525 = vector.shape_cast %get3A_524 : vector<16xf32> to vector<16xf32>
      %add3A_526 = arith.addf %get3A_525, %scan3A_409#14 : vector<16xf32>
      %swap3A_527 = arith.constant 112 : index
      %swap3A_528 = tpu.vector_load %arg14[%swap3A_527] {strides = array<i32>} : memref<256xf32, #tpu.memory_space<vmem>>, vector<16xf32>,
      %swap3A_529 = vector.shape_cast %swap3A_528 : vector<16xf32> to vector<16xf32>
      %swap3A_530 = vector.shape_cast %add3A_526 : vector<16xf32> to vector<16xf32>
      tpu.vector_store %arg14[%swap3A_527], %swap3A_530 {strides = array<i32>} : memref<256xf32, #tpu.memory_space<vmem>>, vector<16xf32>,
      %get3A_531 = arith.constant 112 : index
      %get3A_532 = tpu.vector_load %arg13[%get3A_531] {strides = array<i32>} : memref<256xf32, #tpu.memory_space<vmem>>, vector<16xf32>,
      %get3A_533 = vector.shape_cast %get3A_532 : vector<16xf32> to vector<16xf32>
      %add3A_534 = arith.addf %get3A_533, %scan3A_409#15 : vector<16xf32>
      %swap3A_535 = arith.constant 112 : index
      %swap3A_536 = tpu.vector_load %arg13[%swap3A_535] {strides = array<i32>} : memref<256xf32, #tpu.memory_space<vmem>>, vector<16xf32>,
      %swap3A_537 = vector.shape_cast %swap3A_536 : vector<16xf32> to vector<16xf32>
      %swap3A_538 = vector.shape_cast %add3A_534 : vector<16xf32> to vector<16xf32>
      tpu.vector_store %arg13[%swap3A_535], %swap3A_538 {strides = array<i32>} : memref<256xf32, #tpu.memory_space<vmem>>, vector<16xf32>,
      %add3A_539 = arith.constant 1 : i32
      %add3A_540 = arith.addi %mul3A_356, %add3A_539 : i32
      %lt3A_541 = arith.constant 34 : i32
      %lt3A_542 = arith.cmpi slt, %add3A_540, %lt3A_541 : i32
      %convert_element_type3A_543 = arith.extui %lt3A_542 : i1 to i32
      %cond3A_544 = arith.constant 0 : i32
      %cond3A_545 = arith.cmpi ne, %convert_element_type3A_543, %cond3A_544 : i32
      scf.if %cond3A_545 {
        %add3A_547 = arith.constant 2 : i32
        %add3A_548 = arith.addi %mul3A_356, %add3A_547 : i32
        %lt3A_549 = arith.constant 34 : i32
        %lt3A_550 = arith.cmpi slt, %add3A_548, %lt3A_549 : i32
        %convert_element_type3A_551 = arith.extui %lt3A_550 : i1 to i32
        %cond3A_552 = arith.constant 0 : i32
        %cond3A_553 = arith.cmpi ne, %convert_element_type3A_551, %cond3A_552 : i32
        scf.if %cond3A_553 {
          %add3A_735 = arith.constant 2 : i32
          %add3A_736 = arith.addi %mul3A_356, %add3A_735 : i32
          %mul3A_737 = arith.constant 2944 : i32
          %mul3A_738 = arith.muli %add3A_736, %mul3A_737 : i32
          %dma_start3A_739 = tpu.memref_slice %arg2[%add3A_10, %mul3A_738] : memref<1024x100000xf32, #tpu.memory_space<hbm>> -> memref<8x2944xf32, #tpu.memory_space<hbm>>
          %dma_start3A_740 = tpu.memref_slice %arg2[%add3A_10, %mul3A_738] : memref<1024x100000xf32, #tpu.memory_space<hbm>> -> memref<8x2944xf32, #tpu.memory_space<hbm>>
          tpu.enqueue_dma source(%dma_start3A_740 : memref<8x2944xf32, #tpu.memory_space<hbm>>) target(%arg7 : memref<8x2944xf32, #tpu.memory_space<vmem>>) target_semaphore(%arg15 : memref<!tpu.dma_semaphore, #tpu.memory_space<semaphore_mem>>)
          %mul3A_741 = arith.constant 2944 : i32
          %mul3A_742 = arith.muli %add3A_736, %mul3A_741 : i32
          %dma_start3A_743 = tpu.memref_slice %arg3[%mul3A_742] : memref<100096xi32, #tpu.memory_space<hbm>> -> memref<2944xi32, #tpu.memory_space<hbm>>
          %dma_start3A_744 = tpu.memref_slice %arg3[%mul3A_742] : memref<100096xi32, #tpu.memory_space<hbm>> -> memref<2944xi32, #tpu.memory_space<hbm>>
          tpu.enqueue_dma source(%dma_start3A_744 : memref<2944xi32, #tpu.memory_space<hbm>>) target(%arg9 : memref<2944xi32, #tpu.memory_space<vmem>>) target_semaphore(%arg17 : memref<!tpu.dma_semaphore, #tpu.memory_space<semaphore_mem>>)
        } else {
        }
        %add3A_554 = arith.constant 1 : i32
        %add3A_555 = arith.addi %mul3A_356, %add3A_554 : i32
        %dma_wait3A_556 = arith.constant 0 : i32
        %dma_wait3A_557 = tpu.memref_slice %arg2[%add3A_10, %dma_wait3A_556] : memref<1024x100000xf32, #tpu.memory_space<hbm>> -> memref<8x2944xf32, #tpu.memory_space<hbm>>
        %dma_wait3A_558 = arith.constant 0 : i32
        %dma_wait3A_559 = tpu.memref_slice %arg2[%add3A_10, %dma_wait3A_558] : memref<1024x100000xf32, #tpu.memory_space<hbm>> -> memref<8x2944xf32, #tpu.memory_space<hbm>>
        tpu.wait_dma2 semaphore(%arg16 : memref<!tpu.dma_semaphore, #tpu.memory_space<semaphore_mem>>) src(%dma_wait3A_559 : memref<8x2944xf32, #tpu.memory_space<hbm>>) dst(%arg8 : memref<8x2944xf32, #tpu.memory_space<vmem>>)
        %dma_wait3A_560 = arith.constant 0 : i32
        %dma_wait3A_561 = tpu.memref_slice %arg3[%dma_wait3A_560] : memref<100096xi32, #tpu.memory_space<hbm>> -> memref<2944xi32, #tpu.memory_space<hbm>>
        %dma_wait3A_562 = arith.constant 0 : i32
        %dma_wait3A_563 = tpu.memref_slice %arg3[%dma_wait3A_562] : memref<100096xi32, #tpu.memory_space<hbm>> -> memref<2944xi32, #tpu.memory_space<hbm>>
        tpu.wait_dma2 semaphore(%arg18 : memref<!tpu.dma_semaphore, #tpu.memory_space<semaphore_mem>>) src(%dma_wait3A_563 : memref<2944xi32, #tpu.memory_space<hbm>>) dst(%arg10 : memref<2944xi32, #tpu.memory_space<vmem>>)
        %eq3A_564 = arith.constant 33 : i32
        %eq3A_565 = arith.cmpi eq, %add3A_555, %eq3A_564 : i32
        %convert_element_type3A_566 = arith.extui %eq3A_565 : i1 to i32
        %cond3A_567 = arith.constant 0 : i32
        %cond3A_568 = arith.cmpi ne, %convert_element_type3A_566, %cond3A_567 : i32
        scf.if %cond3A_568 {
          %broadcast_in_dim3A_735 = arith.constant 0xFF800000 : f32
          %broadcast_in_dim3A_736 = vector.broadcast %broadcast_in_dim3A_735 : f32 to vector<16xf32>
          %swap3A_737 = arith.constant 0 : i32
          %swap3A_738 = arith.index_cast %swap3A_737 : i32 to index
          %swap3A_739 = arith.constant 2848 : index
          %swap3A_740 = tpu.vector_load %arg8[%swap3A_738, %swap3A_739] {strides = array<i32>} : memref<8x2944xf32, #tpu.memory_space<vmem>>, vector<1x16xf32>,
          %swap3A_741 = vector.shape_cast %swap3A_740 : vector<1x16xf32> to vector<16xf32>
          %swap3A_742 = vector.shape_cast %broadcast_in_dim3A_736 : vector<16xf32> to vector<1x16xf32>
          tpu.vector_store %arg8[%swap3A_738, %swap3A_739], %swap3A_742 {strides = array<i32>} : memref<8x2944xf32, #tpu.memory_space<vmem>>, vector<1x16xf32>,
          %swap3A_743 = arith.constant 0 : i32
          %swap3A_744 = arith.index_cast %swap3A_743 : i32 to index
          %swap3A_745 = arith.constant 2864 : index
          %swap3A_746 = tpu.vector_load %arg8[%swap3A_744, %swap3A_745] {strides = array<i32>} : memref<8x2944xf32, #tpu.memory_space<vmem>>, vector<1x16xf32>,
          %swap3A_747 = vector.shape_cast %swap3A_746 : vector<1x16xf32> to vector<16xf32>
          %swap3A_748 = vector.shape_cast %broadcast_in_dim3A_736 : vector<16xf32> to vector<1x16xf32>
          tpu.vector_store %arg8[%swap3A_744, %swap3A_745], %swap3A_748 {strides = array<i32>} : memref<8x2944xf32, #tpu.memory_space<vmem>>, vector<1x16xf32>,
          %swap3A_749 = arith.constant 0 : i32
          %swap3A_750 = arith.index_cast %swap3A_749 : i32 to index
          %swap3A_751 = arith.constant 2880 : index
          %swap3A_752 = tpu.vector_load %arg8[%swap3A_750, %swap3A_751] {strides = array<i32>} : memref<8x2944xf32, #tpu.memory_space<vmem>>, vector<1x16xf32>,
          %swap3A_753 = vector.shape_cast %swap3A_752 : vector<1x16xf32> to vector<16xf32>
          %swap3A_754 = vector.shape_cast %broadcast_in_dim3A_736 : vector<16xf32> to vector<1x16xf32>
          tpu.vector_store %arg8[%swap3A_750, %swap3A_751], %swap3A_754 {strides = array<i32>} : memref<8x2944xf32, #tpu.memory_space<vmem>>, vector<1x16xf32>,
          %swap3A_755 = arith.constant 0 : i32
          %swap3A_756 = arith.index_cast %swap3A_755 : i32 to index
          %swap3A_757 = arith.constant 2896 : index
          %swap3A_758 = tpu.vector_load %arg8[%swap3A_756, %swap3A_757] {strides = array<i32>} : memref<8x2944xf32, #tpu.memory_space<vmem>>, vector<1x16xf32>,
          %swap3A_759 = vector.shape_cast %swap3A_758 : vector<1x16xf32> to vector<16xf32>
          %swap3A_760 = vector.shape_cast %broadcast_in_dim3A_736 : vector<16xf32> to vector<1x16xf32>
          tpu.vector_store %arg8[%swap3A_756, %swap3A_757], %swap3A_760 {strides = array<i32>} : memref<8x2944xf32, #tpu.memory_space<vmem>>, vector<1x16xf32>,
          %swap3A_761 = arith.constant 0 : i32
          %swap3A_762 = arith.index_cast %swap3A_761 : i32 to index
          %swap3A_763 = arith.constant 2912 : index
          %swap3A_764 = tpu.vector_load %arg8[%swap3A_762, %swap3A_763] {strides = array<i32>} : memref<8x2944xf32, #tpu.memory_space<vmem>>, vector<1x16xf32>,
          %swap3A_765 = vector.shape_cast %swap3A_764 : vector<1x16xf32> to vector<16xf32>
          %swap3A_766 = vector.shape_cast %broadcast_in_dim3A_736 : vector<16xf32> to vector<1x16xf32>
          tpu.vector_store %arg8[%swap3A_762, %swap3A_763], %swap3A_766 {strides = array<i32>} : memref<8x2944xf32, #tpu.memory_space<vmem>>, vector<1x16xf32>,
          %swap3A_767 = arith.constant 0 : i32
          %swap3A_768 = arith.index_cast %swap3A_767 : i32 to index
          %swap3A_769 = arith.constant 2928 : index
          %swap3A_770 = tpu.vector_load %arg8[%swap3A_768, %swap3A_769] {strides = array<i32>} : memref<8x2944xf32, #tpu.memory_space<vmem>>, vector<1x16xf32>,
          %swap3A_771 = vector.shape_cast %swap3A_770 : vector<1x16xf32> to vector<16xf32>
          %swap3A_772 = vector.shape_cast %broadcast_in_dim3A_736 : vector<16xf32> to vector<1x16xf32>
          tpu.vector_store %arg8[%swap3A_768, %swap3A_769], %swap3A_772 {strides = array<i32>} : memref<8x2944xf32, #tpu.memory_space<vmem>>, vector<1x16xf32>,
          %swap3A_773 = arith.constant 1 : i32
          %swap3A_774 = arith.index_cast %swap3A_773 : i32 to index
          %swap3A_775 = arith.constant 2848 : index
          %swap3A_776 = tpu.vector_load %arg8[%swap3A_774, %swap3A_775] {strides = array<i32>} : memref<8x2944xf32, #tpu.memory_space<vmem>>, vector<1x16xf32>,
          %swap3A_777 = vector.shape_cast %swap3A_776 : vector<1x16xf32> to vector<16xf32>
          %swap3A_778 = vector.shape_cast %broadcast_in_dim3A_736 : vector<16xf32> to vector<1x16xf32>
          tpu.vector_store %arg8[%swap3A_774, %swap3A_775], %swap3A_778 {strides = array<i32>} : memref<8x2944xf32, #tpu.memory_space<vmem>>, vector<1x16xf32>,
          %swap3A_779 = arith.constant 1 : i32
          %swap3A_780 = arith.index_cast %swap3A_779 : i32 to index
          %swap3A_781 = arith.constant 2864 : index
          %swap3A_782 = tpu.vector_load %arg8[%swap3A_780, %swap3A_781] {strides = array<i32>} : memref<8x2944xf32, #tpu.memory_space<vmem>>, vector<1x16xf32>,
          %swap3A_783 = vector.shape_cast %swap3A_782 : vector<1x16xf32> to vector<16xf32>
          %swap3A_784 = vector.shape_cast %broadcast_in_dim3A_736 : vector<16xf32> to vector<1x16xf32>
          tpu.vector_store %arg8[%swap3A_780, %swap3A_781], %swap3A_784 {strides = array<i32>} : memref<8x2944xf32, #tpu.memory_space<vmem>>, vector<1x16xf32>,
          %swap3A_785 = arith.constant 1 : i32
          %swap3A_786 = arith.index_cast %swap3A_785 : i32 to index
          %swap3A_787 = arith.constant 2880 : index
          %swap3A_788 = tpu.vector_load %arg8[%swap3A_786, %swap3A_787] {strides = array<i32>} : memref<8x2944xf32, #tpu.memory_space<vmem>>, vector<1x16xf32>,
          %swap3A_789 = vector.shape_cast %swap3A_788 : vector<1x16xf32> to vector<16xf32>
          %swap3A_790 = vector.shape_cast %broadcast_in_dim3A_736 : vector<16xf32> to vector<1x16xf32>
          tpu.vector_store %arg8[%swap3A_786, %swap3A_787], %swap3A_790 {strides = array<i32>} : memref<8x2944xf32, #tpu.memory_space<vmem>>, vector<1x16xf32>,
          %swap3A_791 = arith.constant 1 : i32
          %swap3A_792 = arith.index_cast %swap3A_791 : i32 to index
          %swap3A_793 = arith.constant 2896 : index
          %swap3A_794 = tpu.vector_load %arg8[%swap3A_792, %swap3A_793] {strides = array<i32>} : memref<8x2944xf32, #tpu.memory_space<vmem>>, vector<1x16xf32>,
          %swap3A_795 = vector.shape_cast %swap3A_794 : vector<1x16xf32> to vector<16xf32>
          %swap3A_796 = vector.shape_cast %broadcast_in_dim3A_736 : vector<16xf32> to vector<1x16xf32>
          tpu.vector_store %arg8[%swap3A_792, %swap3A_793], %swap3A_796 {strides = array<i32>} : memref<8x2944xf32, #tpu.memory_space<vmem>>, vector<1x16xf32>,
          %swap3A_797 = arith.constant 1 : i32
          %swap3A_798 = arith.index_cast %swap3A_797 : i32 to index
          %swap3A_799 = arith.constant 2912 : index
          %swap3A_800 = tpu.vector_load %arg8[%swap3A_798, %swap3A_799] {strides = array<i32>} : memref<8x2944xf32, #tpu.memory_space<vmem>>, vector<1x16xf32>,
          %swap3A_801 = vector.shape_cast %swap3A_800 : vector<1x16xf32> to vector<16xf32>
          %swap3A_802 = vector.shape_cast %broadcast_in_dim3A_736 : vector<16xf32> to vector<1x16xf32>
          tpu.vector_store %arg8[%swap3A_798, %swap3A_799], %swap3A_802 {strides = array<i32>} : memref<8x2944xf32, #tpu.memory_space<vmem>>, vector<1x16xf32>,
          %swap3A_803 = arith.constant 1 : i32
          %swap3A_804 = arith.index_cast %swap3A_803 : i32 to index
          %swap3A_805 = arith.constant 2928 : index
          %swap3A_806 = tpu.vector_load %arg8[%swap3A_804, %swap3A_805] {strides = array<i32>} : memref<8x2944xf32, #tpu.memory_space<vmem>>, vector<1x16xf32>,
          %swap3A_807 = vector.shape_cast %swap3A_806 : vector<1x16xf32> to vector<16xf32>
          %swap3A_808 = vector.shape_cast %broadcast_in_dim3A_736 : vector<16xf32> to vector<1x16xf32>
          tpu.vector_store %arg8[%swap3A_804, %swap3A_805], %swap3A_808 {strides = array<i32>} : memref<8x2944xf32, #tpu.memory_space<vmem>>, vector<1x16xf32>,
          %swap3A_809 = arith.constant 2 : i32
          %swap3A_810 = arith.index_cast %swap3A_809 : i32 to index
          %swap3A_811 = arith.constant 2848 : index
          %swap3A_812 = tpu.vector_load %arg8[%swap3A_810, %swap3A_811] {strides = array<i32>} : memref<8x2944xf32, #tpu.memory_space<vmem>>, vector<1x16xf32>,
          %swap3A_813 = vector.shape_cast %swap3A_812 : vector<1x16xf32> to vector<16xf32>
          %swap3A_814 = vector.shape_cast %broadcast_in_dim3A_736 : vector<16xf32> to vector<1x16xf32>
          tpu.vector_store %arg8[%swap3A_810, %swap3A_811], %swap3A_814 {strides = array<i32>} : memref<8x2944xf32, #tpu.memory_space<vmem>>, vector<1x16xf32>,
          %swap3A_815 = arith.constant 2 : i32
          %swap3A_816 = arith.index_cast %swap3A_815 : i32 to index
          %swap3A_817 = arith.constant 2864 : index
          %swap3A_818 = tpu.vector_load %arg8[%swap3A_816, %swap3A_817] {strides = array<i32>} : memref<8x2944xf32, #tpu.memory_space<vmem>>, vector<1x16xf32>,
          %swap3A_819 = vector.shape_cast %swap3A_818 : vector<1x16xf32> to vector<16xf32>
          %swap3A_820 = vector.shape_cast %broadcast_in_dim3A_736 : vector<16xf32> to vector<1x16xf32>
          tpu.vector_store %arg8[%swap3A_816, %swap3A_817], %swap3A_820 {strides = array<i32>} : memref<8x2944xf32, #tpu.memory_space<vmem>>, vector<1x16xf32>,
          %swap3A_821 = arith.constant 2 : i32
          %swap3A_822 = arith.index_cast %swap3A_821 : i32 to index
          %swap3A_823 = arith.constant 2880 : index
          %swap3A_824 = tpu.vector_load %arg8[%swap3A_822, %swap3A_823] {strides = array<i32>} : memref<8x2944xf32, #tpu.memory_space<vmem>>, vector<1x16xf32>,
          %swap3A_825 = vector.shape_cast %swap3A_824 : vector<1x16xf32> to vector<16xf32>
          %swap3A_826 = vector.shape_cast %broadcast_in_dim3A_736 : vector<16xf32> to vector<1x16xf32>
          tpu.vector_store %arg8[%swap3A_822, %swap3A_823], %swap3A_826 {strides = array<i32>} : memref<8x2944xf32, #tpu.memory_space<vmem>>, vector<1x16xf32>,
          %swap3A_827 = arith.constant 2 : i32
          %swap3A_828 = arith.index_cast %swap3A_827 : i32 to index
          %swap3A_829 = arith.constant 2896 : index
          %swap3A_830 = tpu.vector_load %arg8[%swap3A_828, %swap3A_829] {strides = array<i32>} : memref<8x2944xf32, #tpu.memory_space<vmem>>, vector<1x16xf32>,
          %swap3A_831 = vector.shape_cast %swap3A_830 : vector<1x16xf32> to vector<16xf32>
          %swap3A_832 = vector.shape_cast %broadcast_in_dim3A_736 : vector<16xf32> to vector<1x16xf32>
          tpu.vector_store %arg8[%swap3A_828, %swap3A_829], %swap3A_832 {strides = array<i32>} : memref<8x2944xf32, #tpu.memory_space<vmem>>, vector<1x16xf32>,
          %swap3A_833 = arith.constant 2 : i32
          %swap3A_834 = arith.index_cast %swap3A_833 : i32 to index
          %swap3A_835 = arith.constant 2912 : index
          %swap3A_836 = tpu.vector_load %arg8[%swap3A_834, %swap3A_835] {strides = array<i32>} : memref<8x2944xf32, #tpu.memory_space<vmem>>, vector<1x16xf32>,
          %swap3A_837 = vector.shape_cast %swap3A_836 : vector<1x16xf32> to vector<16xf32>
          %swap3A_838 = vector.shape_cast %broadcast_in_dim3A_736 : vector<16xf32> to vector<1x16xf32>
          tpu.vector_store %arg8[%swap3A_834, %swap3A_835], %swap3A_838 {strides = array<i32>} : memref<8x2944xf32, #tpu.memory_space<vmem>>, vector<1x16xf32>,
          %swap3A_839 = arith.constant 2 : i32
          %swap3A_840 = arith.index_cast %swap3A_839 : i32 to index
          %swap3A_841 = arith.constant 2928 : index
          %swap3A_842 = tpu.vector_load %arg8[%swap3A_840, %swap3A_841] {strides = array<i32>} : memref<8x2944xf32, #tpu.memory_space<vmem>>, vector<1x16xf32>,
          %swap3A_843 = vector.shape_cast %swap3A_842 : vector<1x16xf32> to vector<16xf32>
          %swap3A_844 = vector.shape_cast %broadcast_in_dim3A_736 : vector<16xf32> to vector<1x16xf32>
          tpu.vector_store %arg8[%swap3A_840, %swap3A_841], %swap3A_844 {strides = array<i32>} : memref<8x2944xf32, #tpu.memory_space<vmem>>, vector<1x16xf32>,
          %swap3A_845 = arith.constant 3 : i32
          %swap3A_846 = arith.index_cast %swap3A_845 : i32 to index
          %swap3A_847 = arith.constant 2848 : index
          %swap3A_848 = tpu.vector_load %arg8[%swap3A_846, %swap3A_847] {strides = array<i32>} : memref<8x2944xf32, #tpu.memory_space<vmem>>, vector<1x16xf32>,
          %swap3A_849 = vector.shape_cast %swap3A_848 : vector<1x16xf32> to vector<16xf32>
          %swap3A_850 = vector.shape_cast %broadcast_in_dim3A_736 : vector<16xf32> to vector<1x16xf32>
          tpu.vector_store %arg8[%swap3A_846, %swap3A_847], %swap3A_850 {strides = array<i32>} : memref<8x2944xf32, #tpu.memory_space<vmem>>, vector<1x16xf32>,
          %swap3A_851 = arith.constant 3 : i32
          %swap3A_852 = arith.index_cast %swap3A_851 : i32 to index
          %swap3A_853 = arith.constant 2864 : index
          %swap3A_854 = tpu.vector_load %arg8[%swap3A_852, %swap3A_853] {strides = array<i32>} : memref<8x2944xf32, #tpu.memory_space<vmem>>, vector<1x16xf32>,
          %swap3A_855 = vector.shape_cast %swap3A_854 : vector<1x16xf32> to vector<16xf32>
          %swap3A_856 = vector.shape_cast %broadcast_in_dim3A_736 : vector<16xf32> to vector<1x16xf32>
          tpu.vector_store %arg8[%swap3A_852, %swap3A_853], %swap3A_856 {strides = array<i32>} : memref<8x2944xf32, #tpu.memory_space<vmem>>, vector<1x16xf32>,
          %swap3A_857 = arith.constant 3 : i32
          %swap3A_858 = arith.index_cast %swap3A_857 : i32 to index
          %swap3A_859 = arith.constant 2880 : index
          %swap3A_860 = tpu.vector_load %arg8[%swap3A_858, %swap3A_859] {strides = array<i32>} : memref<8x2944xf32, #tpu.memory_space<vmem>>, vector<1x16xf32>,
          %swap3A_861 = vector.shape_cast %swap3A_860 : vector<1x16xf32> to vector<16xf32>
          %swap3A_862 = vector.shape_cast %broadcast_in_dim3A_736 : vector<16xf32> to vector<1x16xf32>
          tpu.vector_store %arg8[%swap3A_858, %swap3A_859], %swap3A_862 {strides = array<i32>} : memref<8x2944xf32, #tpu.memory_space<vmem>>, vector<1x16xf32>,
          %swap3A_863 = arith.constant 3 : i32
          %swap3A_864 = arith.index_cast %swap3A_863 : i32 to index
          %swap3A_865 = arith.constant 2896 : index
          %swap3A_866 = tpu.vector_load %arg8[%swap3A_864, %swap3A_865] {strides = array<i32>} : memref<8x2944xf32, #tpu.memory_space<vmem>>, vector<1x16xf32>,
          %swap3A_867 = vector.shape_cast %swap3A_866 : vector<1x16xf32> to vector<16xf32>
          %swap3A_868 = vector.shape_cast %broadcast_in_dim3A_736 : vector<16xf32> to vector<1x16xf32>
          tpu.vector_store %arg8[%swap3A_864, %swap3A_865], %swap3A_868 {strides = array<i32>} : memref<8x2944xf32, #tpu.memory_space<vmem>>, vector<1x16xf32>,
          %swap3A_869 = arith.constant 3 : i32
          %swap3A_870 = arith.index_cast %swap3A_869 : i32 to index
          %swap3A_871 = arith.constant 2912 : index
          %swap3A_872 = tpu.vector_load %arg8[%swap3A_870, %swap3A_871] {strides = array<i32>} : memref<8x2944xf32, #tpu.memory_space<vmem>>, vector<1x16xf32>,
          %swap3A_873 = vector.shape_cast %swap3A_872 : vector<1x16xf32> to vector<16xf32>
          %swap3A_874 = vector.shape_cast %broadcast_in_dim3A_736 : vector<16xf32> to vector<1x16xf32>
          tpu.vector_store %arg8[%swap3A_870, %swap3A_871], %swap3A_874 {strides = array<i32>} : memref<8x2944xf32, #tpu.memory_space<vmem>>, vector<1x16xf32>,
          %swap3A_875 = arith.constant 3 : i32
          %swap3A_876 = arith.index_cast %swap3A_875 : i32 to index
          %swap3A_877 = arith.constant 2928 : index
          %swap3A_878 = tpu.vector_load %arg8[%swap3A_876, %swap3A_877] {strides = array<i32>} : memref<8x2944xf32, #tpu.memory_space<vmem>>, vector<1x16xf32>,
          %swap3A_879 = vector.shape_cast %swap3A_878 : vector<1x16xf32> to vector<16xf32>
          %swap3A_880 = vector.shape_cast %broadcast_in_dim3A_736 : vector<16xf32> to vector<1x16xf32>
          tpu.vector_store %arg8[%swap3A_876, %swap3A_877], %swap3A_880 {strides = array<i32>} : memref<8x2944xf32, #tpu.memory_space<vmem>>, vector<1x16xf32>,
          %swap3A_881 = arith.constant 4 : i32
          %swap3A_882 = arith.index_cast %swap3A_881 : i32 to index
          %swap3A_883 = arith.constant 2848 : index
          %swap3A_884 = tpu.vector_load %arg8[%swap3A_882, %swap3A_883] {strides = array<i32>} : memref<8x2944xf32, #tpu.memory_space<vmem>>, vector<1x16xf32>,
          %swap3A_885 = vector.shape_cast %swap3A_884 : vector<1x16xf32> to vector<16xf32>
          %swap3A_886 = vector.shape_cast %broadcast_in_dim3A_736 : vector<16xf32> to vector<1x16xf32>
          tpu.vector_store %arg8[%swap3A_882, %swap3A_883], %swap3A_886 {strides = array<i32>} : memref<8x2944xf32, #tpu.memory_space<vmem>>, vector<1x16xf32>,
          %swap3A_887 = arith.constant 4 : i32
          %swap3A_888 = arith.index_cast %swap3A_887 : i32 to index
          %swap3A_889 = arith.constant 2864 : index
          %swap3A_890 = tpu.vector_load %arg8[%swap3A_888, %swap3A_889] {strides = array<i32>} : memref<8x2944xf32, #tpu.memory_space<vmem>>, vector<1x16xf32>,
          %swap3A_891 = vector.shape_cast %swap3A_890 : vector<1x16xf32> to vector<16xf32>
          %swap3A_892 = vector.shape_cast %broadcast_in_dim3A_736 : vector<16xf32> to vector<1x16xf32>
          tpu.vector_store %arg8[%swap3A_888, %swap3A_889], %swap3A_892 {strides = array<i32>} : memref<8x2944xf32, #tpu.memory_space<vmem>>, vector<1x16xf32>,
          %swap3A_893 = arith.constant 4 : i32
          %swap3A_894 = arith.index_cast %swap3A_893 : i32 to index
          %swap3A_895 = arith.constant 2880 : index
          %swap3A_896 = tpu.vector_load %arg8[%swap3A_894, %swap3A_895] {strides = array<i32>} : memref<8x2944xf32, #tpu.memory_space<vmem>>, vector<1x16xf32>,
          %swap3A_897 = vector.shape_cast %swap3A_896 : vector<1x16xf32> to vector<16xf32>
          %swap3A_898 = vector.shape_cast %broadcast_in_dim3A_736 : vector<16xf32> to vector<1x16xf32>
          tpu.vector_store %arg8[%swap3A_894, %swap3A_895], %swap3A_898 {strides = array<i32>} : memref<8x2944xf32, #tpu.memory_space<vmem>>, vector<1x16xf32>,
          %swap3A_899 = arith.constant 4 : i32
          %swap3A_900 = arith.index_cast %swap3A_899 : i32 to index
          %swap3A_901 = arith.constant 2896 : index
          %swap3A_902 = tpu.vector_load %arg8[%swap3A_900, %swap3A_901] {strides = array<i32>} : memref<8x2944xf32, #tpu.memory_space<vmem>>, vector<1x16xf32>,
          %swap3A_903 = vector.shape_cast %swap3A_902 : vector<1x16xf32> to vector<16xf32>
          %swap3A_904 = vector.shape_cast %broadcast_in_dim3A_736 : vector<16xf32> to vector<1x16xf32>
          tpu.vector_store %arg8[%swap3A_900, %swap3A_901], %swap3A_904 {strides = array<i32>} : memref<8x2944xf32, #tpu.memory_space<vmem>>, vector<1x16xf32>,
          %swap3A_905 = arith.constant 4 : i32
          %swap3A_906 = arith.index_cast %swap3A_905 : i32 to index
          %swap3A_907 = arith.constant 2912 : index
          %swap3A_908 = tpu.vector_load %arg8[%swap3A_906, %swap3A_907] {strides = array<i32>} : memref<8x2944xf32, #tpu.memory_space<vmem>>, vector<1x16xf32>,
          %swap3A_909 = vector.shape_cast %swap3A_908 : vector<1x16xf32> to vector<16xf32>
          %swap3A_910 = vector.shape_cast %broadcast_in_dim3A_736 : vector<16xf32> to vector<1x16xf32>
          tpu.vector_store %arg8[%swap3A_906, %swap3A_907], %swap3A_910 {strides = array<i32>} : memref<8x2944xf32, #tpu.memory_space<vmem>>, vector<1x16xf32>,
          %swap3A_911 = arith.constant 4 : i32
          %swap3A_912 = arith.index_cast %swap3A_911 : i32 to index
          %swap3A_913 = arith.constant 2928 : index
          %swap3A_914 = tpu.vector_load %arg8[%swap3A_912, %swap3A_913] {strides = array<i32>} : memref<8x2944xf32, #tpu.memory_space<vmem>>, vector<1x16xf32>,
          %swap3A_915 = vector.shape_cast %swap3A_914 : vector<1x16xf32> to vector<16xf32>
          %swap3A_916 = vector.shape_cast %broadcast_in_dim3A_736 : vector<16xf32> to vector<1x16xf32>
          tpu.vector_store %arg8[%swap3A_912, %swap3A_913], %swap3A_916 {strides = array<i32>} : memref<8x2944xf32, #tpu.memory_space<vmem>>, vector<1x16xf32>,
          %swap3A_917 = arith.constant 5 : i32
          %swap3A_918 = arith.index_cast %swap3A_917 : i32 to index
          %swap3A_919 = arith.constant 2848 : index
          %swap3A_920 = tpu.vector_load %arg8[%swap3A_918, %swap3A_919] {strides = array<i32>} : memref<8x2944xf32, #tpu.memory_space<vmem>>, vector<1x16xf32>,
          %swap3A_921 = vector.shape_cast %swap3A_920 : vector<1x16xf32> to vector<16xf32>
          %swap3A_922 = vector.shape_cast %broadcast_in_dim3A_736 : vector<16xf32> to vector<1x16xf32>
          tpu.vector_store %arg8[%swap3A_918, %swap3A_919], %swap3A_922 {strides = array<i32>} : memref<8x2944xf32, #tpu.memory_space<vmem>>, vector<1x16xf32>,
          %swap3A_923 = arith.constant 5 : i32
          %swap3A_924 = arith.index_cast %swap3A_923 : i32 to index
          %swap3A_925 = arith.constant 2864 : index
          %swap3A_926 = tpu.vector_load %arg8[%swap3A_924, %swap3A_925] {strides = array<i32>} : memref<8x2944xf32, #tpu.memory_space<vmem>>, vector<1x16xf32>,
          %swap3A_927 = vector.shape_cast %swap3A_926 : vector<1x16xf32> to vector<16xf32>
          %swap3A_928 = vector.shape_cast %broadcast_in_dim3A_736 : vector<16xf32> to vector<1x16xf32>
          tpu.vector_store %arg8[%swap3A_924, %swap3A_925], %swap3A_928 {strides = array<i32>} : memref<8x2944xf32, #tpu.memory_space<vmem>>, vector<1x16xf32>,
          %swap3A_929 = arith.constant 5 : i32
          %swap3A_930 = arith.index_cast %swap3A_929 : i32 to index
          %swap3A_931 = arith.constant 2880 : index
          %swap3A_932 = tpu.vector_load %arg8[%swap3A_930, %swap3A_931] {strides = array<i32>} : memref<8x2944xf32, #tpu.memory_space<vmem>>, vector<1x16xf32>,
          %swap3A_933 = vector.shape_cast %swap3A_932 : vector<1x16xf32> to vector<16xf32>
          %swap3A_934 = vector.shape_cast %broadcast_in_dim3A_736 : vector<16xf32> to vector<1x16xf32>
          tpu.vector_store %arg8[%swap3A_930, %swap3A_931], %swap3A_934 {strides = array<i32>} : memref<8x2944xf32, #tpu.memory_space<vmem>>, vector<1x16xf32>,
          %swap3A_935 = arith.constant 5 : i32
          %swap3A_936 = arith.index_cast %swap3A_935 : i32 to index
          %swap3A_937 = arith.constant 2896 : index
          %swap3A_938 = tpu.vector_load %arg8[%swap3A_936, %swap3A_937] {strides = array<i32>} : memref<8x2944xf32, #tpu.memory_space<vmem>>, vector<1x16xf32>,
          %swap3A_939 = vector.shape_cast %swap3A_938 : vector<1x16xf32> to vector<16xf32>
          %swap3A_940 = vector.shape_cast %broadcast_in_dim3A_736 : vector<16xf32> to vector<1x16xf32>
          tpu.vector_store %arg8[%swap3A_936, %swap3A_937], %swap3A_940 {strides = array<i32>} : memref<8x2944xf32, #tpu.memory_space<vmem>>, vector<1x16xf32>,
          %swap3A_941 = arith.constant 5 : i32
          %swap3A_942 = arith.index_cast %swap3A_941 : i32 to index
          %swap3A_943 = arith.constant 2912 : index
          %swap3A_944 = tpu.vector_load %arg8[%swap3A_942, %swap3A_943] {strides = array<i32>} : memref<8x2944xf32, #tpu.memory_space<vmem>>, vector<1x16xf32>,
          %swap3A_945 = vector.shape_cast %swap3A_944 : vector<1x16xf32> to vector<16xf32>
          %swap3A_946 = vector.shape_cast %broadcast_in_dim3A_736 : vector<16xf32> to vector<1x16xf32>
          tpu.vector_store %arg8[%swap3A_942, %swap3A_943], %swap3A_946 {strides = array<i32>} : memref<8x2944xf32, #tpu.memory_space<vmem>>, vector<1x16xf32>,
          %swap3A_947 = arith.constant 5 : i32
          %swap3A_948 = arith.index_cast %swap3A_947 : i32 to index
          %swap3A_949 = arith.constant 2928 : index
          %swap3A_950 = tpu.vector_load %arg8[%swap3A_948, %swap3A_949] {strides = array<i32>} : memref<8x2944xf32, #tpu.memory_space<vmem>>, vector<1x16xf32>,
          %swap3A_951 = vector.shape_cast %swap3A_950 : vector<1x16xf32> to vector<16xf32>
          %swap3A_952 = vector.shape_cast %broadcast_in_dim3A_736 : vector<16xf32> to vector<1x16xf32>
          tpu.vector_store %arg8[%swap3A_948, %swap3A_949], %swap3A_952 {strides = array<i32>} : memref<8x2944xf32, #tpu.memory_space<vmem>>, vector<1x16xf32>,
          %swap3A_953 = arith.constant 6 : i32
          %swap3A_954 = arith.index_cast %swap3A_953 : i32 to index
          %swap3A_955 = arith.constant 2848 : index
          %swap3A_956 = tpu.vector_load %arg8[%swap3A_954, %swap3A_955] {strides = array<i32>} : memref<8x2944xf32, #tpu.memory_space<vmem>>, vector<1x16xf32>,
          %swap3A_957 = vector.shape_cast %swap3A_956 : vector<1x16xf32> to vector<16xf32>
          %swap3A_958 = vector.shape_cast %broadcast_in_dim3A_736 : vector<16xf32> to vector<1x16xf32>
          tpu.vector_store %arg8[%swap3A_954, %swap3A_955], %swap3A_958 {strides = array<i32>} : memref<8x2944xf32, #tpu.memory_space<vmem>>, vector<1x16xf32>,
          %swap3A_959 = arith.constant 6 : i32
          %swap3A_960 = arith.index_cast %swap3A_959 : i32 to index
          %swap3A_961 = arith.constant 2864 : index
          %swap3A_962 = tpu.vector_load %arg8[%swap3A_960, %swap3A_961] {strides = array<i32>} : memref<8x2944xf32, #tpu.memory_space<vmem>>, vector<1x16xf32>,
          %swap3A_963 = vector.shape_cast %swap3A_962 : vector<1x16xf32> to vector<16xf32>
          %swap3A_964 = vector.shape_cast %broadcast_in_dim3A_736 : vector<16xf32> to vector<1x16xf32>
          tpu.vector_store %arg8[%swap3A_960, %swap3A_961], %swap3A_964 {strides = array<i32>} : memref<8x2944xf32, #tpu.memory_space<vmem>>, vector<1x16xf32>,
          %swap3A_965 = arith.constant 6 : i32
          %swap3A_966 = arith.index_cast %swap3A_965 : i32 to index
          %swap3A_967 = arith.constant 2880 : index
          %swap3A_968 = tpu.vector_load %arg8[%swap3A_966, %swap3A_967] {strides = array<i32>} : memref<8x2944xf32, #tpu.memory_space<vmem>>, vector<1x16xf32>,
          %swap3A_969 = vector.shape_cast %swap3A_968 : vector<1x16xf32> to vector<16xf32>
          %swap3A_970 = vector.shape_cast %broadcast_in_dim3A_736 : vector<16xf32> to vector<1x16xf32>
          tpu.vector_store %arg8[%swap3A_966, %swap3A_967], %swap3A_970 {strides = array<i32>} : memref<8x2944xf32, #tpu.memory_space<vmem>>, vector<1x16xf32>,
          %swap3A_971 = arith.constant 6 : i32
          %swap3A_972 = arith.index_cast %swap3A_971 : i32 to index
          %swap3A_973 = arith.constant 2896 : index
          %swap3A_974 = tpu.vector_load %arg8[%swap3A_972, %swap3A_973] {strides = array<i32>} : memref<8x2944xf32, #tpu.memory_space<vmem>>, vector<1x16xf32>,
          %swap3A_975 = vector.shape_cast %swap3A_974 : vector<1x16xf32> to vector<16xf32>
          %swap3A_976 = vector.shape_cast %broadcast_in_dim3A_736 : vector<16xf32> to vector<1x16xf32>
          tpu.vector_store %arg8[%swap3A_972, %swap3A_973], %swap3A_976 {strides = array<i32>} : memref<8x2944xf32, #tpu.memory_space<vmem>>, vector<1x16xf32>,
          %swap3A_977 = arith.constant 6 : i32
          %swap3A_978 = arith.index_cast %swap3A_977 : i32 to index
          %swap3A_979 = arith.constant 2912 : index
          %swap3A_980 = tpu.vector_load %arg8[%swap3A_978, %swap3A_979] {strides = array<i32>} : memref<8x2944xf32, #tpu.memory_space<vmem>>, vector<1x16xf32>,
          %swap3A_981 = vector.shape_cast %swap3A_980 : vector<1x16xf32> to vector<16xf32>
          %swap3A_982 = vector.shape_cast %broadcast_in_dim3A_736 : vector<16xf32> to vector<1x16xf32>
          tpu.vector_store %arg8[%swap3A_978, %swap3A_979], %swap3A_982 {strides = array<i32>} : memref<8x2944xf32, #tpu.memory_space<vmem>>, vector<1x16xf32>,
          %swap3A_983 = arith.constant 6 : i32
          %swap3A_984 = arith.index_cast %swap3A_983 : i32 to index
          %swap3A_985 = arith.constant 2928 : index
          %swap3A_986 = tpu.vector_load %arg8[%swap3A_984, %swap3A_985] {strides = array<i32>} : memref<8x2944xf32, #tpu.memory_space<vmem>>, vector<1x16xf32>,
          %swap3A_987 = vector.shape_cast %swap3A_986 : vector<1x16xf32> to vector<16xf32>
          %swap3A_988 = vector.shape_cast %broadcast_in_dim3A_736 : vector<16xf32> to vector<1x16xf32>
          tpu.vector_store %arg8[%swap3A_984, %swap3A_985], %swap3A_988 {strides = array<i32>} : memref<8x2944xf32, #tpu.memory_space<vmem>>, vector<1x16xf32>,
          %swap3A_989 = arith.constant 7 : i32
          %swap3A_990 = arith.index_cast %swap3A_989 : i32 to index
          %swap3A_991 = arith.constant 2848 : index
          %swap3A_992 = tpu.vector_load %arg8[%swap3A_990, %swap3A_991] {strides = array<i32>} : memref<8x2944xf32, #tpu.memory_space<vmem>>, vector<1x16xf32>,
          %swap3A_993 = vector.shape_cast %swap3A_992 : vector<1x16xf32> to vector<16xf32>
          %swap3A_994 = vector.shape_cast %broadcast_in_dim3A_736 : vector<16xf32> to vector<1x16xf32>
          tpu.vector_store %arg8[%swap3A_990, %swap3A_991], %swap3A_994 {strides = array<i32>} : memref<8x2944xf32, #tpu.memory_space<vmem>>, vector<1x16xf32>,
          %swap3A_995 = arith.constant 7 : i32
          %swap3A_996 = arith.index_cast %swap3A_995 : i32 to index
          %swap3A_997 = arith.constant 2864 : index
          %swap3A_998 = tpu.vector_load %arg8[%swap3A_996, %swap3A_997] {strides = array<i32>} : memref<8x2944xf32, #tpu.memory_space<vmem>>, vector<1x16xf32>,
          %swap3A_999 = vector.shape_cast %swap3A_998 : vector<1x16xf32> to vector<16xf32>
          %swap3A_1000 = vector.shape_cast %broadcast_in_dim3A_736 : vector<16xf32> to vector<1x16xf32>
          tpu.vector_store %arg8[%swap3A_996, %swap3A_997], %swap3A_1000 {strides = array<i32>} : memref<8x2944xf32, #tpu.memory_space<vmem>>, vector<1x16xf32>,
          %swap3A_1001 = arith.constant 7 : i32
          %swap3A_1002 = arith.index_cast %swap3A_1001 : i32 to index
          %swap3A_1003 = arith.constant 2880 : index
          %swap3A_1004 = tpu.vector_load %arg8[%swap3A_1002, %swap3A_1003] {strides = array<i32>} : memref<8x2944xf32, #tpu.memory_space<vmem>>, vector<1x16xf32>,
          %swap3A_1005 = vector.shape_cast %swap3A_1004 : vector<1x16xf32> to vector<16xf32>
          %swap3A_1006 = vector.shape_cast %broadcast_in_dim3A_736 : vector<16xf32> to vector<1x16xf32>
          tpu.vector_store %arg8[%swap3A_1002, %swap3A_1003], %swap3A_1006 {strides = array<i32>} : memref<8x2944xf32, #tpu.memory_space<vmem>>, vector<1x16xf32>,
          %swap3A_1007 = arith.constant 7 : i32
          %swap3A_1008 = arith.index_cast %swap3A_1007 : i32 to index
          %swap3A_1009 = arith.constant 2896 : index
          %swap3A_1010 = tpu.vector_load %arg8[%swap3A_1008, %swap3A_1009] {strides = array<i32>} : memref<8x2944xf32, #tpu.memory_space<vmem>>, vector<1x16xf32>,
          %swap3A_1011 = vector.shape_cast %swap3A_1010 : vector<1x16xf32> to vector<16xf32>
          %swap3A_1012 = vector.shape_cast %broadcast_in_dim3A_736 : vector<16xf32> to vector<1x16xf32>
          tpu.vector_store %arg8[%swap3A_1008, %swap3A_1009], %swap3A_1012 {strides = array<i32>} : memref<8x2944xf32, #tpu.memory_space<vmem>>, vector<1x16xf32>,
          %swap3A_1013 = arith.constant 7 : i32
          %swap3A_1014 = arith.index_cast %swap3A_1013 : i32 to index
          %swap3A_1015 = arith.constant 2912 : index
          %swap3A_1016 = tpu.vector_load %arg8[%swap3A_1014, %swap3A_1015] {strides = array<i32>} : memref<8x2944xf32, #tpu.memory_space<vmem>>, vector<1x16xf32>,
          %swap3A_1017 = vector.shape_cast %swap3A_1016 : vector<1x16xf32> to vector<16xf32>
          %swap3A_1018 = vector.shape_cast %broadcast_in_dim3A_736 : vector<16xf32> to vector<1x16xf32>
          tpu.vector_store %arg8[%swap3A_1014, %swap3A_1015], %swap3A_1018 {strides = array<i32>} : memref<8x2944xf32, #tpu.memory_space<vmem>>, vector<1x16xf32>,
          %swap3A_1019 = arith.constant 7 : i32
          %swap3A_1020 = arith.index_cast %swap3A_1019 : i32 to index
          %swap3A_1021 = arith.constant 2928 : index
          %swap3A_1022 = tpu.vector_load %arg8[%swap3A_1020, %swap3A_1021] {strides = array<i32>} : memref<8x2944xf32, #tpu.memory_space<vmem>>, vector<1x16xf32>,
          %swap3A_1023 = vector.shape_cast %swap3A_1022 : vector<1x16xf32> to vector<16xf32>
          %swap3A_1024 = vector.shape_cast %broadcast_in_dim3A_736 : vector<16xf32> to vector<1x16xf32>
          tpu.vector_store %arg8[%swap3A_1020, %swap3A_1021], %swap3A_1024 {strides = array<i32>} : memref<8x2944xf32, #tpu.memory_space<vmem>>, vector<1x16xf32>,
        } else {
        }
        %broadcast_in_dim3A_569 = arith.constant 0.000000e+00 : f32
        %broadcast_in_dim3A_570 = vector.broadcast %broadcast_in_dim3A_569 : f32 to vector<16xf32>
        %broadcast_in_dim3A_571 = arith.constant 0.000000e+00 : f32
        %broadcast_in_dim3A_572 = vector.broadcast %broadcast_in_dim3A_571 : f32 to vector<16xf32>
        %broadcast_in_dim3A_573 = arith.constant 0.000000e+00 : f32
        %broadcast_in_dim3A_574 = vector.broadcast %broadcast_in_dim3A_573 : f32 to vector<16xf32>
        %broadcast_in_dim3A_575 = arith.constant 0.000000e+00 : f32
        %broadcast_in_dim3A_576 = vector.broadcast %broadcast_in_dim3A_575 : f32 to vector<16xf32>
        %broadcast_in_dim3A_577 = arith.constant 0.000000e+00 : f32
        %broadcast_in_dim3A_578 = vector.broadcast %broadcast_in_dim3A_577 : f32 to vector<16xf32>
        %broadcast_in_dim3A_579 = arith.constant 0.000000e+00 : f32
        %broadcast_in_dim3A_580 = vector.broadcast %broadcast_in_dim3A_579 : f32 to vector<16xf32>
        %broadcast_in_dim3A_581 = arith.constant 0.000000e+00 : f32
        %broadcast_in_dim3A_582 = vector.broadcast %broadcast_in_dim3A_581 : f32 to vector<16xf32>
        %broadcast_in_dim3A_583 = arith.constant 0.000000e+00 : f32
        %broadcast_in_dim3A_584 = vector.broadcast %broadcast_in_dim3A_583 : f32 to vector<16xf32>
        %broadcast_in_dim3A_585 = arith.constant 0.000000e+00 : f32
        %broadcast_in_dim3A_586 = vector.broadcast %broadcast_in_dim3A_585 : f32 to vector<16xf32>
        %broadcast_in_dim3A_587 = arith.constant 0.000000e+00 : f32
        %broadcast_in_dim3A_588 = vector.broadcast %broadcast_in_dim3A_587 : f32 to vector<16xf32>
        %broadcast_in_dim3A_589 = arith.constant 0.000000e+00 : f32
        %broadcast_in_dim3A_590 = vector.broadcast %broadcast_in_dim3A_589 : f32 to vector<16xf32>
        %broadcast_in_dim3A_591 = arith.constant 0.000000e+00 : f32
        %broadcast_in_dim3A_592 = vector.broadcast %broadcast_in_dim3A_591 : f32 to vector<16xf32>
        %broadcast_in_dim3A_593 = arith.constant 0.000000e+00 : f32
        %broadcast_in_dim3A_594 = vector.broadcast %broadcast_in_dim3A_593 : f32 to vector<16xf32>
        %broadcast_in_dim3A_595 = arith.constant 0.000000e+00 : f32
        %broadcast_in_dim3A_596 = vector.broadcast %broadcast_in_dim3A_595 : f32 to vector<16xf32>
        %broadcast_in_dim3A_597 = arith.constant 0.000000e+00 : f32
        %broadcast_in_dim3A_598 = vector.broadcast %broadcast_in_dim3A_597 : f32 to vector<16xf32>
        %broadcast_in_dim3A_599 = arith.constant 0.000000e+00 : f32
        %broadcast_in_dim3A_600 = vector.broadcast %broadcast_in_dim3A_599 : f32 to vector<16xf32>
        %scan3A_601 = arith.constant 0 : i32
        %scan3A_602 = arith.constant 184 : i32
        %scan3A_603 = arith.addi %scan3A_601, %scan3A_602 : i32
        %scan3A_604 = arith.constant 1 : i32
        %scan3A_605:16 = scf.for %scan3A_735 = %scan3A_601 to %scan3A_603 step %scan3A_604 iter_args(%scan3A_736 = %broadcast_in_dim3A_570, %scan3A_737 = %broadcast_in_dim3A_572, %scan3A_738 = %broadcast_in_dim3A_574, %scan3A_739 = %broadcast_in_dim3A_576, %scan3A_740 = %broadcast_in_dim3A_578, %scan3A_741 = %broadcast_in_dim3A_580, %scan3A_742 = %broadcast_in_dim3A_582, %scan3A_743 = %broadcast_in_dim3A_584, %scan3A_744 = %broadcast_in_dim3A_586, %scan3A_745 = %broadcast_in_dim3A_588, %scan3A_746 = %broadcast_in_dim3A_590, %scan3A_747 = %broadcast_in_dim3A_592, %scan3A_748 = %broadcast_in_dim3A_594, %scan3A_749 = %broadcast_in_dim3A_596, %scan3A_750 = %broadcast_in_dim3A_598, %scan3A_751 = %broadcast_in_dim3A_600) -> (vector<16xf32>, vector<16xf32>, vector<16xf32>, vector<16xf32>, vector<16xf32>, vector<16xf32>, vector<16xf32>, vector<16xf32>, vector<16xf32>, vector<16xf32>, vector<16xf32>, vector<16xf32>, vector<16xf32>, vector<16xf32>, vector<16xf32>, vector<16xf32>)  : i32 {
          %mul3A_752 = arith.constant 2944 : i32
          %mul3A_753 = arith.muli %add3A_555, %mul3A_752 : i32
          %mul3A_754 = arith.constant 16 : i32
          %mul3A_755 = arith.muli %scan3A_735, %mul3A_754 : i32
          %add3A_756 = arith.addi %mul3A_753, %mul3A_755 : i32
          %add3A_757 = vector.broadcast %add3A_756 : i32 to vector<16xi32>
          %add3A_758 = arith.addi %add3A_757, %iota3A : vector<16xi32>
          %mul3A_759 = arith.constant 16 : i32
          %mul3A_760 = arith.muli %scan3A_735, %mul3A_759 : i32
          %get3A_761 = arith.index_cast %mul3A_760 : i32 to index
          %get3A_762 = tpu.vector_load %arg10[%get3A_761] {strides = array<i32>} : memref<2944xi32, #tpu.memory_space<vmem>>, vector<16xi32>,
          %get3A_763 = vector.shape_cast %get3A_762 : vector<16xi32> to vector<16xi32>
          %mul3A_764 = arith.constant 16 : i32
          %mul3A_765 = arith.muli %scan3A_735, %mul3A_764 : i32
          %get3A_766 = arith.constant 0 : i32
          %get3A_767 = arith.index_cast %get3A_766 : i32 to index
          %get3A_768 = arith.index_cast %mul3A_765 : i32 to index
          %get3A_769 = tpu.vector_load %arg8[%get3A_767, %get3A_768] {strides = array<i32>} : memref<8x2944xf32, #tpu.memory_space<vmem>>, vector<1x16xf32>,
          %get3A_770 = vector.shape_cast %get3A_769 : vector<1x16xf32> to vector<16xf32>
          %exp3A = math.exp %get3A_770 : vector<16xf32>
          %ne3A = arith.cmpi ne, %add3A_758, %broadcast_in_dim3A_39 : vector<16xi32>
          %jit3A = arith.constant 0.000000e+00 : f32
          %broadcast_in_dim3A_771 = vector.broadcast %jit3A : f32 to vector<16xf32>
          %select_n3A = arith.select %ne3A, %exp3A, %broadcast_in_dim3A_771 : vector<16xi1>, vector<16xf32>
          %add3A_772 = arith.addf %scan3A_736, %select_n3A : vector<16xf32>
          %eq3A_773 = arith.cmpi eq, %get3A_763, %broadcast_in_dim3A : vector<16xi32>
          %jit3A_774 = arith.constant 0.000000e+00 : f32
          %broadcast_in_dim3A_775 = vector.broadcast %jit3A_774 : f32 to vector<16xf32>
          %select_n3A_776 = arith.select %eq3A_773, %select_n3A, %broadcast_in_dim3A_775 : vector<16xi1>, vector<16xf32>
          %add3A_777 = arith.addf %scan3A_737, %select_n3A_776 : vector<16xf32>
          %mul3A_778 = arith.constant 16 : i32
          %mul3A_779 = arith.muli %scan3A_735, %mul3A_778 : i32
          %get3A_780 = arith.constant 1 : i32
          %get3A_781 = arith.index_cast %get3A_780 : i32 to index
          %get3A_782 = arith.index_cast %mul3A_779 : i32 to index
          %get3A_783 = tpu.vector_load %arg8[%get3A_781, %get3A_782] {strides = array<i32>} : memref<8x2944xf32, #tpu.memory_space<vmem>>, vector<1x16xf32>,
          %get3A_784 = vector.shape_cast %get3A_783 : vector<1x16xf32> to vector<16xf32>
          %exp3A_785 = math.exp %get3A_784 : vector<16xf32>
          %ne3A_786 = arith.cmpi ne, %add3A_758, %broadcast_in_dim3A_42 : vector<16xi32>
          %jit3A_787 = arith.constant 0.000000e+00 : f32
          %broadcast_in_dim3A_788 = vector.broadcast %jit3A_787 : f32 to vector<16xf32>
          %select_n3A_789 = arith.select %ne3A_786, %exp3A_785, %broadcast_in_dim3A_788 : vector<16xi1>, vector<16xf32>
          %add3A_790 = arith.addf %scan3A_738, %select_n3A_789 : vector<16xf32>
          %eq3A_791 = arith.cmpi eq, %get3A_763, %broadcast_in_dim3A_18 : vector<16xi32>
          %jit3A_792 = arith.constant 0.000000e+00 : f32
          %broadcast_in_dim3A_793 = vector.broadcast %jit3A_792 : f32 to vector<16xf32>
          %select_n3A_794 = arith.select %eq3A_791, %select_n3A_789, %broadcast_in_dim3A_793 : vector<16xi1>, vector<16xf32>
          %add3A_795 = arith.addf %scan3A_739, %select_n3A_794 : vector<16xf32>
          %mul3A_796 = arith.constant 16 : i32
          %mul3A_797 = arith.muli %scan3A_735, %mul3A_796 : i32
          %get3A_798 = arith.constant 2 : i32
          %get3A_799 = arith.index_cast %get3A_798 : i32 to index
          %get3A_800 = arith.index_cast %mul3A_797 : i32 to index
          %get3A_801 = tpu.vector_load %arg8[%get3A_799, %get3A_800] {strides = array<i32>} : memref<8x2944xf32, #tpu.memory_space<vmem>>, vector<1x16xf32>,
          %get3A_802 = vector.shape_cast %get3A_801 : vector<1x16xf32> to vector<16xf32>
          %exp3A_803 = math.exp %get3A_802 : vector<16xf32>
          %ne3A_804 = arith.cmpi ne, %add3A_758, %broadcast_in_dim3A_45 : vector<16xi32>
          %jit3A_805 = arith.constant 0.000000e+00 : f32
          %broadcast_in_dim3A_806 = vector.broadcast %jit3A_805 : f32 to vector<16xf32>
          %select_n3A_807 = arith.select %ne3A_804, %exp3A_803, %broadcast_in_dim3A_806 : vector<16xi1>, vector<16xf32>
          %add3A_808 = arith.addf %scan3A_740, %select_n3A_807 : vector<16xf32>
          %eq3A_809 = arith.cmpi eq, %get3A_763, %broadcast_in_dim3A_21 : vector<16xi32>
          %jit3A_810 = arith.constant 0.000000e+00 : f32
          %broadcast_in_dim3A_811 = vector.broadcast %jit3A_810 : f32 to vector<16xf32>
          %select_n3A_812 = arith.select %eq3A_809, %select_n3A_807, %broadcast_in_dim3A_811 : vector<16xi1>, vector<16xf32>
          %add3A_813 = arith.addf %scan3A_741, %select_n3A_812 : vector<16xf32>
          %mul3A_814 = arith.constant 16 : i32
          %mul3A_815 = arith.muli %scan3A_735, %mul3A_814 : i32
          %get3A_816 = arith.constant 3 : i32
          %get3A_817 = arith.index_cast %get3A_816 : i32 to index
          %get3A_818 = arith.index_cast %mul3A_815 : i32 to index
          %get3A_819 = tpu.vector_load %arg8[%get3A_817, %get3A_818] {strides = array<i32>} : memref<8x2944xf32, #tpu.memory_space<vmem>>, vector<1x16xf32>,
          %get3A_820 = vector.shape_cast %get3A_819 : vector<1x16xf32> to vector<16xf32>
          %exp3A_821 = math.exp %get3A_820 : vector<16xf32>
          %ne3A_822 = arith.cmpi ne, %add3A_758, %broadcast_in_dim3A_48 : vector<16xi32>
          %jit3A_823 = arith.constant 0.000000e+00 : f32
          %broadcast_in_dim3A_824 = vector.broadcast %jit3A_823 : f32 to vector<16xf32>
          %select_n3A_825 = arith.select %ne3A_822, %exp3A_821, %broadcast_in_dim3A_824 : vector<16xi1>, vector<16xf32>
          %add3A_826 = arith.addf %scan3A_742, %select_n3A_825 : vector<16xf32>
          %eq3A_827 = arith.cmpi eq, %get3A_763, %broadcast_in_dim3A_24 : vector<16xi32>
          %jit3A_828 = arith.constant 0.000000e+00 : f32
          %broadcast_in_dim3A_829 = vector.broadcast %jit3A_828 : f32 to vector<16xf32>
          %select_n3A_830 = arith.select %eq3A_827, %select_n3A_825, %broadcast_in_dim3A_829 : vector<16xi1>, vector<16xf32>
          %add3A_831 = arith.addf %scan3A_743, %select_n3A_830 : vector<16xf32>
          %mul3A_832 = arith.constant 16 : i32
          %mul3A_833 = arith.muli %scan3A_735, %mul3A_832 : i32
          %get3A_834 = arith.constant 4 : i32
          %get3A_835 = arith.index_cast %get3A_834 : i32 to index
          %get3A_836 = arith.index_cast %mul3A_833 : i32 to index
          %get3A_837 = tpu.vector_load %arg8[%get3A_835, %get3A_836] {strides = array<i32>} : memref<8x2944xf32, #tpu.memory_space<vmem>>, vector<1x16xf32>,
          %get3A_838 = vector.shape_cast %get3A_837 : vector<1x16xf32> to vector<16xf32>
          %exp3A_839 = math.exp %get3A_838 : vector<16xf32>
          %ne3A_840 = arith.cmpi ne, %add3A_758, %broadcast_in_dim3A_51 : vector<16xi32>
          %jit3A_841 = arith.constant 0.000000e+00 : f32
          %broadcast_in_dim3A_842 = vector.broadcast %jit3A_841 : f32 to vector<16xf32>
          %select_n3A_843 = arith.select %ne3A_840, %exp3A_839, %broadcast_in_dim3A_842 : vector<16xi1>, vector<16xf32>
          %add3A_844 = arith.addf %scan3A_744, %select_n3A_843 : vector<16xf32>
          %eq3A_845 = arith.cmpi eq, %get3A_763, %broadcast_in_dim3A_27 : vector<16xi32>
          %jit3A_846 = arith.constant 0.000000e+00 : f32
          %broadcast_in_dim3A_847 = vector.broadcast %jit3A_846 : f32 to vector<16xf32>
          %select_n3A_848 = arith.select %eq3A_845, %select_n3A_843, %broadcast_in_dim3A_847 : vector<16xi1>, vector<16xf32>
          %add3A_849 = arith.addf %scan3A_745, %select_n3A_848 : vector<16xf32>
          %mul3A_850 = arith.constant 16 : i32
          %mul3A_851 = arith.muli %scan3A_735, %mul3A_850 : i32
          %get3A_852 = arith.constant 5 : i32
          %get3A_853 = arith.index_cast %get3A_852 : i32 to index
          %get3A_854 = arith.index_cast %mul3A_851 : i32 to index
          %get3A_855 = tpu.vector_load %arg8[%get3A_853, %get3A_854] {strides = array<i32>} : memref<8x2944xf32, #tpu.memory_space<vmem>>, vector<1x16xf32>,
          %get3A_856 = vector.shape_cast %get3A_855 : vector<1x16xf32> to vector<16xf32>
          %exp3A_857 = math.exp %get3A_856 : vector<16xf32>
          %ne3A_858 = arith.cmpi ne, %add3A_758, %broadcast_in_dim3A_54 : vector<16xi32>
          %jit3A_859 = arith.constant 0.000000e+00 : f32
          %broadcast_in_dim3A_860 = vector.broadcast %jit3A_859 : f32 to vector<16xf32>
          %select_n3A_861 = arith.select %ne3A_858, %exp3A_857, %broadcast_in_dim3A_860 : vector<16xi1>, vector<16xf32>
          %add3A_862 = arith.addf %scan3A_746, %select_n3A_861 : vector<16xf32>
          %eq3A_863 = arith.cmpi eq, %get3A_763, %broadcast_in_dim3A_30 : vector<16xi32>
          %jit3A_864 = arith.constant 0.000000e+00 : f32
          %broadcast_in_dim3A_865 = vector.broadcast %jit3A_864 : f32 to vector<16xf32>
          %select_n3A_866 = arith.select %eq3A_863, %select_n3A_861, %broadcast_in_dim3A_865 : vector<16xi1>, vector<16xf32>
          %add3A_867 = arith.addf %scan3A_747, %select_n3A_866 : vector<16xf32>
          %mul3A_868 = arith.constant 16 : i32
          %mul3A_869 = arith.muli %scan3A_735, %mul3A_868 : i32
          %get3A_870 = arith.constant 6 : i32
          %get3A_871 = arith.index_cast %get3A_870 : i32 to index
          %get3A_872 = arith.index_cast %mul3A_869 : i32 to index
          %get3A_873 = tpu.vector_load %arg8[%get3A_871, %get3A_872] {strides = array<i32>} : memref<8x2944xf32, #tpu.memory_space<vmem>>, vector<1x16xf32>,
          %get3A_874 = vector.shape_cast %get3A_873 : vector<1x16xf32> to vector<16xf32>
          %exp3A_875 = math.exp %get3A_874 : vector<16xf32>
          %ne3A_876 = arith.cmpi ne, %add3A_758, %broadcast_in_dim3A_57 : vector<16xi32>
          %jit3A_877 = arith.constant 0.000000e+00 : f32
          %broadcast_in_dim3A_878 = vector.broadcast %jit3A_877 : f32 to vector<16xf32>
          %select_n3A_879 = arith.select %ne3A_876, %exp3A_875, %broadcast_in_dim3A_878 : vector<16xi1>, vector<16xf32>
          %add3A_880 = arith.addf %scan3A_748, %select_n3A_879 : vector<16xf32>
          %eq3A_881 = arith.cmpi eq, %get3A_763, %broadcast_in_dim3A_33 : vector<16xi32>
          %jit3A_882 = arith.constant 0.000000e+00 : f32
          %broadcast_in_dim3A_883 = vector.broadcast %jit3A_882 : f32 to vector<16xf32>
          %select_n3A_884 = arith.select %eq3A_881, %select_n3A_879, %broadcast_in_dim3A_883 : vector<16xi1>, vector<16xf32>
          %add3A_885 = arith.addf %scan3A_749, %select_n3A_884 : vector<16xf32>
          %mul3A_886 = arith.constant 16 : i32
          %mul3A_887 = arith.muli %scan3A_735, %mul3A_886 : i32
          %get3A_888 = arith.constant 7 : i32
          %get3A_889 = arith.index_cast %get3A_888 : i32 to index
          %get3A_890 = arith.index_cast %mul3A_887 : i32 to index
          %get3A_891 = tpu.vector_load %arg8[%get3A_889, %get3A_890] {strides = array<i32>} : memref<8x2944xf32, #tpu.memory_space<vmem>>, vector<1x16xf32>,
          %get3A_892 = vector.shape_cast %get3A_891 : vector<1x16xf32> to vector<16xf32>
          %exp3A_893 = math.exp %get3A_892 : vector<16xf32>
          %ne3A_894 = arith.cmpi ne, %add3A_758, %broadcast_in_dim3A_60 : vector<16xi32>
          %jit3A_895 = arith.constant 0.000000e+00 : f32
          %broadcast_in_dim3A_896 = vector.broadcast %jit3A_895 : f32 to vector<16xf32>
          %select_n3A_897 = arith.select %ne3A_894, %exp3A_893, %broadcast_in_dim3A_896 : vector<16xi1>, vector<16xf32>
          %add3A_898 = arith.addf %scan3A_750, %select_n3A_897 : vector<16xf32>
          %eq3A_899 = arith.cmpi eq, %get3A_763, %broadcast_in_dim3A_36 : vector<16xi32>
          %jit3A_900 = arith.constant 0.000000e+00 : f32
          %broadcast_in_dim3A_901 = vector.broadcast %jit3A_900 : f32 to vector<16xf32>
          %select_n3A_902 = arith.select %eq3A_899, %select_n3A_897, %broadcast_in_dim3A_901 : vector<16xi1>, vector<16xf32>
          %add3A_903 = arith.addf %scan3A_751, %select_n3A_902 : vector<16xf32>
          scf.yield %add3A_772, %add3A_777, %add3A_790, %add3A_795, %add3A_808, %add3A_813, %add3A_826, %add3A_831, %add3A_844, %add3A_849, %add3A_862, %add3A_867, %add3A_880, %add3A_885, %add3A_898, %add3A_903 : vector<16xf32>, vector<16xf32>, vector<16xf32>, vector<16xf32>, vector<16xf32>, vector<16xf32>, vector<16xf32>, vector<16xf32>, vector<16xf32>, vector<16xf32>, vector<16xf32>, vector<16xf32>, vector<16xf32>, vector<16xf32>, vector<16xf32>, vector<16xf32>
        }
        %scan3A_606 = arith.constant 184 : i32
        %get3A_607 = arith.constant 0 : index
        %get3A_608 = tpu.vector_load %arg14[%get3A_607] {strides = array<i32>} : memref<256xf32, #tpu.memory_space<vmem>>, vector<16xf32>,
        %get3A_609 = vector.shape_cast %get3A_608 : vector<16xf32> to vector<16xf32>
        %add3A_610 = arith.addf %get3A_609, %scan3A_605#0 : vector<16xf32>
        %swap3A_611 = arith.constant 0 : index
        %swap3A_612 = tpu.vector_load %arg14[%swap3A_611] {strides = array<i32>} : memref<256xf32, #tpu.memory_space<vmem>>, vector<16xf32>,
        %swap3A_613 = vector.shape_cast %swap3A_612 : vector<16xf32> to vector<16xf32>
        %swap3A_614 = vector.shape_cast %add3A_610 : vector<16xf32> to vector<16xf32>
        tpu.vector_store %arg14[%swap3A_611], %swap3A_614 {strides = array<i32>} : memref<256xf32, #tpu.memory_space<vmem>>, vector<16xf32>,
        %get3A_615 = arith.constant 0 : index
        %get3A_616 = tpu.vector_load %arg13[%get3A_615] {strides = array<i32>} : memref<256xf32, #tpu.memory_space<vmem>>, vector<16xf32>,
        %get3A_617 = vector.shape_cast %get3A_616 : vector<16xf32> to vector<16xf32>
        %add3A_618 = arith.addf %get3A_617, %scan3A_605#1 : vector<16xf32>
        %swap3A_619 = arith.constant 0 : index
        %swap3A_620 = tpu.vector_load %arg13[%swap3A_619] {strides = array<i32>} : memref<256xf32, #tpu.memory_space<vmem>>, vector<16xf32>,
        %swap3A_621 = vector.shape_cast %swap3A_620 : vector<16xf32> to vector<16xf32>
        %swap3A_622 = vector.shape_cast %add3A_618 : vector<16xf32> to vector<16xf32>
        tpu.vector_store %arg13[%swap3A_619], %swap3A_622 {strides = array<i32>} : memref<256xf32, #tpu.memory_space<vmem>>, vector<16xf32>,
        %get3A_623 = arith.constant 16 : index
        %get3A_624 = tpu.vector_load %arg14[%get3A_623] {strides = array<i32>} : memref<256xf32, #tpu.memory_space<vmem>>, vector<16xf32>,
        %get3A_625 = vector.shape_cast %get3A_624 : vector<16xf32> to vector<16xf32>
        %add3A_626 = arith.addf %get3A_625, %scan3A_605#2 : vector<16xf32>
        %swap3A_627 = arith.constant 16 : index
        %swap3A_628 = tpu.vector_load %arg14[%swap3A_627] {strides = array<i32>} : memref<256xf32, #tpu.memory_space<vmem>>, vector<16xf32>,
        %swap3A_629 = vector.shape_cast %swap3A_628 : vector<16xf32> to vector<16xf32>
        %swap3A_630 = vector.shape_cast %add3A_626 : vector<16xf32> to vector<16xf32>
        tpu.vector_store %arg14[%swap3A_627], %swap3A_630 {strides = array<i32>} : memref<256xf32, #tpu.memory_space<vmem>>, vector<16xf32>,
        %get3A_631 = arith.constant 16 : index
        %get3A_632 = tpu.vector_load %arg13[%get3A_631] {strides = array<i32>} : memref<256xf32, #tpu.memory_space<vmem>>, vector<16xf32>,
        %get3A_633 = vector.shape_cast %get3A_632 : vector<16xf32> to vector<16xf32>
        %add3A_634 = arith.addf %get3A_633, %scan3A_605#3 : vector<16xf32>
        %swap3A_635 = arith.constant 16 : index
        %swap3A_636 = tpu.vector_load %arg13[%swap3A_635] {strides = array<i32>} : memref<256xf32, #tpu.memory_space<vmem>>, vector<16xf32>,
        %swap3A_637 = vector.shape_cast %swap3A_636 : vector<16xf32> to vector<16xf32>
        %swap3A_638 = vector.shape_cast %add3A_634 : vector<16xf32> to vector<16xf32>
        tpu.vector_store %arg13[%swap3A_635], %swap3A_638 {strides = array<i32>} : memref<256xf32, #tpu.memory_space<vmem>>, vector<16xf32>,
        %get3A_639 = arith.constant 32 : index
        %get3A_640 = tpu.vector_load %arg14[%get3A_639] {strides = array<i32>} : memref<256xf32, #tpu.memory_space<vmem>>, vector<16xf32>,
        %get3A_641 = vector.shape_cast %get3A_640 : vector<16xf32> to vector<16xf32>
        %add3A_642 = arith.addf %get3A_641, %scan3A_605#4 : vector<16xf32>
        %swap3A_643 = arith.constant 32 : index
        %swap3A_644 = tpu.vector_load %arg14[%swap3A_643] {strides = array<i32>} : memref<256xf32, #tpu.memory_space<vmem>>, vector<16xf32>,
        %swap3A_645 = vector.shape_cast %swap3A_644 : vector<16xf32> to vector<16xf32>
        %swap3A_646 = vector.shape_cast %add3A_642 : vector<16xf32> to vector<16xf32>
        tpu.vector_store %arg14[%swap3A_643], %swap3A_646 {strides = array<i32>} : memref<256xf32, #tpu.memory_space<vmem>>, vector<16xf32>,
        %get3A_647 = arith.constant 32 : index
        %get3A_648 = tpu.vector_load %arg13[%get3A_647] {strides = array<i32>} : memref<256xf32, #tpu.memory_space<vmem>>, vector<16xf32>,
        %get3A_649 = vector.shape_cast %get3A_648 : vector<16xf32> to vector<16xf32>
        %add3A_650 = arith.addf %get3A_649, %scan3A_605#5 : vector<16xf32>
        %swap3A_651 = arith.constant 32 : index
        %swap3A_652 = tpu.vector_load %arg13[%swap3A_651] {strides = array<i32>} : memref<256xf32, #tpu.memory_space<vmem>>, vector<16xf32>,
        %swap3A_653 = vector.shape_cast %swap3A_652 : vector<16xf32> to vector<16xf32>
        %swap3A_654 = vector.shape_cast %add3A_650 : vector<16xf32> to vector<16xf32>
        tpu.vector_store %arg13[%swap3A_651], %swap3A_654 {strides = array<i32>} : memref<256xf32, #tpu.memory_space<vmem>>, vector<16xf32>,
        %get3A_655 = arith.constant 48 : index
        %get3A_656 = tpu.vector_load %arg14[%get3A_655] {strides = array<i32>} : memref<256xf32, #tpu.memory_space<vmem>>, vector<16xf32>,
        %get3A_657 = vector.shape_cast %get3A_656 : vector<16xf32> to vector<16xf32>
        %add3A_658 = arith.addf %get3A_657, %scan3A_605#6 : vector<16xf32>
        %swap3A_659 = arith.constant 48 : index
        %swap3A_660 = tpu.vector_load %arg14[%swap3A_659] {strides = array<i32>} : memref<256xf32, #tpu.memory_space<vmem>>, vector<16xf32>,
        %swap3A_661 = vector.shape_cast %swap3A_660 : vector<16xf32> to vector<16xf32>
        %swap3A_662 = vector.shape_cast %add3A_658 : vector<16xf32> to vector<16xf32>
        tpu.vector_store %arg14[%swap3A_659], %swap3A_662 {strides = array<i32>} : memref<256xf32, #tpu.memory_space<vmem>>, vector<16xf32>,
        %get3A_663 = arith.constant 48 : index
        %get3A_664 = tpu.vector_load %arg13[%get3A_663] {strides = array<i32>} : memref<256xf32, #tpu.memory_space<vmem>>, vector<16xf32>,
        %get3A_665 = vector.shape_cast %get3A_664 : vector<16xf32> to vector<16xf32>
        %add3A_666 = arith.addf %get3A_665, %scan3A_605#7 : vector<16xf32>
        %swap3A_667 = arith.constant 48 : index
        %swap3A_668 = tpu.vector_load %arg13[%swap3A_667] {strides = array<i32>} : memref<256xf32, #tpu.memory_space<vmem>>, vector<16xf32>,
        %swap3A_669 = vector.shape_cast %swap3A_668 : vector<16xf32> to vector<16xf32>
        %swap3A_670 = vector.shape_cast %add3A_666 : vector<16xf32> to vector<16xf32>
        tpu.vector_store %arg13[%swap3A_667], %swap3A_670 {strides = array<i32>} : memref<256xf32, #tpu.memory_space<vmem>>, vector<16xf32>,
        %get3A_671 = arith.constant 64 : index
        %get3A_672 = tpu.vector_load %arg14[%get3A_671] {strides = array<i32>} : memref<256xf32, #tpu.memory_space<vmem>>, vector<16xf32>,
        %get3A_673 = vector.shape_cast %get3A_672 : vector<16xf32> to vector<16xf32>
        %add3A_674 = arith.addf %get3A_673, %scan3A_605#8 : vector<16xf32>
        %swap3A_675 = arith.constant 64 : index
        %swap3A_676 = tpu.vector_load %arg14[%swap3A_675] {strides = array<i32>} : memref<256xf32, #tpu.memory_space<vmem>>, vector<16xf32>,
        %swap3A_677 = vector.shape_cast %swap3A_676 : vector<16xf32> to vector<16xf32>
        %swap3A_678 = vector.shape_cast %add3A_674 : vector<16xf32> to vector<16xf32>
        tpu.vector_store %arg14[%swap3A_675], %swap3A_678 {strides = array<i32>} : memref<256xf32, #tpu.memory_space<vmem>>, vector<16xf32>,
        %get3A_679 = arith.constant 64 : index
        %get3A_680 = tpu.vector_load %arg13[%get3A_679] {strides = array<i32>} : memref<256xf32, #tpu.memory_space<vmem>>, vector<16xf32>,
        %get3A_681 = vector.shape_cast %get3A_680 : vector<16xf32> to vector<16xf32>
        %add3A_682 = arith.addf %get3A_681, %scan3A_605#9 : vector<16xf32>
        %swap3A_683 = arith.constant 64 : index
        %swap3A_684 = tpu.vector_load %arg13[%swap3A_683] {strides = array<i32>} : memref<256xf32, #tpu.memory_space<vmem>>, vector<16xf32>,
        %swap3A_685 = vector.shape_cast %swap3A_684 : vector<16xf32> to vector<16xf32>
        %swap3A_686 = vector.shape_cast %add3A_682 : vector<16xf32> to vector<16xf32>
        tpu.vector_store %arg13[%swap3A_683], %swap3A_686 {strides = array<i32>} : memref<256xf32, #tpu.memory_space<vmem>>, vector<16xf32>,
        %get3A_687 = arith.constant 80 : index
        %get3A_688 = tpu.vector_load %arg14[%get3A_687] {strides = array<i32>} : memref<256xf32, #tpu.memory_space<vmem>>, vector<16xf32>,
        %get3A_689 = vector.shape_cast %get3A_688 : vector<16xf32> to vector<16xf32>
        %add3A_690 = arith.addf %get3A_689, %scan3A_605#10 : vector<16xf32>
        %swap3A_691 = arith.constant 80 : index
        %swap3A_692 = tpu.vector_load %arg14[%swap3A_691] {strides = array<i32>} : memref<256xf32, #tpu.memory_space<vmem>>, vector<16xf32>,
        %swap3A_693 = vector.shape_cast %swap3A_692 : vector<16xf32> to vector<16xf32>
        %swap3A_694 = vector.shape_cast %add3A_690 : vector<16xf32> to vector<16xf32>
        tpu.vector_store %arg14[%swap3A_691], %swap3A_694 {strides = array<i32>} : memref<256xf32, #tpu.memory_space<vmem>>, vector<16xf32>,
        %get3A_695 = arith.constant 80 : index
        %get3A_696 = tpu.vector_load %arg13[%get3A_695] {strides = array<i32>} : memref<256xf32, #tpu.memory_space<vmem>>, vector<16xf32>,
        %get3A_697 = vector.shape_cast %get3A_696 : vector<16xf32> to vector<16xf32>
        %add3A_698 = arith.addf %get3A_697, %scan3A_605#11 : vector<16xf32>
        %swap3A_699 = arith.constant 80 : index
        %swap3A_700 = tpu.vector_load %arg13[%swap3A_699] {strides = array<i32>} : memref<256xf32, #tpu.memory_space<vmem>>, vector<16xf32>,
        %swap3A_701 = vector.shape_cast %swap3A_700 : vector<16xf32> to vector<16xf32>
        %swap3A_702 = vector.shape_cast %add3A_698 : vector<16xf32> to vector<16xf32>
        tpu.vector_store %arg13[%swap3A_699], %swap3A_702 {strides = array<i32>} : memref<256xf32, #tpu.memory_space<vmem>>, vector<16xf32>,
        %get3A_703 = arith.constant 96 : index
        %get3A_704 = tpu.vector_load %arg14[%get3A_703] {strides = array<i32>} : memref<256xf32, #tpu.memory_space<vmem>>, vector<16xf32>,
        %get3A_705 = vector.shape_cast %get3A_704 : vector<16xf32> to vector<16xf32>
        %add3A_706 = arith.addf %get3A_705, %scan3A_605#12 : vector<16xf32>
        %swap3A_707 = arith.constant 96 : index
        %swap3A_708 = tpu.vector_load %arg14[%swap3A_707] {strides = array<i32>} : memref<256xf32, #tpu.memory_space<vmem>>, vector<16xf32>,
        %swap3A_709 = vector.shape_cast %swap3A_708 : vector<16xf32> to vector<16xf32>
        %swap3A_710 = vector.shape_cast %add3A_706 : vector<16xf32> to vector<16xf32>
        tpu.vector_store %arg14[%swap3A_707], %swap3A_710 {strides = array<i32>} : memref<256xf32, #tpu.memory_space<vmem>>, vector<16xf32>,
        %get3A_711 = arith.constant 96 : index
        %get3A_712 = tpu.vector_load %arg13[%get3A_711] {strides = array<i32>} : memref<256xf32, #tpu.memory_space<vmem>>, vector<16xf32>,
        %get3A_713 = vector.shape_cast %get3A_712 : vector<16xf32> to vector<16xf32>
        %add3A_714 = arith.addf %get3A_713, %scan3A_605#13 : vector<16xf32>
        %swap3A_715 = arith.constant 96 : index
        %swap3A_716 = tpu.vector_load %arg13[%swap3A_715] {strides = array<i32>} : memref<256xf32, #tpu.memory_space<vmem>>, vector<16xf32>,
        %swap3A_717 = vector.shape_cast %swap3A_716 : vector<16xf32> to vector<16xf32>
        %swap3A_718 = vector.shape_cast %add3A_714 : vector<16xf32> to vector<16xf32>
        tpu.vector_store %arg13[%swap3A_715], %swap3A_718 {strides = array<i32>} : memref<256xf32, #tpu.memory_space<vmem>>, vector<16xf32>,
        %get3A_719 = arith.constant 112 : index
        %get3A_720 = tpu.vector_load %arg14[%get3A_719] {strides = array<i32>} : memref<256xf32, #tpu.memory_space<vmem>>, vector<16xf32>,
        %get3A_721 = vector.shape_cast %get3A_720 : vector<16xf32> to vector<16xf32>
        %add3A_722 = arith.addf %get3A_721, %scan3A_605#14 : vector<16xf32>
        %swap3A_723 = arith.constant 112 : index
        %swap3A_724 = tpu.vector_load %arg14[%swap3A_723] {strides = array<i32>} : memref<256xf32, #tpu.memory_space<vmem>>, vector<16xf32>,
        %swap3A_725 = vector.shape_cast %swap3A_724 : vector<16xf32> to vector<16xf32>
        %swap3A_726 = vector.shape_cast %add3A_722 : vector<16xf32> to vector<16xf32>
        tpu.vector_store %arg14[%swap3A_723], %swap3A_726 {strides = array<i32>} : memref<256xf32, #tpu.memory_space<vmem>>, vector<16xf32>,
        %get3A_727 = arith.constant 112 : index
        %get3A_728 = tpu.vector_load %arg13[%get3A_727] {strides = array<i32>} : memref<256xf32, #tpu.memory_space<vmem>>, vector<16xf32>,
        %get3A_729 = vector.shape_cast %get3A_728 : vector<16xf32> to vector<16xf32>
        %add3A_730 = arith.addf %get3A_729, %scan3A_605#15 : vector<16xf32>
        %swap3A_731 = arith.constant 112 : index
        %swap3A_732 = tpu.vector_load %arg13[%swap3A_731] {strides = array<i32>} : memref<256xf32, #tpu.memory_space<vmem>>, vector<16xf32>,
        %swap3A_733 = vector.shape_cast %swap3A_732 : vector<16xf32> to vector<16xf32>
        %swap3A_734 = vector.shape_cast %add3A_730 : vector<16xf32> to vector<16xf32>
        tpu.vector_store %arg13[%swap3A_731], %swap3A_734 {strides = array<i32>} : memref<256xf32, #tpu.memory_space<vmem>>, vector<16xf32>,
      } else {
      }
      %scan3A_546 = arith.constant 0 : i32
      scf.yield %scan3A_546 : i32
    }
    %scan3A_169 = arith.constant 17 : i32
    %add3A_170 = arith.constant 0 : i32
    %add3A_171 = arith.addi %mul3A_6, %add3A_170 : i32
    %mul3A_172 = arith.constant 16 : i32
    %mul3A_173 = arith.muli %add3A_171, %mul3A_172 : i32
    "tpu.region"() ({
      %run_scoped3A = tpu.sem_alloc : memref<!tpu.dma_semaphore, #tpu.memory_space<semaphore_mem>>
      %dma_start3A_353 = arith.constant 0 : i32
      %dma_start3A_354 = tpu.memref_slice %arg13[%dma_start3A_353] : memref<256xf32, #tpu.memory_space<vmem>> -> memref<128xf32, #tpu.memory_space<vmem>>
      %dma_start3A_355 = tpu.memref_slice %arg5[%mul3A_173] : memref<8192xf32, #tpu.memory_space<hbm>> -> memref<128xf32, #tpu.memory_space<hbm>>
      %dma_start3A_356 = tpu.memref_slice %arg5[%mul3A_173] : memref<8192xf32, #tpu.memory_space<hbm>> -> memref<128xf32, #tpu.memory_space<hbm>>
      %dma_start3A_357 = arith.constant 0 : i32
      %dma_start3A_358 = tpu.memref_slice %arg13[%dma_start3A_357] : memref<256xf32, #tpu.memory_space<vmem>> -> memref<128xf32, #tpu.memory_space<vmem>>
      tpu.enqueue_dma source(%dma_start3A_358 : memref<128xf32, #tpu.memory_space<vmem>>) target(%dma_start3A_356 : memref<128xf32, #tpu.memory_space<hbm>>) target_semaphore(%run_scoped3A : memref<!tpu.dma_semaphore, #tpu.memory_space<semaphore_mem>>)
      %dma_wait3A_359 = arith.constant 0 : i32
      %dma_wait3A_360 = tpu.memref_slice %arg13[%dma_wait3A_359] : memref<256xf32, #tpu.memory_space<vmem>> -> memref<128xf32, #tpu.memory_space<vmem>>
      %dma_wait3A_361 = tpu.memref_slice %arg5[%mul3A_173] : memref<8192xf32, #tpu.memory_space<hbm>> -> memref<128xf32, #tpu.memory_space<hbm>>
      %dma_wait3A_362 = tpu.memref_slice %arg5[%mul3A_173] : memref<8192xf32, #tpu.memory_space<hbm>> -> memref<128xf32, #tpu.memory_space<hbm>>
      %dma_wait3A_363 = arith.constant 0 : i32
      %dma_wait3A_364 = tpu.memref_slice %arg13[%dma_wait3A_363] : memref<256xf32, #tpu.memory_space<vmem>> -> memref<128xf32, #tpu.memory_space<vmem>>
      tpu.wait_dma2 semaphore(%run_scoped3A : memref<!tpu.dma_semaphore, #tpu.memory_space<semaphore_mem>>) src(%dma_wait3A_364 : memref<128xf32, #tpu.memory_space<vmem>>) dst(%dma_wait3A_362 : memref<128xf32, #tpu.memory_space<hbm>>)
      tpu.yield
    }) : () -> ()
    %add3A_174 = arith.constant 0 : i32
    %add3A_175 = arith.addi %mul3A_6, %add3A_174 : i32
    %mul3A_176 = arith.constant 16 : i32
    %mul3A_177 = arith.muli %add3A_175, %mul3A_176 : i32
    "tpu.region"() ({
      %run_scoped3A = tpu.sem_alloc : memref<!tpu.dma_semaphore, #tpu.memory_space<semaphore_mem>>
      %dma_start3A_353 = arith.constant 0 : i32
      %dma_start3A_354 = tpu.memref_slice %arg14[%dma_start3A_353] : memref<256xf32, #tpu.memory_space<vmem>> -> memref<128xf32, #tpu.memory_space<vmem>>
      %dma_start3A_355 = tpu.memref_slice %arg6[%mul3A_177] : memref<8192xf32, #tpu.memory_space<hbm>> -> memref<128xf32, #tpu.memory_space<hbm>>
      %dma_start3A_356 = tpu.memref_slice %arg6[%mul3A_177] : memref<8192xf32, #tpu.memory_space<hbm>> -> memref<128xf32, #tpu.memory_space<hbm>>
      %dma_start3A_357 = arith.constant 0 : i32
      %dma_start3A_358 = tpu.memref_slice %arg14[%dma_start3A_357] : memref<256xf32, #tpu.memory_space<vmem>> -> memref<128xf32, #tpu.memory_space<vmem>>
      tpu.enqueue_dma source(%dma_start3A_358 : memref<128xf32, #tpu.memory_space<vmem>>) target(%dma_start3A_356 : memref<128xf32, #tpu.memory_space<hbm>>) target_semaphore(%run_scoped3A : memref<!tpu.dma_semaphore, #tpu.memory_space<semaphore_mem>>)
      %dma_wait3A_359 = arith.constant 0 : i32
      %dma_wait3A_360 = tpu.memref_slice %arg14[%dma_wait3A_359] : memref<256xf32, #tpu.memory_space<vmem>> -> memref<128xf32, #tpu.memory_space<vmem>>
      %dma_wait3A_361 = tpu.memref_slice %arg6[%mul3A_177] : memref<8192xf32, #tpu.memory_space<hbm>> -> memref<128xf32, #tpu.memory_space<hbm>>
      %dma_wait3A_362 = tpu.memref_slice %arg6[%mul3A_177] : memref<8192xf32, #tpu.memory_space<hbm>> -> memref<128xf32, #tpu.memory_space<hbm>>
      %dma_wait3A_363 = arith.constant 0 : i32
      %dma_wait3A_364 = tpu.memref_slice %arg14[%dma_wait3A_363] : memref<256xf32, #tpu.memory_space<vmem>> -> memref<128xf32, #tpu.memory_space<vmem>>
      tpu.wait_dma2 semaphore(%run_scoped3A : memref<!tpu.dma_semaphore, #tpu.memory_space<semaphore_mem>>) src(%dma_wait3A_364 : memref<128xf32, #tpu.memory_space<vmem>>) dst(%dma_wait3A_362 : memref<128xf32, #tpu.memory_space<hbm>>)
      tpu.yield
    }) : () -> ()
    %add3A_178 = arith.constant 8 : i32
    %add3A_179 = arith.addi %add3A_4, %add3A_178 : i32
    %get3A_180 = arith.constant 0 : index
    %get3A_181 = tpu.vector_load %arg12[%get3A_180] {strides = array<i32>} : memref<16xi32, #tpu.memory_space<vmem>>, vector<16xi32>,
    %get3A_182 = vector.shape_cast %get3A_181 : vector<16xi32> to vector<16xi32>
    %get3A_183 = arith.constant 0 : index
    %get3A_184 = tpu.vector_load %arg11[%get3A_183] {strides = array<i32>} : memref<16xi32, #tpu.memory_space<vmem>>, vector<16xi32>,
    %get3A_185 = vector.shape_cast %get3A_184 : vector<16xi32> to vector<16xi32>
    %slice3A_186 = vector.extract_strided_slice %get3A_182 {offsets = [8], sizes = [1], strides = [1]} : vector<16xi32> to vector<1xi32>
    %squeeze3A_187 = vector.extract %slice3A_186[0] : i32 from vector<1xi32>
    %broadcast_in_dim3A_188 = vector.broadcast %squeeze3A_187 : i32 to vector<16xi32>
    %slice3A_189 = vector.extract_strided_slice %get3A_182 {offsets = [9], sizes = [1], strides = [1]} : vector<16xi32> to vector<1xi32>
    %squeeze3A_190 = vector.extract %slice3A_189[0] : i32 from vector<1xi32>
    %broadcast_in_dim3A_191 = vector.broadcast %squeeze3A_190 : i32 to vector<16xi32>
    %slice3A_192 = vector.extract_strided_slice %get3A_182 {offsets = [10], sizes = [1], strides = [1]} : vector<16xi32> to vector<1xi32>
    %squeeze3A_193 = vector.extract %slice3A_192[0] : i32 from vector<1xi32>
    %broadcast_in_dim3A_194 = vector.broadcast %squeeze3A_193 : i32 to vector<16xi32>
    %slice3A_195 = vector.extract_strided_slice %get3A_182 {offsets = [11], sizes = [1], strides = [1]} : vector<16xi32> to vector<1xi32>
    %squeeze3A_196 = vector.extract %slice3A_195[0] : i32 from vector<1xi32>
    %broadcast_in_dim3A_197 = vector.broadcast %squeeze3A_196 : i32 to vector<16xi32>
    %slice3A_198 = vector.extract_strided_slice %get3A_182 {offsets = [12], sizes = [1], strides = [1]} : vector<16xi32> to vector<1xi32>
    %squeeze3A_199 = vector.extract %slice3A_198[0] : i32 from vector<1xi32>
    %broadcast_in_dim3A_200 = vector.broadcast %squeeze3A_199 : i32 to vector<16xi32>
    %slice3A_201 = vector.extract_strided_slice %get3A_182 {offsets = [13], sizes = [1], strides = [1]} : vector<16xi32> to vector<1xi32>
    %squeeze3A_202 = vector.extract %slice3A_201[0] : i32 from vector<1xi32>
    %broadcast_in_dim3A_203 = vector.broadcast %squeeze3A_202 : i32 to vector<16xi32>
    %slice3A_204 = vector.extract_strided_slice %get3A_182 {offsets = [14], sizes = [1], strides = [1]} : vector<16xi32> to vector<1xi32>
    %squeeze3A_205 = vector.extract %slice3A_204[0] : i32 from vector<1xi32>
    %broadcast_in_dim3A_206 = vector.broadcast %squeeze3A_205 : i32 to vector<16xi32>
    %slice3A_207 = vector.extract_strided_slice %get3A_182 {offsets = [15], sizes = [1], strides = [1]} : vector<16xi32> to vector<1xi32>
    %squeeze3A_208 = vector.extract %slice3A_207[0] : i32 from vector<1xi32>
    %broadcast_in_dim3A_209 = vector.broadcast %squeeze3A_208 : i32 to vector<16xi32>
    %slice3A_210 = vector.extract_strided_slice %get3A_185 {offsets = [8], sizes = [1], strides = [1]} : vector<16xi32> to vector<1xi32>
    %squeeze3A_211 = vector.extract %slice3A_210[0] : i32 from vector<1xi32>
    %broadcast_in_dim3A_212 = vector.broadcast %squeeze3A_211 : i32 to vector<16xi32>
    %slice3A_213 = vector.extract_strided_slice %get3A_185 {offsets = [9], sizes = [1], strides = [1]} : vector<16xi32> to vector<1xi32>
    %squeeze3A_214 = vector.extract %slice3A_213[0] : i32 from vector<1xi32>
    %broadcast_in_dim3A_215 = vector.broadcast %squeeze3A_214 : i32 to vector<16xi32>
    %slice3A_216 = vector.extract_strided_slice %get3A_185 {offsets = [10], sizes = [1], strides = [1]} : vector<16xi32> to vector<1xi32>
    %squeeze3A_217 = vector.extract %slice3A_216[0] : i32 from vector<1xi32>
    %broadcast_in_dim3A_218 = vector.broadcast %squeeze3A_217 : i32 to vector<16xi32>
    %slice3A_219 = vector.extract_strided_slice %get3A_185 {offsets = [11], sizes = [1], strides = [1]} : vector<16xi32> to vector<1xi32>
    %squeeze3A_220 = vector.extract %slice3A_219[0] : i32 from vector<1xi32>
    %broadcast_in_dim3A_221 = vector.broadcast %squeeze3A_220 : i32 to vector<16xi32>
    %slice3A_222 = vector.extract_strided_slice %get3A_185 {offsets = [12], sizes = [1], strides = [1]} : vector<16xi32> to vector<1xi32>
    %squeeze3A_223 = vector.extract %slice3A_222[0] : i32 from vector<1xi32>
    %broadcast_in_dim3A_224 = vector.broadcast %squeeze3A_223 : i32 to vector<16xi32>
    %slice3A_225 = vector.extract_strided_slice %get3A_185 {offsets = [13], sizes = [1], strides = [1]} : vector<16xi32> to vector<1xi32>
    %squeeze3A_226 = vector.extract %slice3A_225[0] : i32 from vector<1xi32>
    %broadcast_in_dim3A_227 = vector.broadcast %squeeze3A_226 : i32 to vector<16xi32>
    %slice3A_228 = vector.extract_strided_slice %get3A_185 {offsets = [14], sizes = [1], strides = [1]} : vector<16xi32> to vector<1xi32>
    %squeeze3A_229 = vector.extract %slice3A_228[0] : i32 from vector<1xi32>
    %broadcast_in_dim3A_230 = vector.broadcast %squeeze3A_229 : i32 to vector<16xi32>
    %slice3A_231 = vector.extract_strided_slice %get3A_185 {offsets = [15], sizes = [1], strides = [1]} : vector<16xi32> to vector<1xi32>
    %squeeze3A_232 = vector.extract %slice3A_231[0] : i32 from vector<1xi32>
    %broadcast_in_dim3A_233 = vector.broadcast %squeeze3A_232 : i32 to vector<16xi32>
    %broadcast_in_dim3A_234 = arith.constant 0.000000e+00 : f32
    %broadcast_in_dim3A_235 = vector.broadcast %broadcast_in_dim3A_234 : f32 to vector<16xf32>
    %swap3A_236 = arith.constant 128 : index
    %swap3A_237 = tpu.vector_load %arg14[%swap3A_236] {strides = array<i32>} : memref<256xf32, #tpu.memory_space<vmem>>, vector<16xf32>,
    %swap3A_238 = vector.shape_cast %swap3A_237 : vector<16xf32> to vector<16xf32>
    %swap3A_239 = vector.shape_cast %broadcast_in_dim3A_235 : vector<16xf32> to vector<16xf32>
    tpu.vector_store %arg14[%swap3A_236], %swap3A_239 {strides = array<i32>} : memref<256xf32, #tpu.memory_space<vmem>>, vector<16xf32>,
    %broadcast_in_dim3A_240 = arith.constant 0.000000e+00 : f32
    %broadcast_in_dim3A_241 = vector.broadcast %broadcast_in_dim3A_240 : f32 to vector<16xf32>
    %swap3A_242 = arith.constant 128 : index
    %swap3A_243 = tpu.vector_load %arg13[%swap3A_242] {strides = array<i32>} : memref<256xf32, #tpu.memory_space<vmem>>, vector<16xf32>,
    %swap3A_244 = vector.shape_cast %swap3A_243 : vector<16xf32> to vector<16xf32>
    %swap3A_245 = vector.shape_cast %broadcast_in_dim3A_241 : vector<16xf32> to vector<16xf32>
    tpu.vector_store %arg13[%swap3A_242], %swap3A_245 {strides = array<i32>} : memref<256xf32, #tpu.memory_space<vmem>>, vector<16xf32>,
    %broadcast_in_dim3A_246 = arith.constant 0.000000e+00 : f32
    %broadcast_in_dim3A_247 = vector.broadcast %broadcast_in_dim3A_246 : f32 to vector<16xf32>
    %swap3A_248 = arith.constant 144 : index
    %swap3A_249 = tpu.vector_load %arg14[%swap3A_248] {strides = array<i32>} : memref<256xf32, #tpu.memory_space<vmem>>, vector<16xf32>,
    %swap3A_250 = vector.shape_cast %swap3A_249 : vector<16xf32> to vector<16xf32>
    %swap3A_251 = vector.shape_cast %broadcast_in_dim3A_247 : vector<16xf32> to vector<16xf32>
    tpu.vector_store %arg14[%swap3A_248], %swap3A_251 {strides = array<i32>} : memref<256xf32, #tpu.memory_space<vmem>>, vector<16xf32>,
    %broadcast_in_dim3A_252 = arith.constant 0.000000e+00 : f32
    %broadcast_in_dim3A_253 = vector.broadcast %broadcast_in_dim3A_252 : f32 to vector<16xf32>
    %swap3A_254 = arith.constant 144 : index
    %swap3A_255 = tpu.vector_load %arg13[%swap3A_254] {strides = array<i32>} : memref<256xf32, #tpu.memory_space<vmem>>, vector<16xf32>,
    %swap3A_256 = vector.shape_cast %swap3A_255 : vector<16xf32> to vector<16xf32>
    %swap3A_257 = vector.shape_cast %broadcast_in_dim3A_253 : vector<16xf32> to vector<16xf32>
    tpu.vector_store %arg13[%swap3A_254], %swap3A_257 {strides = array<i32>} : memref<256xf32, #tpu.memory_space<vmem>>, vector<16xf32>,
    %broadcast_in_dim3A_258 = arith.constant 0.000000e+00 : f32
    %broadcast_in_dim3A_259 = vector.broadcast %broadcast_in_dim3A_258 : f32 to vector<16xf32>
    %swap3A_260 = arith.constant 160 : index
    %swap3A_261 = tpu.vector_load %arg14[%swap3A_260] {strides = array<i32>} : memref<256xf32, #tpu.memory_space<vmem>>, vector<16xf32>,
    %swap3A_262 = vector.shape_cast %swap3A_261 : vector<16xf32> to vector<16xf32>
    %swap3A_263 = vector.shape_cast %broadcast_in_dim3A_259 : vector<16xf32> to vector<16xf32>
    tpu.vector_store %arg14[%swap3A_260], %swap3A_263 {strides = array<i32>} : memref<256xf32, #tpu.memory_space<vmem>>, vector<16xf32>,
    %broadcast_in_dim3A_264 = arith.constant 0.000000e+00 : f32
    %broadcast_in_dim3A_265 = vector.broadcast %broadcast_in_dim3A_264 : f32 to vector<16xf32>
    %swap3A_266 = arith.constant 160 : index
    %swap3A_267 = tpu.vector_load %arg13[%swap3A_266] {strides = array<i32>} : memref<256xf32, #tpu.memory_space<vmem>>, vector<16xf32>,
    %swap3A_268 = vector.shape_cast %swap3A_267 : vector<16xf32> to vector<16xf32>
    %swap3A_269 = vector.shape_cast %broadcast_in_dim3A_265 : vector<16xf32> to vector<16xf32>
    tpu.vector_store %arg13[%swap3A_266], %swap3A_269 {strides = array<i32>} : memref<256xf32, #tpu.memory_space<vmem>>, vector<16xf32>,
    %broadcast_in_dim3A_270 = arith.constant 0.000000e+00 : f32
    %broadcast_in_dim3A_271 = vector.broadcast %broadcast_in_dim3A_270 : f32 to vector<16xf32>
    %swap3A_272 = arith.constant 176 : index
    %swap3A_273 = tpu.vector_load %arg14[%swap3A_272] {strides = array<i32>} : memref<256xf32, #tpu.memory_space<vmem>>, vector<16xf32>,
    %swap3A_274 = vector.shape_cast %swap3A_273 : vector<16xf32> to vector<16xf32>
    %swap3A_275 = vector.shape_cast %broadcast_in_dim3A_271 : vector<16xf32> to vector<16xf32>
    tpu.vector_store %arg14[%swap3A_272], %swap3A_275 {strides = array<i32>} : memref<256xf32, #tpu.memory_space<vmem>>, vector<16xf32>,
    %broadcast_in_dim3A_276 = arith.constant 0.000000e+00 : f32
    %broadcast_in_dim3A_277 = vector.broadcast %broadcast_in_dim3A_276 : f32 to vector<16xf32>
    %swap3A_278 = arith.constant 176 : index
    %swap3A_279 = tpu.vector_load %arg13[%swap3A_278] {strides = array<i32>} : memref<256xf32, #tpu.memory_space<vmem>>, vector<16xf32>,
    %swap3A_280 = vector.shape_cast %swap3A_279 : vector<16xf32> to vector<16xf32>
    %swap3A_281 = vector.shape_cast %broadcast_in_dim3A_277 : vector<16xf32> to vector<16xf32>
    tpu.vector_store %arg13[%swap3A_278], %swap3A_281 {strides = array<i32>} : memref<256xf32, #tpu.memory_space<vmem>>, vector<16xf32>,
    %broadcast_in_dim3A_282 = arith.constant 0.000000e+00 : f32
    %broadcast_in_dim3A_283 = vector.broadcast %broadcast_in_dim3A_282 : f32 to vector<16xf32>
    %swap3A_284 = arith.constant 192 : index
    %swap3A_285 = tpu.vector_load %arg14[%swap3A_284] {strides = array<i32>} : memref<256xf32, #tpu.memory_space<vmem>>, vector<16xf32>,
    %swap3A_286 = vector.shape_cast %swap3A_285 : vector<16xf32> to vector<16xf32>
    %swap3A_287 = vector.shape_cast %broadcast_in_dim3A_283 : vector<16xf32> to vector<16xf32>
    tpu.vector_store %arg14[%swap3A_284], %swap3A_287 {strides = array<i32>} : memref<256xf32, #tpu.memory_space<vmem>>, vector<16xf32>,
    %broadcast_in_dim3A_288 = arith.constant 0.000000e+00 : f32
    %broadcast_in_dim3A_289 = vector.broadcast %broadcast_in_dim3A_288 : f32 to vector<16xf32>
    %swap3A_290 = arith.constant 192 : index
    %swap3A_291 = tpu.vector_load %arg13[%swap3A_290] {strides = array<i32>} : memref<256xf32, #tpu.memory_space<vmem>>, vector<16xf32>,
    %swap3A_292 = vector.shape_cast %swap3A_291 : vector<16xf32> to vector<16xf32>
    %swap3A_293 = vector.shape_cast %broadcast_in_dim3A_289 : vector<16xf32> to vector<16xf32>
    tpu.vector_store %arg13[%swap3A_290], %swap3A_293 {strides = array<i32>} : memref<256xf32, #tpu.memory_space<vmem>>, vector<16xf32>,
    %broadcast_in_dim3A_294 = arith.constant 0.000000e+00 : f32
    %broadcast_in_dim3A_295 = vector.broadcast %broadcast_in_dim3A_294 : f32 to vector<16xf32>
    %swap3A_296 = arith.constant 208 : index
    %swap3A_297 = tpu.vector_load %arg14[%swap3A_296] {strides = array<i32>} : memref<256xf32, #tpu.memory_space<vmem>>, vector<16xf32>,
    %swap3A_298 = vector.shape_cast %swap3A_297 : vector<16xf32> to vector<16xf32>
    %swap3A_299 = vector.shape_cast %broadcast_in_dim3A_295 : vector<16xf32> to vector<16xf32>
    tpu.vector_store %arg14[%swap3A_296], %swap3A_299 {strides = array<i32>} : memref<256xf32, #tpu.memory_space<vmem>>, vector<16xf32>,
    %broadcast_in_dim3A_300 = arith.constant 0.000000e+00 : f32
    %broadcast_in_dim3A_301 = vector.broadcast %broadcast_in_dim3A_300 : f32 to vector<16xf32>
    %swap3A_302 = arith.constant 208 : index
    %swap3A_303 = tpu.vector_load %arg13[%swap3A_302] {strides = array<i32>} : memref<256xf32, #tpu.memory_space<vmem>>, vector<16xf32>,
    %swap3A_304 = vector.shape_cast %swap3A_303 : vector<16xf32> to vector<16xf32>
    %swap3A_305 = vector.shape_cast %broadcast_in_dim3A_301 : vector<16xf32> to vector<16xf32>
    tpu.vector_store %arg13[%swap3A_302], %swap3A_305 {strides = array<i32>} : memref<256xf32, #tpu.memory_space<vmem>>, vector<16xf32>,
    %broadcast_in_dim3A_306 = arith.constant 0.000000e+00 : f32
    %broadcast_in_dim3A_307 = vector.broadcast %broadcast_in_dim3A_306 : f32 to vector<16xf32>
    %swap3A_308 = arith.constant 224 : index
    %swap3A_309 = tpu.vector_load %arg14[%swap3A_308] {strides = array<i32>} : memref<256xf32, #tpu.memory_space<vmem>>, vector<16xf32>,
    %swap3A_310 = vector.shape_cast %swap3A_309 : vector<16xf32> to vector<16xf32>
    %swap3A_311 = vector.shape_cast %broadcast_in_dim3A_307 : vector<16xf32> to vector<16xf32>
    tpu.vector_store %arg14[%swap3A_308], %swap3A_311 {strides = array<i32>} : memref<256xf32, #tpu.memory_space<vmem>>, vector<16xf32>,
    %broadcast_in_dim3A_312 = arith.constant 0.000000e+00 : f32
    %broadcast_in_dim3A_313 = vector.broadcast %broadcast_in_dim3A_312 : f32 to vector<16xf32>
    %swap3A_314 = arith.constant 224 : index
    %swap3A_315 = tpu.vector_load %arg13[%swap3A_314] {strides = array<i32>} : memref<256xf32, #tpu.memory_space<vmem>>, vector<16xf32>,
    %swap3A_316 = vector.shape_cast %swap3A_315 : vector<16xf32> to vector<16xf32>
    %swap3A_317 = vector.shape_cast %broadcast_in_dim3A_313 : vector<16xf32> to vector<16xf32>
    tpu.vector_store %arg13[%swap3A_314], %swap3A_317 {strides = array<i32>} : memref<256xf32, #tpu.memory_space<vmem>>, vector<16xf32>,
    %broadcast_in_dim3A_318 = arith.constant 0.000000e+00 : f32
    %broadcast_in_dim3A_319 = vector.broadcast %broadcast_in_dim3A_318 : f32 to vector<16xf32>
    %swap3A_320 = arith.constant 240 : index
    %swap3A_321 = tpu.vector_load %arg14[%swap3A_320] {strides = array<i32>} : memref<256xf32, #tpu.memory_space<vmem>>, vector<16xf32>,
    %swap3A_322 = vector.shape_cast %swap3A_321 : vector<16xf32> to vector<16xf32>
    %swap3A_323 = vector.shape_cast %broadcast_in_dim3A_319 : vector<16xf32> to vector<16xf32>
    tpu.vector_store %arg14[%swap3A_320], %swap3A_323 {strides = array<i32>} : memref<256xf32, #tpu.memory_space<vmem>>, vector<16xf32>,
    %broadcast_in_dim3A_324 = arith.constant 0.000000e+00 : f32
    %broadcast_in_dim3A_325 = vector.broadcast %broadcast_in_dim3A_324 : f32 to vector<16xf32>
    %swap3A_326 = arith.constant 240 : index
    %swap3A_327 = tpu.vector_load %arg13[%swap3A_326] {strides = array<i32>} : memref<256xf32, #tpu.memory_space<vmem>>, vector<16xf32>,
    %swap3A_328 = vector.shape_cast %swap3A_327 : vector<16xf32> to vector<16xf32>
    %swap3A_329 = vector.shape_cast %broadcast_in_dim3A_325 : vector<16xf32> to vector<16xf32>
    tpu.vector_store %arg13[%swap3A_326], %swap3A_329 {strides = array<i32>} : memref<256xf32, #tpu.memory_space<vmem>>, vector<16xf32>,
    %dma_start3A_330 = arith.constant 0 : i32
    %dma_start3A_331 = tpu.memref_slice %arg2[%add3A_179, %dma_start3A_330] : memref<1024x100000xf32, #tpu.memory_space<hbm>> -> memref<8x2944xf32, #tpu.memory_space<hbm>>
    %dma_start3A_332 = arith.constant 0 : i32
    %dma_start3A_333 = tpu.memref_slice %arg2[%add3A_179, %dma_start3A_332] : memref<1024x100000xf32, #tpu.memory_space<hbm>> -> memref<8x2944xf32, #tpu.memory_space<hbm>>
    tpu.enqueue_dma source(%dma_start3A_333 : memref<8x2944xf32, #tpu.memory_space<hbm>>) target(%arg7 : memref<8x2944xf32, #tpu.memory_space<vmem>>) target_semaphore(%arg15 : memref<!tpu.dma_semaphore, #tpu.memory_space<semaphore_mem>>)
    %dma_start3A_334 = arith.constant 0 : i32
    %dma_start3A_335 = tpu.memref_slice %arg3[%dma_start3A_334] : memref<100096xi32, #tpu.memory_space<hbm>> -> memref<2944xi32, #tpu.memory_space<hbm>>
    %dma_start3A_336 = arith.constant 0 : i32
    %dma_start3A_337 = tpu.memref_slice %arg3[%dma_start3A_336] : memref<100096xi32, #tpu.memory_space<hbm>> -> memref<2944xi32, #tpu.memory_space<hbm>>
    tpu.enqueue_dma source(%dma_start3A_337 : memref<2944xi32, #tpu.memory_space<hbm>>) target(%arg9 : memref<2944xi32, #tpu.memory_space<vmem>>) target_semaphore(%arg17 : memref<!tpu.dma_semaphore, #tpu.memory_space<semaphore_mem>>)
    %scan3A_338 = arith.constant 0 : i32
    %scan3A_339 = arith.constant 0 : i32
    %scan3A_340 = arith.constant 17 : i32
    %scan3A_341 = arith.addi %scan3A_339, %scan3A_340 : i32
    %scan3A_342 = arith.constant 1 : i32
    %scan3A_343 = scf.for %scan3A_353 = %scan3A_339 to %scan3A_341 step %scan3A_342 iter_args(%scan3A_354 = %scan3A_338) -> (i32)  : i32 {
      %mul3A_355 = arith.constant 2 : i32
      %mul3A_356 = arith.muli %scan3A_353, %mul3A_355 : i32
      %add3A_357 = arith.constant 1 : i32
      %add3A_358 = arith.addi %mul3A_356, %add3A_357 : i32
      %lt3A = arith.constant 34 : i32
      %lt3A_359 = arith.cmpi slt, %add3A_358, %lt3A : i32
      %convert_element_type3A = arith.extui %lt3A_359 : i1 to i32
      %cond3A = arith.constant 0 : i32
      %cond3A_360 = arith.cmpi ne, %convert_element_type3A, %cond3A : i32
      scf.if %cond3A_360 {
        %add3A_547 = arith.constant 1 : i32
        %add3A_548 = arith.addi %mul3A_356, %add3A_547 : i32
        %mul3A_549 = arith.constant 2944 : i32
        %mul3A_550 = arith.muli %add3A_548, %mul3A_549 : i32
        %dma_start3A_551 = tpu.memref_slice %arg2[%add3A_179, %mul3A_550] : memref<1024x100000xf32, #tpu.memory_space<hbm>> -> memref<8x2944xf32, #tpu.memory_space<hbm>>
        %dma_start3A_552 = tpu.memref_slice %arg2[%add3A_179, %mul3A_550] : memref<1024x100000xf32, #tpu.memory_space<hbm>> -> memref<8x2944xf32, #tpu.memory_space<hbm>>
        tpu.enqueue_dma source(%dma_start3A_552 : memref<8x2944xf32, #tpu.memory_space<hbm>>) target(%arg8 : memref<8x2944xf32, #tpu.memory_space<vmem>>) target_semaphore(%arg16 : memref<!tpu.dma_semaphore, #tpu.memory_space<semaphore_mem>>)
        %mul3A_553 = arith.constant 2944 : i32
        %mul3A_554 = arith.muli %add3A_548, %mul3A_553 : i32
        %dma_start3A_555 = tpu.memref_slice %arg3[%mul3A_554] : memref<100096xi32, #tpu.memory_space<hbm>> -> memref<2944xi32, #tpu.memory_space<hbm>>
        %dma_start3A_556 = tpu.memref_slice %arg3[%mul3A_554] : memref<100096xi32, #tpu.memory_space<hbm>> -> memref<2944xi32, #tpu.memory_space<hbm>>
        tpu.enqueue_dma source(%dma_start3A_556 : memref<2944xi32, #tpu.memory_space<hbm>>) target(%arg10 : memref<2944xi32, #tpu.memory_space<vmem>>) target_semaphore(%arg18 : memref<!tpu.dma_semaphore, #tpu.memory_space<semaphore_mem>>)
      } else {
      }
      %dma_wait3A_361 = arith.constant 0 : i32
      %dma_wait3A_362 = tpu.memref_slice %arg2[%add3A_179, %dma_wait3A_361] : memref<1024x100000xf32, #tpu.memory_space<hbm>> -> memref<8x2944xf32, #tpu.memory_space<hbm>>
      %dma_wait3A_363 = arith.constant 0 : i32
      %dma_wait3A_364 = tpu.memref_slice %arg2[%add3A_179, %dma_wait3A_363] : memref<1024x100000xf32, #tpu.memory_space<hbm>> -> memref<8x2944xf32, #tpu.memory_space<hbm>>
      tpu.wait_dma2 semaphore(%arg15 : memref<!tpu.dma_semaphore, #tpu.memory_space<semaphore_mem>>) src(%dma_wait3A_364 : memref<8x2944xf32, #tpu.memory_space<hbm>>) dst(%arg7 : memref<8x2944xf32, #tpu.memory_space<vmem>>)
      %dma_wait3A_365 = arith.constant 0 : i32
      %dma_wait3A_366 = tpu.memref_slice %arg3[%dma_wait3A_365] : memref<100096xi32, #tpu.memory_space<hbm>> -> memref<2944xi32, #tpu.memory_space<hbm>>
      %dma_wait3A_367 = arith.constant 0 : i32
      %dma_wait3A_368 = tpu.memref_slice %arg3[%dma_wait3A_367] : memref<100096xi32, #tpu.memory_space<hbm>> -> memref<2944xi32, #tpu.memory_space<hbm>>
      tpu.wait_dma2 semaphore(%arg17 : memref<!tpu.dma_semaphore, #tpu.memory_space<semaphore_mem>>) src(%dma_wait3A_368 : memref<2944xi32, #tpu.memory_space<hbm>>) dst(%arg9 : memref<2944xi32, #tpu.memory_space<vmem>>)
      %eq3A = arith.constant 33 : i32
      %eq3A_369 = arith.cmpi eq, %mul3A_356, %eq3A : i32
      %convert_element_type3A_370 = arith.extui %eq3A_369 : i1 to i32
      %cond3A_371 = arith.constant 0 : i32
      %cond3A_372 = arith.cmpi ne, %convert_element_type3A_370, %cond3A_371 : i32
      scf.if %cond3A_372 {
        %broadcast_in_dim3A_547 = arith.constant 0xFF800000 : f32
        %broadcast_in_dim3A_548 = vector.broadcast %broadcast_in_dim3A_547 : f32 to vector<16xf32>
        %swap3A_549 = arith.constant 0 : i32
        %swap3A_550 = arith.index_cast %swap3A_549 : i32 to index
        %swap3A_551 = arith.constant 2848 : index
        %swap3A_552 = tpu.vector_load %arg7[%swap3A_550, %swap3A_551] {strides = array<i32>} : memref<8x2944xf32, #tpu.memory_space<vmem>>, vector<1x16xf32>,
        %swap3A_553 = vector.shape_cast %swap3A_552 : vector<1x16xf32> to vector<16xf32>
        %swap3A_554 = vector.shape_cast %broadcast_in_dim3A_548 : vector<16xf32> to vector<1x16xf32>
        tpu.vector_store %arg7[%swap3A_550, %swap3A_551], %swap3A_554 {strides = array<i32>} : memref<8x2944xf32, #tpu.memory_space<vmem>>, vector<1x16xf32>,
        %swap3A_555 = arith.constant 0 : i32
        %swap3A_556 = arith.index_cast %swap3A_555 : i32 to index
        %swap3A_557 = arith.constant 2864 : index
        %swap3A_558 = tpu.vector_load %arg7[%swap3A_556, %swap3A_557] {strides = array<i32>} : memref<8x2944xf32, #tpu.memory_space<vmem>>, vector<1x16xf32>,
        %swap3A_559 = vector.shape_cast %swap3A_558 : vector<1x16xf32> to vector<16xf32>
        %swap3A_560 = vector.shape_cast %broadcast_in_dim3A_548 : vector<16xf32> to vector<1x16xf32>
        tpu.vector_store %arg7[%swap3A_556, %swap3A_557], %swap3A_560 {strides = array<i32>} : memref<8x2944xf32, #tpu.memory_space<vmem>>, vector<1x16xf32>,
        %swap3A_561 = arith.constant 0 : i32
        %swap3A_562 = arith.index_cast %swap3A_561 : i32 to index
        %swap3A_563 = arith.constant 2880 : index
        %swap3A_564 = tpu.vector_load %arg7[%swap3A_562, %swap3A_563] {strides = array<i32>} : memref<8x2944xf32, #tpu.memory_space<vmem>>, vector<1x16xf32>,
        %swap3A_565 = vector.shape_cast %swap3A_564 : vector<1x16xf32> to vector<16xf32>
        %swap3A_566 = vector.shape_cast %broadcast_in_dim3A_548 : vector<16xf32> to vector<1x16xf32>
        tpu.vector_store %arg7[%swap3A_562, %swap3A_563], %swap3A_566 {strides = array<i32>} : memref<8x2944xf32, #tpu.memory_space<vmem>>, vector<1x16xf32>,
        %swap3A_567 = arith.constant 0 : i32
        %swap3A_568 = arith.index_cast %swap3A_567 : i32 to index
        %swap3A_569 = arith.constant 2896 : index
        %swap3A_570 = tpu.vector_load %arg7[%swap3A_568, %swap3A_569] {strides = array<i32>} : memref<8x2944xf32, #tpu.memory_space<vmem>>, vector<1x16xf32>,
        %swap3A_571 = vector.shape_cast %swap3A_570 : vector<1x16xf32> to vector<16xf32>
        %swap3A_572 = vector.shape_cast %broadcast_in_dim3A_548 : vector<16xf32> to vector<1x16xf32>
        tpu.vector_store %arg7[%swap3A_568, %swap3A_569], %swap3A_572 {strides = array<i32>} : memref<8x2944xf32, #tpu.memory_space<vmem>>, vector<1x16xf32>,
        %swap3A_573 = arith.constant 0 : i32
        %swap3A_574 = arith.index_cast %swap3A_573 : i32 to index
        %swap3A_575 = arith.constant 2912 : index
        %swap3A_576 = tpu.vector_load %arg7[%swap3A_574, %swap3A_575] {strides = array<i32>} : memref<8x2944xf32, #tpu.memory_space<vmem>>, vector<1x16xf32>,
        %swap3A_577 = vector.shape_cast %swap3A_576 : vector<1x16xf32> to vector<16xf32>
        %swap3A_578 = vector.shape_cast %broadcast_in_dim3A_548 : vector<16xf32> to vector<1x16xf32>
        tpu.vector_store %arg7[%swap3A_574, %swap3A_575], %swap3A_578 {strides = array<i32>} : memref<8x2944xf32, #tpu.memory_space<vmem>>, vector<1x16xf32>,
        %swap3A_579 = arith.constant 0 : i32
        %swap3A_580 = arith.index_cast %swap3A_579 : i32 to index
        %swap3A_581 = arith.constant 2928 : index
        %swap3A_582 = tpu.vector_load %arg7[%swap3A_580, %swap3A_581] {strides = array<i32>} : memref<8x2944xf32, #tpu.memory_space<vmem>>, vector<1x16xf32>,
        %swap3A_583 = vector.shape_cast %swap3A_582 : vector<1x16xf32> to vector<16xf32>
        %swap3A_584 = vector.shape_cast %broadcast_in_dim3A_548 : vector<16xf32> to vector<1x16xf32>
        tpu.vector_store %arg7[%swap3A_580, %swap3A_581], %swap3A_584 {strides = array<i32>} : memref<8x2944xf32, #tpu.memory_space<vmem>>, vector<1x16xf32>,
        %swap3A_585 = arith.constant 1 : i32
        %swap3A_586 = arith.index_cast %swap3A_585 : i32 to index
        %swap3A_587 = arith.constant 2848 : index
        %swap3A_588 = tpu.vector_load %arg7[%swap3A_586, %swap3A_587] {strides = array<i32>} : memref<8x2944xf32, #tpu.memory_space<vmem>>, vector<1x16xf32>,
        %swap3A_589 = vector.shape_cast %swap3A_588 : vector<1x16xf32> to vector<16xf32>
        %swap3A_590 = vector.shape_cast %broadcast_in_dim3A_548 : vector<16xf32> to vector<1x16xf32>
        tpu.vector_store %arg7[%swap3A_586, %swap3A_587], %swap3A_590 {strides = array<i32>} : memref<8x2944xf32, #tpu.memory_space<vmem>>, vector<1x16xf32>,
        %swap3A_591 = arith.constant 1 : i32
        %swap3A_592 = arith.index_cast %swap3A_591 : i32 to index
        %swap3A_593 = arith.constant 2864 : index
        %swap3A_594 = tpu.vector_load %arg7[%swap3A_592, %swap3A_593] {strides = array<i32>} : memref<8x2944xf32, #tpu.memory_space<vmem>>, vector<1x16xf32>,
        %swap3A_595 = vector.shape_cast %swap3A_594 : vector<1x16xf32> to vector<16xf32>
        %swap3A_596 = vector.shape_cast %broadcast_in_dim3A_548 : vector<16xf32> to vector<1x16xf32>
        tpu.vector_store %arg7[%swap3A_592, %swap3A_593], %swap3A_596 {strides = array<i32>} : memref<8x2944xf32, #tpu.memory_space<vmem>>, vector<1x16xf32>,
        %swap3A_597 = arith.constant 1 : i32
        %swap3A_598 = arith.index_cast %swap3A_597 : i32 to index
        %swap3A_599 = arith.constant 2880 : index
        %swap3A_600 = tpu.vector_load %arg7[%swap3A_598, %swap3A_599] {strides = array<i32>} : memref<8x2944xf32, #tpu.memory_space<vmem>>, vector<1x16xf32>,
        %swap3A_601 = vector.shape_cast %swap3A_600 : vector<1x16xf32> to vector<16xf32>
        %swap3A_602 = vector.shape_cast %broadcast_in_dim3A_548 : vector<16xf32> to vector<1x16xf32>
        tpu.vector_store %arg7[%swap3A_598, %swap3A_599], %swap3A_602 {strides = array<i32>} : memref<8x2944xf32, #tpu.memory_space<vmem>>, vector<1x16xf32>,
        %swap3A_603 = arith.constant 1 : i32
        %swap3A_604 = arith.index_cast %swap3A_603 : i32 to index
        %swap3A_605 = arith.constant 2896 : index
        %swap3A_606 = tpu.vector_load %arg7[%swap3A_604, %swap3A_605] {strides = array<i32>} : memref<8x2944xf32, #tpu.memory_space<vmem>>, vector<1x16xf32>,
        %swap3A_607 = vector.shape_cast %swap3A_606 : vector<1x16xf32> to vector<16xf32>
        %swap3A_608 = vector.shape_cast %broadcast_in_dim3A_548 : vector<16xf32> to vector<1x16xf32>
        tpu.vector_store %arg7[%swap3A_604, %swap3A_605], %swap3A_608 {strides = array<i32>} : memref<8x2944xf32, #tpu.memory_space<vmem>>, vector<1x16xf32>,
        %swap3A_609 = arith.constant 1 : i32
        %swap3A_610 = arith.index_cast %swap3A_609 : i32 to index
        %swap3A_611 = arith.constant 2912 : index
        %swap3A_612 = tpu.vector_load %arg7[%swap3A_610, %swap3A_611] {strides = array<i32>} : memref<8x2944xf32, #tpu.memory_space<vmem>>, vector<1x16xf32>,
        %swap3A_613 = vector.shape_cast %swap3A_612 : vector<1x16xf32> to vector<16xf32>
        %swap3A_614 = vector.shape_cast %broadcast_in_dim3A_548 : vector<16xf32> to vector<1x16xf32>
        tpu.vector_store %arg7[%swap3A_610, %swap3A_611], %swap3A_614 {strides = array<i32>} : memref<8x2944xf32, #tpu.memory_space<vmem>>, vector<1x16xf32>,
        %swap3A_615 = arith.constant 1 : i32
        %swap3A_616 = arith.index_cast %swap3A_615 : i32 to index
        %swap3A_617 = arith.constant 2928 : index
        %swap3A_618 = tpu.vector_load %arg7[%swap3A_616, %swap3A_617] {strides = array<i32>} : memref<8x2944xf32, #tpu.memory_space<vmem>>, vector<1x16xf32>,
        %swap3A_619 = vector.shape_cast %swap3A_618 : vector<1x16xf32> to vector<16xf32>
        %swap3A_620 = vector.shape_cast %broadcast_in_dim3A_548 : vector<16xf32> to vector<1x16xf32>
        tpu.vector_store %arg7[%swap3A_616, %swap3A_617], %swap3A_620 {strides = array<i32>} : memref<8x2944xf32, #tpu.memory_space<vmem>>, vector<1x16xf32>,
        %swap3A_621 = arith.constant 2 : i32
        %swap3A_622 = arith.index_cast %swap3A_621 : i32 to index
        %swap3A_623 = arith.constant 2848 : index
        %swap3A_624 = tpu.vector_load %arg7[%swap3A_622, %swap3A_623] {strides = array<i32>} : memref<8x2944xf32, #tpu.memory_space<vmem>>, vector<1x16xf32>,
        %swap3A_625 = vector.shape_cast %swap3A_624 : vector<1x16xf32> to vector<16xf32>
        %swap3A_626 = vector.shape_cast %broadcast_in_dim3A_548 : vector<16xf32> to vector<1x16xf32>
        tpu.vector_store %arg7[%swap3A_622, %swap3A_623], %swap3A_626 {strides = array<i32>} : memref<8x2944xf32, #tpu.memory_space<vmem>>, vector<1x16xf32>,
        %swap3A_627 = arith.constant 2 : i32
        %swap3A_628 = arith.index_cast %swap3A_627 : i32 to index
        %swap3A_629 = arith.constant 2864 : index
        %swap3A_630 = tpu.vector_load %arg7[%swap3A_628, %swap3A_629] {strides = array<i32>} : memref<8x2944xf32, #tpu.memory_space<vmem>>, vector<1x16xf32>,
        %swap3A_631 = vector.shape_cast %swap3A_630 : vector<1x16xf32> to vector<16xf32>
        %swap3A_632 = vector.shape_cast %broadcast_in_dim3A_548 : vector<16xf32> to vector<1x16xf32>
        tpu.vector_store %arg7[%swap3A_628, %swap3A_629], %swap3A_632 {strides = array<i32>} : memref<8x2944xf32, #tpu.memory_space<vmem>>, vector<1x16xf32>,
        %swap3A_633 = arith.constant 2 : i32
        %swap3A_634 = arith.index_cast %swap3A_633 : i32 to index
        %swap3A_635 = arith.constant 2880 : index
        %swap3A_636 = tpu.vector_load %arg7[%swap3A_634, %swap3A_635] {strides = array<i32>} : memref<8x2944xf32, #tpu.memory_space<vmem>>, vector<1x16xf32>,
        %swap3A_637 = vector.shape_cast %swap3A_636 : vector<1x16xf32> to vector<16xf32>
        %swap3A_638 = vector.shape_cast %broadcast_in_dim3A_548 : vector<16xf32> to vector<1x16xf32>
        tpu.vector_store %arg7[%swap3A_634, %swap3A_635], %swap3A_638 {strides = array<i32>} : memref<8x2944xf32, #tpu.memory_space<vmem>>, vector<1x16xf32>,
        %swap3A_639 = arith.constant 2 : i32
        %swap3A_640 = arith.index_cast %swap3A_639 : i32 to index
        %swap3A_641 = arith.constant 2896 : index
        %swap3A_642 = tpu.vector_load %arg7[%swap3A_640, %swap3A_641] {strides = array<i32>} : memref<8x2944xf32, #tpu.memory_space<vmem>>, vector<1x16xf32>,
        %swap3A_643 = vector.shape_cast %swap3A_642 : vector<1x16xf32> to vector<16xf32>
        %swap3A_644 = vector.shape_cast %broadcast_in_dim3A_548 : vector<16xf32> to vector<1x16xf32>
        tpu.vector_store %arg7[%swap3A_640, %swap3A_641], %swap3A_644 {strides = array<i32>} : memref<8x2944xf32, #tpu.memory_space<vmem>>, vector<1x16xf32>,
        %swap3A_645 = arith.constant 2 : i32
        %swap3A_646 = arith.index_cast %swap3A_645 : i32 to index
        %swap3A_647 = arith.constant 2912 : index
        %swap3A_648 = tpu.vector_load %arg7[%swap3A_646, %swap3A_647] {strides = array<i32>} : memref<8x2944xf32, #tpu.memory_space<vmem>>, vector<1x16xf32>,
        %swap3A_649 = vector.shape_cast %swap3A_648 : vector<1x16xf32> to vector<16xf32>
        %swap3A_650 = vector.shape_cast %broadcast_in_dim3A_548 : vector<16xf32> to vector<1x16xf32>
        tpu.vector_store %arg7[%swap3A_646, %swap3A_647], %swap3A_650 {strides = array<i32>} : memref<8x2944xf32, #tpu.memory_space<vmem>>, vector<1x16xf32>,
        %swap3A_651 = arith.constant 2 : i32
        %swap3A_652 = arith.index_cast %swap3A_651 : i32 to index
        %swap3A_653 = arith.constant 2928 : index
        %swap3A_654 = tpu.vector_load %arg7[%swap3A_652, %swap3A_653] {strides = array<i32>} : memref<8x2944xf32, #tpu.memory_space<vmem>>, vector<1x16xf32>,
        %swap3A_655 = vector.shape_cast %swap3A_654 : vector<1x16xf32> to vector<16xf32>
        %swap3A_656 = vector.shape_cast %broadcast_in_dim3A_548 : vector<16xf32> to vector<1x16xf32>
        tpu.vector_store %arg7[%swap3A_652, %swap3A_653], %swap3A_656 {strides = array<i32>} : memref<8x2944xf32, #tpu.memory_space<vmem>>, vector<1x16xf32>,
        %swap3A_657 = arith.constant 3 : i32
        %swap3A_658 = arith.index_cast %swap3A_657 : i32 to index
        %swap3A_659 = arith.constant 2848 : index
        %swap3A_660 = tpu.vector_load %arg7[%swap3A_658, %swap3A_659] {strides = array<i32>} : memref<8x2944xf32, #tpu.memory_space<vmem>>, vector<1x16xf32>,
        %swap3A_661 = vector.shape_cast %swap3A_660 : vector<1x16xf32> to vector<16xf32>
        %swap3A_662 = vector.shape_cast %broadcast_in_dim3A_548 : vector<16xf32> to vector<1x16xf32>
        tpu.vector_store %arg7[%swap3A_658, %swap3A_659], %swap3A_662 {strides = array<i32>} : memref<8x2944xf32, #tpu.memory_space<vmem>>, vector<1x16xf32>,
        %swap3A_663 = arith.constant 3 : i32
        %swap3A_664 = arith.index_cast %swap3A_663 : i32 to index
        %swap3A_665 = arith.constant 2864 : index
        %swap3A_666 = tpu.vector_load %arg7[%swap3A_664, %swap3A_665] {strides = array<i32>} : memref<8x2944xf32, #tpu.memory_space<vmem>>, vector<1x16xf32>,
        %swap3A_667 = vector.shape_cast %swap3A_666 : vector<1x16xf32> to vector<16xf32>
        %swap3A_668 = vector.shape_cast %broadcast_in_dim3A_548 : vector<16xf32> to vector<1x16xf32>
        tpu.vector_store %arg7[%swap3A_664, %swap3A_665], %swap3A_668 {strides = array<i32>} : memref<8x2944xf32, #tpu.memory_space<vmem>>, vector<1x16xf32>,
        %swap3A_669 = arith.constant 3 : i32
        %swap3A_670 = arith.index_cast %swap3A_669 : i32 to index
        %swap3A_671 = arith.constant 2880 : index
        %swap3A_672 = tpu.vector_load %arg7[%swap3A_670, %swap3A_671] {strides = array<i32>} : memref<8x2944xf32, #tpu.memory_space<vmem>>, vector<1x16xf32>,
        %swap3A_673 = vector.shape_cast %swap3A_672 : vector<1x16xf32> to vector<16xf32>
        %swap3A_674 = vector.shape_cast %broadcast_in_dim3A_548 : vector<16xf32> to vector<1x16xf32>
        tpu.vector_store %arg7[%swap3A_670, %swap3A_671], %swap3A_674 {strides = array<i32>} : memref<8x2944xf32, #tpu.memory_space<vmem>>, vector<1x16xf32>,
        %swap3A_675 = arith.constant 3 : i32
        %swap3A_676 = arith.index_cast %swap3A_675 : i32 to index
        %swap3A_677 = arith.constant 2896 : index
        %swap3A_678 = tpu.vector_load %arg7[%swap3A_676, %swap3A_677] {strides = array<i32>} : memref<8x2944xf32, #tpu.memory_space<vmem>>, vector<1x16xf32>,
        %swap3A_679 = vector.shape_cast %swap3A_678 : vector<1x16xf32> to vector<16xf32>
        %swap3A_680 = vector.shape_cast %broadcast_in_dim3A_548 : vector<16xf32> to vector<1x16xf32>
        tpu.vector_store %arg7[%swap3A_676, %swap3A_677], %swap3A_680 {strides = array<i32>} : memref<8x2944xf32, #tpu.memory_space<vmem>>, vector<1x16xf32>,
        %swap3A_681 = arith.constant 3 : i32
        %swap3A_682 = arith.index_cast %swap3A_681 : i32 to index
        %swap3A_683 = arith.constant 2912 : index
        %swap3A_684 = tpu.vector_load %arg7[%swap3A_682, %swap3A_683] {strides = array<i32>} : memref<8x2944xf32, #tpu.memory_space<vmem>>, vector<1x16xf32>,
        %swap3A_685 = vector.shape_cast %swap3A_684 : vector<1x16xf32> to vector<16xf32>
        %swap3A_686 = vector.shape_cast %broadcast_in_dim3A_548 : vector<16xf32> to vector<1x16xf32>
        tpu.vector_store %arg7[%swap3A_682, %swap3A_683], %swap3A_686 {strides = array<i32>} : memref<8x2944xf32, #tpu.memory_space<vmem>>, vector<1x16xf32>,
        %swap3A_687 = arith.constant 3 : i32
        %swap3A_688 = arith.index_cast %swap3A_687 : i32 to index
        %swap3A_689 = arith.constant 2928 : index
        %swap3A_690 = tpu.vector_load %arg7[%swap3A_688, %swap3A_689] {strides = array<i32>} : memref<8x2944xf32, #tpu.memory_space<vmem>>, vector<1x16xf32>,
        %swap3A_691 = vector.shape_cast %swap3A_690 : vector<1x16xf32> to vector<16xf32>
        %swap3A_692 = vector.shape_cast %broadcast_in_dim3A_548 : vector<16xf32> to vector<1x16xf32>
        tpu.vector_store %arg7[%swap3A_688, %swap3A_689], %swap3A_692 {strides = array<i32>} : memref<8x2944xf32, #tpu.memory_space<vmem>>, vector<1x16xf32>,
        %swap3A_693 = arith.constant 4 : i32
        %swap3A_694 = arith.index_cast %swap3A_693 : i32 to index
        %swap3A_695 = arith.constant 2848 : index
        %swap3A_696 = tpu.vector_load %arg7[%swap3A_694, %swap3A_695] {strides = array<i32>} : memref<8x2944xf32, #tpu.memory_space<vmem>>, vector<1x16xf32>,
        %swap3A_697 = vector.shape_cast %swap3A_696 : vector<1x16xf32> to vector<16xf32>
        %swap3A_698 = vector.shape_cast %broadcast_in_dim3A_548 : vector<16xf32> to vector<1x16xf32>
        tpu.vector_store %arg7[%swap3A_694, %swap3A_695], %swap3A_698 {strides = array<i32>} : memref<8x2944xf32, #tpu.memory_space<vmem>>, vector<1x16xf32>,
        %swap3A_699 = arith.constant 4 : i32
        %swap3A_700 = arith.index_cast %swap3A_699 : i32 to index
        %swap3A_701 = arith.constant 2864 : index
        %swap3A_702 = tpu.vector_load %arg7[%swap3A_700, %swap3A_701] {strides = array<i32>} : memref<8x2944xf32, #tpu.memory_space<vmem>>, vector<1x16xf32>,
        %swap3A_703 = vector.shape_cast %swap3A_702 : vector<1x16xf32> to vector<16xf32>
        %swap3A_704 = vector.shape_cast %broadcast_in_dim3A_548 : vector<16xf32> to vector<1x16xf32>
        tpu.vector_store %arg7[%swap3A_700, %swap3A_701], %swap3A_704 {strides = array<i32>} : memref<8x2944xf32, #tpu.memory_space<vmem>>, vector<1x16xf32>,
        %swap3A_705 = arith.constant 4 : i32
        %swap3A_706 = arith.index_cast %swap3A_705 : i32 to index
        %swap3A_707 = arith.constant 2880 : index
        %swap3A_708 = tpu.vector_load %arg7[%swap3A_706, %swap3A_707] {strides = array<i32>} : memref<8x2944xf32, #tpu.memory_space<vmem>>, vector<1x16xf32>,
        %swap3A_709 = vector.shape_cast %swap3A_708 : vector<1x16xf32> to vector<16xf32>
        %swap3A_710 = vector.shape_cast %broadcast_in_dim3A_548 : vector<16xf32> to vector<1x16xf32>
        tpu.vector_store %arg7[%swap3A_706, %swap3A_707], %swap3A_710 {strides = array<i32>} : memref<8x2944xf32, #tpu.memory_space<vmem>>, vector<1x16xf32>,
        %swap3A_711 = arith.constant 4 : i32
        %swap3A_712 = arith.index_cast %swap3A_711 : i32 to index
        %swap3A_713 = arith.constant 2896 : index
        %swap3A_714 = tpu.vector_load %arg7[%swap3A_712, %swap3A_713] {strides = array<i32>} : memref<8x2944xf32, #tpu.memory_space<vmem>>, vector<1x16xf32>,
        %swap3A_715 = vector.shape_cast %swap3A_714 : vector<1x16xf32> to vector<16xf32>
        %swap3A_716 = vector.shape_cast %broadcast_in_dim3A_548 : vector<16xf32> to vector<1x16xf32>
        tpu.vector_store %arg7[%swap3A_712, %swap3A_713], %swap3A_716 {strides = array<i32>} : memref<8x2944xf32, #tpu.memory_space<vmem>>, vector<1x16xf32>,
        %swap3A_717 = arith.constant 4 : i32
        %swap3A_718 = arith.index_cast %swap3A_717 : i32 to index
        %swap3A_719 = arith.constant 2912 : index
        %swap3A_720 = tpu.vector_load %arg7[%swap3A_718, %swap3A_719] {strides = array<i32>} : memref<8x2944xf32, #tpu.memory_space<vmem>>, vector<1x16xf32>,
        %swap3A_721 = vector.shape_cast %swap3A_720 : vector<1x16xf32> to vector<16xf32>
        %swap3A_722 = vector.shape_cast %broadcast_in_dim3A_548 : vector<16xf32> to vector<1x16xf32>
        tpu.vector_store %arg7[%swap3A_718, %swap3A_719], %swap3A_722 {strides = array<i32>} : memref<8x2944xf32, #tpu.memory_space<vmem>>, vector<1x16xf32>,
        %swap3A_723 = arith.constant 4 : i32
        %swap3A_724 = arith.index_cast %swap3A_723 : i32 to index
        %swap3A_725 = arith.constant 2928 : index
        %swap3A_726 = tpu.vector_load %arg7[%swap3A_724, %swap3A_725] {strides = array<i32>} : memref<8x2944xf32, #tpu.memory_space<vmem>>, vector<1x16xf32>,
        %swap3A_727 = vector.shape_cast %swap3A_726 : vector<1x16xf32> to vector<16xf32>
        %swap3A_728 = vector.shape_cast %broadcast_in_dim3A_548 : vector<16xf32> to vector<1x16xf32>
        tpu.vector_store %arg7[%swap3A_724, %swap3A_725], %swap3A_728 {strides = array<i32>} : memref<8x2944xf32, #tpu.memory_space<vmem>>, vector<1x16xf32>,
        %swap3A_729 = arith.constant 5 : i32
        %swap3A_730 = arith.index_cast %swap3A_729 : i32 to index
        %swap3A_731 = arith.constant 2848 : index
        %swap3A_732 = tpu.vector_load %arg7[%swap3A_730, %swap3A_731] {strides = array<i32>} : memref<8x2944xf32, #tpu.memory_space<vmem>>, vector<1x16xf32>,
        %swap3A_733 = vector.shape_cast %swap3A_732 : vector<1x16xf32> to vector<16xf32>
        %swap3A_734 = vector.shape_cast %broadcast_in_dim3A_548 : vector<16xf32> to vector<1x16xf32>
        tpu.vector_store %arg7[%swap3A_730, %swap3A_731], %swap3A_734 {strides = array<i32>} : memref<8x2944xf32, #tpu.memory_space<vmem>>, vector<1x16xf32>,
        %swap3A_735 = arith.constant 5 : i32
        %swap3A_736 = arith.index_cast %swap3A_735 : i32 to index
        %swap3A_737 = arith.constant 2864 : index
        %swap3A_738 = tpu.vector_load %arg7[%swap3A_736, %swap3A_737] {strides = array<i32>} : memref<8x2944xf32, #tpu.memory_space<vmem>>, vector<1x16xf32>,
        %swap3A_739 = vector.shape_cast %swap3A_738 : vector<1x16xf32> to vector<16xf32>
        %swap3A_740 = vector.shape_cast %broadcast_in_dim3A_548 : vector<16xf32> to vector<1x16xf32>
        tpu.vector_store %arg7[%swap3A_736, %swap3A_737], %swap3A_740 {strides = array<i32>} : memref<8x2944xf32, #tpu.memory_space<vmem>>, vector<1x16xf32>,
        %swap3A_741 = arith.constant 5 : i32
        %swap3A_742 = arith.index_cast %swap3A_741 : i32 to index
        %swap3A_743 = arith.constant 2880 : index
        %swap3A_744 = tpu.vector_load %arg7[%swap3A_742, %swap3A_743] {strides = array<i32>} : memref<8x2944xf32, #tpu.memory_space<vmem>>, vector<1x16xf32>,
        %swap3A_745 = vector.shape_cast %swap3A_744 : vector<1x16xf32> to vector<16xf32>
        %swap3A_746 = vector.shape_cast %broadcast_in_dim3A_548 : vector<16xf32> to vector<1x16xf32>
        tpu.vector_store %arg7[%swap3A_742, %swap3A_743], %swap3A_746 {strides = array<i32>} : memref<8x2944xf32, #tpu.memory_space<vmem>>, vector<1x16xf32>,
        %swap3A_747 = arith.constant 5 : i32
        %swap3A_748 = arith.index_cast %swap3A_747 : i32 to index
        %swap3A_749 = arith.constant 2896 : index
        %swap3A_750 = tpu.vector_load %arg7[%swap3A_748, %swap3A_749] {strides = array<i32>} : memref<8x2944xf32, #tpu.memory_space<vmem>>, vector<1x16xf32>,
        %swap3A_751 = vector.shape_cast %swap3A_750 : vector<1x16xf32> to vector<16xf32>
        %swap3A_752 = vector.shape_cast %broadcast_in_dim3A_548 : vector<16xf32> to vector<1x16xf32>
        tpu.vector_store %arg7[%swap3A_748, %swap3A_749], %swap3A_752 {strides = array<i32>} : memref<8x2944xf32, #tpu.memory_space<vmem>>, vector<1x16xf32>,
        %swap3A_753 = arith.constant 5 : i32
        %swap3A_754 = arith.index_cast %swap3A_753 : i32 to index
        %swap3A_755 = arith.constant 2912 : index
        %swap3A_756 = tpu.vector_load %arg7[%swap3A_754, %swap3A_755] {strides = array<i32>} : memref<8x2944xf32, #tpu.memory_space<vmem>>, vector<1x16xf32>,
        %swap3A_757 = vector.shape_cast %swap3A_756 : vector<1x16xf32> to vector<16xf32>
        %swap3A_758 = vector.shape_cast %broadcast_in_dim3A_548 : vector<16xf32> to vector<1x16xf32>
        tpu.vector_store %arg7[%swap3A_754, %swap3A_755], %swap3A_758 {strides = array<i32>} : memref<8x2944xf32, #tpu.memory_space<vmem>>, vector<1x16xf32>,
        %swap3A_759 = arith.constant 5 : i32
        %swap3A_760 = arith.index_cast %swap3A_759 : i32 to index
        %swap3A_761 = arith.constant 2928 : index
        %swap3A_762 = tpu.vector_load %arg7[%swap3A_760, %swap3A_761] {strides = array<i32>} : memref<8x2944xf32, #tpu.memory_space<vmem>>, vector<1x16xf32>,
        %swap3A_763 = vector.shape_cast %swap3A_762 : vector<1x16xf32> to vector<16xf32>
        %swap3A_764 = vector.shape_cast %broadcast_in_dim3A_548 : vector<16xf32> to vector<1x16xf32>
        tpu.vector_store %arg7[%swap3A_760, %swap3A_761], %swap3A_764 {strides = array<i32>} : memref<8x2944xf32, #tpu.memory_space<vmem>>, vector<1x16xf32>,
        %swap3A_765 = arith.constant 6 : i32
        %swap3A_766 = arith.index_cast %swap3A_765 : i32 to index
        %swap3A_767 = arith.constant 2848 : index
        %swap3A_768 = tpu.vector_load %arg7[%swap3A_766, %swap3A_767] {strides = array<i32>} : memref<8x2944xf32, #tpu.memory_space<vmem>>, vector<1x16xf32>,
        %swap3A_769 = vector.shape_cast %swap3A_768 : vector<1x16xf32> to vector<16xf32>
        %swap3A_770 = vector.shape_cast %broadcast_in_dim3A_548 : vector<16xf32> to vector<1x16xf32>
        tpu.vector_store %arg7[%swap3A_766, %swap3A_767], %swap3A_770 {strides = array<i32>} : memref<8x2944xf32, #tpu.memory_space<vmem>>, vector<1x16xf32>,
        %swap3A_771 = arith.constant 6 : i32
        %swap3A_772 = arith.index_cast %swap3A_771 : i32 to index
        %swap3A_773 = arith.constant 2864 : index
        %swap3A_774 = tpu.vector_load %arg7[%swap3A_772, %swap3A_773] {strides = array<i32>} : memref<8x2944xf32, #tpu.memory_space<vmem>>, vector<1x16xf32>,
        %swap3A_775 = vector.shape_cast %swap3A_774 : vector<1x16xf32> to vector<16xf32>
        %swap3A_776 = vector.shape_cast %broadcast_in_dim3A_548 : vector<16xf32> to vector<1x16xf32>
        tpu.vector_store %arg7[%swap3A_772, %swap3A_773], %swap3A_776 {strides = array<i32>} : memref<8x2944xf32, #tpu.memory_space<vmem>>, vector<1x16xf32>,
        %swap3A_777 = arith.constant 6 : i32
        %swap3A_778 = arith.index_cast %swap3A_777 : i32 to index
        %swap3A_779 = arith.constant 2880 : index
        %swap3A_780 = tpu.vector_load %arg7[%swap3A_778, %swap3A_779] {strides = array<i32>} : memref<8x2944xf32, #tpu.memory_space<vmem>>, vector<1x16xf32>,
        %swap3A_781 = vector.shape_cast %swap3A_780 : vector<1x16xf32> to vector<16xf32>
        %swap3A_782 = vector.shape_cast %broadcast_in_dim3A_548 : vector<16xf32> to vector<1x16xf32>
        tpu.vector_store %arg7[%swap3A_778, %swap3A_779], %swap3A_782 {strides = array<i32>} : memref<8x2944xf32, #tpu.memory_space<vmem>>, vector<1x16xf32>,
        %swap3A_783 = arith.constant 6 : i32
        %swap3A_784 = arith.index_cast %swap3A_783 : i32 to index
        %swap3A_785 = arith.constant 2896 : index
        %swap3A_786 = tpu.vector_load %arg7[%swap3A_784, %swap3A_785] {strides = array<i32>} : memref<8x2944xf32, #tpu.memory_space<vmem>>, vector<1x16xf32>,
        %swap3A_787 = vector.shape_cast %swap3A_786 : vector<1x16xf32> to vector<16xf32>
        %swap3A_788 = vector.shape_cast %broadcast_in_dim3A_548 : vector<16xf32> to vector<1x16xf32>
        tpu.vector_store %arg7[%swap3A_784, %swap3A_785], %swap3A_788 {strides = array<i32>} : memref<8x2944xf32, #tpu.memory_space<vmem>>, vector<1x16xf32>,
        %swap3A_789 = arith.constant 6 : i32
        %swap3A_790 = arith.index_cast %swap3A_789 : i32 to index
        %swap3A_791 = arith.constant 2912 : index
        %swap3A_792 = tpu.vector_load %arg7[%swap3A_790, %swap3A_791] {strides = array<i32>} : memref<8x2944xf32, #tpu.memory_space<vmem>>, vector<1x16xf32>,
        %swap3A_793 = vector.shape_cast %swap3A_792 : vector<1x16xf32> to vector<16xf32>
        %swap3A_794 = vector.shape_cast %broadcast_in_dim3A_548 : vector<16xf32> to vector<1x16xf32>
        tpu.vector_store %arg7[%swap3A_790, %swap3A_791], %swap3A_794 {strides = array<i32>} : memref<8x2944xf32, #tpu.memory_space<vmem>>, vector<1x16xf32>,
        %swap3A_795 = arith.constant 6 : i32
        %swap3A_796 = arith.index_cast %swap3A_795 : i32 to index
        %swap3A_797 = arith.constant 2928 : index
        %swap3A_798 = tpu.vector_load %arg7[%swap3A_796, %swap3A_797] {strides = array<i32>} : memref<8x2944xf32, #tpu.memory_space<vmem>>, vector<1x16xf32>,
        %swap3A_799 = vector.shape_cast %swap3A_798 : vector<1x16xf32> to vector<16xf32>
        %swap3A_800 = vector.shape_cast %broadcast_in_dim3A_548 : vector<16xf32> to vector<1x16xf32>
        tpu.vector_store %arg7[%swap3A_796, %swap3A_797], %swap3A_800 {strides = array<i32>} : memref<8x2944xf32, #tpu.memory_space<vmem>>, vector<1x16xf32>,
        %swap3A_801 = arith.constant 7 : i32
        %swap3A_802 = arith.index_cast %swap3A_801 : i32 to index
        %swap3A_803 = arith.constant 2848 : index
        %swap3A_804 = tpu.vector_load %arg7[%swap3A_802, %swap3A_803] {strides = array<i32>} : memref<8x2944xf32, #tpu.memory_space<vmem>>, vector<1x16xf32>,
        %swap3A_805 = vector.shape_cast %swap3A_804 : vector<1x16xf32> to vector<16xf32>
        %swap3A_806 = vector.shape_cast %broadcast_in_dim3A_548 : vector<16xf32> to vector<1x16xf32>
        tpu.vector_store %arg7[%swap3A_802, %swap3A_803], %swap3A_806 {strides = array<i32>} : memref<8x2944xf32, #tpu.memory_space<vmem>>, vector<1x16xf32>,
        %swap3A_807 = arith.constant 7 : i32
        %swap3A_808 = arith.index_cast %swap3A_807 : i32 to index
        %swap3A_809 = arith.constant 2864 : index
        %swap3A_810 = tpu.vector_load %arg7[%swap3A_808, %swap3A_809] {strides = array<i32>} : memref<8x2944xf32, #tpu.memory_space<vmem>>, vector<1x16xf32>,
        %swap3A_811 = vector.shape_cast %swap3A_810 : vector<1x16xf32> to vector<16xf32>
        %swap3A_812 = vector.shape_cast %broadcast_in_dim3A_548 : vector<16xf32> to vector<1x16xf32>
        tpu.vector_store %arg7[%swap3A_808, %swap3A_809], %swap3A_812 {strides = array<i32>} : memref<8x2944xf32, #tpu.memory_space<vmem>>, vector<1x16xf32>,
        %swap3A_813 = arith.constant 7 : i32
        %swap3A_814 = arith.index_cast %swap3A_813 : i32 to index
        %swap3A_815 = arith.constant 2880 : index
        %swap3A_816 = tpu.vector_load %arg7[%swap3A_814, %swap3A_815] {strides = array<i32>} : memref<8x2944xf32, #tpu.memory_space<vmem>>, vector<1x16xf32>,
        %swap3A_817 = vector.shape_cast %swap3A_816 : vector<1x16xf32> to vector<16xf32>
        %swap3A_818 = vector.shape_cast %broadcast_in_dim3A_548 : vector<16xf32> to vector<1x16xf32>
        tpu.vector_store %arg7[%swap3A_814, %swap3A_815], %swap3A_818 {strides = array<i32>} : memref<8x2944xf32, #tpu.memory_space<vmem>>, vector<1x16xf32>,
        %swap3A_819 = arith.constant 7 : i32
        %swap3A_820 = arith.index_cast %swap3A_819 : i32 to index
        %swap3A_821 = arith.constant 2896 : index
        %swap3A_822 = tpu.vector_load %arg7[%swap3A_820, %swap3A_821] {strides = array<i32>} : memref<8x2944xf32, #tpu.memory_space<vmem>>, vector<1x16xf32>,
        %swap3A_823 = vector.shape_cast %swap3A_822 : vector<1x16xf32> to vector<16xf32>
        %swap3A_824 = vector.shape_cast %broadcast_in_dim3A_548 : vector<16xf32> to vector<1x16xf32>
        tpu.vector_store %arg7[%swap3A_820, %swap3A_821], %swap3A_824 {strides = array<i32>} : memref<8x2944xf32, #tpu.memory_space<vmem>>, vector<1x16xf32>,
        %swap3A_825 = arith.constant 7 : i32
        %swap3A_826 = arith.index_cast %swap3A_825 : i32 to index
        %swap3A_827 = arith.constant 2912 : index
        %swap3A_828 = tpu.vector_load %arg7[%swap3A_826, %swap3A_827] {strides = array<i32>} : memref<8x2944xf32, #tpu.memory_space<vmem>>, vector<1x16xf32>,
        %swap3A_829 = vector.shape_cast %swap3A_828 : vector<1x16xf32> to vector<16xf32>
        %swap3A_830 = vector.shape_cast %broadcast_in_dim3A_548 : vector<16xf32> to vector<1x16xf32>
        tpu.vector_store %arg7[%swap3A_826, %swap3A_827], %swap3A_830 {strides = array<i32>} : memref<8x2944xf32, #tpu.memory_space<vmem>>, vector<1x16xf32>,
        %swap3A_831 = arith.constant 7 : i32
        %swap3A_832 = arith.index_cast %swap3A_831 : i32 to index
        %swap3A_833 = arith.constant 2928 : index
        %swap3A_834 = tpu.vector_load %arg7[%swap3A_832, %swap3A_833] {strides = array<i32>} : memref<8x2944xf32, #tpu.memory_space<vmem>>, vector<1x16xf32>,
        %swap3A_835 = vector.shape_cast %swap3A_834 : vector<1x16xf32> to vector<16xf32>
        %swap3A_836 = vector.shape_cast %broadcast_in_dim3A_548 : vector<16xf32> to vector<1x16xf32>
        tpu.vector_store %arg7[%swap3A_832, %swap3A_833], %swap3A_836 {strides = array<i32>} : memref<8x2944xf32, #tpu.memory_space<vmem>>, vector<1x16xf32>,
      } else {
      }
      %broadcast_in_dim3A_373 = arith.constant 0.000000e+00 : f32
      %broadcast_in_dim3A_374 = vector.broadcast %broadcast_in_dim3A_373 : f32 to vector<16xf32>
      %broadcast_in_dim3A_375 = arith.constant 0.000000e+00 : f32
      %broadcast_in_dim3A_376 = vector.broadcast %broadcast_in_dim3A_375 : f32 to vector<16xf32>
      %broadcast_in_dim3A_377 = arith.constant 0.000000e+00 : f32
      %broadcast_in_dim3A_378 = vector.broadcast %broadcast_in_dim3A_377 : f32 to vector<16xf32>
      %broadcast_in_dim3A_379 = arith.constant 0.000000e+00 : f32
      %broadcast_in_dim3A_380 = vector.broadcast %broadcast_in_dim3A_379 : f32 to vector<16xf32>
      %broadcast_in_dim3A_381 = arith.constant 0.000000e+00 : f32
      %broadcast_in_dim3A_382 = vector.broadcast %broadcast_in_dim3A_381 : f32 to vector<16xf32>
      %broadcast_in_dim3A_383 = arith.constant 0.000000e+00 : f32
      %broadcast_in_dim3A_384 = vector.broadcast %broadcast_in_dim3A_383 : f32 to vector<16xf32>
      %broadcast_in_dim3A_385 = arith.constant 0.000000e+00 : f32
      %broadcast_in_dim3A_386 = vector.broadcast %broadcast_in_dim3A_385 : f32 to vector<16xf32>
      %broadcast_in_dim3A_387 = arith.constant 0.000000e+00 : f32
      %broadcast_in_dim3A_388 = vector.broadcast %broadcast_in_dim3A_387 : f32 to vector<16xf32>
      %broadcast_in_dim3A_389 = arith.constant 0.000000e+00 : f32
      %broadcast_in_dim3A_390 = vector.broadcast %broadcast_in_dim3A_389 : f32 to vector<16xf32>
      %broadcast_in_dim3A_391 = arith.constant 0.000000e+00 : f32
      %broadcast_in_dim3A_392 = vector.broadcast %broadcast_in_dim3A_391 : f32 to vector<16xf32>
      %broadcast_in_dim3A_393 = arith.constant 0.000000e+00 : f32
      %broadcast_in_dim3A_394 = vector.broadcast %broadcast_in_dim3A_393 : f32 to vector<16xf32>
      %broadcast_in_dim3A_395 = arith.constant 0.000000e+00 : f32
      %broadcast_in_dim3A_396 = vector.broadcast %broadcast_in_dim3A_395 : f32 to vector<16xf32>
      %broadcast_in_dim3A_397 = arith.constant 0.000000e+00 : f32
      %broadcast_in_dim3A_398 = vector.broadcast %broadcast_in_dim3A_397 : f32 to vector<16xf32>
      %broadcast_in_dim3A_399 = arith.constant 0.000000e+00 : f32
      %broadcast_in_dim3A_400 = vector.broadcast %broadcast_in_dim3A_399 : f32 to vector<16xf32>
      %broadcast_in_dim3A_401 = arith.constant 0.000000e+00 : f32
      %broadcast_in_dim3A_402 = vector.broadcast %broadcast_in_dim3A_401 : f32 to vector<16xf32>
      %broadcast_in_dim3A_403 = arith.constant 0.000000e+00 : f32
      %broadcast_in_dim3A_404 = vector.broadcast %broadcast_in_dim3A_403 : f32 to vector<16xf32>
      %scan3A_405 = arith.constant 0 : i32
      %scan3A_406 = arith.constant 184 : i32
      %scan3A_407 = arith.addi %scan3A_405, %scan3A_406 : i32
      %scan3A_408 = arith.constant 1 : i32
      %scan3A_409:16 = scf.for %scan3A_547 = %scan3A_405 to %scan3A_407 step %scan3A_408 iter_args(%scan3A_548 = %broadcast_in_dim3A_374, %scan3A_549 = %broadcast_in_dim3A_376, %scan3A_550 = %broadcast_in_dim3A_378, %scan3A_551 = %broadcast_in_dim3A_380, %scan3A_552 = %broadcast_in_dim3A_382, %scan3A_553 = %broadcast_in_dim3A_384, %scan3A_554 = %broadcast_in_dim3A_386, %scan3A_555 = %broadcast_in_dim3A_388, %scan3A_556 = %broadcast_in_dim3A_390, %scan3A_557 = %broadcast_in_dim3A_392, %scan3A_558 = %broadcast_in_dim3A_394, %scan3A_559 = %broadcast_in_dim3A_396, %scan3A_560 = %broadcast_in_dim3A_398, %scan3A_561 = %broadcast_in_dim3A_400, %scan3A_562 = %broadcast_in_dim3A_402, %scan3A_563 = %broadcast_in_dim3A_404) -> (vector<16xf32>, vector<16xf32>, vector<16xf32>, vector<16xf32>, vector<16xf32>, vector<16xf32>, vector<16xf32>, vector<16xf32>, vector<16xf32>, vector<16xf32>, vector<16xf32>, vector<16xf32>, vector<16xf32>, vector<16xf32>, vector<16xf32>, vector<16xf32>)  : i32 {
        %mul3A_564 = arith.constant 2944 : i32
        %mul3A_565 = arith.muli %mul3A_356, %mul3A_564 : i32
        %mul3A_566 = arith.constant 16 : i32
        %mul3A_567 = arith.muli %scan3A_547, %mul3A_566 : i32
        %add3A_568 = arith.addi %mul3A_565, %mul3A_567 : i32
        %add3A_569 = vector.broadcast %add3A_568 : i32 to vector<16xi32>
        %add3A_570 = arith.addi %add3A_569, %iota3A : vector<16xi32>
        %mul3A_571 = arith.constant 16 : i32
        %mul3A_572 = arith.muli %scan3A_547, %mul3A_571 : i32
        %get3A_573 = arith.index_cast %mul3A_572 : i32 to index
        %get3A_574 = tpu.vector_load %arg9[%get3A_573] {strides = array<i32>} : memref<2944xi32, #tpu.memory_space<vmem>>, vector<16xi32>,
        %get3A_575 = vector.shape_cast %get3A_574 : vector<16xi32> to vector<16xi32>
        %mul3A_576 = arith.constant 16 : i32
        %mul3A_577 = arith.muli %scan3A_547, %mul3A_576 : i32
        %get3A_578 = arith.constant 0 : i32
        %get3A_579 = arith.index_cast %get3A_578 : i32 to index
        %get3A_580 = arith.index_cast %mul3A_577 : i32 to index
        %get3A_581 = tpu.vector_load %arg7[%get3A_579, %get3A_580] {strides = array<i32>} : memref<8x2944xf32, #tpu.memory_space<vmem>>, vector<1x16xf32>,
        %get3A_582 = vector.shape_cast %get3A_581 : vector<1x16xf32> to vector<16xf32>
        %exp3A = math.exp %get3A_582 : vector<16xf32>
        %ne3A = arith.cmpi ne, %add3A_570, %broadcast_in_dim3A_212 : vector<16xi32>
        %jit3A = arith.constant 0.000000e+00 : f32
        %broadcast_in_dim3A_583 = vector.broadcast %jit3A : f32 to vector<16xf32>
        %select_n3A = arith.select %ne3A, %exp3A, %broadcast_in_dim3A_583 : vector<16xi1>, vector<16xf32>
        %add3A_584 = arith.addf %scan3A_548, %select_n3A : vector<16xf32>
        %eq3A_585 = arith.cmpi eq, %get3A_575, %broadcast_in_dim3A_188 : vector<16xi32>
        %jit3A_586 = arith.constant 0.000000e+00 : f32
        %broadcast_in_dim3A_587 = vector.broadcast %jit3A_586 : f32 to vector<16xf32>
        %select_n3A_588 = arith.select %eq3A_585, %select_n3A, %broadcast_in_dim3A_587 : vector<16xi1>, vector<16xf32>
        %add3A_589 = arith.addf %scan3A_549, %select_n3A_588 : vector<16xf32>
        %mul3A_590 = arith.constant 16 : i32
        %mul3A_591 = arith.muli %scan3A_547, %mul3A_590 : i32
        %get3A_592 = arith.constant 1 : i32
        %get3A_593 = arith.index_cast %get3A_592 : i32 to index
        %get3A_594 = arith.index_cast %mul3A_591 : i32 to index
        %get3A_595 = tpu.vector_load %arg7[%get3A_593, %get3A_594] {strides = array<i32>} : memref<8x2944xf32, #tpu.memory_space<vmem>>, vector<1x16xf32>,
        %get3A_596 = vector.shape_cast %get3A_595 : vector<1x16xf32> to vector<16xf32>
        %exp3A_597 = math.exp %get3A_596 : vector<16xf32>
        %ne3A_598 = arith.cmpi ne, %add3A_570, %broadcast_in_dim3A_215 : vector<16xi32>
        %jit3A_599 = arith.constant 0.000000e+00 : f32
        %broadcast_in_dim3A_600 = vector.broadcast %jit3A_599 : f32 to vector<16xf32>
        %select_n3A_601 = arith.select %ne3A_598, %exp3A_597, %broadcast_in_dim3A_600 : vector<16xi1>, vector<16xf32>
        %add3A_602 = arith.addf %scan3A_550, %select_n3A_601 : vector<16xf32>
        %eq3A_603 = arith.cmpi eq, %get3A_575, %broadcast_in_dim3A_191 : vector<16xi32>
        %jit3A_604 = arith.constant 0.000000e+00 : f32
        %broadcast_in_dim3A_605 = vector.broadcast %jit3A_604 : f32 to vector<16xf32>
        %select_n3A_606 = arith.select %eq3A_603, %select_n3A_601, %broadcast_in_dim3A_605 : vector<16xi1>, vector<16xf32>
        %add3A_607 = arith.addf %scan3A_551, %select_n3A_606 : vector<16xf32>
        %mul3A_608 = arith.constant 16 : i32
        %mul3A_609 = arith.muli %scan3A_547, %mul3A_608 : i32
        %get3A_610 = arith.constant 2 : i32
        %get3A_611 = arith.index_cast %get3A_610 : i32 to index
        %get3A_612 = arith.index_cast %mul3A_609 : i32 to index
        %get3A_613 = tpu.vector_load %arg7[%get3A_611, %get3A_612] {strides = array<i32>} : memref<8x2944xf32, #tpu.memory_space<vmem>>, vector<1x16xf32>,
        %get3A_614 = vector.shape_cast %get3A_613 : vector<1x16xf32> to vector<16xf32>
        %exp3A_615 = math.exp %get3A_614 : vector<16xf32>
        %ne3A_616 = arith.cmpi ne, %add3A_570, %broadcast_in_dim3A_218 : vector<16xi32>
        %jit3A_617 = arith.constant 0.000000e+00 : f32
        %broadcast_in_dim3A_618 = vector.broadcast %jit3A_617 : f32 to vector<16xf32>
        %select_n3A_619 = arith.select %ne3A_616, %exp3A_615, %broadcast_in_dim3A_618 : vector<16xi1>, vector<16xf32>
        %add3A_620 = arith.addf %scan3A_552, %select_n3A_619 : vector<16xf32>
        %eq3A_621 = arith.cmpi eq, %get3A_575, %broadcast_in_dim3A_194 : vector<16xi32>
        %jit3A_622 = arith.constant 0.000000e+00 : f32
        %broadcast_in_dim3A_623 = vector.broadcast %jit3A_622 : f32 to vector<16xf32>
        %select_n3A_624 = arith.select %eq3A_621, %select_n3A_619, %broadcast_in_dim3A_623 : vector<16xi1>, vector<16xf32>
        %add3A_625 = arith.addf %scan3A_553, %select_n3A_624 : vector<16xf32>
        %mul3A_626 = arith.constant 16 : i32
        %mul3A_627 = arith.muli %scan3A_547, %mul3A_626 : i32
        %get3A_628 = arith.constant 3 : i32
        %get3A_629 = arith.index_cast %get3A_628 : i32 to index
        %get3A_630 = arith.index_cast %mul3A_627 : i32 to index
        %get3A_631 = tpu.vector_load %arg7[%get3A_629, %get3A_630] {strides = array<i32>} : memref<8x2944xf32, #tpu.memory_space<vmem>>, vector<1x16xf32>,
        %get3A_632 = vector.shape_cast %get3A_631 : vector<1x16xf32> to vector<16xf32>
        %exp3A_633 = math.exp %get3A_632 : vector<16xf32>
        %ne3A_634 = arith.cmpi ne, %add3A_570, %broadcast_in_dim3A_221 : vector<16xi32>
        %jit3A_635 = arith.constant 0.000000e+00 : f32
        %broadcast_in_dim3A_636 = vector.broadcast %jit3A_635 : f32 to vector<16xf32>
        %select_n3A_637 = arith.select %ne3A_634, %exp3A_633, %broadcast_in_dim3A_636 : vector<16xi1>, vector<16xf32>
        %add3A_638 = arith.addf %scan3A_554, %select_n3A_637 : vector<16xf32>
        %eq3A_639 = arith.cmpi eq, %get3A_575, %broadcast_in_dim3A_197 : vector<16xi32>
        %jit3A_640 = arith.constant 0.000000e+00 : f32
        %broadcast_in_dim3A_641 = vector.broadcast %jit3A_640 : f32 to vector<16xf32>
        %select_n3A_642 = arith.select %eq3A_639, %select_n3A_637, %broadcast_in_dim3A_641 : vector<16xi1>, vector<16xf32>
        %add3A_643 = arith.addf %scan3A_555, %select_n3A_642 : vector<16xf32>
        %mul3A_644 = arith.constant 16 : i32
        %mul3A_645 = arith.muli %scan3A_547, %mul3A_644 : i32
        %get3A_646 = arith.constant 4 : i32
        %get3A_647 = arith.index_cast %get3A_646 : i32 to index
        %get3A_648 = arith.index_cast %mul3A_645 : i32 to index
        %get3A_649 = tpu.vector_load %arg7[%get3A_647, %get3A_648] {strides = array<i32>} : memref<8x2944xf32, #tpu.memory_space<vmem>>, vector<1x16xf32>,
        %get3A_650 = vector.shape_cast %get3A_649 : vector<1x16xf32> to vector<16xf32>
        %exp3A_651 = math.exp %get3A_650 : vector<16xf32>
        %ne3A_652 = arith.cmpi ne, %add3A_570, %broadcast_in_dim3A_224 : vector<16xi32>
        %jit3A_653 = arith.constant 0.000000e+00 : f32
        %broadcast_in_dim3A_654 = vector.broadcast %jit3A_653 : f32 to vector<16xf32>
        %select_n3A_655 = arith.select %ne3A_652, %exp3A_651, %broadcast_in_dim3A_654 : vector<16xi1>, vector<16xf32>
        %add3A_656 = arith.addf %scan3A_556, %select_n3A_655 : vector<16xf32>
        %eq3A_657 = arith.cmpi eq, %get3A_575, %broadcast_in_dim3A_200 : vector<16xi32>
        %jit3A_658 = arith.constant 0.000000e+00 : f32
        %broadcast_in_dim3A_659 = vector.broadcast %jit3A_658 : f32 to vector<16xf32>
        %select_n3A_660 = arith.select %eq3A_657, %select_n3A_655, %broadcast_in_dim3A_659 : vector<16xi1>, vector<16xf32>
        %add3A_661 = arith.addf %scan3A_557, %select_n3A_660 : vector<16xf32>
        %mul3A_662 = arith.constant 16 : i32
        %mul3A_663 = arith.muli %scan3A_547, %mul3A_662 : i32
        %get3A_664 = arith.constant 5 : i32
        %get3A_665 = arith.index_cast %get3A_664 : i32 to index
        %get3A_666 = arith.index_cast %mul3A_663 : i32 to index
        %get3A_667 = tpu.vector_load %arg7[%get3A_665, %get3A_666] {strides = array<i32>} : memref<8x2944xf32, #tpu.memory_space<vmem>>, vector<1x16xf32>,
        %get3A_668 = vector.shape_cast %get3A_667 : vector<1x16xf32> to vector<16xf32>
        %exp3A_669 = math.exp %get3A_668 : vector<16xf32>
        %ne3A_670 = arith.cmpi ne, %add3A_570, %broadcast_in_dim3A_227 : vector<16xi32>
        %jit3A_671 = arith.constant 0.000000e+00 : f32
        %broadcast_in_dim3A_672 = vector.broadcast %jit3A_671 : f32 to vector<16xf32>
        %select_n3A_673 = arith.select %ne3A_670, %exp3A_669, %broadcast_in_dim3A_672 : vector<16xi1>, vector<16xf32>
        %add3A_674 = arith.addf %scan3A_558, %select_n3A_673 : vector<16xf32>
        %eq3A_675 = arith.cmpi eq, %get3A_575, %broadcast_in_dim3A_203 : vector<16xi32>
        %jit3A_676 = arith.constant 0.000000e+00 : f32
        %broadcast_in_dim3A_677 = vector.broadcast %jit3A_676 : f32 to vector<16xf32>
        %select_n3A_678 = arith.select %eq3A_675, %select_n3A_673, %broadcast_in_dim3A_677 : vector<16xi1>, vector<16xf32>
        %add3A_679 = arith.addf %scan3A_559, %select_n3A_678 : vector<16xf32>
        %mul3A_680 = arith.constant 16 : i32
        %mul3A_681 = arith.muli %scan3A_547, %mul3A_680 : i32
        %get3A_682 = arith.constant 6 : i32
        %get3A_683 = arith.index_cast %get3A_682 : i32 to index
        %get3A_684 = arith.index_cast %mul3A_681 : i32 to index
        %get3A_685 = tpu.vector_load %arg7[%get3A_683, %get3A_684] {strides = array<i32>} : memref<8x2944xf32, #tpu.memory_space<vmem>>, vector<1x16xf32>,
        %get3A_686 = vector.shape_cast %get3A_685 : vector<1x16xf32> to vector<16xf32>
        %exp3A_687 = math.exp %get3A_686 : vector<16xf32>
        %ne3A_688 = arith.cmpi ne, %add3A_570, %broadcast_in_dim3A_230 : vector<16xi32>
        %jit3A_689 = arith.constant 0.000000e+00 : f32
        %broadcast_in_dim3A_690 = vector.broadcast %jit3A_689 : f32 to vector<16xf32>
        %select_n3A_691 = arith.select %ne3A_688, %exp3A_687, %broadcast_in_dim3A_690 : vector<16xi1>, vector<16xf32>
        %add3A_692 = arith.addf %scan3A_560, %select_n3A_691 : vector<16xf32>
        %eq3A_693 = arith.cmpi eq, %get3A_575, %broadcast_in_dim3A_206 : vector<16xi32>
        %jit3A_694 = arith.constant 0.000000e+00 : f32
        %broadcast_in_dim3A_695 = vector.broadcast %jit3A_694 : f32 to vector<16xf32>
        %select_n3A_696 = arith.select %eq3A_693, %select_n3A_691, %broadcast_in_dim3A_695 : vector<16xi1>, vector<16xf32>
        %add3A_697 = arith.addf %scan3A_561, %select_n3A_696 : vector<16xf32>
        %mul3A_698 = arith.constant 16 : i32
        %mul3A_699 = arith.muli %scan3A_547, %mul3A_698 : i32
        %get3A_700 = arith.constant 7 : i32
        %get3A_701 = arith.index_cast %get3A_700 : i32 to index
        %get3A_702 = arith.index_cast %mul3A_699 : i32 to index
        %get3A_703 = tpu.vector_load %arg7[%get3A_701, %get3A_702] {strides = array<i32>} : memref<8x2944xf32, #tpu.memory_space<vmem>>, vector<1x16xf32>,
        %get3A_704 = vector.shape_cast %get3A_703 : vector<1x16xf32> to vector<16xf32>
        %exp3A_705 = math.exp %get3A_704 : vector<16xf32>
        %ne3A_706 = arith.cmpi ne, %add3A_570, %broadcast_in_dim3A_233 : vector<16xi32>
        %jit3A_707 = arith.constant 0.000000e+00 : f32
        %broadcast_in_dim3A_708 = vector.broadcast %jit3A_707 : f32 to vector<16xf32>
        %select_n3A_709 = arith.select %ne3A_706, %exp3A_705, %broadcast_in_dim3A_708 : vector<16xi1>, vector<16xf32>
        %add3A_710 = arith.addf %scan3A_562, %select_n3A_709 : vector<16xf32>
        %eq3A_711 = arith.cmpi eq, %get3A_575, %broadcast_in_dim3A_209 : vector<16xi32>
        %jit3A_712 = arith.constant 0.000000e+00 : f32
        %broadcast_in_dim3A_713 = vector.broadcast %jit3A_712 : f32 to vector<16xf32>
        %select_n3A_714 = arith.select %eq3A_711, %select_n3A_709, %broadcast_in_dim3A_713 : vector<16xi1>, vector<16xf32>
        %add3A_715 = arith.addf %scan3A_563, %select_n3A_714 : vector<16xf32>
        scf.yield %add3A_584, %add3A_589, %add3A_602, %add3A_607, %add3A_620, %add3A_625, %add3A_638, %add3A_643, %add3A_656, %add3A_661, %add3A_674, %add3A_679, %add3A_692, %add3A_697, %add3A_710, %add3A_715 : vector<16xf32>, vector<16xf32>, vector<16xf32>, vector<16xf32>, vector<16xf32>, vector<16xf32>, vector<16xf32>, vector<16xf32>, vector<16xf32>, vector<16xf32>, vector<16xf32>, vector<16xf32>, vector<16xf32>, vector<16xf32>, vector<16xf32>, vector<16xf32>
      }
      %scan3A_410 = arith.constant 184 : i32
      %get3A_411 = arith.constant 128 : index
      %get3A_412 = tpu.vector_load %arg14[%get3A_411] {strides = array<i32>} : memref<256xf32, #tpu.memory_space<vmem>>, vector<16xf32>,
      %get3A_413 = vector.shape_cast %get3A_412 : vector<16xf32> to vector<16xf32>
      %add3A_414 = arith.addf %get3A_413, %scan3A_409#0 : vector<16xf32>
      %swap3A_415 = arith.constant 128 : index
      %swap3A_416 = tpu.vector_load %arg14[%swap3A_415] {strides = array<i32>} : memref<256xf32, #tpu.memory_space<vmem>>, vector<16xf32>,
      %swap3A_417 = vector.shape_cast %swap3A_416 : vector<16xf32> to vector<16xf32>
      %swap3A_418 = vector.shape_cast %add3A_414 : vector<16xf32> to vector<16xf32>
      tpu.vector_store %arg14[%swap3A_415], %swap3A_418 {strides = array<i32>} : memref<256xf32, #tpu.memory_space<vmem>>, vector<16xf32>,
      %get3A_419 = arith.constant 128 : index
      %get3A_420 = tpu.vector_load %arg13[%get3A_419] {strides = array<i32>} : memref<256xf32, #tpu.memory_space<vmem>>, vector<16xf32>,
      %get3A_421 = vector.shape_cast %get3A_420 : vector<16xf32> to vector<16xf32>
      %add3A_422 = arith.addf %get3A_421, %scan3A_409#1 : vector<16xf32>
      %swap3A_423 = arith.constant 128 : index
      %swap3A_424 = tpu.vector_load %arg13[%swap3A_423] {strides = array<i32>} : memref<256xf32, #tpu.memory_space<vmem>>, vector<16xf32>,
      %swap3A_425 = vector.shape_cast %swap3A_424 : vector<16xf32> to vector<16xf32>
      %swap3A_426 = vector.shape_cast %add3A_422 : vector<16xf32> to vector<16xf32>
      tpu.vector_store %arg13[%swap3A_423], %swap3A_426 {strides = array<i32>} : memref<256xf32, #tpu.memory_space<vmem>>, vector<16xf32>,
      %get3A_427 = arith.constant 144 : index
      %get3A_428 = tpu.vector_load %arg14[%get3A_427] {strides = array<i32>} : memref<256xf32, #tpu.memory_space<vmem>>, vector<16xf32>,
      %get3A_429 = vector.shape_cast %get3A_428 : vector<16xf32> to vector<16xf32>
      %add3A_430 = arith.addf %get3A_429, %scan3A_409#2 : vector<16xf32>
      %swap3A_431 = arith.constant 144 : index
      %swap3A_432 = tpu.vector_load %arg14[%swap3A_431] {strides = array<i32>} : memref<256xf32, #tpu.memory_space<vmem>>, vector<16xf32>,
      %swap3A_433 = vector.shape_cast %swap3A_432 : vector<16xf32> to vector<16xf32>
      %swap3A_434 = vector.shape_cast %add3A_430 : vector<16xf32> to vector<16xf32>
      tpu.vector_store %arg14[%swap3A_431], %swap3A_434 {strides = array<i32>} : memref<256xf32, #tpu.memory_space<vmem>>, vector<16xf32>,
      %get3A_435 = arith.constant 144 : index
      %get3A_436 = tpu.vector_load %arg13[%get3A_435] {strides = array<i32>} : memref<256xf32, #tpu.memory_space<vmem>>, vector<16xf32>,
      %get3A_437 = vector.shape_cast %get3A_436 : vector<16xf32> to vector<16xf32>
      %add3A_438 = arith.addf %get3A_437, %scan3A_409#3 : vector<16xf32>
      %swap3A_439 = arith.constant 144 : index
      %swap3A_440 = tpu.vector_load %arg13[%swap3A_439] {strides = array<i32>} : memref<256xf32, #tpu.memory_space<vmem>>, vector<16xf32>,
      %swap3A_441 = vector.shape_cast %swap3A_440 : vector<16xf32> to vector<16xf32>
      %swap3A_442 = vector.shape_cast %add3A_438 : vector<16xf32> to vector<16xf32>
      tpu.vector_store %arg13[%swap3A_439], %swap3A_442 {strides = array<i32>} : memref<256xf32, #tpu.memory_space<vmem>>, vector<16xf32>,
      %get3A_443 = arith.constant 160 : index
      %get3A_444 = tpu.vector_load %arg14[%get3A_443] {strides = array<i32>} : memref<256xf32, #tpu.memory_space<vmem>>, vector<16xf32>,
      %get3A_445 = vector.shape_cast %get3A_444 : vector<16xf32> to vector<16xf32>
      %add3A_446 = arith.addf %get3A_445, %scan3A_409#4 : vector<16xf32>
      %swap3A_447 = arith.constant 160 : index
      %swap3A_448 = tpu.vector_load %arg14[%swap3A_447] {strides = array<i32>} : memref<256xf32, #tpu.memory_space<vmem>>, vector<16xf32>,
      %swap3A_449 = vector.shape_cast %swap3A_448 : vector<16xf32> to vector<16xf32>
      %swap3A_450 = vector.shape_cast %add3A_446 : vector<16xf32> to vector<16xf32>
      tpu.vector_store %arg14[%swap3A_447], %swap3A_450 {strides = array<i32>} : memref<256xf32, #tpu.memory_space<vmem>>, vector<16xf32>,
      %get3A_451 = arith.constant 160 : index
      %get3A_452 = tpu.vector_load %arg13[%get3A_451] {strides = array<i32>} : memref<256xf32, #tpu.memory_space<vmem>>, vector<16xf32>,
      %get3A_453 = vector.shape_cast %get3A_452 : vector<16xf32> to vector<16xf32>
      %add3A_454 = arith.addf %get3A_453, %scan3A_409#5 : vector<16xf32>
      %swap3A_455 = arith.constant 160 : index
      %swap3A_456 = tpu.vector_load %arg13[%swap3A_455] {strides = array<i32>} : memref<256xf32, #tpu.memory_space<vmem>>, vector<16xf32>,
      %swap3A_457 = vector.shape_cast %swap3A_456 : vector<16xf32> to vector<16xf32>
      %swap3A_458 = vector.shape_cast %add3A_454 : vector<16xf32> to vector<16xf32>
      tpu.vector_store %arg13[%swap3A_455], %swap3A_458 {strides = array<i32>} : memref<256xf32, #tpu.memory_space<vmem>>, vector<16xf32>,
      %get3A_459 = arith.constant 176 : index
      %get3A_460 = tpu.vector_load %arg14[%get3A_459] {strides = array<i32>} : memref<256xf32, #tpu.memory_space<vmem>>, vector<16xf32>,
      %get3A_461 = vector.shape_cast %get3A_460 : vector<16xf32> to vector<16xf32>
      %add3A_462 = arith.addf %get3A_461, %scan3A_409#6 : vector<16xf32>
      %swap3A_463 = arith.constant 176 : index
      %swap3A_464 = tpu.vector_load %arg14[%swap3A_463] {strides = array<i32>} : memref<256xf32, #tpu.memory_space<vmem>>, vector<16xf32>,
      %swap3A_465 = vector.shape_cast %swap3A_464 : vector<16xf32> to vector<16xf32>
      %swap3A_466 = vector.shape_cast %add3A_462 : vector<16xf32> to vector<16xf32>
      tpu.vector_store %arg14[%swap3A_463], %swap3A_466 {strides = array<i32>} : memref<256xf32, #tpu.memory_space<vmem>>, vector<16xf32>,
      %get3A_467 = arith.constant 176 : index
      %get3A_468 = tpu.vector_load %arg13[%get3A_467] {strides = array<i32>} : memref<256xf32, #tpu.memory_space<vmem>>, vector<16xf32>,
      %get3A_469 = vector.shape_cast %get3A_468 : vector<16xf32> to vector<16xf32>
      %add3A_470 = arith.addf %get3A_469, %scan3A_409#7 : vector<16xf32>
      %swap3A_471 = arith.constant 176 : index
      %swap3A_472 = tpu.vector_load %arg13[%swap3A_471] {strides = array<i32>} : memref<256xf32, #tpu.memory_space<vmem>>, vector<16xf32>,
      %swap3A_473 = vector.shape_cast %swap3A_472 : vector<16xf32> to vector<16xf32>
      %swap3A_474 = vector.shape_cast %add3A_470 : vector<16xf32> to vector<16xf32>
      tpu.vector_store %arg13[%swap3A_471], %swap3A_474 {strides = array<i32>} : memref<256xf32, #tpu.memory_space<vmem>>, vector<16xf32>,
      %get3A_475 = arith.constant 192 : index
      %get3A_476 = tpu.vector_load %arg14[%get3A_475] {strides = array<i32>} : memref<256xf32, #tpu.memory_space<vmem>>, vector<16xf32>,
      %get3A_477 = vector.shape_cast %get3A_476 : vector<16xf32> to vector<16xf32>
      %add3A_478 = arith.addf %get3A_477, %scan3A_409#8 : vector<16xf32>
      %swap3A_479 = arith.constant 192 : index
      %swap3A_480 = tpu.vector_load %arg14[%swap3A_479] {strides = array<i32>} : memref<256xf32, #tpu.memory_space<vmem>>, vector<16xf32>,
      %swap3A_481 = vector.shape_cast %swap3A_480 : vector<16xf32> to vector<16xf32>
      %swap3A_482 = vector.shape_cast %add3A_478 : vector<16xf32> to vector<16xf32>
      tpu.vector_store %arg14[%swap3A_479], %swap3A_482 {strides = array<i32>} : memref<256xf32, #tpu.memory_space<vmem>>, vector<16xf32>,
      %get3A_483 = arith.constant 192 : index
      %get3A_484 = tpu.vector_load %arg13[%get3A_483] {strides = array<i32>} : memref<256xf32, #tpu.memory_space<vmem>>, vector<16xf32>,
      %get3A_485 = vector.shape_cast %get3A_484 : vector<16xf32> to vector<16xf32>
      %add3A_486 = arith.addf %get3A_485, %scan3A_409#9 : vector<16xf32>
      %swap3A_487 = arith.constant 192 : index
      %swap3A_488 = tpu.vector_load %arg13[%swap3A_487] {strides = array<i32>} : memref<256xf32, #tpu.memory_space<vmem>>, vector<16xf32>,
      %swap3A_489 = vector.shape_cast %swap3A_488 : vector<16xf32> to vector<16xf32>
      %swap3A_490 = vector.shape_cast %add3A_486 : vector<16xf32> to vector<16xf32>
      tpu.vector_store %arg13[%swap3A_487], %swap3A_490 {strides = array<i32>} : memref<256xf32, #tpu.memory_space<vmem>>, vector<16xf32>,
      %get3A_491 = arith.constant 208 : index
      %get3A_492 = tpu.vector_load %arg14[%get3A_491] {strides = array<i32>} : memref<256xf32, #tpu.memory_space<vmem>>, vector<16xf32>,
      %get3A_493 = vector.shape_cast %get3A_492 : vector<16xf32> to vector<16xf32>
      %add3A_494 = arith.addf %get3A_493, %scan3A_409#10 : vector<16xf32>
      %swap3A_495 = arith.constant 208 : index
      %swap3A_496 = tpu.vector_load %arg14[%swap3A_495] {strides = array<i32>} : memref<256xf32, #tpu.memory_space<vmem>>, vector<16xf32>,
      %swap3A_497 = vector.shape_cast %swap3A_496 : vector<16xf32> to vector<16xf32>
      %swap3A_498 = vector.shape_cast %add3A_494 : vector<16xf32> to vector<16xf32>
      tpu.vector_store %arg14[%swap3A_495], %swap3A_498 {strides = array<i32>} : memref<256xf32, #tpu.memory_space<vmem>>, vector<16xf32>,
      %get3A_499 = arith.constant 208 : index
      %get3A_500 = tpu.vector_load %arg13[%get3A_499] {strides = array<i32>} : memref<256xf32, #tpu.memory_space<vmem>>, vector<16xf32>,
      %get3A_501 = vector.shape_cast %get3A_500 : vector<16xf32> to vector<16xf32>
      %add3A_502 = arith.addf %get3A_501, %scan3A_409#11 : vector<16xf32>
      %swap3A_503 = arith.constant 208 : index
      %swap3A_504 = tpu.vector_load %arg13[%swap3A_503] {strides = array<i32>} : memref<256xf32, #tpu.memory_space<vmem>>, vector<16xf32>,
      %swap3A_505 = vector.shape_cast %swap3A_504 : vector<16xf32> to vector<16xf32>
      %swap3A_506 = vector.shape_cast %add3A_502 : vector<16xf32> to vector<16xf32>
      tpu.vector_store %arg13[%swap3A_503], %swap3A_506 {strides = array<i32>} : memref<256xf32, #tpu.memory_space<vmem>>, vector<16xf32>,
      %get3A_507 = arith.constant 224 : index
      %get3A_508 = tpu.vector_load %arg14[%get3A_507] {strides = array<i32>} : memref<256xf32, #tpu.memory_space<vmem>>, vector<16xf32>,
      %get3A_509 = vector.shape_cast %get3A_508 : vector<16xf32> to vector<16xf32>
      %add3A_510 = arith.addf %get3A_509, %scan3A_409#12 : vector<16xf32>
      %swap3A_511 = arith.constant 224 : index
      %swap3A_512 = tpu.vector_load %arg14[%swap3A_511] {strides = array<i32>} : memref<256xf32, #tpu.memory_space<vmem>>, vector<16xf32>,
      %swap3A_513 = vector.shape_cast %swap3A_512 : vector<16xf32> to vector<16xf32>
      %swap3A_514 = vector.shape_cast %add3A_510 : vector<16xf32> to vector<16xf32>
      tpu.vector_store %arg14[%swap3A_511], %swap3A_514 {strides = array<i32>} : memref<256xf32, #tpu.memory_space<vmem>>, vector<16xf32>,
      %get3A_515 = arith.constant 224 : index
      %get3A_516 = tpu.vector_load %arg13[%get3A_515] {strides = array<i32>} : memref<256xf32, #tpu.memory_space<vmem>>, vector<16xf32>,
      %get3A_517 = vector.shape_cast %get3A_516 : vector<16xf32> to vector<16xf32>
      %add3A_518 = arith.addf %get3A_517, %scan3A_409#13 : vector<16xf32>
      %swap3A_519 = arith.constant 224 : index
      %swap3A_520 = tpu.vector_load %arg13[%swap3A_519] {strides = array<i32>} : memref<256xf32, #tpu.memory_space<vmem>>, vector<16xf32>,
      %swap3A_521 = vector.shape_cast %swap3A_520 : vector<16xf32> to vector<16xf32>
      %swap3A_522 = vector.shape_cast %add3A_518 : vector<16xf32> to vector<16xf32>
      tpu.vector_store %arg13[%swap3A_519], %swap3A_522 {strides = array<i32>} : memref<256xf32, #tpu.memory_space<vmem>>, vector<16xf32>,
      %get3A_523 = arith.constant 240 : index
      %get3A_524 = tpu.vector_load %arg14[%get3A_523] {strides = array<i32>} : memref<256xf32, #tpu.memory_space<vmem>>, vector<16xf32>,
      %get3A_525 = vector.shape_cast %get3A_524 : vector<16xf32> to vector<16xf32>
      %add3A_526 = arith.addf %get3A_525, %scan3A_409#14 : vector<16xf32>
      %swap3A_527 = arith.constant 240 : index
      %swap3A_528 = tpu.vector_load %arg14[%swap3A_527] {strides = array<i32>} : memref<256xf32, #tpu.memory_space<vmem>>, vector<16xf32>,
      %swap3A_529 = vector.shape_cast %swap3A_528 : vector<16xf32> to vector<16xf32>
      %swap3A_530 = vector.shape_cast %add3A_526 : vector<16xf32> to vector<16xf32>
      tpu.vector_store %arg14[%swap3A_527], %swap3A_530 {strides = array<i32>} : memref<256xf32, #tpu.memory_space<vmem>>, vector<16xf32>,
      %get3A_531 = arith.constant 240 : index
      %get3A_532 = tpu.vector_load %arg13[%get3A_531] {strides = array<i32>} : memref<256xf32, #tpu.memory_space<vmem>>, vector<16xf32>,
      %get3A_533 = vector.shape_cast %get3A_532 : vector<16xf32> to vector<16xf32>
      %add3A_534 = arith.addf %get3A_533, %scan3A_409#15 : vector<16xf32>
      %swap3A_535 = arith.constant 240 : index
      %swap3A_536 = tpu.vector_load %arg13[%swap3A_535] {strides = array<i32>} : memref<256xf32, #tpu.memory_space<vmem>>, vector<16xf32>,
      %swap3A_537 = vector.shape_cast %swap3A_536 : vector<16xf32> to vector<16xf32>
      %swap3A_538 = vector.shape_cast %add3A_534 : vector<16xf32> to vector<16xf32>
      tpu.vector_store %arg13[%swap3A_535], %swap3A_538 {strides = array<i32>} : memref<256xf32, #tpu.memory_space<vmem>>, vector<16xf32>,
      %add3A_539 = arith.constant 1 : i32
      %add3A_540 = arith.addi %mul3A_356, %add3A_539 : i32
      %lt3A_541 = arith.constant 34 : i32
      %lt3A_542 = arith.cmpi slt, %add3A_540, %lt3A_541 : i32
      %convert_element_type3A_543 = arith.extui %lt3A_542 : i1 to i32
      %cond3A_544 = arith.constant 0 : i32
      %cond3A_545 = arith.cmpi ne, %convert_element_type3A_543, %cond3A_544 : i32
      scf.if %cond3A_545 {
        %add3A_547 = arith.constant 2 : i32
        %add3A_548 = arith.addi %mul3A_356, %add3A_547 : i32
        %lt3A_549 = arith.constant 34 : i32
        %lt3A_550 = arith.cmpi slt, %add3A_548, %lt3A_549 : i32
        %convert_element_type3A_551 = arith.extui %lt3A_550 : i1 to i32
        %cond3A_552 = arith.constant 0 : i32
        %cond3A_553 = arith.cmpi ne, %convert_element_type3A_551, %cond3A_552 : i32
        scf.if %cond3A_553 {
          %add3A_735 = arith.constant 2 : i32
          %add3A_736 = arith.addi %mul3A_356, %add3A_735 : i32
          %mul3A_737 = arith.constant 2944 : i32
          %mul3A_738 = arith.muli %add3A_736, %mul3A_737 : i32
          %dma_start3A_739 = tpu.memref_slice %arg2[%add3A_179, %mul3A_738] : memref<1024x100000xf32, #tpu.memory_space<hbm>> -> memref<8x2944xf32, #tpu.memory_space<hbm>>
          %dma_start3A_740 = tpu.memref_slice %arg2[%add3A_179, %mul3A_738] : memref<1024x100000xf32, #tpu.memory_space<hbm>> -> memref<8x2944xf32, #tpu.memory_space<hbm>>
          tpu.enqueue_dma source(%dma_start3A_740 : memref<8x2944xf32, #tpu.memory_space<hbm>>) target(%arg7 : memref<8x2944xf32, #tpu.memory_space<vmem>>) target_semaphore(%arg15 : memref<!tpu.dma_semaphore, #tpu.memory_space<semaphore_mem>>)
          %mul3A_741 = arith.constant 2944 : i32
          %mul3A_742 = arith.muli %add3A_736, %mul3A_741 : i32
          %dma_start3A_743 = tpu.memref_slice %arg3[%mul3A_742] : memref<100096xi32, #tpu.memory_space<hbm>> -> memref<2944xi32, #tpu.memory_space<hbm>>
          %dma_start3A_744 = tpu.memref_slice %arg3[%mul3A_742] : memref<100096xi32, #tpu.memory_space<hbm>> -> memref<2944xi32, #tpu.memory_space<hbm>>
          tpu.enqueue_dma source(%dma_start3A_744 : memref<2944xi32, #tpu.memory_space<hbm>>) target(%arg9 : memref<2944xi32, #tpu.memory_space<vmem>>) target_semaphore(%arg17 : memref<!tpu.dma_semaphore, #tpu.memory_space<semaphore_mem>>)
        } else {
        }
        %add3A_554 = arith.constant 1 : i32
        %add3A_555 = arith.addi %mul3A_356, %add3A_554 : i32
        %dma_wait3A_556 = arith.constant 0 : i32
        %dma_wait3A_557 = tpu.memref_slice %arg2[%add3A_179, %dma_wait3A_556] : memref<1024x100000xf32, #tpu.memory_space<hbm>> -> memref<8x2944xf32, #tpu.memory_space<hbm>>
        %dma_wait3A_558 = arith.constant 0 : i32
        %dma_wait3A_559 = tpu.memref_slice %arg2[%add3A_179, %dma_wait3A_558] : memref<1024x100000xf32, #tpu.memory_space<hbm>> -> memref<8x2944xf32, #tpu.memory_space<hbm>>
        tpu.wait_dma2 semaphore(%arg16 : memref<!tpu.dma_semaphore, #tpu.memory_space<semaphore_mem>>) src(%dma_wait3A_559 : memref<8x2944xf32, #tpu.memory_space<hbm>>) dst(%arg8 : memref<8x2944xf32, #tpu.memory_space<vmem>>)
        %dma_wait3A_560 = arith.constant 0 : i32
        %dma_wait3A_561 = tpu.memref_slice %arg3[%dma_wait3A_560] : memref<100096xi32, #tpu.memory_space<hbm>> -> memref<2944xi32, #tpu.memory_space<hbm>>
        %dma_wait3A_562 = arith.constant 0 : i32
        %dma_wait3A_563 = tpu.memref_slice %arg3[%dma_wait3A_562] : memref<100096xi32, #tpu.memory_space<hbm>> -> memref<2944xi32, #tpu.memory_space<hbm>>
        tpu.wait_dma2 semaphore(%arg18 : memref<!tpu.dma_semaphore, #tpu.memory_space<semaphore_mem>>) src(%dma_wait3A_563 : memref<2944xi32, #tpu.memory_space<hbm>>) dst(%arg10 : memref<2944xi32, #tpu.memory_space<vmem>>)
        %eq3A_564 = arith.constant 33 : i32
        %eq3A_565 = arith.cmpi eq, %add3A_555, %eq3A_564 : i32
        %convert_element_type3A_566 = arith.extui %eq3A_565 : i1 to i32
        %cond3A_567 = arith.constant 0 : i32
        %cond3A_568 = arith.cmpi ne, %convert_element_type3A_566, %cond3A_567 : i32
        scf.if %cond3A_568 {
          %broadcast_in_dim3A_735 = arith.constant 0xFF800000 : f32
          %broadcast_in_dim3A_736 = vector.broadcast %broadcast_in_dim3A_735 : f32 to vector<16xf32>
          %swap3A_737 = arith.constant 0 : i32
          %swap3A_738 = arith.index_cast %swap3A_737 : i32 to index
          %swap3A_739 = arith.constant 2848 : index
          %swap3A_740 = tpu.vector_load %arg8[%swap3A_738, %swap3A_739] {strides = array<i32>} : memref<8x2944xf32, #tpu.memory_space<vmem>>, vector<1x16xf32>,
          %swap3A_741 = vector.shape_cast %swap3A_740 : vector<1x16xf32> to vector<16xf32>
          %swap3A_742 = vector.shape_cast %broadcast_in_dim3A_736 : vector<16xf32> to vector<1x16xf32>
          tpu.vector_store %arg8[%swap3A_738, %swap3A_739], %swap3A_742 {strides = array<i32>} : memref<8x2944xf32, #tpu.memory_space<vmem>>, vector<1x16xf32>,
          %swap3A_743 = arith.constant 0 : i32
          %swap3A_744 = arith.index_cast %swap3A_743 : i32 to index
          %swap3A_745 = arith.constant 2864 : index
          %swap3A_746 = tpu.vector_load %arg8[%swap3A_744, %swap3A_745] {strides = array<i32>} : memref<8x2944xf32, #tpu.memory_space<vmem>>, vector<1x16xf32>,
          %swap3A_747 = vector.shape_cast %swap3A_746 : vector<1x16xf32> to vector<16xf32>
          %swap3A_748 = vector.shape_cast %broadcast_in_dim3A_736 : vector<16xf32> to vector<1x16xf32>
          tpu.vector_store %arg8[%swap3A_744, %swap3A_745], %swap3A_748 {strides = array<i32>} : memref<8x2944xf32, #tpu.memory_space<vmem>>, vector<1x16xf32>,
          %swap3A_749 = arith.constant 0 : i32
          %swap3A_750 = arith.index_cast %swap3A_749 : i32 to index
          %swap3A_751 = arith.constant 2880 : index
          %swap3A_752 = tpu.vector_load %arg8[%swap3A_750, %swap3A_751] {strides = array<i32>} : memref<8x2944xf32, #tpu.memory_space<vmem>>, vector<1x16xf32>,
          %swap3A_753 = vector.shape_cast %swap3A_752 : vector<1x16xf32> to vector<16xf32>
          %swap3A_754 = vector.shape_cast %broadcast_in_dim3A_736 : vector<16xf32> to vector<1x16xf32>
          tpu.vector_store %arg8[%swap3A_750, %swap3A_751], %swap3A_754 {strides = array<i32>} : memref<8x2944xf32, #tpu.memory_space<vmem>>, vector<1x16xf32>,
          %swap3A_755 = arith.constant 0 : i32
          %swap3A_756 = arith.index_cast %swap3A_755 : i32 to index
          %swap3A_757 = arith.constant 2896 : index
          %swap3A_758 = tpu.vector_load %arg8[%swap3A_756, %swap3A_757] {strides = array<i32>} : memref<8x2944xf32, #tpu.memory_space<vmem>>, vector<1x16xf32>,
          %swap3A_759 = vector.shape_cast %swap3A_758 : vector<1x16xf32> to vector<16xf32>
          %swap3A_760 = vector.shape_cast %broadcast_in_dim3A_736 : vector<16xf32> to vector<1x16xf32>
          tpu.vector_store %arg8[%swap3A_756, %swap3A_757], %swap3A_760 {strides = array<i32>} : memref<8x2944xf32, #tpu.memory_space<vmem>>, vector<1x16xf32>,
          %swap3A_761 = arith.constant 0 : i32
          %swap3A_762 = arith.index_cast %swap3A_761 : i32 to index
          %swap3A_763 = arith.constant 2912 : index
          %swap3A_764 = tpu.vector_load %arg8[%swap3A_762, %swap3A_763] {strides = array<i32>} : memref<8x2944xf32, #tpu.memory_space<vmem>>, vector<1x16xf32>,
          %swap3A_765 = vector.shape_cast %swap3A_764 : vector<1x16xf32> to vector<16xf32>
          %swap3A_766 = vector.shape_cast %broadcast_in_dim3A_736 : vector<16xf32> to vector<1x16xf32>
          tpu.vector_store %arg8[%swap3A_762, %swap3A_763], %swap3A_766 {strides = array<i32>} : memref<8x2944xf32, #tpu.memory_space<vmem>>, vector<1x16xf32>,
          %swap3A_767 = arith.constant 0 : i32
          %swap3A_768 = arith.index_cast %swap3A_767 : i32 to index
          %swap3A_769 = arith.constant 2928 : index
          %swap3A_770 = tpu.vector_load %arg8[%swap3A_768, %swap3A_769] {strides = array<i32>} : memref<8x2944xf32, #tpu.memory_space<vmem>>, vector<1x16xf32>,
          %swap3A_771 = vector.shape_cast %swap3A_770 : vector<1x16xf32> to vector<16xf32>
          %swap3A_772 = vector.shape_cast %broadcast_in_dim3A_736 : vector<16xf32> to vector<1x16xf32>
          tpu.vector_store %arg8[%swap3A_768, %swap3A_769], %swap3A_772 {strides = array<i32>} : memref<8x2944xf32, #tpu.memory_space<vmem>>, vector<1x16xf32>,
          %swap3A_773 = arith.constant 1 : i32
          %swap3A_774 = arith.index_cast %swap3A_773 : i32 to index
          %swap3A_775 = arith.constant 2848 : index
          %swap3A_776 = tpu.vector_load %arg8[%swap3A_774, %swap3A_775] {strides = array<i32>} : memref<8x2944xf32, #tpu.memory_space<vmem>>, vector<1x16xf32>,
          %swap3A_777 = vector.shape_cast %swap3A_776 : vector<1x16xf32> to vector<16xf32>
          %swap3A_778 = vector.shape_cast %broadcast_in_dim3A_736 : vector<16xf32> to vector<1x16xf32>
          tpu.vector_store %arg8[%swap3A_774, %swap3A_775], %swap3A_778 {strides = array<i32>} : memref<8x2944xf32, #tpu.memory_space<vmem>>, vector<1x16xf32>,
          %swap3A_779 = arith.constant 1 : i32
          %swap3A_780 = arith.index_cast %swap3A_779 : i32 to index
          %swap3A_781 = arith.constant 2864 : index
          %swap3A_782 = tpu.vector_load %arg8[%swap3A_780, %swap3A_781] {strides = array<i32>} : memref<8x2944xf32, #tpu.memory_space<vmem>>, vector<1x16xf32>,
          %swap3A_783 = vector.shape_cast %swap3A_782 : vector<1x16xf32> to vector<16xf32>
          %swap3A_784 = vector.shape_cast %broadcast_in_dim3A_736 : vector<16xf32> to vector<1x16xf32>
          tpu.vector_store %arg8[%swap3A_780, %swap3A_781], %swap3A_784 {strides = array<i32>} : memref<8x2944xf32, #tpu.memory_space<vmem>>, vector<1x16xf32>,
          %swap3A_785 = arith.constant 1 : i32
          %swap3A_786 = arith.index_cast %swap3A_785 : i32 to index
          %swap3A_787 = arith.constant 2880 : index
          %swap3A_788 = tpu.vector_load %arg8[%swap3A_786, %swap3A_787] {strides = array<i32>} : memref<8x2944xf32, #tpu.memory_space<vmem>>, vector<1x16xf32>,
          %swap3A_789 = vector.shape_cast %swap3A_788 : vector<1x16xf32> to vector<16xf32>
          %swap3A_790 = vector.shape_cast %broadcast_in_dim3A_736 : vector<16xf32> to vector<1x16xf32>
          tpu.vector_store %arg8[%swap3A_786, %swap3A_787], %swap3A_790 {strides = array<i32>} : memref<8x2944xf32, #tpu.memory_space<vmem>>, vector<1x16xf32>,
          %swap3A_791 = arith.constant 1 : i32
          %swap3A_792 = arith.index_cast %swap3A_791 : i32 to index
          %swap3A_793 = arith.constant 2896 : index
          %swap3A_794 = tpu.vector_load %arg8[%swap3A_792, %swap3A_793] {strides = array<i32>} : memref<8x2944xf32, #tpu.memory_space<vmem>>, vector<1x16xf32>,
          %swap3A_795 = vector.shape_cast %swap3A_794 : vector<1x16xf32> to vector<16xf32>
          %swap3A_796 = vector.shape_cast %broadcast_in_dim3A_736 : vector<16xf32> to vector<1x16xf32>
          tpu.vector_store %arg8[%swap3A_792, %swap3A_793], %swap3A_796 {strides = array<i32>} : memref<8x2944xf32, #tpu.memory_space<vmem>>, vector<1x16xf32>,
          %swap3A_797 = arith.constant 1 : i32
          %swap3A_798 = arith.index_cast %swap3A_797 : i32 to index
          %swap3A_799 = arith.constant 2912 : index
          %swap3A_800 = tpu.vector_load %arg8[%swap3A_798, %swap3A_799] {strides = array<i32>} : memref<8x2944xf32, #tpu.memory_space<vmem>>, vector<1x16xf32>,
          %swap3A_801 = vector.shape_cast %swap3A_800 : vector<1x16xf32> to vector<16xf32>
          %swap3A_802 = vector.shape_cast %broadcast_in_dim3A_736 : vector<16xf32> to vector<1x16xf32>
          tpu.vector_store %arg8[%swap3A_798, %swap3A_799], %swap3A_802 {strides = array<i32>} : memref<8x2944xf32, #tpu.memory_space<vmem>>, vector<1x16xf32>,
          %swap3A_803 = arith.constant 1 : i32
          %swap3A_804 = arith.index_cast %swap3A_803 : i32 to index
          %swap3A_805 = arith.constant 2928 : index
          %swap3A_806 = tpu.vector_load %arg8[%swap3A_804, %swap3A_805] {strides = array<i32>} : memref<8x2944xf32, #tpu.memory_space<vmem>>, vector<1x16xf32>,
          %swap3A_807 = vector.shape_cast %swap3A_806 : vector<1x16xf32> to vector<16xf32>
          %swap3A_808 = vector.shape_cast %broadcast_in_dim3A_736 : vector<16xf32> to vector<1x16xf32>
          tpu.vector_store %arg8[%swap3A_804, %swap3A_805], %swap3A_808 {strides = array<i32>} : memref<8x2944xf32, #tpu.memory_space<vmem>>, vector<1x16xf32>,
          %swap3A_809 = arith.constant 2 : i32
          %swap3A_810 = arith.index_cast %swap3A_809 : i32 to index
          %swap3A_811 = arith.constant 2848 : index
          %swap3A_812 = tpu.vector_load %arg8[%swap3A_810, %swap3A_811] {strides = array<i32>} : memref<8x2944xf32, #tpu.memory_space<vmem>>, vector<1x16xf32>,
          %swap3A_813 = vector.shape_cast %swap3A_812 : vector<1x16xf32> to vector<16xf32>
          %swap3A_814 = vector.shape_cast %broadcast_in_dim3A_736 : vector<16xf32> to vector<1x16xf32>
          tpu.vector_store %arg8[%swap3A_810, %swap3A_811], %swap3A_814 {strides = array<i32>} : memref<8x2944xf32, #tpu.memory_space<vmem>>, vector<1x16xf32>,
          %swap3A_815 = arith.constant 2 : i32
          %swap3A_816 = arith.index_cast %swap3A_815 : i32 to index
          %swap3A_817 = arith.constant 2864 : index
          %swap3A_818 = tpu.vector_load %arg8[%swap3A_816, %swap3A_817] {strides = array<i32>} : memref<8x2944xf32, #tpu.memory_space<vmem>>, vector<1x16xf32>,
          %swap3A_819 = vector.shape_cast %swap3A_818 : vector<1x16xf32> to vector<16xf32>
          %swap3A_820 = vector.shape_cast %broadcast_in_dim3A_736 : vector<16xf32> to vector<1x16xf32>
          tpu.vector_store %arg8[%swap3A_816, %swap3A_817], %swap3A_820 {strides = array<i32>} : memref<8x2944xf32, #tpu.memory_space<vmem>>, vector<1x16xf32>,
          %swap3A_821 = arith.constant 2 : i32
          %swap3A_822 = arith.index_cast %swap3A_821 : i32 to index
          %swap3A_823 = arith.constant 2880 : index
          %swap3A_824 = tpu.vector_load %arg8[%swap3A_822, %swap3A_823] {strides = array<i32>} : memref<8x2944xf32, #tpu.memory_space<vmem>>, vector<1x16xf32>,
          %swap3A_825 = vector.shape_cast %swap3A_824 : vector<1x16xf32> to vector<16xf32>
          %swap3A_826 = vector.shape_cast %broadcast_in_dim3A_736 : vector<16xf32> to vector<1x16xf32>
          tpu.vector_store %arg8[%swap3A_822, %swap3A_823], %swap3A_826 {strides = array<i32>} : memref<8x2944xf32, #tpu.memory_space<vmem>>, vector<1x16xf32>,
          %swap3A_827 = arith.constant 2 : i32
          %swap3A_828 = arith.index_cast %swap3A_827 : i32 to index
          %swap3A_829 = arith.constant 2896 : index
          %swap3A_830 = tpu.vector_load %arg8[%swap3A_828, %swap3A_829] {strides = array<i32>} : memref<8x2944xf32, #tpu.memory_space<vmem>>, vector<1x16xf32>,
          %swap3A_831 = vector.shape_cast %swap3A_830 : vector<1x16xf32> to vector<16xf32>
          %swap3A_832 = vector.shape_cast %broadcast_in_dim3A_736 : vector<16xf32> to vector<1x16xf32>
          tpu.vector_store %arg8[%swap3A_828, %swap3A_829], %swap3A_832 {strides = array<i32>} : memref<8x2944xf32, #tpu.memory_space<vmem>>, vector<1x16xf32>,
          %swap3A_833 = arith.constant 2 : i32
          %swap3A_834 = arith.index_cast %swap3A_833 : i32 to index
          %swap3A_835 = arith.constant 2912 : index
          %swap3A_836 = tpu.vector_load %arg8[%swap3A_834, %swap3A_835] {strides = array<i32>} : memref<8x2944xf32, #tpu.memory_space<vmem>>, vector<1x16xf32>,
          %swap3A_837 = vector.shape_cast %swap3A_836 : vector<1x16xf32> to vector<16xf32>
          %swap3A_838 = vector.shape_cast %broadcast_in_dim3A_736 : vector<16xf32> to vector<1x16xf32>
          tpu.vector_store %arg8[%swap3A_834, %swap3A_835], %swap3A_838 {strides = array<i32>} : memref<8x2944xf32, #tpu.memory_space<vmem>>, vector<1x16xf32>,
          %swap3A_839 = arith.constant 2 : i32
          %swap3A_840 = arith.index_cast %swap3A_839 : i32 to index
          %swap3A_841 = arith.constant 2928 : index
          %swap3A_842 = tpu.vector_load %arg8[%swap3A_840, %swap3A_841] {strides = array<i32>} : memref<8x2944xf32, #tpu.memory_space<vmem>>, vector<1x16xf32>,
          %swap3A_843 = vector.shape_cast %swap3A_842 : vector<1x16xf32> to vector<16xf32>
          %swap3A_844 = vector.shape_cast %broadcast_in_dim3A_736 : vector<16xf32> to vector<1x16xf32>
          tpu.vector_store %arg8[%swap3A_840, %swap3A_841], %swap3A_844 {strides = array<i32>} : memref<8x2944xf32, #tpu.memory_space<vmem>>, vector<1x16xf32>,
          %swap3A_845 = arith.constant 3 : i32
          %swap3A_846 = arith.index_cast %swap3A_845 : i32 to index
          %swap3A_847 = arith.constant 2848 : index
          %swap3A_848 = tpu.vector_load %arg8[%swap3A_846, %swap3A_847] {strides = array<i32>} : memref<8x2944xf32, #tpu.memory_space<vmem>>, vector<1x16xf32>,
          %swap3A_849 = vector.shape_cast %swap3A_848 : vector<1x16xf32> to vector<16xf32>
          %swap3A_850 = vector.shape_cast %broadcast_in_dim3A_736 : vector<16xf32> to vector<1x16xf32>
          tpu.vector_store %arg8[%swap3A_846, %swap3A_847], %swap3A_850 {strides = array<i32>} : memref<8x2944xf32, #tpu.memory_space<vmem>>, vector<1x16xf32>,
          %swap3A_851 = arith.constant 3 : i32
          %swap3A_852 = arith.index_cast %swap3A_851 : i32 to index
          %swap3A_853 = arith.constant 2864 : index
          %swap3A_854 = tpu.vector_load %arg8[%swap3A_852, %swap3A_853] {strides = array<i32>} : memref<8x2944xf32, #tpu.memory_space<vmem>>, vector<1x16xf32>,
          %swap3A_855 = vector.shape_cast %swap3A_854 : vector<1x16xf32> to vector<16xf32>
          %swap3A_856 = vector.shape_cast %broadcast_in_dim3A_736 : vector<16xf32> to vector<1x16xf32>
          tpu.vector_store %arg8[%swap3A_852, %swap3A_853], %swap3A_856 {strides = array<i32>} : memref<8x2944xf32, #tpu.memory_space<vmem>>, vector<1x16xf32>,
          %swap3A_857 = arith.constant 3 : i32
          %swap3A_858 = arith.index_cast %swap3A_857 : i32 to index
          %swap3A_859 = arith.constant 2880 : index
          %swap3A_860 = tpu.vector_load %arg8[%swap3A_858, %swap3A_859] {strides = array<i32>} : memref<8x2944xf32, #tpu.memory_space<vmem>>, vector<1x16xf32>,
          %swap3A_861 = vector.shape_cast %swap3A_860 : vector<1x16xf32> to vector<16xf32>
          %swap3A_862 = vector.shape_cast %broadcast_in_dim3A_736 : vector<16xf32> to vector<1x16xf32>
          tpu.vector_store %arg8[%swap3A_858, %swap3A_859], %swap3A_862 {strides = array<i32>} : memref<8x2944xf32, #tpu.memory_space<vmem>>, vector<1x16xf32>,
          %swap3A_863 = arith.constant 3 : i32
          %swap3A_864 = arith.index_cast %swap3A_863 : i32 to index
          %swap3A_865 = arith.constant 2896 : index
          %swap3A_866 = tpu.vector_load %arg8[%swap3A_864, %swap3A_865] {strides = array<i32>} : memref<8x2944xf32, #tpu.memory_space<vmem>>, vector<1x16xf32>,
          %swap3A_867 = vector.shape_cast %swap3A_866 : vector<1x16xf32> to vector<16xf32>
          %swap3A_868 = vector.shape_cast %broadcast_in_dim3A_736 : vector<16xf32> to vector<1x16xf32>
          tpu.vector_store %arg8[%swap3A_864, %swap3A_865], %swap3A_868 {strides = array<i32>} : memref<8x2944xf32, #tpu.memory_space<vmem>>, vector<1x16xf32>,
          %swap3A_869 = arith.constant 3 : i32
          %swap3A_870 = arith.index_cast %swap3A_869 : i32 to index
          %swap3A_871 = arith.constant 2912 : index
          %swap3A_872 = tpu.vector_load %arg8[%swap3A_870, %swap3A_871] {strides = array<i32>} : memref<8x2944xf32, #tpu.memory_space<vmem>>, vector<1x16xf32>,
          %swap3A_873 = vector.shape_cast %swap3A_872 : vector<1x16xf32> to vector<16xf32>
          %swap3A_874 = vector.shape_cast %broadcast_in_dim3A_736 : vector<16xf32> to vector<1x16xf32>
          tpu.vector_store %arg8[%swap3A_870, %swap3A_871], %swap3A_874 {strides = array<i32>} : memref<8x2944xf32, #tpu.memory_space<vmem>>, vector<1x16xf32>,
          %swap3A_875 = arith.constant 3 : i32
          %swap3A_876 = arith.index_cast %swap3A_875 : i32 to index
          %swap3A_877 = arith.constant 2928 : index
          %swap3A_878 = tpu.vector_load %arg8[%swap3A_876, %swap3A_877] {strides = array<i32>} : memref<8x2944xf32, #tpu.memory_space<vmem>>, vector<1x16xf32>,
          %swap3A_879 = vector.shape_cast %swap3A_878 : vector<1x16xf32> to vector<16xf32>
          %swap3A_880 = vector.shape_cast %broadcast_in_dim3A_736 : vector<16xf32> to vector<1x16xf32>
          tpu.vector_store %arg8[%swap3A_876, %swap3A_877], %swap3A_880 {strides = array<i32>} : memref<8x2944xf32, #tpu.memory_space<vmem>>, vector<1x16xf32>,
          %swap3A_881 = arith.constant 4 : i32
          %swap3A_882 = arith.index_cast %swap3A_881 : i32 to index
          %swap3A_883 = arith.constant 2848 : index
          %swap3A_884 = tpu.vector_load %arg8[%swap3A_882, %swap3A_883] {strides = array<i32>} : memref<8x2944xf32, #tpu.memory_space<vmem>>, vector<1x16xf32>,
          %swap3A_885 = vector.shape_cast %swap3A_884 : vector<1x16xf32> to vector<16xf32>
          %swap3A_886 = vector.shape_cast %broadcast_in_dim3A_736 : vector<16xf32> to vector<1x16xf32>
          tpu.vector_store %arg8[%swap3A_882, %swap3A_883], %swap3A_886 {strides = array<i32>} : memref<8x2944xf32, #tpu.memory_space<vmem>>, vector<1x16xf32>,
          %swap3A_887 = arith.constant 4 : i32
          %swap3A_888 = arith.index_cast %swap3A_887 : i32 to index
          %swap3A_889 = arith.constant 2864 : index
          %swap3A_890 = tpu.vector_load %arg8[%swap3A_888, %swap3A_889] {strides = array<i32>} : memref<8x2944xf32, #tpu.memory_space<vmem>>, vector<1x16xf32>,
          %swap3A_891 = vector.shape_cast %swap3A_890 : vector<1x16xf32> to vector<16xf32>
          %swap3A_892 = vector.shape_cast %broadcast_in_dim3A_736 : vector<16xf32> to vector<1x16xf32>
          tpu.vector_store %arg8[%swap3A_888, %swap3A_889], %swap3A_892 {strides = array<i32>} : memref<8x2944xf32, #tpu.memory_space<vmem>>, vector<1x16xf32>,
          %swap3A_893 = arith.constant 4 : i32
          %swap3A_894 = arith.index_cast %swap3A_893 : i32 to index
          %swap3A_895 = arith.constant 2880 : index
          %swap3A_896 = tpu.vector_load %arg8[%swap3A_894, %swap3A_895] {strides = array<i32>} : memref<8x2944xf32, #tpu.memory_space<vmem>>, vector<1x16xf32>,
          %swap3A_897 = vector.shape_cast %swap3A_896 : vector<1x16xf32> to vector<16xf32>
          %swap3A_898 = vector.shape_cast %broadcast_in_dim3A_736 : vector<16xf32> to vector<1x16xf32>
          tpu.vector_store %arg8[%swap3A_894, %swap3A_895], %swap3A_898 {strides = array<i32>} : memref<8x2944xf32, #tpu.memory_space<vmem>>, vector<1x16xf32>,
          %swap3A_899 = arith.constant 4 : i32
          %swap3A_900 = arith.index_cast %swap3A_899 : i32 to index
          %swap3A_901 = arith.constant 2896 : index
          %swap3A_902 = tpu.vector_load %arg8[%swap3A_900, %swap3A_901] {strides = array<i32>} : memref<8x2944xf32, #tpu.memory_space<vmem>>, vector<1x16xf32>,
          %swap3A_903 = vector.shape_cast %swap3A_902 : vector<1x16xf32> to vector<16xf32>
          %swap3A_904 = vector.shape_cast %broadcast_in_dim3A_736 : vector<16xf32> to vector<1x16xf32>
          tpu.vector_store %arg8[%swap3A_900, %swap3A_901], %swap3A_904 {strides = array<i32>} : memref<8x2944xf32, #tpu.memory_space<vmem>>, vector<1x16xf32>,
          %swap3A_905 = arith.constant 4 : i32
          %swap3A_906 = arith.index_cast %swap3A_905 : i32 to index
          %swap3A_907 = arith.constant 2912 : index
          %swap3A_908 = tpu.vector_load %arg8[%swap3A_906, %swap3A_907] {strides = array<i32>} : memref<8x2944xf32, #tpu.memory_space<vmem>>, vector<1x16xf32>,
          %swap3A_909 = vector.shape_cast %swap3A_908 : vector<1x16xf32> to vector<16xf32>
          %swap3A_910 = vector.shape_cast %broadcast_in_dim3A_736 : vector<16xf32> to vector<1x16xf32>
          tpu.vector_store %arg8[%swap3A_906, %swap3A_907], %swap3A_910 {strides = array<i32>} : memref<8x2944xf32, #tpu.memory_space<vmem>>, vector<1x16xf32>,
          %swap3A_911 = arith.constant 4 : i32
          %swap3A_912 = arith.index_cast %swap3A_911 : i32 to index
          %swap3A_913 = arith.constant 2928 : index
          %swap3A_914 = tpu.vector_load %arg8[%swap3A_912, %swap3A_913] {strides = array<i32>} : memref<8x2944xf32, #tpu.memory_space<vmem>>, vector<1x16xf32>,
          %swap3A_915 = vector.shape_cast %swap3A_914 : vector<1x16xf32> to vector<16xf32>
          %swap3A_916 = vector.shape_cast %broadcast_in_dim3A_736 : vector<16xf32> to vector<1x16xf32>
          tpu.vector_store %arg8[%swap3A_912, %swap3A_913], %swap3A_916 {strides = array<i32>} : memref<8x2944xf32, #tpu.memory_space<vmem>>, vector<1x16xf32>,
          %swap3A_917 = arith.constant 5 : i32
          %swap3A_918 = arith.index_cast %swap3A_917 : i32 to index
          %swap3A_919 = arith.constant 2848 : index
          %swap3A_920 = tpu.vector_load %arg8[%swap3A_918, %swap3A_919] {strides = array<i32>} : memref<8x2944xf32, #tpu.memory_space<vmem>>, vector<1x16xf32>,
          %swap3A_921 = vector.shape_cast %swap3A_920 : vector<1x16xf32> to vector<16xf32>
          %swap3A_922 = vector.shape_cast %broadcast_in_dim3A_736 : vector<16xf32> to vector<1x16xf32>
          tpu.vector_store %arg8[%swap3A_918, %swap3A_919], %swap3A_922 {strides = array<i32>} : memref<8x2944xf32, #tpu.memory_space<vmem>>, vector<1x16xf32>,
          %swap3A_923 = arith.constant 5 : i32
          %swap3A_924 = arith.index_cast %swap3A_923 : i32 to index
          %swap3A_925 = arith.constant 2864 : index
          %swap3A_926 = tpu.vector_load %arg8[%swap3A_924, %swap3A_925] {strides = array<i32>} : memref<8x2944xf32, #tpu.memory_space<vmem>>, vector<1x16xf32>,
          %swap3A_927 = vector.shape_cast %swap3A_926 : vector<1x16xf32> to vector<16xf32>
          %swap3A_928 = vector.shape_cast %broadcast_in_dim3A_736 : vector<16xf32> to vector<1x16xf32>
          tpu.vector_store %arg8[%swap3A_924, %swap3A_925], %swap3A_928 {strides = array<i32>} : memref<8x2944xf32, #tpu.memory_space<vmem>>, vector<1x16xf32>,
          %swap3A_929 = arith.constant 5 : i32
          %swap3A_930 = arith.index_cast %swap3A_929 : i32 to index
          %swap3A_931 = arith.constant 2880 : index
          %swap3A_932 = tpu.vector_load %arg8[%swap3A_930, %swap3A_931] {strides = array<i32>} : memref<8x2944xf32, #tpu.memory_space<vmem>>, vector<1x16xf32>,
          %swap3A_933 = vector.shape_cast %swap3A_932 : vector<1x16xf32> to vector<16xf32>
          %swap3A_934 = vector.shape_cast %broadcast_in_dim3A_736 : vector<16xf32> to vector<1x16xf32>
          tpu.vector_store %arg8[%swap3A_930, %swap3A_931], %swap3A_934 {strides = array<i32>} : memref<8x2944xf32, #tpu.memory_space<vmem>>, vector<1x16xf32>,
          %swap3A_935 = arith.constant 5 : i32
          %swap3A_936 = arith.index_cast %swap3A_935 : i32 to index
          %swap3A_937 = arith.constant 2896 : index
          %swap3A_938 = tpu.vector_load %arg8[%swap3A_936, %swap3A_937] {strides = array<i32>} : memref<8x2944xf32, #tpu.memory_space<vmem>>, vector<1x16xf32>,
          %swap3A_939 = vector.shape_cast %swap3A_938 : vector<1x16xf32> to vector<16xf32>
          %swap3A_940 = vector.shape_cast %broadcast_in_dim3A_736 : vector<16xf32> to vector<1x16xf32>
          tpu.vector_store %arg8[%swap3A_936, %swap3A_937], %swap3A_940 {strides = array<i32>} : memref<8x2944xf32, #tpu.memory_space<vmem>>, vector<1x16xf32>,
          %swap3A_941 = arith.constant 5 : i32
          %swap3A_942 = arith.index_cast %swap3A_941 : i32 to index
          %swap3A_943 = arith.constant 2912 : index
          %swap3A_944 = tpu.vector_load %arg8[%swap3A_942, %swap3A_943] {strides = array<i32>} : memref<8x2944xf32, #tpu.memory_space<vmem>>, vector<1x16xf32>,
          %swap3A_945 = vector.shape_cast %swap3A_944 : vector<1x16xf32> to vector<16xf32>
          %swap3A_946 = vector.shape_cast %broadcast_in_dim3A_736 : vector<16xf32> to vector<1x16xf32>
          tpu.vector_store %arg8[%swap3A_942, %swap3A_943], %swap3A_946 {strides = array<i32>} : memref<8x2944xf32, #tpu.memory_space<vmem>>, vector<1x16xf32>,
          %swap3A_947 = arith.constant 5 : i32
          %swap3A_948 = arith.index_cast %swap3A_947 : i32 to index
          %swap3A_949 = arith.constant 2928 : index
          %swap3A_950 = tpu.vector_load %arg8[%swap3A_948, %swap3A_949] {strides = array<i32>} : memref<8x2944xf32, #tpu.memory_space<vmem>>, vector<1x16xf32>,
          %swap3A_951 = vector.shape_cast %swap3A_950 : vector<1x16xf32> to vector<16xf32>
          %swap3A_952 = vector.shape_cast %broadcast_in_dim3A_736 : vector<16xf32> to vector<1x16xf32>
          tpu.vector_store %arg8[%swap3A_948, %swap3A_949], %swap3A_952 {strides = array<i32>} : memref<8x2944xf32, #tpu.memory_space<vmem>>, vector<1x16xf32>,
          %swap3A_953 = arith.constant 6 : i32
          %swap3A_954 = arith.index_cast %swap3A_953 : i32 to index
          %swap3A_955 = arith.constant 2848 : index
          %swap3A_956 = tpu.vector_load %arg8[%swap3A_954, %swap3A_955] {strides = array<i32>} : memref<8x2944xf32, #tpu.memory_space<vmem>>, vector<1x16xf32>,
          %swap3A_957 = vector.shape_cast %swap3A_956 : vector<1x16xf32> to vector<16xf32>
          %swap3A_958 = vector.shape_cast %broadcast_in_dim3A_736 : vector<16xf32> to vector<1x16xf32>
          tpu.vector_store %arg8[%swap3A_954, %swap3A_955], %swap3A_958 {strides = array<i32>} : memref<8x2944xf32, #tpu.memory_space<vmem>>, vector<1x16xf32>,
          %swap3A_959 = arith.constant 6 : i32
          %swap3A_960 = arith.index_cast %swap3A_959 : i32 to index
          %swap3A_961 = arith.constant 2864 : index
          %swap3A_962 = tpu.vector_load %arg8[%swap3A_960, %swap3A_961] {strides = array<i32>} : memref<8x2944xf32, #tpu.memory_space<vmem>>, vector<1x16xf32>,
          %swap3A_963 = vector.shape_cast %swap3A_962 : vector<1x16xf32> to vector<16xf32>
          %swap3A_964 = vector.shape_cast %broadcast_in_dim3A_736 : vector<16xf32> to vector<1x16xf32>
          tpu.vector_store %arg8[%swap3A_960, %swap3A_961], %swap3A_964 {strides = array<i32>} : memref<8x2944xf32, #tpu.memory_space<vmem>>, vector<1x16xf32>,
          %swap3A_965 = arith.constant 6 : i32
          %swap3A_966 = arith.index_cast %swap3A_965 : i32 to index
          %swap3A_967 = arith.constant 2880 : index
          %swap3A_968 = tpu.vector_load %arg8[%swap3A_966, %swap3A_967] {strides = array<i32>} : memref<8x2944xf32, #tpu.memory_space<vmem>>, vector<1x16xf32>,
          %swap3A_969 = vector.shape_cast %swap3A_968 : vector<1x16xf32> to vector<16xf32>
          %swap3A_970 = vector.shape_cast %broadcast_in_dim3A_736 : vector<16xf32> to vector<1x16xf32>
          tpu.vector_store %arg8[%swap3A_966, %swap3A_967], %swap3A_970 {strides = array<i32>} : memref<8x2944xf32, #tpu.memory_space<vmem>>, vector<1x16xf32>,
          %swap3A_971 = arith.constant 6 : i32
          %swap3A_972 = arith.index_cast %swap3A_971 : i32 to index
          %swap3A_973 = arith.constant 2896 : index
          %swap3A_974 = tpu.vector_load %arg8[%swap3A_972, %swap3A_973] {strides = array<i32>} : memref<8x2944xf32, #tpu.memory_space<vmem>>, vector<1x16xf32>,
          %swap3A_975 = vector.shape_cast %swap3A_974 : vector<1x16xf32> to vector<16xf32>
          %swap3A_976 = vector.shape_cast %broadcast_in_dim3A_736 : vector<16xf32> to vector<1x16xf32>
          tpu.vector_store %arg8[%swap3A_972, %swap3A_973], %swap3A_976 {strides = array<i32>} : memref<8x2944xf32, #tpu.memory_space<vmem>>, vector<1x16xf32>,
          %swap3A_977 = arith.constant 6 : i32
          %swap3A_978 = arith.index_cast %swap3A_977 : i32 to index
          %swap3A_979 = arith.constant 2912 : index
          %swap3A_980 = tpu.vector_load %arg8[%swap3A_978, %swap3A_979] {strides = array<i32>} : memref<8x2944xf32, #tpu.memory_space<vmem>>, vector<1x16xf32>,
          %swap3A_981 = vector.shape_cast %swap3A_980 : vector<1x16xf32> to vector<16xf32>
          %swap3A_982 = vector.shape_cast %broadcast_in_dim3A_736 : vector<16xf32> to vector<1x16xf32>
          tpu.vector_store %arg8[%swap3A_978, %swap3A_979], %swap3A_982 {strides = array<i32>} : memref<8x2944xf32, #tpu.memory_space<vmem>>, vector<1x16xf32>,
          %swap3A_983 = arith.constant 6 : i32
          %swap3A_984 = arith.index_cast %swap3A_983 : i32 to index
          %swap3A_985 = arith.constant 2928 : index
          %swap3A_986 = tpu.vector_load %arg8[%swap3A_984, %swap3A_985] {strides = array<i32>} : memref<8x2944xf32, #tpu.memory_space<vmem>>, vector<1x16xf32>,
          %swap3A_987 = vector.shape_cast %swap3A_986 : vector<1x16xf32> to vector<16xf32>
          %swap3A_988 = vector.shape_cast %broadcast_in_dim3A_736 : vector<16xf32> to vector<1x16xf32>
          tpu.vector_store %arg8[%swap3A_984, %swap3A_985], %swap3A_988 {strides = array<i32>} : memref<8x2944xf32, #tpu.memory_space<vmem>>, vector<1x16xf32>,
          %swap3A_989 = arith.constant 7 : i32
          %swap3A_990 = arith.index_cast %swap3A_989 : i32 to index
          %swap3A_991 = arith.constant 2848 : index
          %swap3A_992 = tpu.vector_load %arg8[%swap3A_990, %swap3A_991] {strides = array<i32>} : memref<8x2944xf32, #tpu.memory_space<vmem>>, vector<1x16xf32>,
          %swap3A_993 = vector.shape_cast %swap3A_992 : vector<1x16xf32> to vector<16xf32>
          %swap3A_994 = vector.shape_cast %broadcast_in_dim3A_736 : vector<16xf32> to vector<1x16xf32>
          tpu.vector_store %arg8[%swap3A_990, %swap3A_991], %swap3A_994 {strides = array<i32>} : memref<8x2944xf32, #tpu.memory_space<vmem>>, vector<1x16xf32>,
          %swap3A_995 = arith.constant 7 : i32
          %swap3A_996 = arith.index_cast %swap3A_995 : i32 to index
          %swap3A_997 = arith.constant 2864 : index
          %swap3A_998 = tpu.vector_load %arg8[%swap3A_996, %swap3A_997] {strides = array<i32>} : memref<8x2944xf32, #tpu.memory_space<vmem>>, vector<1x16xf32>,
          %swap3A_999 = vector.shape_cast %swap3A_998 : vector<1x16xf32> to vector<16xf32>
          %swap3A_1000 = vector.shape_cast %broadcast_in_dim3A_736 : vector<16xf32> to vector<1x16xf32>
          tpu.vector_store %arg8[%swap3A_996, %swap3A_997], %swap3A_1000 {strides = array<i32>} : memref<8x2944xf32, #tpu.memory_space<vmem>>, vector<1x16xf32>,
          %swap3A_1001 = arith.constant 7 : i32
          %swap3A_1002 = arith.index_cast %swap3A_1001 : i32 to index
          %swap3A_1003 = arith.constant 2880 : index
          %swap3A_1004 = tpu.vector_load %arg8[%swap3A_1002, %swap3A_1003] {strides = array<i32>} : memref<8x2944xf32, #tpu.memory_space<vmem>>, vector<1x16xf32>,
          %swap3A_1005 = vector.shape_cast %swap3A_1004 : vector<1x16xf32> to vector<16xf32>
          %swap3A_1006 = vector.shape_cast %broadcast_in_dim3A_736 : vector<16xf32> to vector<1x16xf32>
          tpu.vector_store %arg8[%swap3A_1002, %swap3A_1003], %swap3A_1006 {strides = array<i32>} : memref<8x2944xf32, #tpu.memory_space<vmem>>, vector<1x16xf32>,
          %swap3A_1007 = arith.constant 7 : i32
          %swap3A_1008 = arith.index_cast %swap3A_1007 : i32 to index
          %swap3A_1009 = arith.constant 2896 : index
          %swap3A_1010 = tpu.vector_load %arg8[%swap3A_1008, %swap3A_1009] {strides = array<i32>} : memref<8x2944xf32, #tpu.memory_space<vmem>>, vector<1x16xf32>,
          %swap3A_1011 = vector.shape_cast %swap3A_1010 : vector<1x16xf32> to vector<16xf32>
          %swap3A_1012 = vector.shape_cast %broadcast_in_dim3A_736 : vector<16xf32> to vector<1x16xf32>
          tpu.vector_store %arg8[%swap3A_1008, %swap3A_1009], %swap3A_1012 {strides = array<i32>} : memref<8x2944xf32, #tpu.memory_space<vmem>>, vector<1x16xf32>,
          %swap3A_1013 = arith.constant 7 : i32
          %swap3A_1014 = arith.index_cast %swap3A_1013 : i32 to index
          %swap3A_1015 = arith.constant 2912 : index
          %swap3A_1016 = tpu.vector_load %arg8[%swap3A_1014, %swap3A_1015] {strides = array<i32>} : memref<8x2944xf32, #tpu.memory_space<vmem>>, vector<1x16xf32>,
          %swap3A_1017 = vector.shape_cast %swap3A_1016 : vector<1x16xf32> to vector<16xf32>
          %swap3A_1018 = vector.shape_cast %broadcast_in_dim3A_736 : vector<16xf32> to vector<1x16xf32>
          tpu.vector_store %arg8[%swap3A_1014, %swap3A_1015], %swap3A_1018 {strides = array<i32>} : memref<8x2944xf32, #tpu.memory_space<vmem>>, vector<1x16xf32>,
          %swap3A_1019 = arith.constant 7 : i32
          %swap3A_1020 = arith.index_cast %swap3A_1019 : i32 to index
          %swap3A_1021 = arith.constant 2928 : index
          %swap3A_1022 = tpu.vector_load %arg8[%swap3A_1020, %swap3A_1021] {strides = array<i32>} : memref<8x2944xf32, #tpu.memory_space<vmem>>, vector<1x16xf32>,
          %swap3A_1023 = vector.shape_cast %swap3A_1022 : vector<1x16xf32> to vector<16xf32>
          %swap3A_1024 = vector.shape_cast %broadcast_in_dim3A_736 : vector<16xf32> to vector<1x16xf32>
          tpu.vector_store %arg8[%swap3A_1020, %swap3A_1021], %swap3A_1024 {strides = array<i32>} : memref<8x2944xf32, #tpu.memory_space<vmem>>, vector<1x16xf32>,
        } else {
        }
        %broadcast_in_dim3A_569 = arith.constant 0.000000e+00 : f32
        %broadcast_in_dim3A_570 = vector.broadcast %broadcast_in_dim3A_569 : f32 to vector<16xf32>
        %broadcast_in_dim3A_571 = arith.constant 0.000000e+00 : f32
        %broadcast_in_dim3A_572 = vector.broadcast %broadcast_in_dim3A_571 : f32 to vector<16xf32>
        %broadcast_in_dim3A_573 = arith.constant 0.000000e+00 : f32
        %broadcast_in_dim3A_574 = vector.broadcast %broadcast_in_dim3A_573 : f32 to vector<16xf32>
        %broadcast_in_dim3A_575 = arith.constant 0.000000e+00 : f32
        %broadcast_in_dim3A_576 = vector.broadcast %broadcast_in_dim3A_575 : f32 to vector<16xf32>
        %broadcast_in_dim3A_577 = arith.constant 0.000000e+00 : f32
        %broadcast_in_dim3A_578 = vector.broadcast %broadcast_in_dim3A_577 : f32 to vector<16xf32>
        %broadcast_in_dim3A_579 = arith.constant 0.000000e+00 : f32
        %broadcast_in_dim3A_580 = vector.broadcast %broadcast_in_dim3A_579 : f32 to vector<16xf32>
        %broadcast_in_dim3A_581 = arith.constant 0.000000e+00 : f32
        %broadcast_in_dim3A_582 = vector.broadcast %broadcast_in_dim3A_581 : f32 to vector<16xf32>
        %broadcast_in_dim3A_583 = arith.constant 0.000000e+00 : f32
        %broadcast_in_dim3A_584 = vector.broadcast %broadcast_in_dim3A_583 : f32 to vector<16xf32>
        %broadcast_in_dim3A_585 = arith.constant 0.000000e+00 : f32
        %broadcast_in_dim3A_586 = vector.broadcast %broadcast_in_dim3A_585 : f32 to vector<16xf32>
        %broadcast_in_dim3A_587 = arith.constant 0.000000e+00 : f32
        %broadcast_in_dim3A_588 = vector.broadcast %broadcast_in_dim3A_587 : f32 to vector<16xf32>
        %broadcast_in_dim3A_589 = arith.constant 0.000000e+00 : f32
        %broadcast_in_dim3A_590 = vector.broadcast %broadcast_in_dim3A_589 : f32 to vector<16xf32>
        %broadcast_in_dim3A_591 = arith.constant 0.000000e+00 : f32
        %broadcast_in_dim3A_592 = vector.broadcast %broadcast_in_dim3A_591 : f32 to vector<16xf32>
        %broadcast_in_dim3A_593 = arith.constant 0.000000e+00 : f32
        %broadcast_in_dim3A_594 = vector.broadcast %broadcast_in_dim3A_593 : f32 to vector<16xf32>
        %broadcast_in_dim3A_595 = arith.constant 0.000000e+00 : f32
        %broadcast_in_dim3A_596 = vector.broadcast %broadcast_in_dim3A_595 : f32 to vector<16xf32>
        %broadcast_in_dim3A_597 = arith.constant 0.000000e+00 : f32
        %broadcast_in_dim3A_598 = vector.broadcast %broadcast_in_dim3A_597 : f32 to vector<16xf32>
        %broadcast_in_dim3A_599 = arith.constant 0.000000e+00 : f32
        %broadcast_in_dim3A_600 = vector.broadcast %broadcast_in_dim3A_599 : f32 to vector<16xf32>
        %scan3A_601 = arith.constant 0 : i32
        %scan3A_602 = arith.constant 184 : i32
        %scan3A_603 = arith.addi %scan3A_601, %scan3A_602 : i32
        %scan3A_604 = arith.constant 1 : i32
        %scan3A_605:16 = scf.for %scan3A_735 = %scan3A_601 to %scan3A_603 step %scan3A_604 iter_args(%scan3A_736 = %broadcast_in_dim3A_570, %scan3A_737 = %broadcast_in_dim3A_572, %scan3A_738 = %broadcast_in_dim3A_574, %scan3A_739 = %broadcast_in_dim3A_576, %scan3A_740 = %broadcast_in_dim3A_578, %scan3A_741 = %broadcast_in_dim3A_580, %scan3A_742 = %broadcast_in_dim3A_582, %scan3A_743 = %broadcast_in_dim3A_584, %scan3A_744 = %broadcast_in_dim3A_586, %scan3A_745 = %broadcast_in_dim3A_588, %scan3A_746 = %broadcast_in_dim3A_590, %scan3A_747 = %broadcast_in_dim3A_592, %scan3A_748 = %broadcast_in_dim3A_594, %scan3A_749 = %broadcast_in_dim3A_596, %scan3A_750 = %broadcast_in_dim3A_598, %scan3A_751 = %broadcast_in_dim3A_600) -> (vector<16xf32>, vector<16xf32>, vector<16xf32>, vector<16xf32>, vector<16xf32>, vector<16xf32>, vector<16xf32>, vector<16xf32>, vector<16xf32>, vector<16xf32>, vector<16xf32>, vector<16xf32>, vector<16xf32>, vector<16xf32>, vector<16xf32>, vector<16xf32>)  : i32 {
          %mul3A_752 = arith.constant 2944 : i32
          %mul3A_753 = arith.muli %add3A_555, %mul3A_752 : i32
          %mul3A_754 = arith.constant 16 : i32
          %mul3A_755 = arith.muli %scan3A_735, %mul3A_754 : i32
          %add3A_756 = arith.addi %mul3A_753, %mul3A_755 : i32
          %add3A_757 = vector.broadcast %add3A_756 : i32 to vector<16xi32>
          %add3A_758 = arith.addi %add3A_757, %iota3A : vector<16xi32>
          %mul3A_759 = arith.constant 16 : i32
          %mul3A_760 = arith.muli %scan3A_735, %mul3A_759 : i32
          %get3A_761 = arith.index_cast %mul3A_760 : i32 to index
          %get3A_762 = tpu.vector_load %arg10[%get3A_761] {strides = array<i32>} : memref<2944xi32, #tpu.memory_space<vmem>>, vector<16xi32>,
          %get3A_763 = vector.shape_cast %get3A_762 : vector<16xi32> to vector<16xi32>
          %mul3A_764 = arith.constant 16 : i32
          %mul3A_765 = arith.muli %scan3A_735, %mul3A_764 : i32
          %get3A_766 = arith.constant 0 : i32
          %get3A_767 = arith.index_cast %get3A_766 : i32 to index
          %get3A_768 = arith.index_cast %mul3A_765 : i32 to index
          %get3A_769 = tpu.vector_load %arg8[%get3A_767, %get3A_768] {strides = array<i32>} : memref<8x2944xf32, #tpu.memory_space<vmem>>, vector<1x16xf32>,
          %get3A_770 = vector.shape_cast %get3A_769 : vector<1x16xf32> to vector<16xf32>
          %exp3A = math.exp %get3A_770 : vector<16xf32>
          %ne3A = arith.cmpi ne, %add3A_758, %broadcast_in_dim3A_212 : vector<16xi32>
          %jit3A = arith.constant 0.000000e+00 : f32
          %broadcast_in_dim3A_771 = vector.broadcast %jit3A : f32 to vector<16xf32>
          %select_n3A = arith.select %ne3A, %exp3A, %broadcast_in_dim3A_771 : vector<16xi1>, vector<16xf32>
          %add3A_772 = arith.addf %scan3A_736, %select_n3A : vector<16xf32>
          %eq3A_773 = arith.cmpi eq, %get3A_763, %broadcast_in_dim3A_188 : vector<16xi32>
          %jit3A_774 = arith.constant 0.000000e+00 : f32
          %broadcast_in_dim3A_775 = vector.broadcast %jit3A_774 : f32 to vector<16xf32>
          %select_n3A_776 = arith.select %eq3A_773, %select_n3A, %broadcast_in_dim3A_775 : vector<16xi1>, vector<16xf32>
          %add3A_777 = arith.addf %scan3A_737, %select_n3A_776 : vector<16xf32>
          %mul3A_778 = arith.constant 16 : i32
          %mul3A_779 = arith.muli %scan3A_735, %mul3A_778 : i32
          %get3A_780 = arith.constant 1 : i32
          %get3A_781 = arith.index_cast %get3A_780 : i32 to index
          %get3A_782 = arith.index_cast %mul3A_779 : i32 to index
          %get3A_783 = tpu.vector_load %arg8[%get3A_781, %get3A_782] {strides = array<i32>} : memref<8x2944xf32, #tpu.memory_space<vmem>>, vector<1x16xf32>,
          %get3A_784 = vector.shape_cast %get3A_783 : vector<1x16xf32> to vector<16xf32>
          %exp3A_785 = math.exp %get3A_784 : vector<16xf32>
          %ne3A_786 = arith.cmpi ne, %add3A_758, %broadcast_in_dim3A_215 : vector<16xi32>
          %jit3A_787 = arith.constant 0.000000e+00 : f32
          %broadcast_in_dim3A_788 = vector.broadcast %jit3A_787 : f32 to vector<16xf32>
          %select_n3A_789 = arith.select %ne3A_786, %exp3A_785, %broadcast_in_dim3A_788 : vector<16xi1>, vector<16xf32>
          %add3A_790 = arith.addf %scan3A_738, %select_n3A_789 : vector<16xf32>
          %eq3A_791 = arith.cmpi eq, %get3A_763, %broadcast_in_dim3A_191 : vector<16xi32>
          %jit3A_792 = arith.constant 0.000000e+00 : f32
          %broadcast_in_dim3A_793 = vector.broadcast %jit3A_792 : f32 to vector<16xf32>
          %select_n3A_794 = arith.select %eq3A_791, %select_n3A_789, %broadcast_in_dim3A_793 : vector<16xi1>, vector<16xf32>
          %add3A_795 = arith.addf %scan3A_739, %select_n3A_794 : vector<16xf32>
          %mul3A_796 = arith.constant 16 : i32
          %mul3A_797 = arith.muli %scan3A_735, %mul3A_796 : i32
          %get3A_798 = arith.constant 2 : i32
          %get3A_799 = arith.index_cast %get3A_798 : i32 to index
          %get3A_800 = arith.index_cast %mul3A_797 : i32 to index
          %get3A_801 = tpu.vector_load %arg8[%get3A_799, %get3A_800] {strides = array<i32>} : memref<8x2944xf32, #tpu.memory_space<vmem>>, vector<1x16xf32>,
          %get3A_802 = vector.shape_cast %get3A_801 : vector<1x16xf32> to vector<16xf32>
          %exp3A_803 = math.exp %get3A_802 : vector<16xf32>
          %ne3A_804 = arith.cmpi ne, %add3A_758, %broadcast_in_dim3A_218 : vector<16xi32>
          %jit3A_805 = arith.constant 0.000000e+00 : f32
          %broadcast_in_dim3A_806 = vector.broadcast %jit3A_805 : f32 to vector<16xf32>
          %select_n3A_807 = arith.select %ne3A_804, %exp3A_803, %broadcast_in_dim3A_806 : vector<16xi1>, vector<16xf32>
          %add3A_808 = arith.addf %scan3A_740, %select_n3A_807 : vector<16xf32>
          %eq3A_809 = arith.cmpi eq, %get3A_763, %broadcast_in_dim3A_194 : vector<16xi32>
          %jit3A_810 = arith.constant 0.000000e+00 : f32
          %broadcast_in_dim3A_811 = vector.broadcast %jit3A_810 : f32 to vector<16xf32>
          %select_n3A_812 = arith.select %eq3A_809, %select_n3A_807, %broadcast_in_dim3A_811 : vector<16xi1>, vector<16xf32>
          %add3A_813 = arith.addf %scan3A_741, %select_n3A_812 : vector<16xf32>
          %mul3A_814 = arith.constant 16 : i32
          %mul3A_815 = arith.muli %scan3A_735, %mul3A_814 : i32
          %get3A_816 = arith.constant 3 : i32
          %get3A_817 = arith.index_cast %get3A_816 : i32 to index
          %get3A_818 = arith.index_cast %mul3A_815 : i32 to index
          %get3A_819 = tpu.vector_load %arg8[%get3A_817, %get3A_818] {strides = array<i32>} : memref<8x2944xf32, #tpu.memory_space<vmem>>, vector<1x16xf32>,
          %get3A_820 = vector.shape_cast %get3A_819 : vector<1x16xf32> to vector<16xf32>
          %exp3A_821 = math.exp %get3A_820 : vector<16xf32>
          %ne3A_822 = arith.cmpi ne, %add3A_758, %broadcast_in_dim3A_221 : vector<16xi32>
          %jit3A_823 = arith.constant 0.000000e+00 : f32
          %broadcast_in_dim3A_824 = vector.broadcast %jit3A_823 : f32 to vector<16xf32>
          %select_n3A_825 = arith.select %ne3A_822, %exp3A_821, %broadcast_in_dim3A_824 : vector<16xi1>, vector<16xf32>
          %add3A_826 = arith.addf %scan3A_742, %select_n3A_825 : vector<16xf32>
          %eq3A_827 = arith.cmpi eq, %get3A_763, %broadcast_in_dim3A_197 : vector<16xi32>
          %jit3A_828 = arith.constant 0.000000e+00 : f32
          %broadcast_in_dim3A_829 = vector.broadcast %jit3A_828 : f32 to vector<16xf32>
          %select_n3A_830 = arith.select %eq3A_827, %select_n3A_825, %broadcast_in_dim3A_829 : vector<16xi1>, vector<16xf32>
          %add3A_831 = arith.addf %scan3A_743, %select_n3A_830 : vector<16xf32>
          %mul3A_832 = arith.constant 16 : i32
          %mul3A_833 = arith.muli %scan3A_735, %mul3A_832 : i32
          %get3A_834 = arith.constant 4 : i32
          %get3A_835 = arith.index_cast %get3A_834 : i32 to index
          %get3A_836 = arith.index_cast %mul3A_833 : i32 to index
          %get3A_837 = tpu.vector_load %arg8[%get3A_835, %get3A_836] {strides = array<i32>} : memref<8x2944xf32, #tpu.memory_space<vmem>>, vector<1x16xf32>,
          %get3A_838 = vector.shape_cast %get3A_837 : vector<1x16xf32> to vector<16xf32>
          %exp3A_839 = math.exp %get3A_838 : vector<16xf32>
          %ne3A_840 = arith.cmpi ne, %add3A_758, %broadcast_in_dim3A_224 : vector<16xi32>
          %jit3A_841 = arith.constant 0.000000e+00 : f32
          %broadcast_in_dim3A_842 = vector.broadcast %jit3A_841 : f32 to vector<16xf32>
          %select_n3A_843 = arith.select %ne3A_840, %exp3A_839, %broadcast_in_dim3A_842 : vector<16xi1>, vector<16xf32>
          %add3A_844 = arith.addf %scan3A_744, %select_n3A_843 : vector<16xf32>
          %eq3A_845 = arith.cmpi eq, %get3A_763, %broadcast_in_dim3A_200 : vector<16xi32>
          %jit3A_846 = arith.constant 0.000000e+00 : f32
          %broadcast_in_dim3A_847 = vector.broadcast %jit3A_846 : f32 to vector<16xf32>
          %select_n3A_848 = arith.select %eq3A_845, %select_n3A_843, %broadcast_in_dim3A_847 : vector<16xi1>, vector<16xf32>
          %add3A_849 = arith.addf %scan3A_745, %select_n3A_848 : vector<16xf32>
          %mul3A_850 = arith.constant 16 : i32
          %mul3A_851 = arith.muli %scan3A_735, %mul3A_850 : i32
          %get3A_852 = arith.constant 5 : i32
          %get3A_853 = arith.index_cast %get3A_852 : i32 to index
          %get3A_854 = arith.index_cast %mul3A_851 : i32 to index
          %get3A_855 = tpu.vector_load %arg8[%get3A_853, %get3A_854] {strides = array<i32>} : memref<8x2944xf32, #tpu.memory_space<vmem>>, vector<1x16xf32>,
          %get3A_856 = vector.shape_cast %get3A_855 : vector<1x16xf32> to vector<16xf32>
          %exp3A_857 = math.exp %get3A_856 : vector<16xf32>
          %ne3A_858 = arith.cmpi ne, %add3A_758, %broadcast_in_dim3A_227 : vector<16xi32>
          %jit3A_859 = arith.constant 0.000000e+00 : f32
          %broadcast_in_dim3A_860 = vector.broadcast %jit3A_859 : f32 to vector<16xf32>
          %select_n3A_861 = arith.select %ne3A_858, %exp3A_857, %broadcast_in_dim3A_860 : vector<16xi1>, vector<16xf32>
          %add3A_862 = arith.addf %scan3A_746, %select_n3A_861 : vector<16xf32>
          %eq3A_863 = arith.cmpi eq, %get3A_763, %broadcast_in_dim3A_203 : vector<16xi32>
          %jit3A_864 = arith.constant 0.000000e+00 : f32
          %broadcast_in_dim3A_865 = vector.broadcast %jit3A_864 : f32 to vector<16xf32>
          %select_n3A_866 = arith.select %eq3A_863, %select_n3A_861, %broadcast_in_dim3A_865 : vector<16xi1>, vector<16xf32>
          %add3A_867 = arith.addf %scan3A_747, %select_n3A_866 : vector<16xf32>
          %mul3A_868 = arith.constant 16 : i32
          %mul3A_869 = arith.muli %scan3A_735, %mul3A_868 : i32
          %get3A_870 = arith.constant 6 : i32
          %get3A_871 = arith.index_cast %get3A_870 : i32 to index
          %get3A_872 = arith.index_cast %mul3A_869 : i32 to index
          %get3A_873 = tpu.vector_load %arg8[%get3A_871, %get3A_872] {strides = array<i32>} : memref<8x2944xf32, #tpu.memory_space<vmem>>, vector<1x16xf32>,
          %get3A_874 = vector.shape_cast %get3A_873 : vector<1x16xf32> to vector<16xf32>
          %exp3A_875 = math.exp %get3A_874 : vector<16xf32>
          %ne3A_876 = arith.cmpi ne, %add3A_758, %broadcast_in_dim3A_230 : vector<16xi32>
          %jit3A_877 = arith.constant 0.000000e+00 : f32
          %broadcast_in_dim3A_878 = vector.broadcast %jit3A_877 : f32 to vector<16xf32>
          %select_n3A_879 = arith.select %ne3A_876, %exp3A_875, %broadcast_in_dim3A_878 : vector<16xi1>, vector<16xf32>
          %add3A_880 = arith.addf %scan3A_748, %select_n3A_879 : vector<16xf32>
          %eq3A_881 = arith.cmpi eq, %get3A_763, %broadcast_in_dim3A_206 : vector<16xi32>
          %jit3A_882 = arith.constant 0.000000e+00 : f32
          %broadcast_in_dim3A_883 = vector.broadcast %jit3A_882 : f32 to vector<16xf32>
          %select_n3A_884 = arith.select %eq3A_881, %select_n3A_879, %broadcast_in_dim3A_883 : vector<16xi1>, vector<16xf32>
          %add3A_885 = arith.addf %scan3A_749, %select_n3A_884 : vector<16xf32>
          %mul3A_886 = arith.constant 16 : i32
          %mul3A_887 = arith.muli %scan3A_735, %mul3A_886 : i32
          %get3A_888 = arith.constant 7 : i32
          %get3A_889 = arith.index_cast %get3A_888 : i32 to index
          %get3A_890 = arith.index_cast %mul3A_887 : i32 to index
          %get3A_891 = tpu.vector_load %arg8[%get3A_889, %get3A_890] {strides = array<i32>} : memref<8x2944xf32, #tpu.memory_space<vmem>>, vector<1x16xf32>,
          %get3A_892 = vector.shape_cast %get3A_891 : vector<1x16xf32> to vector<16xf32>
          %exp3A_893 = math.exp %get3A_892 : vector<16xf32>
          %ne3A_894 = arith.cmpi ne, %add3A_758, %broadcast_in_dim3A_233 : vector<16xi32>
          %jit3A_895 = arith.constant 0.000000e+00 : f32
          %broadcast_in_dim3A_896 = vector.broadcast %jit3A_895 : f32 to vector<16xf32>
          %select_n3A_897 = arith.select %ne3A_894, %exp3A_893, %broadcast_in_dim3A_896 : vector<16xi1>, vector<16xf32>
          %add3A_898 = arith.addf %scan3A_750, %select_n3A_897 : vector<16xf32>
          %eq3A_899 = arith.cmpi eq, %get3A_763, %broadcast_in_dim3A_209 : vector<16xi32>
          %jit3A_900 = arith.constant 0.000000e+00 : f32
          %broadcast_in_dim3A_901 = vector.broadcast %jit3A_900 : f32 to vector<16xf32>
          %select_n3A_902 = arith.select %eq3A_899, %select_n3A_897, %broadcast_in_dim3A_901 : vector<16xi1>, vector<16xf32>
          %add3A_903 = arith.addf %scan3A_751, %select_n3A_902 : vector<16xf32>
          scf.yield %add3A_772, %add3A_777, %add3A_790, %add3A_795, %add3A_808, %add3A_813, %add3A_826, %add3A_831, %add3A_844, %add3A_849, %add3A_862, %add3A_867, %add3A_880, %add3A_885, %add3A_898, %add3A_903 : vector<16xf32>, vector<16xf32>, vector<16xf32>, vector<16xf32>, vector<16xf32>, vector<16xf32>, vector<16xf32>, vector<16xf32>, vector<16xf32>, vector<16xf32>, vector<16xf32>, vector<16xf32>, vector<16xf32>, vector<16xf32>, vector<16xf32>, vector<16xf32>
        }
        %scan3A_606 = arith.constant 184 : i32
        %get3A_607 = arith.constant 128 : index
        %get3A_608 = tpu.vector_load %arg14[%get3A_607] {strides = array<i32>} : memref<256xf32, #tpu.memory_space<vmem>>, vector<16xf32>,
        %get3A_609 = vector.shape_cast %get3A_608 : vector<16xf32> to vector<16xf32>
        %add3A_610 = arith.addf %get3A_609, %scan3A_605#0 : vector<16xf32>
        %swap3A_611 = arith.constant 128 : index
        %swap3A_612 = tpu.vector_load %arg14[%swap3A_611] {strides = array<i32>} : memref<256xf32, #tpu.memory_space<vmem>>, vector<16xf32>,
        %swap3A_613 = vector.shape_cast %swap3A_612 : vector<16xf32> to vector<16xf32>
        %swap3A_614 = vector.shape_cast %add3A_610 : vector<16xf32> to vector<16xf32>
        tpu.vector_store %arg14[%swap3A_611], %swap3A_614 {strides = array<i32>} : memref<256xf32, #tpu.memory_space<vmem>>, vector<16xf32>,
        %get3A_615 = arith.constant 128 : index
        %get3A_616 = tpu.vector_load %arg13[%get3A_615] {strides = array<i32>} : memref<256xf32, #tpu.memory_space<vmem>>, vector<16xf32>,
        %get3A_617 = vector.shape_cast %get3A_616 : vector<16xf32> to vector<16xf32>
        %add3A_618 = arith.addf %get3A_617, %scan3A_605#1 : vector<16xf32>
        %swap3A_619 = arith.constant 128 : index
        %swap3A_620 = tpu.vector_load %arg13[%swap3A_619] {strides = array<i32>} : memref<256xf32, #tpu.memory_space<vmem>>, vector<16xf32>,
        %swap3A_621 = vector.shape_cast %swap3A_620 : vector<16xf32> to vector<16xf32>
        %swap3A_622 = vector.shape_cast %add3A_618 : vector<16xf32> to vector<16xf32>
        tpu.vector_store %arg13[%swap3A_619], %swap3A_622 {strides = array<i32>} : memref<256xf32, #tpu.memory_space<vmem>>, vector<16xf32>,
        %get3A_623 = arith.constant 144 : index
        %get3A_624 = tpu.vector_load %arg14[%get3A_623] {strides = array<i32>} : memref<256xf32, #tpu.memory_space<vmem>>, vector<16xf32>,
        %get3A_625 = vector.shape_cast %get3A_624 : vector<16xf32> to vector<16xf32>
        %add3A_626 = arith.addf %get3A_625, %scan3A_605#2 : vector<16xf32>
        %swap3A_627 = arith.constant 144 : index
        %swap3A_628 = tpu.vector_load %arg14[%swap3A_627] {strides = array<i32>} : memref<256xf32, #tpu.memory_space<vmem>>, vector<16xf32>,
        %swap3A_629 = vector.shape_cast %swap3A_628 : vector<16xf32> to vector<16xf32>
        %swap3A_630 = vector.shape_cast %add3A_626 : vector<16xf32> to vector<16xf32>
        tpu.vector_store %arg14[%swap3A_627], %swap3A_630 {strides = array<i32>} : memref<256xf32, #tpu.memory_space<vmem>>, vector<16xf32>,
        %get3A_631 = arith.constant 144 : index
        %get3A_632 = tpu.vector_load %arg13[%get3A_631] {strides = array<i32>} : memref<256xf32, #tpu.memory_space<vmem>>, vector<16xf32>,
        %get3A_633 = vector.shape_cast %get3A_632 : vector<16xf32> to vector<16xf32>
        %add3A_634 = arith.addf %get3A_633, %scan3A_605#3 : vector<16xf32>
        %swap3A_635 = arith.constant 144 : index
        %swap3A_636 = tpu.vector_load %arg13[%swap3A_635] {strides = array<i32>} : memref<256xf32, #tpu.memory_space<vmem>>, vector<16xf32>,
        %swap3A_637 = vector.shape_cast %swap3A_636 : vector<16xf32> to vector<16xf32>
        %swap3A_638 = vector.shape_cast %add3A_634 : vector<16xf32> to vector<16xf32>
        tpu.vector_store %arg13[%swap3A_635], %swap3A_638 {strides = array<i32>} : memref<256xf32, #tpu.memory_space<vmem>>, vector<16xf32>,
        %get3A_639 = arith.constant 160 : index
        %get3A_640 = tpu.vector_load %arg14[%get3A_639] {strides = array<i32>} : memref<256xf32, #tpu.memory_space<vmem>>, vector<16xf32>,
        %get3A_641 = vector.shape_cast %get3A_640 : vector<16xf32> to vector<16xf32>
        %add3A_642 = arith.addf %get3A_641, %scan3A_605#4 : vector<16xf32>
        %swap3A_643 = arith.constant 160 : index
        %swap3A_644 = tpu.vector_load %arg14[%swap3A_643] {strides = array<i32>} : memref<256xf32, #tpu.memory_space<vmem>>, vector<16xf32>,
        %swap3A_645 = vector.shape_cast %swap3A_644 : vector<16xf32> to vector<16xf32>
        %swap3A_646 = vector.shape_cast %add3A_642 : vector<16xf32> to vector<16xf32>
        tpu.vector_store %arg14[%swap3A_643], %swap3A_646 {strides = array<i32>} : memref<256xf32, #tpu.memory_space<vmem>>, vector<16xf32>,
        %get3A_647 = arith.constant 160 : index
        %get3A_648 = tpu.vector_load %arg13[%get3A_647] {strides = array<i32>} : memref<256xf32, #tpu.memory_space<vmem>>, vector<16xf32>,
        %get3A_649 = vector.shape_cast %get3A_648 : vector<16xf32> to vector<16xf32>
        %add3A_650 = arith.addf %get3A_649, %scan3A_605#5 : vector<16xf32>
        %swap3A_651 = arith.constant 160 : index
        %swap3A_652 = tpu.vector_load %arg13[%swap3A_651] {strides = array<i32>} : memref<256xf32, #tpu.memory_space<vmem>>, vector<16xf32>,
        %swap3A_653 = vector.shape_cast %swap3A_652 : vector<16xf32> to vector<16xf32>
        %swap3A_654 = vector.shape_cast %add3A_650 : vector<16xf32> to vector<16xf32>
        tpu.vector_store %arg13[%swap3A_651], %swap3A_654 {strides = array<i32>} : memref<256xf32, #tpu.memory_space<vmem>>, vector<16xf32>,
        %get3A_655 = arith.constant 176 : index
        %get3A_656 = tpu.vector_load %arg14[%get3A_655] {strides = array<i32>} : memref<256xf32, #tpu.memory_space<vmem>>, vector<16xf32>,
        %get3A_657 = vector.shape_cast %get3A_656 : vector<16xf32> to vector<16xf32>
        %add3A_658 = arith.addf %get3A_657, %scan3A_605#6 : vector<16xf32>
        %swap3A_659 = arith.constant 176 : index
        %swap3A_660 = tpu.vector_load %arg14[%swap3A_659] {strides = array<i32>} : memref<256xf32, #tpu.memory_space<vmem>>, vector<16xf32>,
        %swap3A_661 = vector.shape_cast %swap3A_660 : vector<16xf32> to vector<16xf32>
        %swap3A_662 = vector.shape_cast %add3A_658 : vector<16xf32> to vector<16xf32>
        tpu.vector_store %arg14[%swap3A_659], %swap3A_662 {strides = array<i32>} : memref<256xf32, #tpu.memory_space<vmem>>, vector<16xf32>,
        %get3A_663 = arith.constant 176 : index
        %get3A_664 = tpu.vector_load %arg13[%get3A_663] {strides = array<i32>} : memref<256xf32, #tpu.memory_space<vmem>>, vector<16xf32>,
        %get3A_665 = vector.shape_cast %get3A_664 : vector<16xf32> to vector<16xf32>
        %add3A_666 = arith.addf %get3A_665, %scan3A_605#7 : vector<16xf32>
        %swap3A_667 = arith.constant 176 : index
        %swap3A_668 = tpu.vector_load %arg13[%swap3A_667] {strides = array<i32>} : memref<256xf32, #tpu.memory_space<vmem>>, vector<16xf32>,
        %swap3A_669 = vector.shape_cast %swap3A_668 : vector<16xf32> to vector<16xf32>
        %swap3A_670 = vector.shape_cast %add3A_666 : vector<16xf32> to vector<16xf32>
        tpu.vector_store %arg13[%swap3A_667], %swap3A_670 {strides = array<i32>} : memref<256xf32, #tpu.memory_space<vmem>>, vector<16xf32>,
        %get3A_671 = arith.constant 192 : index
        %get3A_672 = tpu.vector_load %arg14[%get3A_671] {strides = array<i32>} : memref<256xf32, #tpu.memory_space<vmem>>, vector<16xf32>,
        %get3A_673 = vector.shape_cast %get3A_672 : vector<16xf32> to vector<16xf32>
        %add3A_674 = arith.addf %get3A_673, %scan3A_605#8 : vector<16xf32>
        %swap3A_675 = arith.constant 192 : index
        %swap3A_676 = tpu.vector_load %arg14[%swap3A_675] {strides = array<i32>} : memref<256xf32, #tpu.memory_space<vmem>>, vector<16xf32>,
        %swap3A_677 = vector.shape_cast %swap3A_676 : vector<16xf32> to vector<16xf32>
        %swap3A_678 = vector.shape_cast %add3A_674 : vector<16xf32> to vector<16xf32>
        tpu.vector_store %arg14[%swap3A_675], %swap3A_678 {strides = array<i32>} : memref<256xf32, #tpu.memory_space<vmem>>, vector<16xf32>,
        %get3A_679 = arith.constant 192 : index
        %get3A_680 = tpu.vector_load %arg13[%get3A_679] {strides = array<i32>} : memref<256xf32, #tpu.memory_space<vmem>>, vector<16xf32>,
        %get3A_681 = vector.shape_cast %get3A_680 : vector<16xf32> to vector<16xf32>
        %add3A_682 = arith.addf %get3A_681, %scan3A_605#9 : vector<16xf32>
        %swap3A_683 = arith.constant 192 : index
        %swap3A_684 = tpu.vector_load %arg13[%swap3A_683] {strides = array<i32>} : memref<256xf32, #tpu.memory_space<vmem>>, vector<16xf32>,
        %swap3A_685 = vector.shape_cast %swap3A_684 : vector<16xf32> to vector<16xf32>
        %swap3A_686 = vector.shape_cast %add3A_682 : vector<16xf32> to vector<16xf32>
        tpu.vector_store %arg13[%swap3A_683], %swap3A_686 {strides = array<i32>} : memref<256xf32, #tpu.memory_space<vmem>>, vector<16xf32>,
        %get3A_687 = arith.constant 208 : index
        %get3A_688 = tpu.vector_load %arg14[%get3A_687] {strides = array<i32>} : memref<256xf32, #tpu.memory_space<vmem>>, vector<16xf32>,
        %get3A_689 = vector.shape_cast %get3A_688 : vector<16xf32> to vector<16xf32>
        %add3A_690 = arith.addf %get3A_689, %scan3A_605#10 : vector<16xf32>
        %swap3A_691 = arith.constant 208 : index
        %swap3A_692 = tpu.vector_load %arg14[%swap3A_691] {strides = array<i32>} : memref<256xf32, #tpu.memory_space<vmem>>, vector<16xf32>,
        %swap3A_693 = vector.shape_cast %swap3A_692 : vector<16xf32> to vector<16xf32>
        %swap3A_694 = vector.shape_cast %add3A_690 : vector<16xf32> to vector<16xf32>
        tpu.vector_store %arg14[%swap3A_691], %swap3A_694 {strides = array<i32>} : memref<256xf32, #tpu.memory_space<vmem>>, vector<16xf32>,
        %get3A_695 = arith.constant 208 : index
        %get3A_696 = tpu.vector_load %arg13[%get3A_695] {strides = array<i32>} : memref<256xf32, #tpu.memory_space<vmem>>, vector<16xf32>,
        %get3A_697 = vector.shape_cast %get3A_696 : vector<16xf32> to vector<16xf32>
        %add3A_698 = arith.addf %get3A_697, %scan3A_605#11 : vector<16xf32>
        %swap3A_699 = arith.constant 208 : index
        %swap3A_700 = tpu.vector_load %arg13[%swap3A_699] {strides = array<i32>} : memref<256xf32, #tpu.memory_space<vmem>>, vector<16xf32>,
        %swap3A_701 = vector.shape_cast %swap3A_700 : vector<16xf32> to vector<16xf32>
        %swap3A_702 = vector.shape_cast %add3A_698 : vector<16xf32> to vector<16xf32>
        tpu.vector_store %arg13[%swap3A_699], %swap3A_702 {strides = array<i32>} : memref<256xf32, #tpu.memory_space<vmem>>, vector<16xf32>,
        %get3A_703 = arith.constant 224 : index
        %get3A_704 = tpu.vector_load %arg14[%get3A_703] {strides = array<i32>} : memref<256xf32, #tpu.memory_space<vmem>>, vector<16xf32>,
        %get3A_705 = vector.shape_cast %get3A_704 : vector<16xf32> to vector<16xf32>
        %add3A_706 = arith.addf %get3A_705, %scan3A_605#12 : vector<16xf32>
        %swap3A_707 = arith.constant 224 : index
        %swap3A_708 = tpu.vector_load %arg14[%swap3A_707] {strides = array<i32>} : memref<256xf32, #tpu.memory_space<vmem>>, vector<16xf32>,
        %swap3A_709 = vector.shape_cast %swap3A_708 : vector<16xf32> to vector<16xf32>
        %swap3A_710 = vector.shape_cast %add3A_706 : vector<16xf32> to vector<16xf32>
        tpu.vector_store %arg14[%swap3A_707], %swap3A_710 {strides = array<i32>} : memref<256xf32, #tpu.memory_space<vmem>>, vector<16xf32>,
        %get3A_711 = arith.constant 224 : index
        %get3A_712 = tpu.vector_load %arg13[%get3A_711] {strides = array<i32>} : memref<256xf32, #tpu.memory_space<vmem>>, vector<16xf32>,
        %get3A_713 = vector.shape_cast %get3A_712 : vector<16xf32> to vector<16xf32>
        %add3A_714 = arith.addf %get3A_713, %scan3A_605#13 : vector<16xf32>
        %swap3A_715 = arith.constant 224 : index
        %swap3A_716 = tpu.vector_load %arg13[%swap3A_715] {strides = array<i32>} : memref<256xf32, #tpu.memory_space<vmem>>, vector<16xf32>,
        %swap3A_717 = vector.shape_cast %swap3A_716 : vector<16xf32> to vector<16xf32>
        %swap3A_718 = vector.shape_cast %add3A_714 : vector<16xf32> to vector<16xf32>
        tpu.vector_store %arg13[%swap3A_715], %swap3A_718 {strides = array<i32>} : memref<256xf32, #tpu.memory_space<vmem>>, vector<16xf32>,
        %get3A_719 = arith.constant 240 : index
        %get3A_720 = tpu.vector_load %arg14[%get3A_719] {strides = array<i32>} : memref<256xf32, #tpu.memory_space<vmem>>, vector<16xf32>,
        %get3A_721 = vector.shape_cast %get3A_720 : vector<16xf32> to vector<16xf32>
        %add3A_722 = arith.addf %get3A_721, %scan3A_605#14 : vector<16xf32>
        %swap3A_723 = arith.constant 240 : index
        %swap3A_724 = tpu.vector_load %arg14[%swap3A_723] {strides = array<i32>} : memref<256xf32, #tpu.memory_space<vmem>>, vector<16xf32>,
        %swap3A_725 = vector.shape_cast %swap3A_724 : vector<16xf32> to vector<16xf32>
        %swap3A_726 = vector.shape_cast %add3A_722 : vector<16xf32> to vector<16xf32>
        tpu.vector_store %arg14[%swap3A_723], %swap3A_726 {strides = array<i32>} : memref<256xf32, #tpu.memory_space<vmem>>, vector<16xf32>,
        %get3A_727 = arith.constant 240 : index
        %get3A_728 = tpu.vector_load %arg13[%get3A_727] {strides = array<i32>} : memref<256xf32, #tpu.memory_space<vmem>>, vector<16xf32>,
        %get3A_729 = vector.shape_cast %get3A_728 : vector<16xf32> to vector<16xf32>
        %add3A_730 = arith.addf %get3A_729, %scan3A_605#15 : vector<16xf32>
        %swap3A_731 = arith.constant 240 : index
        %swap3A_732 = tpu.vector_load %arg13[%swap3A_731] {strides = array<i32>} : memref<256xf32, #tpu.memory_space<vmem>>, vector<16xf32>,
        %swap3A_733 = vector.shape_cast %swap3A_732 : vector<16xf32> to vector<16xf32>
        %swap3A_734 = vector.shape_cast %add3A_730 : vector<16xf32> to vector<16xf32>
        tpu.vector_store %arg13[%swap3A_731], %swap3A_734 {strides = array<i32>} : memref<256xf32, #tpu.memory_space<vmem>>, vector<16xf32>,
      } else {
      }
      %scan3A_546 = arith.constant 0 : i32
      scf.yield %scan3A_546 : i32
    }
    %scan3A_344 = arith.constant 17 : i32
    %add3A_345 = arith.constant 8 : i32
    %add3A_346 = arith.addi %mul3A_6, %add3A_345 : i32
    %mul3A_347 = arith.constant 16 : i32
    %mul3A_348 = arith.muli %add3A_346, %mul3A_347 : i32
    "tpu.region"() ({
      %run_scoped3A = tpu.sem_alloc : memref<!tpu.dma_semaphore, #tpu.memory_space<semaphore_mem>>
      %dma_start3A_353 = arith.constant 128 : i32
      %dma_start3A_354 = tpu.memref_slice %arg13[%dma_start3A_353] : memref<256xf32, #tpu.memory_space<vmem>> -> memref<128xf32, #tpu.memory_space<vmem>>
      %dma_start3A_355 = tpu.memref_slice %arg5[%mul3A_348] : memref<8192xf32, #tpu.memory_space<hbm>> -> memref<128xf32, #tpu.memory_space<hbm>>
      %dma_start3A_356 = tpu.memref_slice %arg5[%mul3A_348] : memref<8192xf32, #tpu.memory_space<hbm>> -> memref<128xf32, #tpu.memory_space<hbm>>
      %dma_start3A_357 = arith.constant 128 : i32
      %dma_start3A_358 = tpu.memref_slice %arg13[%dma_start3A_357] : memref<256xf32, #tpu.memory_space<vmem>> -> memref<128xf32, #tpu.memory_space<vmem>>
      tpu.enqueue_dma source(%dma_start3A_358 : memref<128xf32, #tpu.memory_space<vmem>>) target(%dma_start3A_356 : memref<128xf32, #tpu.memory_space<hbm>>) target_semaphore(%run_scoped3A : memref<!tpu.dma_semaphore, #tpu.memory_space<semaphore_mem>>)
      %dma_wait3A_359 = arith.constant 128 : i32
      %dma_wait3A_360 = tpu.memref_slice %arg13[%dma_wait3A_359] : memref<256xf32, #tpu.memory_space<vmem>> -> memref<128xf32, #tpu.memory_space<vmem>>
      %dma_wait3A_361 = tpu.memref_slice %arg5[%mul3A_348] : memref<8192xf32, #tpu.memory_space<hbm>> -> memref<128xf32, #tpu.memory_space<hbm>>
      %dma_wait3A_362 = tpu.memref_slice %arg5[%mul3A_348] : memref<8192xf32, #tpu.memory_space<hbm>> -> memref<128xf32, #tpu.memory_space<hbm>>
      %dma_wait3A_363 = arith.constant 128 : i32
      %dma_wait3A_364 = tpu.memref_slice %arg13[%dma_wait3A_363] : memref<256xf32, #tpu.memory_space<vmem>> -> memref<128xf32, #tpu.memory_space<vmem>>
      tpu.wait_dma2 semaphore(%run_scoped3A : memref<!tpu.dma_semaphore, #tpu.memory_space<semaphore_mem>>) src(%dma_wait3A_364 : memref<128xf32, #tpu.memory_space<vmem>>) dst(%dma_wait3A_362 : memref<128xf32, #tpu.memory_space<hbm>>)
      tpu.yield
    }) : () -> ()
    %add3A_349 = arith.constant 8 : i32
    %add3A_350 = arith.addi %mul3A_6, %add3A_349 : i32
    %mul3A_351 = arith.constant 16 : i32
    %mul3A_352 = arith.muli %add3A_350, %mul3A_351 : i32
    "tpu.region"() ({
      %run_scoped3A = tpu.sem_alloc : memref<!tpu.dma_semaphore, #tpu.memory_space<semaphore_mem>>
      %dma_start3A_353 = arith.constant 128 : i32
      %dma_start3A_354 = tpu.memref_slice %arg14[%dma_start3A_353] : memref<256xf32, #tpu.memory_space<vmem>> -> memref<128xf32, #tpu.memory_space<vmem>>
      %dma_start3A_355 = tpu.memref_slice %arg6[%mul3A_352] : memref<8192xf32, #tpu.memory_space<hbm>> -> memref<128xf32, #tpu.memory_space<hbm>>
      %dma_start3A_356 = tpu.memref_slice %arg6[%mul3A_352] : memref<8192xf32, #tpu.memory_space<hbm>> -> memref<128xf32, #tpu.memory_space<hbm>>
      %dma_start3A_357 = arith.constant 128 : i32
      %dma_start3A_358 = tpu.memref_slice %arg14[%dma_start3A_357] : memref<256xf32, #tpu.memory_space<vmem>> -> memref<128xf32, #tpu.memory_space<vmem>>
      tpu.enqueue_dma source(%dma_start3A_358 : memref<128xf32, #tpu.memory_space<vmem>>) target(%dma_start3A_356 : memref<128xf32, #tpu.memory_space<hbm>>) target_semaphore(%run_scoped3A : memref<!tpu.dma_semaphore, #tpu.memory_space<semaphore_mem>>)
      %dma_wait3A_359 = arith.constant 128 : i32
      %dma_wait3A_360 = tpu.memref_slice %arg14[%dma_wait3A_359] : memref<256xf32, #tpu.memory_space<vmem>> -> memref<128xf32, #tpu.memory_space<vmem>>
      %dma_wait3A_361 = tpu.memref_slice %arg6[%mul3A_352] : memref<8192xf32, #tpu.memory_space<hbm>> -> memref<128xf32, #tpu.memory_space<hbm>>
      %dma_wait3A_362 = tpu.memref_slice %arg6[%mul3A_352] : memref<8192xf32, #tpu.memory_space<hbm>> -> memref<128xf32, #tpu.memory_space<hbm>>
      %dma_wait3A_363 = arith.constant 128 : i32
      %dma_wait3A_364 = tpu.memref_slice %arg14[%dma_wait3A_363] : memref<256xf32, #tpu.memory_space<vmem>> -> memref<128xf32, #tpu.memory_space<vmem>>
      tpu.wait_dma2 semaphore(%run_scoped3A : memref<!tpu.dma_semaphore, #tpu.memory_space<semaphore_mem>>) src(%dma_wait3A_364 : memref<128xf32, #tpu.memory_space<vmem>>) dst(%dma_wait3A_362 : memref<128xf32, #tpu.memory_space<hbm>>)
      tpu.yield
    }) : () -> ()
    return
  }
}

module attributes {stable_mosaic.version = 14 : i64} {
  func.func @_tc_body(%arg0: i32, %arg1: memref<256x4096xf32, #tpu.memory_space<vmem>>, %arg2: memref<256x4096xf32, #tpu.memory_space<vmem>>, %arg3: memref<1x4096xi32, #tpu.memory_space<vmem>>, %arg4: memref<512x1xi32, #tpu.memory_space<vmem>>, %arg5: memref<512x1xi32, #tpu.memory_space<vmem>>, %arg6: memref<512x1xf32, #tpu.memory_space<vmem>>, %arg7: memref<512x1xf32, #tpu.memory_space<vmem>>, %arg8: memref<512x1xf32, #tpu.memory_space<vmem>>, %arg9: memref<512x1xf32, #tpu.memory_space<vmem>>) attributes {dimension_semantics = [#tpu.dimension_semantics<arbitrary>], iteration_bounds = array<i64: 25>, scalar_prefetch = 0 : i64, scratch_operands = 2 : i64, tpu.core_type = #tpu.core_type<tc>, window_params = [{transform_indices = @transform_0, window_bounds = array<i64: 256, 4096>}, {transform_indices = @transform_1, window_bounds = array<i64: 256, 4096>}, {transform_indices = @transform_2, window_bounds = array<i64: 1, 4096>}, {pipeline_mode = #tpu.pipeline_mode<synchronous>, transform_indices = @transform_3, window_bounds = array<i64: 512, 1>}, {pipeline_mode = #tpu.pipeline_mode<synchronous>, transform_indices = @transform_4, window_bounds = array<i64: 512, 1>}, {pipeline_mode = #tpu.pipeline_mode<synchronous>, transform_indices = @transform_5, window_bounds = array<i64: 512, 1>}, {pipeline_mode = #tpu.pipeline_mode<synchronous>, transform_indices = @transform_6, window_bounds = array<i64: 512, 1>}]} {
    %eq3A = arith.constant 0 : i32
    %eq3A_0 = arith.cmpi eq, %arg0, %eq3A : i32
    %convert_element_type3A = arith.extui %eq3A_0 : i1 to i32
    %cond3A = arith.constant 0 : i32
    %cond3A_1 = arith.cmpi ne, %convert_element_type3A, %cond3A : i32
    scf.if %cond3A_1 {
      %broadcast_in_dim3A_93 = arith.constant 0.000000e+00 : f32
      %broadcast_in_dim3A_94 = vector.broadcast %broadcast_in_dim3A_93 : f32 to vector<512x1xf32>
      %swap3A_95 = arith.constant 0 : index
      %swap3A_96 = arith.constant 0 : index
      %swap3A_97 = vector.load %arg8[%swap3A_95, %swap3A_96] : memref<512x1xf32, #tpu.memory_space<vmem>>, vector<512x1xf32>
      tpu.vector_store %arg8[%swap3A_95, %swap3A_96], %broadcast_in_dim3A_94 {strides = array<i32>} : memref<512x1xf32, #tpu.memory_space<vmem>>, vector<512x1xf32>,
      %broadcast_in_dim3A_98 = arith.constant 0.000000e+00 : f32
      %broadcast_in_dim3A_99 = vector.broadcast %broadcast_in_dim3A_98 : f32 to vector<512x1xf32>
      %swap3A_100 = arith.constant 0 : index
      %swap3A_101 = arith.constant 0 : index
      %swap3A_102 = vector.load %arg9[%swap3A_100, %swap3A_101] : memref<512x1xf32, #tpu.memory_space<vmem>>, vector<512x1xf32>
      tpu.vector_store %arg9[%swap3A_100, %swap3A_101], %broadcast_in_dim3A_99 {strides = array<i32>} : memref<512x1xf32, #tpu.memory_space<vmem>>, vector<512x1xf32>,
    } else {
    }
    %mul3A = arith.constant 4096 : i32
    %mul3A_2 = arith.muli %arg0, %mul3A : i32
    %iota3A = tpu.iota {dimensions = array<i32: 1>} : vector<1x4096xi32>
    %add3A = vector.broadcast %mul3A_2 : i32 to vector<1x4096xi32>
    %add3A_3 = arith.addi %add3A, %iota3A : vector<1x4096xi32>
    %lt3A = arith.constant 100000 : i32
    %lt3A_4 = vector.broadcast %lt3A : i32 to vector<1x4096xi32>
    %lt3A_5 = arith.cmpi slt, %add3A_3, %lt3A_4 : vector<1x4096xi32>
    %get3A = arith.constant 0 : index
    %get3A_6 = arith.constant 0 : index
    %get3A_7 = vector.load %arg3[%get3A, %get3A_6] : memref<1x4096xi32, #tpu.memory_space<vmem>>, vector<1x4096xi32>
    %get3A_8 = arith.constant 0 : index
    %get3A_9 = arith.constant 0 : index
    %get3A_10 = vector.load %arg1[%get3A_8, %get3A_9] : memref<256x4096xf32, #tpu.memory_space<vmem>>, vector<256x4096xf32>
    %exp3A = math.exp %get3A_10 : vector<256x4096xf32>
    %get3A_11 = arith.constant 0 : index
    %get3A_12 = arith.constant 0 : index
    %get3A_13 = vector.load %arg5[%get3A_11, %get3A_12] : memref<512x1xi32, #tpu.memory_space<vmem>>, vector<256x1xi32>
    %ne3A = vector.broadcast %add3A_3 : vector<1x4096xi32> to vector<256x4096xi32>
    %ne3A_14 = vector.broadcast %get3A_13 : vector<256x1xi32> to vector<256x4096xi32>
    %ne3A_15 = arith.cmpi ne, %ne3A, %ne3A_14 : vector<256x4096xi32>
    %and3A = vector.broadcast %lt3A_5 : vector<1x4096xi1> to vector<256x4096xi1>
    %and3A_16 = arith.andi %and3A, %ne3A_15 : vector<256x4096xi1>
    %jit3A = arith.constant 0.000000e+00 : f32
    %broadcast_in_dim3A = vector.broadcast %jit3A : f32 to vector<256x4096xf32>
    %select_n3A = arith.select %and3A_16, %exp3A, %broadcast_in_dim3A : vector<256x4096xi1>, vector<256x4096xf32>
    %get3A_17 = arith.constant 0 : index
    %get3A_18 = arith.constant 0 : index
    %get3A_19 = vector.load %arg4[%get3A_17, %get3A_18] : memref<512x1xi32, #tpu.memory_space<vmem>>, vector<256x1xi32>
    %eq3A_20 = vector.broadcast %get3A_7 : vector<1x4096xi32> to vector<256x4096xi32>
    %eq3A_21 = vector.broadcast %get3A_19 : vector<256x1xi32> to vector<256x4096xi32>
    %eq3A_22 = arith.cmpi eq, %eq3A_20, %eq3A_21 : vector<256x4096xi32>
    %get3A_23 = arith.constant 0 : index
    %get3A_24 = arith.constant 0 : index
    %get3A_25 = vector.load %arg9[%get3A_23, %get3A_24] : memref<512x1xf32, #tpu.memory_space<vmem>>, vector<256x1xf32>
    %reduce_sum3A = arith.constant dense<0.000000e+00> : vector<256xf32>
    %reduce_sum3A_26 = vector.multi_reduction <add>, %select_n3A, %reduce_sum3A [1] : vector<256x4096xf32> to vector<256xf32>
    %broadcast_in_dim3A_27 = vector.shape_cast %reduce_sum3A_26 : vector<256xf32> to vector<256x1xf32>
    %add3A_28 = arith.addf %get3A_25, %broadcast_in_dim3A_27 : vector<256x1xf32>
    %swap3A = arith.constant 0 : index
    %swap3A_29 = arith.constant 0 : index
    %swap3A_30 = vector.load %arg9[%swap3A, %swap3A_29] : memref<512x1xf32, #tpu.memory_space<vmem>>, vector<256x1xf32>
    tpu.vector_store %arg9[%swap3A, %swap3A_29], %add3A_28 {strides = array<i32>} : memref<512x1xf32, #tpu.memory_space<vmem>>, vector<256x1xf32>,
    %get3A_31 = arith.constant 0 : index
    %get3A_32 = arith.constant 0 : index
    %get3A_33 = vector.load %arg8[%get3A_31, %get3A_32] : memref<512x1xf32, #tpu.memory_space<vmem>>, vector<256x1xf32>
    %jit3A_34 = arith.constant 0.000000e+00 : f32
    %broadcast_in_dim3A_35 = vector.broadcast %jit3A_34 : f32 to vector<256x4096xf32>
    %select_n3A_36 = arith.select %eq3A_22, %select_n3A, %broadcast_in_dim3A_35 : vector<256x4096xi1>, vector<256x4096xf32>
    %reduce_sum3A_37 = arith.constant dense<0.000000e+00> : vector<256xf32>
    %reduce_sum3A_38 = vector.multi_reduction <add>, %select_n3A_36, %reduce_sum3A_37 [1] : vector<256x4096xf32> to vector<256xf32>
    %broadcast_in_dim3A_39 = vector.shape_cast %reduce_sum3A_38 : vector<256xf32> to vector<256x1xf32>
    %add3A_40 = arith.addf %get3A_33, %broadcast_in_dim3A_39 : vector<256x1xf32>
    %swap3A_41 = arith.constant 0 : index
    %swap3A_42 = arith.constant 0 : index
    %swap3A_43 = vector.load %arg8[%swap3A_41, %swap3A_42] : memref<512x1xf32, #tpu.memory_space<vmem>>, vector<256x1xf32>
    tpu.vector_store %arg8[%swap3A_41, %swap3A_42], %add3A_40 {strides = array<i32>} : memref<512x1xf32, #tpu.memory_space<vmem>>, vector<256x1xf32>,
    %get3A_44 = arith.constant 0 : index
    %get3A_45 = arith.constant 0 : index
    %get3A_46 = vector.load %arg2[%get3A_44, %get3A_45] : memref<256x4096xf32, #tpu.memory_space<vmem>>, vector<256x4096xf32>
    %exp3A_47 = math.exp %get3A_46 : vector<256x4096xf32>
    %get3A_48 = arith.constant 256 : index
    %get3A_49 = arith.constant 0 : index
    %get3A_50 = vector.load %arg5[%get3A_48, %get3A_49] : memref<512x1xi32, #tpu.memory_space<vmem>>, vector<256x1xi32>
    %ne3A_51 = vector.broadcast %add3A_3 : vector<1x4096xi32> to vector<256x4096xi32>
    %ne3A_52 = vector.broadcast %get3A_50 : vector<256x1xi32> to vector<256x4096xi32>
    %ne3A_53 = arith.cmpi ne, %ne3A_51, %ne3A_52 : vector<256x4096xi32>
    %and3A_54 = vector.broadcast %lt3A_5 : vector<1x4096xi1> to vector<256x4096xi1>
    %and3A_55 = arith.andi %and3A_54, %ne3A_53 : vector<256x4096xi1>
    %jit3A_56 = arith.constant 0.000000e+00 : f32
    %broadcast_in_dim3A_57 = vector.broadcast %jit3A_56 : f32 to vector<256x4096xf32>
    %select_n3A_58 = arith.select %and3A_55, %exp3A_47, %broadcast_in_dim3A_57 : vector<256x4096xi1>, vector<256x4096xf32>
    %get3A_59 = arith.constant 256 : index
    %get3A_60 = arith.constant 0 : index
    %get3A_61 = vector.load %arg4[%get3A_59, %get3A_60] : memref<512x1xi32, #tpu.memory_space<vmem>>, vector<256x1xi32>
    %eq3A_62 = vector.broadcast %get3A_7 : vector<1x4096xi32> to vector<256x4096xi32>
    %eq3A_63 = vector.broadcast %get3A_61 : vector<256x1xi32> to vector<256x4096xi32>
    %eq3A_64 = arith.cmpi eq, %eq3A_62, %eq3A_63 : vector<256x4096xi32>
    %get3A_65 = arith.constant 256 : index
    %get3A_66 = arith.constant 0 : index
    %get3A_67 = vector.load %arg9[%get3A_65, %get3A_66] : memref<512x1xf32, #tpu.memory_space<vmem>>, vector<256x1xf32>
    %reduce_sum3A_68 = arith.constant dense<0.000000e+00> : vector<256xf32>
    %reduce_sum3A_69 = vector.multi_reduction <add>, %select_n3A_58, %reduce_sum3A_68 [1] : vector<256x4096xf32> to vector<256xf32>
    %broadcast_in_dim3A_70 = vector.shape_cast %reduce_sum3A_69 : vector<256xf32> to vector<256x1xf32>
    %add3A_71 = arith.addf %get3A_67, %broadcast_in_dim3A_70 : vector<256x1xf32>
    %swap3A_72 = arith.constant 256 : index
    %swap3A_73 = arith.constant 0 : index
    %swap3A_74 = vector.load %arg9[%swap3A_72, %swap3A_73] : memref<512x1xf32, #tpu.memory_space<vmem>>, vector<256x1xf32>
    tpu.vector_store %arg9[%swap3A_72, %swap3A_73], %add3A_71 {strides = array<i32>} : memref<512x1xf32, #tpu.memory_space<vmem>>, vector<256x1xf32>,
    %get3A_75 = arith.constant 256 : index
    %get3A_76 = arith.constant 0 : index
    %get3A_77 = vector.load %arg8[%get3A_75, %get3A_76] : memref<512x1xf32, #tpu.memory_space<vmem>>, vector<256x1xf32>
    %jit3A_78 = arith.constant 0.000000e+00 : f32
    %broadcast_in_dim3A_79 = vector.broadcast %jit3A_78 : f32 to vector<256x4096xf32>
    %select_n3A_80 = arith.select %eq3A_64, %select_n3A_58, %broadcast_in_dim3A_79 : vector<256x4096xi1>, vector<256x4096xf32>
    %reduce_sum3A_81 = arith.constant dense<0.000000e+00> : vector<256xf32>
    %reduce_sum3A_82 = vector.multi_reduction <add>, %select_n3A_80, %reduce_sum3A_81 [1] : vector<256x4096xf32> to vector<256xf32>
    %broadcast_in_dim3A_83 = vector.shape_cast %reduce_sum3A_82 : vector<256xf32> to vector<256x1xf32>
    %add3A_84 = arith.addf %get3A_77, %broadcast_in_dim3A_83 : vector<256x1xf32>
    %swap3A_85 = arith.constant 256 : index
    %swap3A_86 = arith.constant 0 : index
    %swap3A_87 = vector.load %arg8[%swap3A_85, %swap3A_86] : memref<512x1xf32, #tpu.memory_space<vmem>>, vector<256x1xf32>
    tpu.vector_store %arg8[%swap3A_85, %swap3A_86], %add3A_84 {strides = array<i32>} : memref<512x1xf32, #tpu.memory_space<vmem>>, vector<256x1xf32>,
    %eq3A_88 = arith.constant 24 : i32
    %eq3A_89 = arith.cmpi eq, %arg0, %eq3A_88 : i32
    %convert_element_type3A_90 = arith.extui %eq3A_89 : i1 to i32
    %cond3A_91 = arith.constant 0 : i32
    %cond3A_92 = arith.cmpi ne, %convert_element_type3A_90, %cond3A_91 : i32
    scf.if %cond3A_92 {
      %get3A_93 = arith.constant 0 : index
      %get3A_94 = arith.constant 0 : index
      %get3A_95 = vector.load %arg8[%get3A_93, %get3A_94] : memref<512x1xf32, #tpu.memory_space<vmem>>, vector<512x1xf32>
      %swap3A_96 = arith.constant 0 : index
      %swap3A_97 = arith.constant 0 : index
      %swap3A_98 = vector.load %arg6[%swap3A_96, %swap3A_97] : memref<512x1xf32, #tpu.memory_space<vmem>>, vector<512x1xf32>
      tpu.vector_store %arg6[%swap3A_96, %swap3A_97], %get3A_95 {strides = array<i32>} : memref<512x1xf32, #tpu.memory_space<vmem>>, vector<512x1xf32>,
      %get3A_99 = arith.constant 0 : index
      %get3A_100 = arith.constant 0 : index
      %get3A_101 = vector.load %arg9[%get3A_99, %get3A_100] : memref<512x1xf32, #tpu.memory_space<vmem>>, vector<512x1xf32>
      %swap3A_102 = arith.constant 0 : index
      %swap3A_103 = arith.constant 0 : index
      %swap3A_104 = vector.load %arg7[%swap3A_102, %swap3A_103] : memref<512x1xf32, #tpu.memory_space<vmem>>, vector<512x1xf32>
      tpu.vector_store %arg7[%swap3A_102, %swap3A_103], %get3A_101 {strides = array<i32>} : memref<512x1xf32, #tpu.memory_space<vmem>>, vector<512x1xf32>,
    } else {
    }
    return
  }
  func.func @transform_0(%arg0: i32) -> (i32, i32) {
    %c0_i32 = arith.constant 0 : i32
    %c0_i32_0 = arith.constant 0 : i32
    return %c0_i32, %arg0 : i32, i32
  }
  func.func @transform_1(%arg0: i32) -> (i32, i32) {
    %c1_i32 = arith.constant 1 : i32
    %c0_i32 = arith.constant 0 : i32
    return %c1_i32, %arg0 : i32, i32
  }
  func.func @transform_2(%arg0: i32) -> (i32, i32) {
    %c0_i32 = arith.constant 0 : i32
    %c0_i32_0 = arith.constant 0 : i32
    return %c0_i32, %arg0 : i32, i32
  }
  func.func @transform_3(%arg0: i32) -> (i32, i32) {
    %c0_i32 = arith.constant 0 : i32
    %c0_i32_0 = arith.constant 0 : i32
    %c0_i32_1 = arith.constant 0 : i32
    return %c0_i32, %c0_i32_0 : i32, i32
  }
  func.func @transform_4(%arg0: i32) -> (i32, i32) {
    %c0_i32 = arith.constant 0 : i32
    %c0_i32_0 = arith.constant 0 : i32
    %c0_i32_1 = arith.constant 0 : i32
    return %c0_i32, %c0_i32_0 : i32, i32
  }
  func.func @transform_5(%arg0: i32) -> (i32, i32) {
    %c0_i32 = arith.constant 0 : i32
    %c0_i32_0 = arith.constant 0 : i32
    %c0_i32_1 = arith.constant 0 : i32
    return %c0_i32, %c0_i32_0 : i32, i32
  }
  func.func @transform_6(%arg0: i32) -> (i32, i32) {
    %c0_i32 = arith.constant 0 : i32
    %c0_i32_0 = arith.constant 0 : i32
    %c0_i32_1 = arith.constant 0 : i32
    return %c0_i32, %c0_i32_0 : i32, i32
  }
}

module attributes {stable_mosaic.version = 14 : i64} {
  func.func @body(%arg0: memref<512x1xf32, #tpu.memory_space<vmem>>, %arg1: memref<512x1xf32, #tpu.memory_space<vmem>>, %arg2: memref<512x16xf32, #tpu.memory_space<vmem>>, %arg3: memref<512x16xf32, #tpu.memory_space<vmem>>, %arg4: memref<1x1xf32, #tpu.memory_space<vmem>>, %arg5: memref<1x1xf32, #tpu.memory_space<vmem>>, %arg6: memref<1x1xf32, #tpu.memory_space<vmem>>) attributes {dimension_semantics = [], scalar_prefetch = 0 : i64, scratch_operands = 0 : i64, tpu.core_type = #tpu.core_type<tc>} {
    %get3A = arith.constant 0 : index
    %get3A_0 = arith.constant 0 : index
    %get3A_1 = vector.load %arg0[%get3A, %get3A_0] : memref<512x1xf32, #tpu.memory_space<vmem>>, vector<512x1xf32>
    %mul3A = arith.constant 1.000000e+00 : f32
    %mul3A_2 = vector.broadcast %mul3A : f32 to vector<512x1xf32>
    %mul3A_3 = arith.mulf %get3A_1, %mul3A_2 : vector<512x1xf32>
    %get3A_4 = arith.constant 0 : index
    %get3A_5 = arith.constant 0 : index
    %get3A_6 = vector.load %arg1[%get3A_4, %get3A_5] : memref<512x1xf32, #tpu.memory_space<vmem>>, vector<512x1xf32>
    %get3A_7 = arith.constant 0 : index
    %get3A_8 = arith.constant 0 : index
    %get3A_9 = vector.load %arg0[%get3A_7, %get3A_8] : memref<512x1xf32, #tpu.memory_space<vmem>>, vector<512x1xf32>
    %sub3A = arith.subf %get3A_6, %get3A_9 : vector<512x1xf32>
    %add3A = arith.addf %sub3A, %mul3A_3 : vector<512x1xf32>
    %get3A_10 = arith.constant 0 : index
    %get3A_11 = arith.constant 0 : index
    %get3A_12 = vector.load %arg2[%get3A_10, %get3A_11] : memref<512x16xf32, #tpu.memory_space<vmem>>, vector<512x16xf32>
    %reduce_sum3A = arith.constant dense<0.000000e+00> : vector<512xf32>
    %reduce_sum3A_13 = vector.multi_reduction <add>, %get3A_12, %reduce_sum3A [1] : vector<512x16xf32> to vector<512xf32>
    %broadcast_in_dim3A = vector.shape_cast %reduce_sum3A_13 : vector<512xf32> to vector<512x1xf32>
    %mul3A_14 = arith.constant 1.000000e+00 : f32
    %mul3A_15 = vector.broadcast %mul3A_14 : f32 to vector<512x1xf32>
    %mul3A_16 = arith.mulf %broadcast_in_dim3A, %mul3A_15 : vector<512x1xf32>
    %get3A_17 = arith.constant 0 : index
    %get3A_18 = arith.constant 0 : index
    %get3A_19 = vector.load %arg3[%get3A_17, %get3A_18] : memref<512x16xf32, #tpu.memory_space<vmem>>, vector<512x16xf32>
    %reduce_sum3A_20 = arith.constant dense<0.000000e+00> : vector<512xf32>
    %reduce_sum3A_21 = vector.multi_reduction <add>, %get3A_19, %reduce_sum3A_20 [1] : vector<512x16xf32> to vector<512xf32>
    %broadcast_in_dim3A_22 = vector.shape_cast %reduce_sum3A_21 : vector<512xf32> to vector<512x1xf32>
    %get3A_23 = arith.constant 0 : index
    %get3A_24 = arith.constant 0 : index
    %get3A_25 = vector.load %arg2[%get3A_23, %get3A_24] : memref<512x16xf32, #tpu.memory_space<vmem>>, vector<512x16xf32>
    %reduce_sum3A_26 = arith.constant dense<0.000000e+00> : vector<512xf32>
    %reduce_sum3A_27 = vector.multi_reduction <add>, %get3A_25, %reduce_sum3A_26 [1] : vector<512x16xf32> to vector<512xf32>
    %broadcast_in_dim3A_28 = vector.shape_cast %reduce_sum3A_27 : vector<512xf32> to vector<512x1xf32>
    %sub3A_29 = arith.subf %broadcast_in_dim3A_22, %broadcast_in_dim3A_28 : vector<512x1xf32>
    %add3A_30 = arith.addf %sub3A_29, %mul3A_16 : vector<512x1xf32>
    %div3A = arith.divf %mul3A_3, %add3A : vector<512x1xf32>
    %ne3A = arith.constant 0.000000e+00 : f32
    %ne3A_31 = vector.broadcast %ne3A : f32 to vector<512x1xf32>
    %ne3A_32 = arith.cmpf one, %div3A, %ne3A_31 : vector<512x1xf32>
    %jit3A = arith.constant 1.000000e+00 : f32
    %broadcast_in_dim3A_33 = vector.broadcast %jit3A : f32 to vector<512x1xf32>
    %select_n3A = arith.select %ne3A_32, %div3A, %broadcast_in_dim3A_33 : vector<512x1xi1>, vector<512x1xf32>
    %log3A = math.log %select_n3A : vector<512x1xf32>
    %jit3A_34 = arith.constant 0.000000e+00 : f32
    %broadcast_in_dim3A_35 = vector.broadcast %jit3A_34 : f32 to vector<512x1xf32>
    %select_n3A_36 = arith.select %ne3A_32, %log3A, %broadcast_in_dim3A_35 : vector<512x1xi1>, vector<512x1xf32>
    %reduce_sum3A_37 = vector.shape_cast %select_n3A_36 : vector<512x1xf32> to vector<1x512x1xf32>
    %reduce_sum3A_38 = arith.constant dense<0.000000e+00> : vector<1xf32>
    %reduce_sum3A_39 = vector.multi_reduction <add>, %reduce_sum3A_37, %reduce_sum3A_38 [1, 2] : vector<1x512x1xf32> to vector<1xf32>
    %reduce_sum3A_40 = vector.shape_cast %reduce_sum3A_39 : vector<1xf32> to vector<1x1x1xf32>
    %reduce_sum3A_41 = vector.extract %reduce_sum3A_40[0, 0, 0] : f32 from vector<1x1x1xf32>
    %reduce_min3A = vector.shape_cast %mul3A_3 : vector<512x1xf32> to vector<1x512x1xf32>
    %reduce_min3A_42 = arith.constant dense<0x7F800000> : vector<1xf32>
    %reduce_min3A_43 = vector.multi_reduction <minimumf>, %reduce_min3A, %reduce_min3A_42 [1, 2] : vector<1x512x1xf32> to vector<1xf32>
    %reduce_min3A_44 = vector.shape_cast %reduce_min3A_43 : vector<1xf32> to vector<1x1x1xf32>
    %reduce_min3A_45 = vector.extract %reduce_min3A_44[0, 0, 0] : f32 from vector<1x1x1xf32>
    %reduce_sum3A_46 = vector.shape_cast %mul3A_3 : vector<512x1xf32> to vector<1x512x1xf32>
    %reduce_sum3A_47 = arith.constant dense<0.000000e+00> : vector<1xf32>
    %reduce_sum3A_48 = vector.multi_reduction <add>, %reduce_sum3A_46, %reduce_sum3A_47 [1, 2] : vector<1x512x1xf32> to vector<1xf32>
    %reduce_sum3A_49 = vector.shape_cast %reduce_sum3A_48 : vector<1xf32> to vector<1x1x1xf32>
    %reduce_sum3A_50 = vector.extract %reduce_sum3A_49[0, 0, 0] : f32 from vector<1x1x1xf32>
    %div3A_51 = arith.divf %mul3A_16, %add3A_30 : vector<512x1xf32>
    %ne3A_52 = arith.constant 0.000000e+00 : f32
    %ne3A_53 = vector.broadcast %ne3A_52 : f32 to vector<512x1xf32>
    %ne3A_54 = arith.cmpf one, %div3A_51, %ne3A_53 : vector<512x1xf32>
    %jit3A_55 = arith.constant 1.000000e+00 : f32
    %broadcast_in_dim3A_56 = vector.broadcast %jit3A_55 : f32 to vector<512x1xf32>
    %select_n3A_57 = arith.select %ne3A_54, %div3A_51, %broadcast_in_dim3A_56 : vector<512x1xi1>, vector<512x1xf32>
    %log3A_58 = math.log %select_n3A_57 : vector<512x1xf32>
    %jit3A_59 = arith.constant 0.000000e+00 : f32
    %broadcast_in_dim3A_60 = vector.broadcast %jit3A_59 : f32 to vector<512x1xf32>
    %select_n3A_61 = arith.select %ne3A_54, %log3A_58, %broadcast_in_dim3A_60 : vector<512x1xi1>, vector<512x1xf32>
    %reduce_sum3A_62 = vector.shape_cast %select_n3A_61 : vector<512x1xf32> to vector<1x512x1xf32>
    %reduce_sum3A_63 = arith.constant dense<0.000000e+00> : vector<1xf32>
    %reduce_sum3A_64 = vector.multi_reduction <add>, %reduce_sum3A_62, %reduce_sum3A_63 [1, 2] : vector<1x512x1xf32> to vector<1xf32>
    %reduce_sum3A_65 = vector.shape_cast %reduce_sum3A_64 : vector<1xf32> to vector<1x1x1xf32>
    %reduce_sum3A_66 = vector.extract %reduce_sum3A_65[0, 0, 0] : f32 from vector<1x1x1xf32>
    %reduce_min3A_67 = vector.shape_cast %mul3A_16 : vector<512x1xf32> to vector<1x512x1xf32>
    %reduce_min3A_68 = arith.constant dense<0x7F800000> : vector<1xf32>
    %reduce_min3A_69 = vector.multi_reduction <minimumf>, %reduce_min3A_67, %reduce_min3A_68 [1, 2] : vector<1x512x1xf32> to vector<1xf32>
    %reduce_min3A_70 = vector.shape_cast %reduce_min3A_69 : vector<1xf32> to vector<1x1x1xf32>
    %reduce_min3A_71 = vector.extract %reduce_min3A_70[0, 0, 0] : f32 from vector<1x1x1xf32>
    %reduce_sum3A_72 = vector.shape_cast %mul3A_16 : vector<512x1xf32> to vector<1x512x1xf32>
    %reduce_sum3A_73 = arith.constant dense<0.000000e+00> : vector<1xf32>
    %reduce_sum3A_74 = vector.multi_reduction <add>, %reduce_sum3A_72, %reduce_sum3A_73 [1, 2] : vector<1x512x1xf32> to vector<1xf32>
    %reduce_sum3A_75 = vector.shape_cast %reduce_sum3A_74 : vector<1xf32> to vector<1x1x1xf32>
    %reduce_sum3A_76 = vector.extract %reduce_sum3A_75[0, 0, 0] : f32 from vector<1x1x1xf32>
    %broadcast_in_dim3A_77 = arith.constant -9.765625E-4 : f32
    %broadcast_in_dim3A_78 = vector.broadcast %broadcast_in_dim3A_77 : f32 to vector<1x1xf32>
    %add3A_79 = arith.addf %reduce_sum3A_41, %reduce_sum3A_66 : f32
    %mul3A_80 = vector.broadcast %add3A_79 : f32 to vector<1x1xf32>
    %mul3A_81 = arith.mulf %broadcast_in_dim3A_78, %mul3A_80 : vector<1x1xf32>
    %swap3A = arith.constant 0 : index
    %swap3A_82 = arith.constant 0 : index
    %swap3A_83 = vector.load %arg4[%swap3A, %swap3A_82] : memref<1x1xf32, #tpu.memory_space<vmem>>, vector<1x1xf32>
    tpu.vector_store %arg4[%swap3A, %swap3A_82], %mul3A_81 {strides = array<i32>} : memref<1x1xf32, #tpu.memory_space<vmem>>, vector<1x1xf32>,
    %broadcast_in_dim3A_84 = arith.constant 1.000000e+00 : f32
    %broadcast_in_dim3A_85 = vector.broadcast %broadcast_in_dim3A_84 : f32 to vector<1x1xf32>
    %min3A = arith.minimumf %reduce_min3A_45, %reduce_min3A_71 : f32
    %mul3A_86 = vector.broadcast %min3A : f32 to vector<1x1xf32>
    %mul3A_87 = arith.mulf %broadcast_in_dim3A_85, %mul3A_86 : vector<1x1xf32>
    %swap3A_88 = arith.constant 0 : index
    %swap3A_89 = arith.constant 0 : index
    %swap3A_90 = vector.load %arg5[%swap3A_88, %swap3A_89] : memref<1x1xf32, #tpu.memory_space<vmem>>, vector<1x1xf32>
    tpu.vector_store %arg5[%swap3A_88, %swap3A_89], %mul3A_87 {strides = array<i32>} : memref<1x1xf32, #tpu.memory_space<vmem>>, vector<1x1xf32>,
    %broadcast_in_dim3A_91 = arith.constant 9.765625E-4 : f32
    %broadcast_in_dim3A_92 = vector.broadcast %broadcast_in_dim3A_91 : f32 to vector<1x1xf32>
    %add3A_93 = arith.addf %reduce_sum3A_50, %reduce_sum3A_76 : f32
    %mul3A_94 = vector.broadcast %add3A_93 : f32 to vector<1x1xf32>
    %mul3A_95 = arith.mulf %broadcast_in_dim3A_92, %mul3A_94 : vector<1x1xf32>
    %swap3A_96 = arith.constant 0 : index
    %swap3A_97 = arith.constant 0 : index
    %swap3A_98 = vector.load %arg6[%swap3A_96, %swap3A_97] : memref<1x1xf32, #tpu.memory_space<vmem>>, vector<1x1xf32>
    tpu.vector_store %arg6[%swap3A_96, %swap3A_97], %mul3A_95 {strides = array<i32>} : memref<1x1xf32, #tpu.memory_space<vmem>>, vector<1x1xf32>,
    return
  }
}

</mosaic_0001>

<sc_bundles>
// kernel: kernel.5.cloned.1.call-start
scs
__scs_entry_jumppad:
0x0: {  	(pc) =	sbr.rel $0x88, $3  }
0x1: {  	(tag) =	ssettag $0x0;
	lr =	simm.s32 $0x1  }
0x2: {  	[smem:$0x3F9E] =	sst lr;
	_ =	strace $0xD0000000  }
0x3: {  	_ = 	snop  }
0x4: {  	_ = 	snop  }
0x5: {  	_ = 	snop  }
0x6: {  	_ = 	snop  }
0x7: {  	_ = 	snop  }
__scs_overlays_trampoline_lowered:
0x8: {  	[smem:$0x3FAD] =	sst s0  }
0x9: {  	[smem:$0x3FAE] =	sst s1  }
0xa: {  	[smem:$0x3FAF] =	sst s2  }
0xb: {  	[smem:$0x3FB0] =	sst s3  }
0xc: {  	[smem:$0x3FB1] =	sst s4  }
0xd: {  	[smem:$0x3FB2] =	sst s5  }
0xe: {  	[smem:$0x3FB3] =	sst s6  }
0xf: {  	[smem:$0x3FB4] =	sst s7  }
0x10: {  	[smem:$0x3FB5] =	sst s8  }
0x11: {  	[smem:$0x3FB6] =	sst s9;
	s0 =	simm.s32 @!p0 $0x0  }
0x12: {  	s1 =	sld [smem:$0x3F9C];
	s0 =	simm.s32 @p0 $0x1  }
0x13: {  	[smem:$0x3FB7] =	sst s0;
	s0 =	simm.s32 @!p1 $0x0  }
0x14: {  	s2 =	sld [smem:$0x3F9B];
	s0 =	simm.s32 @p1 $0x1  }
0x15: {  	[smem:$0x3FB8] =	sst s0;
	s0 =	simm.s32 @!p2 $0x0  }
0x16: {  	s3 =	sld [smem:$0x3FDB];
	s0 =	simm.s32 @p2 $0x1  }
0x17: {  	s4 =	simm.s32 $0x1BF5;
	[smem:$0x3FBA] =	sst s0  }
0x18: {  	s0 =	sld [smem:$0x3F9D];
	_ =	swait.ge [sflag:s4], $0x0  }
0x19: {  	s7 =	sld [smem:$0x3F9E]  }
0x1a: {  	s8 =	sadd.s32 $0xFFFFE003, lr  }
0x1b: {  	s9 =	sadd.s32 $0xFFFFFEF7, lr;
	s5 =	simm.s32 $0xFFFFFFFF;
	p2 =	slt.u32 s8, $0xFFFFF086  }
0x1c: {  	p1 =	slt.u32 s9, $0xF7A;
	s5 =	simm.s32 @!p2 $0x0  }
0x1d: {  	s5 =	simm.s32 @p1 $0x1;
	p0 =	seq.s32 s7, s2  }
0x1e: {  	s7 =	smul.u32 @!p0 $0xF7A, s2;
	p2 =	seq.s32 @!p0 s5, $0x0  }
0x1f: {  	s9 =	smul.u32 $0xF7A, s1;
	s8 =	simm.s32 @!p0 $0x1BF5;
	p2 =	por !p2, p0  }
0x20: {  	[sflag:s8] =	ssyncset.s32 @!p0 $0xFFFFF086;
	s6 =	sadd.s32 @!p0 s3, s7;
	s7 =	simm.s32 @!p0 $0x108  }
0x21: {  	s3 =	sadd.s32 s3, s9;
	s6 =	sadd.s32 @!p0 $0x88, s6;
	s7 =	simm.s32 @p2 $0x1082  }
0x22: {  	[simem:s7], [sflag:s8] =	dma.local @!p0 [hbm:s6], $0xF7A  }
0x23: {  	s9 =	sor.u32 $0xD0000000, s2;
	s6 =	simm.s32 $0x108;
	_ =	swait.ge @!p0 [sflag:s8], $0x0  }
0x24: {  	s3 =	sadd.s32 $0x88, s3;
	s6 =	simm.s32 @!p1 $0x1082;
	[sflag:s4] =	ssyncset.s32 $0xFFFFF086  }
0x25: {  	[simem:s6], [sflag:s4] =	dma.local [hbm:s3], $0xF7A  }
0x26: {  	[smem:$0x3F9E] =	sst s1;
	(tag) =	ssettag s2;
	_ =	strace s9  }
0x27: {  	s1 =	sld [smem:$0x3FAE]  }
0x28: {  	s2 =	sld [smem:$0x3FAF]  }
0x29: {  	s4 =	sld [smem:$0x3FB1]  }
0x2a: {  	p0 =	seq.s32 s5, $0x0;
	s5 =	sld [smem:$0x3FB2]  }
0x2b: {  	s6 =	sld [smem:$0x3FB3]  }
0x2c: {  	s7 =	sld [smem:$0x3FB4]  }
0x2d: {  	s3 =	simm.s32 $0x108;
	s8 =	sld [smem:$0x3FB5]  }
0x2e: {  	s3 =	simm.s32 @!p0 $0x1082;
	s9 =	sld [smem:$0x3FB6]  }
0x2f: {  	lr =	sadd.s32 s0, s3;
	s0 =	sld [smem:$0x3FAD]  }
0x30: {  	s3 =	sld [smem:$0x3FB0]  }
0x31: {  	[smem:$0x3FB9] =	sst s10  }
0x32: {  	s10 =	sld [smem:$0x3FB7];
	_ =	sdelay $0x3  }
0x33: {  	p0 =	seq.s32 s10, $0x1;
	s10 =	sld [smem:$0x3FB9];
	_ =	sdelay $0x3  }
0x34: {  	[smem:$0x3FB9] =	sst s10  }
0x35: {  	s10 =	sld [smem:$0x3FB8];
	_ =	sdelay $0x3  }
0x36: {  	p1 =	seq.s32 s10, $0x1;
	s10 =	sld [smem:$0x3FB9];
	_ =	sdelay $0x3  }
0x37: {  	[smem:$0x3FB9] =	sst s10  }
0x38: {  	s10 =	sld [smem:$0x3FBA]  }
0x39: {  	_ = 	snop;
	(pc) =	sbr.ind lr, $3  }
0x3a: {  	_ = 	snop  }
0x3b: {  	_ = 	snop  }
0x3c: {  	p2 =	seq.s32 s10, $0x1;
	s10 =	sld [smem:$0x3FB9]  }
0x3d: {  	_ =	shalt  }
0x3e: {  	_ =	shalt  }
0x3f: {  	_ =	shalt  }
0x40: {  	_ =	shalt  }
0x41: {  	_ =	shalt  }
0x42: {  	_ =	shalt  }
0x43: {  	_ =	shalt  }
0x44: {  	_ =	shalt  }
0x45: {  	_ =	shalt  }
0x46: {  	_ =	shalt  }
0x47: {  	_ =	shalt  }
0x48: {  	_ =	shalt  }
0x49: {  	_ =	shalt  }
0x4a: {  	_ =	shalt  }
0x4b: {  	_ =	shalt  }
0x4c: {  	_ =	shalt  }
0x4d: {  	_ =	shalt  }
0x4e: {  	_ =	shalt  }
0x4f: {  	_ =	shalt  }
0x50: {  	_ =	shalt  }
0x51: {  	_ =	shalt  }
0x52: {  	_ =	shalt  }
0x53: {  	_ =	shalt  }
0x54: {  	_ =	shalt  }
0x55: {  	_ =	shalt  }
0x56: {  	_ =	shalt  }
0x57: {  	_ =	shalt  }
0x58: {  	_ =	shalt  }
0x59: {  	_ =	shalt  }
0x5a: {  	_ =	shalt  }
0x5b: {  	_ =	shalt  }
0x5c: {  	_ =	shalt  }
0x5d: {  	_ =	shalt  }
0x5e: {  	_ =	shalt  }
0x5f: {  	_ =	shalt  }
0x60: {  	_ =	shalt  }
0x61: {  	_ =	shalt  }
0x62: {  	_ =	shalt  }
0x63: {  	_ =	shalt  }
0x64: {  	_ =	shalt  }
0x65: {  	_ =	shalt  }
0x66: {  	_ =	shalt  }
0x67: {  	_ =	shalt  }
0x68: {  	_ =	shalt  }
0x69: {  	_ =	shalt  }
0x6a: {  	_ =	shalt  }
0x6b: {  	_ =	shalt  }
0x6c: {  	_ =	shalt  }
0x6d: {  	_ =	shalt  }
0x6e: {  	_ =	shalt  }
0x6f: {  	_ =	shalt  }
0x70: {  	_ =	shalt  }
0x71: {  	_ =	shalt  }
0x72: {  	_ =	shalt  }
0x73: {  	_ =	shalt  }
0x74: {  	_ =	shalt  }
0x75: {  	_ =	shalt  }
0x76: {  	_ =	shalt  }
0x77: {  	_ =	shalt  }
0x78: {  	_ =	shalt  }
0x79: {  	_ =	shalt  }
0x7a: {  	_ =	shalt  }
0x7b: {  	_ =	shalt  }
0x7c: {  	_ =	shalt  }
0x7d: {  	_ =	shalt  }
0x7e: {  	_ =	shalt  }
0x7f: {  	_ =	shalt  }
0x80: {  	_ =	shalt  }
0x81: {  	_ =	shalt  }
0x82: {  	_ =	shalt  }
0x83: {  	_ =	shalt  }
0x84: {  	_ =	shalt  }
0x85: {  	_ =	shalt  }
0x86: {  	_ =	shalt  }
0x87: {  	_ =	shalt  }
.Lfunc_end0:
.L_simem_size_0:
called_computation_lowered:
.L_overlay_start_0:
0x88: {  	s2 =	sld [smem:$0x3FD9]  }
0x89: {  	s3 =	sld [smem:$0x3FFE];
	_ =	sdelay $0x1  }
0x8a: {  	s1 =	srdreg.scid  }
0x8b: {  	s0 =	sand.u32 $0x1, s1  }
0x8c: {  	s17 =	sshll.u32 s0, $0xA;
	s2 =	sadd.s32 s3, s2  }
0x8d: {  	s2 =	sadd.s32 s2, s17  }
0x8e: {  	[smem:$0x3FC5] =	sst s2  }
0x8f: {  	_ = 	snop  }
0x90: {  	s2 =	sld [smem:$0x3FC7];
	(tm) =	ssettm $0x1  }
0x91: {  	s18 =	sld [smem:$0x3FFB];
	_ =	sdelay $0x3  }
0x92: {  	_ =	strace s18  }
0x93: {  	s3 =	sld [smem:$0x3FFC];
	_ =	sdelay $0x3  }
0x94: {  	_ =	strace s3  }
0x95: {  	s3 =	sld [smem:$0x3FFD];
	_ =	sdelay $0x3  }
0x96: {  	_ =	strace s3  }
0x97: {  	_ =	strace $0x8FFFFFFF  }
0x98: {  	s19 =	sld [smem:$0x3FDB];
	_ =	sdelay $0x1  }
0x99: {  	s4 =	simm.s32 $_scs_section_size  }
0x9a: {  	s5 =	simm.s32 $_size__tile_overlayer_lowered;
	s6 =	simm.s32 $_tile_overlayer_lowered  }
0x9b: {  	s22 =	simm.s32 $0x1BFF;
	s21 =	sshll.u32 s6, $0x1;
	s3 =	sadd.s32 s4, s19  }
0x9c: {  	s7 =	simm.s32 $0x0;
	s20 =	sshll.u32 s5, $0x1;
	s5 =	sadd.s32 s21, s3  }
0x9d: {  	[timem:s7], [sflag:s22] =	dma.local [hbm:s5], s20  }
0x9e: {  	_ =	swait.ge [sflag:s22], s20  }
0x9f: {  	s4 =	ssub.s32 $0x0, s20;
	[sflag:s22] =	ssyncset.done $0x0  }
0xa0: {  	[sflag:s22] =	ssyncadd.s32 s4;
	_ =	sdelay $0x1  }
0xa1: {  	s23 =	simm.s32 $0x1B8B  }
0xa2: {  	_ =	swait.ge [sflag:s23], $0x1  }
0xa3: {  	[sflag:s23] =	ssyncset.done $0x0  }
0xa4: {  	s25 =	simm.s32 $0x1B8E;
	s24 =	sld [smem:$0x3FFE];
	[sflag:s23] =	ssyncadd.s32 $0xFFFFFFFF  }
0xa5: {  	s26 =	simm.s32 $execute0_lowered;
	[smem:$0x3FD2] =	sst s25  }
0xa6: {  	s5 =	sshll.u32 s26, $0x1;
	_ =	strace $0x80000046;
	[dreg:$0x1] =	wrdreg $0xFFFFFFFF  }
0xa7: {  	s28 =	simm.s32 $_size_execute0_lowered;
	s3 =	sadd.s32 s3, s5;
	[dreg:$0x0] =	wrdreg $0x0  }
0xa8: {  	s5 =	sshll.u32 s28, $0x1;
	[dreg:$0x2] =	wrdreg s3  }
0xa9: {  	[dreg:$0x3] =	wrdreg s5  }
0xaa: {  	[dreg:$0x4] =	wrdreg $0xC0  }
0xab: {  	_ =	task [dreg:s7], $0x5FFFF  }
0xac: {  	[dreg:$0x1] =	wrdreg $0xFFFFFFFF  }
0xad: {  	[dreg:$0x0] =	wrdreg $0x60  }
0xae: {  	[dreg:$0x2] =	wrdreg s24  }
0xaf: {  	[dreg:$0x3] =	wrdreg s2  }
0xb0: {  	[dreg:$0x4] =	wrdreg $0x9  }
0xb1: {  	_ =	task.clear_ibuf [dreg:s7], $0x5FFFF;
	_ =	strace $0x90000046  }
0xb2: {  	s29 =	simm.s32 $0x9;
	_ =	strace $0x80000048  }
0xb3: {  	_ =	swait.ge [sflag:s29], $0x1  }
0xb4: {  	[sflag:s29] =	ssyncadd.s32 $0xFFFFFFFF  }
0xb5: {  	_ =	strace $0x90000048  }
0xb6: {  	_ =	sfence  }
0xb7: {  	s30 =	sld [smem:$0x0];
	_ =	sdelay $0x2  }
0xb8: {  	s31 =	sshll.u32 s1, $0xD;
	s1 =	sshrl.u32 s1, $0x2  }
0xb9: {  	s3 =	sand.u32 $0x4000, s31;
	s1 =	sadd.s32 s1, s30  }
0xba: {  	s0 =	sor.u32 s3, s0;
	s1 =	sshll.u32 s1, $0x11  }
0xbb: {  	s0 =	sor.u32 s1, s0  }
0xbc: {  	s0 =	sadd.s32 $0x8F2B, s0  }
0xbd: {  	[sflag:s0] =	ssyncadd.remote.s32 $0x1  }
0xbe: {  	_ =	sfence.sel $0xFFFF  }
0xbf: {  	[dreg:$0x0] =	wrdreg $0xFFFFFFFF;
	(pc) =	sbr.abs _section_cstart, $3  }
0xc0: {  	[dreg:$0x1] =	wrdreg $0xFFFFFFFF  }
0xc1: {  	_ =	task.clear_ibuf [dreg:s7], $0x2FFFF;
	_ =	strace $0x9FFFFFFF  }
0xc2: {  	(tm) =	ssettm $0x7FFFFFFF  }
0xc3: {  	_ =	shalt  }
tec
execute0_lowered:
.L_overlay_start_1:
0x0: {  	(tag) =	ssettag $0x1  }
0x1: {  	s0 =	rddreg [dreg:$0x0]  }
0x2: {  	s1 =	rddreg [dreg:$0x1]  }
0x3: {  	s3 =	srdreg.scid;
	s4 =	stileid.u32;
	s2 =	simm.s32 $0x0  }
0x4: {  	s16 =	simm.s32 $0x5;
	s19 =	simm.s32 $0x3;
	s21 =	simm.s32 $0x5C00  }
0x5: {  	s22 =	simm.s32 $0xC380;
	s23 =	simm.s32 $0x1;
	s29 =	simm.s32 $0x0  }
0x6: {  	s5 =	sand.u32 $0x1, s3;
	[smem:$0x7FF] =	sst s2;
	s3 =	sadd.s32 $0x1200, s0  }
0x7: {  	s26 =	sshll.u32 s4, $0x1;
	s4 =	sadd.s32 $0xC39200, s0;
	s12 =	sadd.s32 $0xC3C400, s0  }
0x8: {  	s0 =	sadd.s32 $0xC3C800, s0;
	s7 =	sor.u32 s5, s26;
	s8 =	ssub.s32 $0x2, s5  }
0x9: {  	_ =	strace $0x80000047;
	s6 =	sshll.u32 s7, $0x1;
	s9 =	sshrl.u32 s8, $0x1  }
0xa: {  	s28 =	smul.u32 $0x187000, s7;
	s11 =	sshll.u32 s7, $0x5;
	s6 =	sor.u32 $0x40, s6  }
0xb: {  	s14 =	ssub.s32 s8, s9;
	s8 =	sadd.s32 s12, s11;
	s10 =	sadd.s32 s0, s11  }
0xc: {  	s13 =	sor.u32 $0x10, s11;
	s5 =	smul.u32 $0xC3800, s6;
	s1 =	sadd.s32 s1, s6  }
0xd: {  	s9 =	sadd.s32 $0x31A3800, s28;
	s12 =	sadd.s32 s12, s13;
	s13 =	sadd.s32 s0, s13  }
0xe: {  	s14 =	smax.u32 s14, $0x1;
	s31 =	sshrl.u32 s9, $0x3;
	s30 =	sshrl.u32 s5, $0x3  }
0xf: {  	v0 =	vimm.f32 $0.0e+00;
	v1 =	vlaneseq.u32;
	[dreg:$0x3] =	wrdreg s1;
	s11 =	sadd.s32 s3, s31;
	s7 =	sadd.s32 s3, s30  }
.LBB2_1:
0x10: {  	s0 =	rddreg [dreg:$0x3];
	s1 =	simm.s32 $0xCF00  }
0x11: {  	[tilespmem:s1], [sflag:$0x5] =	stream.linear.gather [hbm4b:s0+s2], $0x10, $0x38;
	[tilespmem:$0xD200] =	vst v63  }
0x12: {  	_ =	swait.ge [sflag:s16], $0x10  }
0x13: {  	[sflag:s16] =	ssyncset.done $0x0  }
0x14: {  	s26 =	simm.s32 $0x10;
	s6 =	simm.s32 $0xCF80;
	[sflag:s16] =	ssyncadd.s32 $0xFFFFFFF0  }
0x15: {  	[tilespmem:s6], [sflag:$0x3] =	stream.indirect.gather [hbm4b:s4+s26], $0x1, s1, s26, $0xb8;
	[tilespmem:$0xD200] =	vst v63  }
0x16: {  	_ =	swait.ge [sflag:s19], $0x10  }
0x17: {  	[sflag:s19] =	ssyncset.done $0x0  }
0x18: {  	[sflag:s19] =	ssyncadd.s32 $0xFFFFFFF0  }
0x19: {  	[tilespmem:$0xD100] =	vst v0  }
0x1a: {  	[tilespmem:$0xD000] =	vst v0  }
0x1b: {  	[tilespmem:$0xD110] =	vst v0  }
0x1c: {  	[tilespmem:$0xD010] =	vst v0  }
0x1d: {  	[tilespmem:$0xD120] =	vst v0  }
0x1e: {  	[tilespmem:$0xD020] =	vst v0  }
0x1f: {  	[tilespmem:$0xD130] =	vst v0;
	v9 =	vld [tilespmem:$0xCF80]  }
0x20: {  	[tilespmem:$0xD030] =	vst v0  }
0x21: {  	[tilespmem:$0xD140] =	vst v0  }
0x22: {  	[tilespmem:$0xD040] =	vst v0  }
0x23: {  	[tilespmem:$0xD150] =	vst v0;
	v17 =	vld [tilespmem:$0xCF00]  }
0x24: {  	[tilespmem:$0xD050] =	vst v0;
	v2 =	vbroadcast v9, $0x0;
	v3 =	vbroadcast v9, $0x1  }
0x25: {  	[tilespmem:$0xD160] =	vst v0;
	v4 =	vbroadcast v9, $0x2;
	v5 =	vbroadcast v9, $0x3  }
0x26: {  	[tilespmem:$0xD060] =	vst v0;
	v6 =	vbroadcast v9, $0x4;
	v7 =	vbroadcast v9, $0x5  }
0x27: {  	[tilespmem:$0xD170] =	vst v0;
	v8 =	vbroadcast v9, $0x6;
	v9 =	vbroadcast v9, $0x7  }
0x28: {  	s28 =	simm.s32 $0xB800;
	[tilespmem:$0xD070] =	vst v0;
	v10 =	vbroadcast v17, $0x0;
	v11 =	vbroadcast v17, $0x1  }
0x29: {  	[tilespmem:s2], [sflag:$0x1] =	stream.linear.gather [hbm4b:s7+s2], $0x5C00, $0x38;
	v12 =	vbroadcast v17, $0x2;
	v13 =	vbroadcast v17, $0x3;
	[tilespmem:$0xD200] =	vst v63  }
0x2a: {  	s30 =	simm.s32 $0xB80;
	s31 =	simm.s32 $0x0;
	s0 =	simm.s32 $0x0;
	v15 =	vbroadcast v17, $0x5;
	v16 =	vbroadcast v17, $0x6  }
0x2b: {  	[tilespmem:s28], [sflag:$0x3] =	stream.linear.gather [hbm4b:s4+s2], $0xB80, $0x38;
	v14 =	vbroadcast v17, $0x4;
	v17 =	vbroadcast v17, $0x7;
	[tilespmem:$0xD200] =	vst v63  }
.LBB2_2:
0x2c: {  	s1 =	sshllo.u32 s0, $0x1  }
0x2d: {  	s15 =	smul.u32 $0x5C00, s1;
	_ =	sdelay $0x1  }
0x2e: {  	s15 =	sadd.s32 s5, s15  }
0x2f: {  	s15 =	sshrl.u32 s15, $0x3  }
0x30: {  	s18 =	simm.s32 $0x0;
	s1 =	smul.u32 $0x170, s1;
	s15 =	sadd.s32 s3, s15  }
0x31: {  	[tilespmem:s21], [sflag:$0x2] =	stream.linear.gather [hbm4b:s15+s18], $0x5C00, $0x38;
	[tilespmem:$0xD200] =	vst v63  }
0x32: {  	s1 =	sadd.s32 s4, s1  }
0x33: {  	[tilespmem:s22], [sflag:$0x4] =	stream.linear.gather [hbm4b:s1+s18], $0xB80, $0x38;
	[tilespmem:$0xD200] =	vst v63  }
0x34: {  	_ =	swait.ge [sflag:s23], $0x5C00  }
0x35: {  	[sflag:s23] =	ssyncset.done $0x0  }
0x36: {  	s24 =	sand.u32 $0x7, s18;
	[sflag:s23] =	ssyncadd.s32 $0xFFFFA400  }
0x37: {  	s1 =	sshll.u32 s24, $0x4;
	_ =	swait.ge [sflag:s19], $0xB80  }
0x38: {  	s25 =	sand.u32 $0x70, s18;
	s1 =	sadd.s32 $0x0, s1;
	[sflag:s19] =	ssyncset.done $0x0  }
0x39: {  	s17 =	sand.u32 $0x7C00, s18;
	s1 =	sor.u32 $0x380, s1;
	[sflag:s19] =	ssyncadd.s32 $0xFFFFF480  }
0x3a: {  	s26 =	sor.u32 s25, s17;
	v18 =	vld [tilespmem:s1+$0x0]  }
0x3b: {  	v19 =	vld [tilespmem:s26+$0x0]  }
0x3c: {  	v20 =	vld [tilespmem:s26+$0x80]  }
0x3d: {  	v21 =	vld [tilespmem:s26+$0x100]  }
0x3e: {  	v22 =	vld [tilespmem:s26+$0x180]  }
0x3f: {  	v33 =	vimm.f32 $0.0e+00;
	v32 =	vimm.f32 $0.0e+00;
	v23 =	vld [tilespmem:s26+$0x200];
	v18 =	vmul.f32 $1.442695020e+00, v18  }
0x40: {  	v31 =	vimm.f32 $0.0e+00;
	v30 =	vimm.f32 $0.0e+00;
	v24 =	vld [tilespmem:s26+$0x280];
	v19 =	vmul.f32 $1.442695020e+00, v19  }
0x41: {  	v28 =	vimm.f32 $0.0e+00;
	(erf) = vpow2.f32 v18;
	v18 =	vmul.f32 $1.442695020e+00, v20;
	v20 =	vld [tilespmem:s26+$0x300]  }
0x42: {  	v29 =	vimm.f32 $0.0e+00;
	v21 =	vmul.f32 $1.442695020e+00, v21;
	(erf) = vpow2.f32 v19  }
0x43: {  	v27 =	vimm.f32 $0.0e+00;
	s17 =	simm.s32 $0xB800;
	v19 =	vmul.f32 $1.442695020e+00, v22;
	(erf) = vpow2.f32 v18  }
0x44: {  	v25 =	vimm.f32 $0.0e+00;
	v34 =	vld [tilespmem:s17+$0x0];
	v18 =	vmul.f32 $1.442695020e+00, v23;
	(erf) = vpow2.f32 v21  }
0x45: {  	s28 =	sadd.s32 $0x0, s31;
	v26 =	vimm.f32 $0.0e+00;
	v21 =	vmul.f32 $1.442695020e+00, v24;
	(erf) = vpow2.f32 v19  }
0x46: {  	v36 =	vor.u32 s28, v1;
	v19 =	vmul.f32 $1.442695020e+00, v20;
	(erf) = vpow2.f32 v18  }
0x47: {  	vm1 =	veq.s32 v36, v10;
	vm2 =	veq.s32 v36, v11;
	(erf) = vpow2.f32 v21  }
0x48: {  	vm0 =	veq.s32 v36, v17;
	vm4 =	veq.s32 v36, v12;
	(erf) = vpow2.f32 v19  }
0x49: {  	vm3 =	veq.s32 v36, v13;
	vm5 =	veq.s32 v34, v9;
	v22 =	vimm.f32 $0.0e+00  }
0x4a: {  	s25 =	simm.s32 $0x1;
	v23 =	vimm.f32 $0.0e+00;
	v24 =	vimm.f32 $0.0e+00;
	v20 =	vimm.f32 $0.0e+00;
	v18 =	vpop (erf)  }
0x4b: {  	s15 =	sand.u32 $0x7, s25;
	v21 =	vimm.f32 $0.0e+00;
	v19 =	vimm.f32 $0.0e+00;
	v35 =	vsel vm0, $0x0, v18;
	v37 =	vpop (erf)  }
0x4c: {  	s24 =	simm.s32 $0x10;
	s1 =	sshll.u32 s0, $0x1;
	s26 =	simm.s32 $0x20;
	vm0 =	veq.s32 v36, v14;
	v18 =	vimm.f32 $0.0e+00;
	v38 =	vnsel vm5, $0x0, v35;
	v39 =	vpop (erf)  }
.LBB2_3:
0x4d: {  	p0 =	sne.s32 s26, $0xB70;
	s15 =	sshll.u32 s15, $0x4;
	vm6 =	veq.s32 v36, v15;
	vm5 =	veq.s32 v36, v16;
	v33 =	vadd.f32 v38, v33;
	s18 =	sadd.s32 $0x80, s18;
	v36 =	vpop (erf)  }
0x4e: {  	s28 =	sand.u32 $0x70, s24;
	v37 =	vsel vm1, $0x0, v37;
	v38 =	vsel vm2, $0x0, v39;
	s15 =	sadd.s32 s15, s18;
	s20 =	sand.u32 $0x7C00, s18;
	v36 =	vsel vm4, $0x0, v36;
	v39 =	vpop (erf)  }
0x4f: {  	vm1 =	veq.s32 v34, v2;
	vm2 =	veq.s32 v34, v3;
	s20 =	sor.u32 s28, s20;
	s15 =	sor.u32 $0x380, s15;
	v39 =	vsel vm3, $0x0, v39;
	v40 =	vpop (erf)  }
0x50: {  	vm4 =	veq.s32 v34, v5;
	vm3 =	veq.s32 v34, v4;
	v41 =	vld [tilespmem:s15+$0x0];
	v40 =	vsel vm0, $0x0, v40;
	v42 =	vpop (erf)  }
0x51: {  	vm0 =	veq.s32 v34, v6;
	v43 =	vld [tilespmem:s20+$0x0];
	v42 =	vsel vm6, $0x0, v42;
	vm6 =	veq.s32 v34, v7;
	v44 =	vpop (erf)  }
0x52: {  	v46 =	vnsel vm1, $0x0, v37;
	vm1 =	veq.s32 v34, v8;
	v45 =	vld [tilespmem:s20+$0x80];
	v44 =	vsel vm5, $0x0, v44  }
0x53: {  	v47 =	vnsel vm2, $0x0, v38;
	v48 =	vnsel vm3, $0x0, v36;
	v49 =	vnsel vm4, $0x0, v39;
	v34 =	vld [tilespmem:s20+$0x100]  }
0x54: {  	v51 =	vnsel vm0, $0x0, v40;
	v52 =	vnsel vm6, $0x0, v42;
	v53 =	vnsel vm1, $0x0, v44;
	v50 =	vld [tilespmem:s20+$0x180]  }
0x55: {  	v31 =	vadd.f32 v35, v31;
	v32 =	vadd.f32 v46, v32;
	v54 =	vld [tilespmem:s20+$0x200];
	v41 =	vmul.f32 $1.442695020e+00, v41  }
0x56: {  	v30 =	vadd.f32 v47, v30;
	v28 =	vadd.f32 v48, v28;
	v35 =	vmul.f32 $1.442695020e+00, v43;
	v43 =	vld [tilespmem:s20+$0x280]  }
0x57: {  	v29 =	vadd.f32 v49, v29;
	v45 =	vmul.f32 $1.442695020e+00, v45;
	v46 =	vld [tilespmem:s20+$0x300];
	(erf) = vpow2.f32 v41  }
0x58: {  	v27 =	vadd.f32 v51, v27;
	v34 =	vmul.f32 $1.442695020e+00, v34;
	(erf) = vpow2.f32 v35  }
0x59: {  	v23 =	vadd.f32 v52, v23;
	v35 =	vmul.f32 $1.442695020e+00, v50;
	(erf) = vpow2.f32 v45  }
0x5a: {  	v24 =	vadd.f32 v53, v24;
	v41 =	vmul.f32 $1.442695020e+00, v54;
	(erf) = vpow2.f32 v34  }
0x5b: {  	s17 =	sadd.s32 $0x10, s17;
	v20 =	vadd.f32 v37, v20;
	v43 =	vmul.f32 $1.442695020e+00, v43;
	(erf) = vpow2.f32 v35  }
0x5c: {  	v25 =	vadd.f32 v38, v25;
	v34 =	vld [tilespmem:s17+$0x0];
	v35 =	vmul.f32 $1.442695020e+00, v46;
	(erf) = vpow2.f32 v41  }
0x5d: {  	v21 =	vadd.f32 v36, v21;
	v18 =	vadd.f32 v39, v18;
	(erf) = vpow2.f32 v43  }
.Ltmp0:
0x5e: {  	s15 =	sadd.s32 s24, s31;
	s24 =	smov.u32 s26;
	v26 =	vadd.f32 v40, v26;
	v22 =	vadd.f32 v42, v22;
	(erf) = vpow2.f32 v35;
	(pc) =	sbr.rel @p0 .LBB2_3-.Ltmp0, $4  }
0x5f: {  	v36 =	vor.u32 s15, v1;
	v19 =	vadd.f32 v44, v19  }
0x60: {  	vm2 =	veq.s32 v36, v11;
	vm0 =	veq.s32 v36, v17;
	vm1 =	veq.s32 v36, v10;
	v35 =	vpop (erf)  }
0x61: {  	s25 =	sadd.s32 $0x1, s25;
	vm4 =	veq.s32 v36, v12;
	v35 =	vsel vm0, $0x0, v35;
	vm5 =	veq.s32 v34, v9;
	v37 =	vpop (erf)  }
0x62: {  	s26 =	sadd.s32 $0x10, s26;
	s15 =	sand.u32 $0x7, s25;
	vm3 =	veq.s32 v36, v13;
	vm0 =	veq.s32 v36, v14;
	v38 =	vnsel vm5, $0x0, v35;
	v39 =	vpop (erf)  }
0x63: {  	s15 =	sshll.u32 s15, $0x4;
	s18 =	sadd.s32 $0x80, s18;
	vm5 =	veq.s32 v36, v15;
	vm6 =	veq.s32 v36, v16  }
0x64: {  	v33 =	vadd.f32 v38, v33;
	v37 =	vsel vm1, $0x0, v37;
	v59 =	vsel vm2, $0x0, v39;
	s15 =	sadd.s32 s15, s18  }
0x65: {  	v58 =	vpop (erf);
	s20 =	sand.u32 $0x70, s24;
	vm1 =	veq.s32 v34, v2;
	vm2 =	veq.s32 v34, v3;
	v31 =	vadd.f32 v35, v31;
	s18 =	sand.u32 $0x7C00, s18;
	s15 =	sor.u32 $0x380, s15  }
0x66: {  	v36 =	vsel vm4, $0x0, v58;
	vm4 =	veq.s32 v34, v5;
	v46 =	vnsel vm1, $0x0, v37;
	s18 =	sor.u32 s20, s18;
	v41 =	vld [tilespmem:s15+$0x0]  }
0x67: {  	s6 =	sadd.s32 s24, s31;
	v60 =	vpop (erf);
	vm1 =	veq.s32 v34, v8;
	v61 =	vnsel vm2, $0x0, v59;
	v20 =	vadd.f32 v37, v20;
	v43 =	vld [tilespmem:s18+$0x0]  }
0x68: {  	v25 =	vadd.f32 v59, v25;
	v58 =	vor.u32 s6, v1;
	v39 =	vsel vm3, $0x0, v60;
	v45 =	vld [tilespmem:s18+$0x80]  }
0x69: {  	v40 =	vpop (erf);
	vm3 =	veq.s32 v34, v4;
	v32 =	vadd.f32 v46, v32;
	v30 =	vadd.f32 v61, v30  }
0x6a: {  	v21 =	vadd.f32 v36, v21;
	vm2 =	veq.s32 v58, v10;
	v40 =	vsel vm0, $0x0, v40;
	v47 =	vld [tilespmem:s18+$0x100]  }
0x6b: {  	vm0 =	veq.s32 v34, v6;
	v48 =	vnsel vm3, $0x0, v36;
	v41 =	vmul.f32 $1.442695020e+00, v41  }
0x6c: {  	v49 =	vld [tilespmem:s18+$0x180];
	v50 =	vnsel vm4, $0x0, v39;
	v18 =	vadd.f32 v39, v18;
	v43 =	vmul.f32 $1.442695020e+00, v43  }
0x6d: {  	v42 =	vpop (erf);
	vm3 =	veq.s32 v58, v11;
	v45 =	vmul.f32 $1.442695020e+00, v45;
	(erf) = vpow2.f32 v41  }
0x6e: {  	v54 =	vld [tilespmem:s18+$0x200];
	vm4 =	veq.s32 v58, v12;
	v42 =	vsel vm5, $0x0, v42;
	(erf) = vpow2.f32 v43  }
0x6f: {  	vm5 =	veq.s32 v34, v7;
	v47 =	vmul.f32 $1.442695020e+00, v47;
	(erf) = vpow2.f32 v45  }
0x70: {  	v62 =	vld [tilespmem:s18+$0x280];
	v51 =	vnsel vm0, $0x0, v40;
	v28 =	vadd.f32 v48, v28;
	v29 =	vadd.f32 v50, v29  }
0x71: {  	v63 =	vld [tilespmem:s18+$0x300];
	v44 =	vpop (erf);
	v26 =	vadd.f32 v40, v26;
	v55 =	vmul.f32 $1.442695020e+00, v49;
	(erf) = vpow2.f32 v47  }
0x72: {  	vm0 =	veq.s32 v58, v17;
	v44 =	vsel vm6, $0x0, v44;
	v52 =	vnsel vm5, $0x0, v42  }
0x73: {  	s28 =	sadd.s32 $0x10, s17;
	v27 =	vadd.f32 v51, v27;
	v56 =	vmul.f32 $1.442695020e+00, v54;
	(erf) = vpow2.f32 v55  }
0x74: {  	v34 =	vld [tilespmem:s28+$0x0];
	v22 =	vadd.f32 v42, v22;
	vm5 =	veq.s32 v58, v13;
	vm6 =	veq.s32 v58, v14  }
0x75: {  	v53 =	vnsel vm1, $0x0, v44;
	v57 =	vmul.f32 $1.442695020e+00, v62;
	(erf) = vpow2.f32 v56  }
0x76: {  	v23 =	vadd.f32 v52, v23;
	v19 =	vadd.f32 v44, v19;
	v35 =	vmul.f32 $1.442695020e+00, v63;
	v59 =	vpop (erf)  }
0x77: {  	vm1 =	veq.s32 v58, v15;
	v24 =	vadd.f32 v53, v24;
	(erf) = vpow2.f32 v57;
	v60 =	vpop (erf)  }
0x78: {  	v63 =	vld [tilespmem:$0xD100];
	(erf) = vpow2.f32 v35;
	v36 =	vsel vm0, $0x0, v59;
	vm0 =	veq.s32 v58, v16;
	v61 =	vpop (erf)  }
0x79: {  	v48 =	vld [tilespmem:$0xD000];
	v37 =	vsel vm2, $0x0, v60;
	vm2 =	veq.s32 v34, v2;
	v38 =	vsel vm3, $0x0, v61  }
0x7a: {  	v49 =	vld [tilespmem:$0xD110];
	v62 =	vpop (erf);
	vm3 =	veq.s32 v34, v3;
	v51 =	vnsel vm2, $0x0, v37;
	v20 =	vadd.f32 v37, v20  }
0x7b: {  	v52 =	vld [tilespmem:$0xD010];
	vm2 =	veq.s32 v34, v5;
	v35 =	vsel vm4, $0x0, v62;
	vm4 =	veq.s32 v34, v4  }
0x7c: {  	v53 =	vld [tilespmem:$0xD120];
	v47 =	vpop (erf);
	v32 =	vadd.f32 v51, v32;
	v54 =	vnsel vm3, $0x0, v38;
	v25 =	vadd.f32 v38, v25  }
0x7d: {  	v55 =	vld [tilespmem:$0xD020];
	vm3 =	veq.s32 v34, v6;
	v40 =	vsel vm5, $0x0, v47;
	v20 =	vadd.f32 v63, v20  }
0x7e: {  	v56 =	vld [tilespmem:$0xD130];
	v50 =	vpop (erf);
	v30 =	vadd.f32 v54, v30;
	v58 =	vnsel vm4, $0x0, v35;
	v32 =	vadd.f32 v48, v32  }
0x7f: {  	v21 =	vadd.f32 v35, v21;
	v43 =	vsel vm6, $0x0, v50;
	[tilespmem:$0xD100] =	vst v20;
	v20 =	vadd.f32 v49, v25;
	v25 =	vld [tilespmem:$0xD030]  }
0x80: {  	v60 =	vld [tilespmem:$0xD140];
	v57 =	vpop (erf);
	v28 =	vadd.f32 v58, v28;
	v61 =	vnsel vm2, $0x0, v40;
	v30 =	vadd.f32 v52, v30;
	[tilespmem:$0xD000] =	vst v32  }
0x81: {  	v18 =	vadd.f32 v40, v18;
	v59 =	vsel vm1, $0x0, v57;
	[tilespmem:$0xD110] =	vst v20;
	v20 =	vadd.f32 v53, v21;
	v21 =	vld [tilespmem:$0xD040]  }
0x82: {  	vm1 =	veq.s32 v34, v7;
	v29 =	vadd.f32 v61, v29;
	v28 =	vadd.f32 v55, v28;
	[tilespmem:$0xD010] =	vst v30;
	v30 =	vld [tilespmem:$0xD150]  }
0x83: {  	v62 =	vpop (erf);
	v63 =	vnsel vm3, $0x0, v43;
	v26 =	vadd.f32 v43, v26;
	v18 =	vadd.f32 v56, v18;
	[tilespmem:$0xD120] =	vst v20;
	v20 =	vld [tilespmem:$0xD050]  }
0x84: {  	v37 =	vsel vm0, $0x0, v62;
	v27 =	vadd.f32 v63, v27;
	[tilespmem:$0xD020] =	vst v28;
	v28 =	vld [tilespmem:$0xD160];
	v25 =	vadd.f32 v25, v29  }
0x85: {  	v22 =	vadd.f32 v59, v22;
	[tilespmem:$0xD130] =	vst v18;
	v18 =	vadd.f32 v60, v26;
	v26 =	vld [tilespmem:$0xD060];
	v29 =	vnsel vm1, $0x0, v59  }
0x86: {  	vm0 =	veq.s32 v34, v8;
	v23 =	vadd.f32 v29, v23;
	[tilespmem:$0xD030] =	vst v25;
	v21 =	vadd.f32 v21, v27;
	v25 =	vld [tilespmem:$0xD170]  }
0x87: {  	v19 =	vadd.f32 v37, v19;
	[tilespmem:$0xD140] =	vst v18;
	v27 =	vnsel vm0, $0x0, v37;
	v18 =	vadd.f32 v30, v22;
	v22 =	vld [tilespmem:$0xD070]  }
0x88: {  	vm0 =	veq.s32 v34, v9;
	v24 =	vadd.f32 v27, v24;
	[tilespmem:$0xD040] =	vst v21;
	v20 =	vadd.f32 v20, v23  }
0x89: {  	v21 =	vnsel vm0, $0x0, v36;
	v23 =	vadd.f32 v36, v31;
	[tilespmem:$0xD150] =	vst v18;
	v18 =	vadd.f32 v28, v19  }
0x8a: {  	v19 =	vadd.f32 v21, v33;
	[tilespmem:$0xD050] =	vst v20;
	v20 =	vadd.f32 v26, v24  }
0x8b: {  	[tilespmem:$0xD160] =	vst v18;
	v18 =	vadd.f32 v25, v23  }
0x8c: {  	v19 =	vadd.f32 v22, v19;
	[tilespmem:$0xD060] =	vst v20  }
0x8d: {  	p0 =	seq.s32 s0, $0x10;
	[tilespmem:$0xD170] =	vst v18  }
0x8e: {  	s15 =	simm.s32 @p0 $0x2;
	[tilespmem:$0xD070] =	vst v19  }
0x8f: {  	_ =	swait.ge @p0 [sflag:s15], $0x5C00  }
0x90: {  	[sflag:s15] =	ssyncset.done @p0 $0x0  }
0x91: {  	[sflag:s15] =	ssyncadd.s32 @p0 $0xFFFFA400;
	s15 =	simm.s32 @p0 $0x4  }
0x92: {  	_ =	swait.ge @p0 [sflag:s15], $0xB80  }
0x93: {  	[sflag:s15] =	ssyncset.done @p0 $0x0  }
0x94: {  	v18 =	vimm.f32 @p0 $-Inf;
	[sflag:s15] =	ssyncadd.s32 @p0 $0xFFFFF480  }
0x95: {  	[tilespmem:$0xB420] =	vst @p0 v18  }
0x96: {  	[tilespmem:$0xB430] =	vst @p0 v18  }
0x97: {  	[tilespmem:$0xB440] =	vst @p0 v18  }
0x98: {  	[tilespmem:$0xB450] =	vst @p0 v18  }
0x99: {  	[tilespmem:$0xB460] =	vst @p0 v18  }
0x9a: {  	[tilespmem:$0xB470] =	vst @p0 v18  }
0x9b: {  	[tilespmem:$0xB4A0] =	vst @p0 v18  }
0x9c: {  	[tilespmem:$0xB4B0] =	vst @p0 v18  }
0x9d: {  	[tilespmem:$0xB4C0] =	vst @p0 v18  }
0x9e: {  	[tilespmem:$0xB4D0] =	vst @p0 v18  }
0x9f: {  	[tilespmem:$0xB4E0] =	vst @p0 v18  }
0xa0: {  	[tilespmem:$0xB4F0] =	vst @p0 v18  }
0xa1: {  	[tilespmem:$0xB520] =	vst @p0 v18  }
0xa2: {  	[tilespmem:$0xB530] =	vst @p0 v18  }
0xa3: {  	[tilespmem:$0xB540] =	vst @p0 v18  }
0xa4: {  	[tilespmem:$0xB550] =	vst @p0 v18  }
0xa5: {  	[tilespmem:$0xB560] =	vst @p0 v18  }
0xa6: {  	[tilespmem:$0xB570] =	vst @p0 v18  }
0xa7: {  	[tilespmem:$0xB5A0] =	vst @p0 v18  }
0xa8: {  	[tilespmem:$0xB5B0] =	vst @p0 v18  }
0xa9: {  	[tilespmem:$0xB5C0] =	vst @p0 v18  }
0xaa: {  	[tilespmem:$0xB5D0] =	vst @p0 v18  }
0xab: {  	[tilespmem:$0xB5E0] =	vst @p0 v18  }
0xac: {  	[tilespmem:$0xB5F0] =	vst @p0 v18  }
0xad: {  	[tilespmem:$0xB620] =	vst @p0 v18  }
0xae: {  	[tilespmem:$0xB630] =	vst @p0 v18  }
0xaf: {  	[tilespmem:$0xB640] =	vst @p0 v18  }
0xb0: {  	[tilespmem:$0xB650] =	vst @p0 v18  }
0xb1: {  	[tilespmem:$0xB660] =	vst @p0 v18  }
0xb2: {  	[tilespmem:$0xB670] =	vst @p0 v18  }
0xb3: {  	[tilespmem:$0xB6A0] =	vst @p0 v18  }
0xb4: {  	[tilespmem:$0xB6B0] =	vst @p0 v18  }
0xb5: {  	[tilespmem:$0xB6C0] =	vst @p0 v18  }
0xb6: {  	[tilespmem:$0xB6D0] =	vst @p0 v18  }
0xb7: {  	[tilespmem:$0xB6E0] =	vst @p0 v18  }
0xb8: {  	[tilespmem:$0xB6F0] =	vst @p0 v18  }
0xb9: {  	[tilespmem:$0xB720] =	vst @p0 v18  }
0xba: {  	[tilespmem:$0xB730] =	vst @p0 v18  }
0xbb: {  	[tilespmem:$0xB740] =	vst @p0 v18  }
0xbc: {  	[tilespmem:$0xB750] =	vst @p0 v18  }
0xbd: {  	[tilespmem:$0xB760] =	vst @p0 v18  }
0xbe: {  	[tilespmem:$0xB770] =	vst @p0 v18  }
0xbf: {  	s1 =	sadd.s32 @!p0 $0x2, s1;
	[tilespmem:$0xB7A0] =	vst @p0 v18  }
0xc0: {  	s15 =	smul.u32 @!p0 $0x5C00, s1;
	[tilespmem:$0xB7B0] =	vst @p0 v18  }
0xc1: {  	[tilespmem:$0xB7C0] =	vst @p0 v18  }
0xc2: {  	[tilespmem:$0xB7D0] =	vst @p0 v18;
	s15 =	sadd.s32 @!p0 s5, s15  }
0xc3: {  	[tilespmem:$0xB7E0] =	vst @p0 v18;
	s15 =	sshrl.u32 @!p0 s15, $0x3  }
0xc4: {  	s17 =	simm.s32 @!p0 $0x0;
	s1 =	smul.u32 @!p0 $0x170, s1;
	[tilespmem:$0xB7F0] =	vst @p0 v18;
	s15 =	sadd.s32 @!p0 s3, s15  }
0xc5: {  	[tilespmem:s17], [sflag:$0x1] =	stream.linear.gather @!p0 [hbm4b:s15+s17], $0x5C00, $0x38;
	[tilespmem:$0xD200] =	vst v63  }
0xc6: {  	s1 =	sadd.s32 @!p0 s4, s1;
	s15 =	simm.s32 @!p0 $0xB800  }
0xc7: {  	[tilespmem:s15], [sflag:$0x3] =	stream.linear.gather @!p0 [hbm4b:s1+s17], $0xB80, $0x38;
	[tilespmem:$0xD200] =	vst v63  }
0xc8: {  	s1 =	simm.s32 @!p0 $0x2  }
0xc9: {  	_ =	swait.ge @!p0 [sflag:s1], $0x5C00  }
0xca: {  	s18 =	simm.s32 $0x0;
	[sflag:s1] =	ssyncset.done @!p0 $0x0  }
0xcb: {  	s17 =	sand.u32 $0x7, s18;
	[sflag:s1] =	ssyncadd.s32 @!p0 $0xFFFFA400;
	s1 =	simm.s32 @!p0 $0x4  }
0xcc: {  	s15 =	sshll.u32 s17, $0x4;
	_ =	swait.ge @!p0 [sflag:s1], $0xB80  }
0xcd: {  	s24 =	sand.u32 $0x70, s18;
	s15 =	sadd.s32 $0x0, s15;
	[sflag:s1] =	ssyncset.done @!p0 $0x0  }
0xce: {  	s25 =	sand.u32 $0x7C00, s18;
	s20 =	sor.u32 $0x380, s15;
	[sflag:s1] =	ssyncadd.s32 @!p0 $0xFFFFF480  }
0xcf: {  	s26 =	sor.u32 s24, s25;
	v18 =	vld [tilespmem:s20+$0x5C00]  }
0xd0: {  	v19 =	vld [tilespmem:s26+$0x5C00]  }
0xd1: {  	v20 =	vld [tilespmem:s26+$0x5C80]  }
0xd2: {  	v21 =	vld [tilespmem:s26+$0x5D00]  }
0xd3: {  	v22 =	vld [tilespmem:s26+$0x5D80]  }
0xd4: {  	v32 =	vimm.f32 $0.0e+00;
	v29 =	vimm.f32 $0.0e+00;
	v23 =	vld [tilespmem:s26+$0x5E00];
	v18 =	vmul.f32 $1.442695020e+00, v18  }
0xd5: {  	s28 =	sadd.s32 $0x0, s30;
	v30 =	vimm.f32 $0.0e+00;
	v27 =	vimm.f32 $0.0e+00;
	v24 =	vld [tilespmem:s26+$0x5E80];
	v19 =	vmul.f32 $1.442695020e+00, v19  }
0xd6: {  	v36 =	vor.u32 s28, v1;
	(erf) = vpow2.f32 v18;
	v18 =	vmul.f32 $1.442695020e+00, v20;
	v20 =	vld [tilespmem:s26+$0x5F00]  }
0xd7: {  	v31 =	vimm.f32 $0.0e+00;
	v21 =	vmul.f32 $1.442695020e+00, v21;
	(erf) = vpow2.f32 v19  }
0xd8: {  	v28 =	vimm.f32 $0.0e+00;
	s1 =	simm.s32 $0xC380;
	v19 =	vmul.f32 $1.442695020e+00, v22;
	(erf) = vpow2.f32 v18  }
0xd9: {  	v33 =	vimm.f32 $0.0e+00;
	v34 =	vld [tilespmem:s1+$0x0];
	v18 =	vmul.f32 $1.442695020e+00, v23;
	(erf) = vpow2.f32 v21  }
0xda: {  	vm1 =	veq.s32 v36, v10;
	v21 =	vmul.f32 $1.442695020e+00, v24;
	(erf) = vpow2.f32 v19  }
0xdb: {  	vm2 =	veq.s32 v36, v11;
	v19 =	vmul.f32 $1.442695020e+00, v20;
	(erf) = vpow2.f32 v18  }
0xdc: {  	vm0 =	veq.s32 v36, v17;
	vm4 =	veq.s32 v36, v12;
	(erf) = vpow2.f32 v21  }
0xdd: {  	vm3 =	veq.s32 v36, v13;
	v26 =	vimm.f32 $0.0e+00;
	(erf) = vpow2.f32 v19  }
0xde: {  	v25 =	vimm.f32 $0.0e+00;
	vm5 =	veq.s32 v34, v9;
	v22 =	vimm.f32 $0.0e+00  }
0xdf: {  	v23 =	vimm.f32 $0.0e+00;
	v24 =	vimm.f32 $0.0e+00;
	v20 =	vimm.f32 $0.0e+00;
	v18 =	vpop (erf)  }
0xe0: {  	s24 =	simm.s32 $0x1;
	v21 =	vimm.f32 $0.0e+00;
	v19 =	vimm.f32 $0.0e+00;
	v35 =	vsel vm0, $0x0, v18;
	v37 =	vpop (erf)  }
0xe1: {  	s25 =	simm.s32 $0x20;
	s17 =	simm.s32 $0x10;
	s15 =	sand.u32 $0x7, s24;
	vm0 =	veq.s32 v36, v14;
	v18 =	vimm.f32 $0.0e+00;
	v38 =	vnsel vm5, $0x0, v35;
	v39 =	vpop (erf)  }
.LBB2_5:
0xe2: {  	p0 =	sne.s32 s25, $0xB70;
	s15 =	sshll.u32 s15, $0x4;
	vm6 =	veq.s32 v36, v15;
	vm5 =	veq.s32 v36, v16;
	v33 =	vadd.f32 v38, v33;
	s18 =	sadd.s32 $0x80, s18;
	v36 =	vpop (erf)  }
0xe3: {  	s20 =	sand.u32 $0x70, s17;
	v37 =	vsel vm1, $0x0, v37;
	v38 =	vsel vm2, $0x0, v39;
	s15 =	sadd.s32 s15, s18;
	s26 =	sand.u32 $0x7C00, s18;
	v36 =	vsel vm4, $0x0, v36;
	v39 =	vpop (erf)  }
0xe4: {  	vm1 =	veq.s32 v34, v2;
	vm2 =	veq.s32 v34, v3;
	s20 =	sor.u32 s20, s26;
	s15 =	sor.u32 $0x380, s15;
	v39 =	vsel vm3, $0x0, v39;
	v40 =	vpop (erf)  }
0xe5: {  	vm4 =	veq.s32 v34, v5;
	vm3 =	veq.s32 v34, v4;
	v41 =	vld [tilespmem:s15+$0x5C00];
	v40 =	vsel vm0, $0x0, v40;
	v42 =	vpop (erf)  }
0xe6: {  	vm0 =	veq.s32 v34, v6;
	v43 =	vld [tilespmem:s20+$0x5C00];
	v42 =	vsel vm6, $0x0, v42;
	vm6 =	veq.s32 v34, v7;
	v44 =	vpop (erf)  }
0xe7: {  	v46 =	vnsel vm1, $0x0, v37;
	vm1 =	veq.s32 v34, v8;
	v45 =	vld [tilespmem:s20+$0x5C80];
	v44 =	vsel vm5, $0x0, v44  }
0xe8: {  	v47 =	vnsel vm2, $0x0, v38;
	v48 =	vnsel vm3, $0x0, v36;
	v49 =	vnsel vm4, $0x0, v39;
	v34 =	vld [tilespmem:s20+$0x5D00]  }
0xe9: {  	v51 =	vnsel vm0, $0x0, v40;
	v52 =	vnsel vm6, $0x0, v42;
	v53 =	vnsel vm1, $0x0, v44;
	v50 =	vld [tilespmem:s20+$0x5D80]  }
0xea: {  	v31 =	vadd.f32 v35, v31;
	v32 =	vadd.f32 v46, v32;
	v54 =	vld [tilespmem:s20+$0x5E00];
	v41 =	vmul.f32 $1.442695020e+00, v41  }
0xeb: {  	v30 =	vadd.f32 v47, v30;
	v28 =	vadd.f32 v48, v28;
	v35 =	vmul.f32 $1.442695020e+00, v43;
	v43 =	vld [tilespmem:s20+$0x5E80]  }
0xec: {  	v29 =	vadd.f32 v49, v29;
	v45 =	vmul.f32 $1.442695020e+00, v45;
	v46 =	vld [tilespmem:s20+$0x5F00];
	(erf) = vpow2.f32 v41  }
0xed: {  	v27 =	vadd.f32 v51, v27;
	v34 =	vmul.f32 $1.442695020e+00, v34;
	(erf) = vpow2.f32 v35  }
0xee: {  	v25 =	vadd.f32 v52, v25;
	v35 =	vmul.f32 $1.442695020e+00, v50;
	(erf) = vpow2.f32 v45  }
0xef: {  	v26 =	vadd.f32 v53, v26;
	v41 =	vmul.f32 $1.442695020e+00, v54;
	(erf) = vpow2.f32 v34  }
0xf0: {  	s1 =	sadd.s32 $0x10, s1;
	v22 =	vadd.f32 v37, v22;
	v43 =	vmul.f32 $1.442695020e+00, v43;
	(erf) = vpow2.f32 v35  }
0xf1: {  	v23 =	vadd.f32 v38, v23;
	v34 =	vld [tilespmem:s1+$0x0];
	v35 =	vmul.f32 $1.442695020e+00, v46;
	(erf) = vpow2.f32 v41  }
0xf2: {  	v20 =	vadd.f32 v36, v20;
	v18 =	vadd.f32 v39, v18;
	(erf) = vpow2.f32 v43  }
.Ltmp1:
0xf3: {  	s15 =	sadd.s32 s17, s30;
	s17 =	smov.u32 s25;
	v24 =	vadd.f32 v40, v24;
	v21 =	vadd.f32 v42, v21;
	(erf) = vpow2.f32 v35;
	(pc) =	sbr.rel @p0 .LBB2_5-.Ltmp1, $4  }
0xf4: {  	v36 =	vor.u32 s15, v1;
	v19 =	vadd.f32 v44, v19  }
0xf5: {  	vm2 =	veq.s32 v36, v11;
	vm0 =	veq.s32 v36, v17;
	vm1 =	veq.s32 v36, v10;
	v35 =	vpop (erf)  }
0xf6: {  	s24 =	sadd.s32 $0x1, s24;
	vm4 =	veq.s32 v36, v12;
	v35 =	vsel vm0, $0x0, v35;
	vm5 =	veq.s32 v34, v9;
	v37 =	vpop (erf)  }
0xf7: {  	s25 =	sadd.s32 $0x10, s25;
	s15 =	sand.u32 $0x7, s24;
	vm3 =	veq.s32 v36, v13;
	vm0 =	veq.s32 v36, v14;
	v38 =	vnsel vm5, $0x0, v35;
	v39 =	vpop (erf)  }
0xf8: {  	vm5 =	veq.s32 v36, v15;
	vm6 =	veq.s32 v36, v16  }
0xf9: {  	s15 =	sshll.u32 s15, $0x4;
	s18 =	sadd.s32 $0x80, s18;
	v33 =	vadd.f32 v38, v33;
	v37 =	vsel vm1, $0x0, v37;
	v38 =	vsel vm2, $0x0, v39  }
0xfa: {  	vm10 =	veq.s32 v34, v2;
	vm11 =	veq.s32 v34, v3;
	vm12 =	veq.s32 v34, v4;
	s15 =	sadd.s32 s15, s18  }
0xfb: {  	v56 =	vpop (erf);
	s20 =	sand.u32 $0x70, s17;
	vm13 =	veq.s32 v34, v5;
	vm14 =	veq.s32 v34, v6;
	vm15 =	veq.s32 v34, v7;
	s18 =	sand.u32 $0x7C00, s18;
	s15 =	sor.u32 $0x380, s15  }
0xfc: {  	vm8 =	veq.s32 v34, v8;
	v31 =	vadd.f32 v35, v31;
	v36 =	vsel vm4, $0x0, v56;
	s18 =	sor.u32 s20, s18;
	v41 =	vld [tilespmem:s15+$0x5C00]  }
0xfd: {  	v57 =	vpop (erf);
	v46 =	vnsel vm10, $0x0, v37;
	v58 =	vnsel vm11, $0x0, v38;
	v22 =	vadd.f32 v37, v22;
	v43 =	vld [tilespmem:s18+$0x5C00]  }
0xfe: {  	v23 =	vadd.f32 v38, v23;
	v39 =	vsel vm3, $0x0, v57;
	v32 =	vadd.f32 v46, v32;
	v45 =	vld [tilespmem:s18+$0x5C80]  }
0xff: {  	s28 =	sadd.s32 s17, s30;
	v40 =	vpop (erf);
	v48 =	vnsel vm12, $0x0, v36;
	v30 =	vadd.f32 v58, v30;
	v20 =	vadd.f32 v36, v20;
	v47 =	vld [tilespmem:s18+$0x5D00]  }
0x100: {  	v46 =	vor.u32 s28, v1;
	v40 =	vsel vm0, $0x0, v40;
	v50 =	vnsel vm13, $0x0, v39  }
0x101: {  	v49 =	vld [tilespmem:s18+$0x5D80];
	v28 =	vadd.f32 v48, v28;
	v18 =	vadd.f32 v39, v18;
	v41 =	vmul.f32 $1.442695020e+00, v41  }
0x102: {  	vm2 =	veq.s32 v46, v10;
	vm9 =	veq.s32 v46, v11;
	v43 =	vmul.f32 $1.442695020e+00, v43  }
0x103: {  	v54 =	vld [tilespmem:s18+$0x5E00];
	vm10 =	veq.s32 v46, v17;
	v45 =	vmul.f32 $1.442695020e+00, v45;
	(erf) = vpow2.f32 v41  }
0x104: {  	vm11 =	veq.s32 v46, v12;
	v61 =	vmul.f32 $1.442695020e+00, v47;
	(erf) = vpow2.f32 v43  }
0x105: {  	v42 =	vpop (erf);
	v59 =	vld [tilespmem:s18+$0x5E80];
	vm12 =	veq.s32 v46, v13;
	vm13 =	veq.s32 v46, v14;
	(erf) = vpow2.f32 v45  }
0x106: {  	v60 =	vld [tilespmem:s18+$0x5F00];
	v42 =	vsel vm5, $0x0, v42;
	v62 =	vmul.f32 $1.442695020e+00, v49;
	(erf) = vpow2.f32 v61  }
0x107: {  	s1 =	sadd.s32 $0x10, s1;
	v51 =	vnsel vm14, $0x0, v40;
	v29 =	vadd.f32 v50, v29;
	v24 =	vadd.f32 v40, v24  }
0x108: {  	v34 =	vld [tilespmem:s1+$0x0];
	v44 =	vpop (erf);
	vm14 =	veq.s32 v46, v15;
	v63 =	vmul.f32 $1.442695020e+00, v54;
	(erf) = vpow2.f32 v62  }
0x109: {  	v44 =	vsel vm6, $0x0, v44;
	v52 =	vnsel vm15, $0x0, v42;
	v27 =	vadd.f32 v51, v27  }
0x10a: {  	v21 =	vadd.f32 v42, v21;
	v45 =	vmul.f32 $1.442695020e+00, v59;
	(erf) = vpow2.f32 v63  }
0x10b: {  	vm15 =	veq.s32 v46, v16;
	v53 =	vnsel vm8, $0x0, v44;
	v35 =	vmul.f32 $1.442695020e+00, v60  }
0x10c: {  	v25 =	vadd.f32 v52, v25;
	v19 =	vadd.f32 v44, v19;
	(erf) = vpow2.f32 v45;
	v47 =	vpop (erf)  }
0x10d: {  	v51 =	vld [tilespmem:$0xD100];
	vm8 =	veq.s32 v34, v2;
	v26 =	vadd.f32 v53, v26;
	(erf) = vpow2.f32 v35;
	v48 =	vpop (erf)  }
0x10e: {  	v53 =	vld [tilespmem:$0xD000];
	v36 =	vsel vm10, $0x0, v47;
	vm10 =	veq.s32 v34, v4;
	v49 =	vpop (erf);
	v37 =	vsel vm2, $0x0, v48  }
0x10f: {  	v54 =	vld [tilespmem:$0xD110];
	v50 =	vpop (erf);
	v38 =	vsel vm9, $0x0, v49;
	vm9 =	veq.s32 v34, v3;
	v56 =	vnsel vm8, $0x0, v37  }
0x110: {  	v57 =	vld [tilespmem:$0xD010];
	v22 =	vadd.f32 v37, v22;
	v35 =	vsel vm11, $0x0, v50;
	vm11 =	veq.s32 v34, v5  }
0x111: {  	v58 =	vld [tilespmem:$0xD120];
	v52 =	vpop (erf);
	v32 =	vadd.f32 v56, v32;
	v59 =	vnsel vm9, $0x0, v38;
	v23 =	vadd.f32 v38, v23  }
0x112: {  	v60 =	vld [tilespmem:$0xD020];
	v40 =	vsel vm12, $0x0, v52;
	v22 =	vadd.f32 v51, v22;
	vm12 =	veq.s32 v34, v6  }
0x113: {  	v61 =	vld [tilespmem:$0xD130];
	v55 =	vpop (erf);
	v30 =	vadd.f32 v59, v30;
	v63 =	vnsel vm10, $0x0, v35;
	v32 =	vadd.f32 v53, v32  }
0x114: {  	v46 =	vld [tilespmem:$0xD030];
	v20 =	vadd.f32 v35, v20;
	v43 =	vsel vm13, $0x0, v55;
	v42 =	vadd.f32 v54, v23;
	[tilespmem:$0xD100] =	vst v22  }
0x115: {  	v48 =	vld [tilespmem:$0xD140];
	v28 =	vadd.f32 v63, v28;
	v49 =	vnsel vm11, $0x0, v40;
	v30 =	vadd.f32 v57, v30;
	[tilespmem:$0xD000] =	vst v32  }
0x116: {  	v50 =	vld [tilespmem:$0xD040];
	v62 =	vpop (erf);
	v18 =	vadd.f32 v40, v18;
	vm13 =	veq.s32 v34, v7;
	v20 =	vadd.f32 v58, v20;
	[tilespmem:$0xD110] =	vst v42  }
0x117: {  	v51 =	vld [tilespmem:$0xD150];
	v47 =	vsel vm14, $0x0, v62;
	v29 =	vadd.f32 v49, v29;
	v28 =	vadd.f32 v60, v28;
	[tilespmem:$0xD010] =	vst v30  }
0x118: {  	v54 =	vld [tilespmem:$0xD050];
	v53 =	vnsel vm12, $0x0, v43;
	v24 =	vadd.f32 v43, v24;
	v18 =	vadd.f32 v61, v18;
	[tilespmem:$0xD120] =	vst v20  }
0x119: {  	v55 =	vld [tilespmem:$0xD160];
	vm14 =	veq.s32 v34, v8;
	v27 =	vadd.f32 v53, v27;
	v23 =	vadd.f32 v46, v29;
	[tilespmem:$0xD020] =	vst v28  }
0x11a: {  	v52 =	vpop (erf);
	v57 =	vld [tilespmem:$0xD060];
	v56 =	vnsel vm13, $0x0, v47;
	v21 =	vadd.f32 v47, v21;
	[tilespmem:$0xD130] =	vst v18;
	v18 =	vadd.f32 v48, v24  }
0x11b: {  	v58 =	vld [tilespmem:$0xD170];
	v37 =	vsel vm15, $0x0, v52;
	v25 =	vadd.f32 v56, v25;
	v22 =	vadd.f32 v50, v27;
	[tilespmem:$0xD030] =	vst v23  }
0x11c: {  	v60 =	vld [tilespmem:$0xD070];
	v59 =	vnsel vm14, $0x0, v37;
	v19 =	vadd.f32 v37, v19;
	[tilespmem:$0xD140] =	vst v18;
	v18 =	vadd.f32 v51, v21  }
0x11d: {  	s0 =	sadd.s32 $0x1, s0;
	vm15 =	veq.s32 v34, v9;
	v26 =	vadd.f32 v59, v26;
	v20 =	vadd.f32 v54, v25;
	[tilespmem:$0xD040] =	vst v22  }
0x11e: {  	p0 =	sne.s32 s0, $0x11;
	v62 =	vadd.f32 v36, v31;
	v61 =	vnsel vm15, $0x0, v36;
	[tilespmem:$0xD150] =	vst v18;
	v18 =	vadd.f32 v55, v19  }
.Ltmp2:
0x11f: {  	v63 =	vadd.f32 v57, v26;
	[tilespmem:$0xD050] =	vst v20;
	v19 =	vadd.f32 v61, v33;
	(pc) =	sbr.rel @p0 .LBB2_2-.Ltmp2, $4  }
0x120: {  	[tilespmem:$0xD160] =	vst v18;
	v18 =	vadd.f32 v58, v62  }
0x121: {  	[tilespmem:$0xD060] =	vst v63;
	v19 =	vadd.f32 v60, v19  }
0x122: {  	[tilespmem:$0xD170] =	vst v18  }
0x123: {  	s31 =	sadd.s32 $0x1700, s31;
	s30 =	sadd.s32 $0x1700, s30;
	[tilespmem:$0xD070] =	vst v19  }
0x124: {  	s30 =	simm.s32 $0x0;
	s0 =	simm.s32 $0xD000  }
0x125: {  	[hbm4b:s8+s30] =	stream.linear.scatter [tilespmem:s0], [sflag:$0x5], $0x80, $0x38;
	[tilespmem:$0xD200] =	vst v63  }
0x126: {  	_ =	swait.ge [sflag:s16], $0x80  }
0x127: {  	[sflag:s16] =	ssyncset.done $0x0  }
0x128: {  	s26 =	simm.s32 $0xD100;
	[sflag:s16] =	ssyncadd.s32 $0xFFFFFF80  }
0x129: {  	[hbm4b:s10+s30] =	stream.linear.scatter [tilespmem:s26], [sflag:$0x5], $0x80, $0x38;
	[tilespmem:$0xD200] =	vst v63  }
0x12a: {  	_ =	swait.ge [sflag:s16], $0x80  }
0x12b: {  	[sflag:s16] =	ssyncset.done $0x0  }
0x12c: {  	[sflag:s16] =	ssyncadd.s32 $0xFFFFFF80  }
0x12d: {  	[tilespmem:$0xD180] =	vst v0  }
0x12e: {  	[tilespmem:$0xD080] =	vst v0  }
0x12f: {  	[tilespmem:$0xD190] =	vst v0  }
0x130: {  	[tilespmem:$0xD090] =	vst v0  }
0x131: {  	[tilespmem:$0xD1A0] =	vst v0  }
0x132: {  	[tilespmem:$0xD0A0] =	vst v0  }
0x133: {  	[tilespmem:$0xD1B0] =	vst v0;
	v9 =	vld [tilespmem:$0xCF80]  }
0x134: {  	[tilespmem:$0xD0B0] =	vst v0  }
0x135: {  	[tilespmem:$0xD1C0] =	vst v0  }
0x136: {  	[tilespmem:$0xD0C0] =	vst v0  }
0x137: {  	[tilespmem:$0xD1D0] =	vst v0;
	v17 =	vld [tilespmem:$0xCF00]  }
0x138: {  	[tilespmem:$0xD0D0] =	vst v0;
	v2 =	vbroadcast v9, $0x8;
	v3 =	vbroadcast v9, $0x9  }
0x139: {  	[tilespmem:$0xD1E0] =	vst v0;
	v4 =	vbroadcast v9, $0xA;
	v5 =	vbroadcast v9, $0xB  }
0x13a: {  	[tilespmem:$0xD0E0] =	vst v0;
	v6 =	vbroadcast v9, $0xC;
	v7 =	vbroadcast v9, $0xD  }
0x13b: {  	[tilespmem:$0xD1F0] =	vst v0;
	v8 =	vbroadcast v9, $0xE;
	v9 =	vbroadcast v9, $0xF  }
0x13c: {  	s28 =	simm.s32 $0xB800;
	[tilespmem:$0xD0F0] =	vst v0;
	v10 =	vbroadcast v17, $0x8;
	v11 =	vbroadcast v17, $0x9  }
0x13d: {  	[tilespmem:s30], [sflag:$0x1] =	stream.linear.gather [hbm4b:s11+s30], $0x5C00, $0x38;
	v12 =	vbroadcast v17, $0xA;
	v13 =	vbroadcast v17, $0xB;
	[tilespmem:$0xD200] =	vst v63  }
0x13e: {  	s31 =	simm.s32 $0xB80;
	s1 =	simm.s32 $0x0;
	s0 =	simm.s32 $0x0;
	v15 =	vbroadcast v17, $0xD;
	v16 =	vbroadcast v17, $0xE  }
0x13f: {  	[tilespmem:s28], [sflag:$0x3] =	stream.linear.gather [hbm4b:s4+s30], $0xB80, $0x38;
	v14 =	vbroadcast v17, $0xC;
	v17 =	vbroadcast v17, $0xF;
	[tilespmem:$0xD200] =	vst v63  }
.LBB2_8:
0x140: {  	s15 =	sshllo.u32 s1, $0x1  }
0x141: {  	s17 =	smul.u32 $0x5C00, s15;
	_ =	sdelay $0x1  }
0x142: {  	s17 =	sadd.s32 s9, s17  }
0x143: {  	s17 =	sshrl.u32 s17, $0x3  }
0x144: {  	s15 =	smul.u32 $0x170, s15;
	s17 =	sadd.s32 s3, s17  }
0x145: {  	[tilespmem:s21], [sflag:$0x2] =	stream.linear.gather [hbm4b:s17+s30], $0x5C00, $0x38;
	[tilespmem:$0xD200] =	vst v63  }
0x146: {  	s15 =	sadd.s32 s4, s15  }
0x147: {  	[tilespmem:s22], [sflag:$0x4] =	stream.linear.gather [hbm4b:s15+s30], $0xB80, $0x38;
	[tilespmem:$0xD200] =	vst v63  }
0x148: {  	_ =	swait.ge [sflag:s23], $0x5C00  }
0x149: {  	[sflag:s23] =	ssyncset.done $0x0  }
0x14a: {  	s20 =	sand.u32 $0x7, s30;
	[sflag:s23] =	ssyncadd.s32 $0xFFFFA400  }
0x14b: {  	s15 =	sshll.u32 s20, $0x4;
	_ =	swait.ge [sflag:s19], $0xB80  }
0x14c: {  	s24 =	sand.u32 $0x70, s30;
	s15 =	sadd.s32 $0x0, s15;
	[sflag:s19] =	ssyncset.done $0x0  }
0x14d: {  	s18 =	sand.u32 $0x7C00, s30;
	s15 =	sor.u32 $0x380, s15;
	[sflag:s19] =	ssyncadd.s32 $0xFFFFF480  }
0x14e: {  	s25 =	sor.u32 s24, s18;
	v18 =	vld [tilespmem:s15+$0x0]  }
0x14f: {  	v19 =	vld [tilespmem:s25+$0x0]  }
0x150: {  	v20 =	vld [tilespmem:s25+$0x80]  }
0x151: {  	v21 =	vld [tilespmem:s25+$0x100]  }
0x152: {  	v22 =	vld [tilespmem:s25+$0x180]  }
0x153: {  	v33 =	vimm.f32 $0.0e+00;
	v32 =	vimm.f32 $0.0e+00;
	v23 =	vld [tilespmem:s25+$0x200];
	v18 =	vmul.f32 $1.442695020e+00, v18  }
0x154: {  	v31 =	vimm.f32 $0.0e+00;
	v30 =	vimm.f32 $0.0e+00;
	v24 =	vld [tilespmem:s25+$0x280];
	v19 =	vmul.f32 $1.442695020e+00, v19  }
0x155: {  	v28 =	vimm.f32 $0.0e+00;
	(erf) = vpow2.f32 v18;
	v18 =	vmul.f32 $1.442695020e+00, v20;
	v20 =	vld [tilespmem:s25+$0x300]  }
0x156: {  	v29 =	vimm.f32 $0.0e+00;
	v21 =	vmul.f32 $1.442695020e+00, v21;
	(erf) = vpow2.f32 v19  }
0x157: {  	v27 =	vimm.f32 $0.0e+00;
	s18 =	simm.s32 $0xB800;
	v19 =	vmul.f32 $1.442695020e+00, v22;
	(erf) = vpow2.f32 v18  }
0x158: {  	v25 =	vimm.f32 $0.0e+00;
	v34 =	vld [tilespmem:s18+$0x0];
	v18 =	vmul.f32 $1.442695020e+00, v23;
	(erf) = vpow2.f32 v21  }
0x159: {  	s26 =	sadd.s32 $0x0, s0;
	v26 =	vimm.f32 $0.0e+00;
	v21 =	vmul.f32 $1.442695020e+00, v24;
	(erf) = vpow2.f32 v19  }
0x15a: {  	v36 =	vor.u32 s26, v1;
	v19 =	vmul.f32 $1.442695020e+00, v20;
	(erf) = vpow2.f32 v18  }
0x15b: {  	vm1 =	veq.s32 v36, v10;
	vm2 =	veq.s32 v36, v11;
	(erf) = vpow2.f32 v21  }
0x15c: {  	vm0 =	veq.s32 v36, v17;
	vm4 =	veq.s32 v36, v12;
	(erf) = vpow2.f32 v19  }
0x15d: {  	vm3 =	veq.s32 v36, v13;
	vm5 =	veq.s32 v34, v9;
	v22 =	vimm.f32 $0.0e+00  }
0x15e: {  	v23 =	vimm.f32 $0.0e+00;
	v24 =	vimm.f32 $0.0e+00;
	v20 =	vimm.f32 $0.0e+00;
	v18 =	vpop (erf)  }
0x15f: {  	s28 =	simm.s32 $0x20;
	s24 =	simm.s32 $0x10;
	s25 =	simm.s32 $0x1;
	v21 =	vimm.f32 $0.0e+00;
	v19 =	vimm.f32 $0.0e+00;
	v35 =	vsel vm0, $0x0, v18;
	v37 =	vpop (erf)  }
0x160: {  	s26 =	simm.s32 $0x0;
	s17 =	sshll.u32 s1, $0x1;
	s15 =	sand.u32 $0x7, s25;
	vm0 =	veq.s32 v36, v14;
	v18 =	vimm.f32 $0.0e+00;
	v38 =	vnsel vm5, $0x0, v35;
	v39 =	vpop (erf)  }
.LBB2_9:
0x161: {  	p0 =	sne.s32 s28, $0xB70;
	s15 =	sshll.u32 s15, $0x4;
	vm6 =	veq.s32 v36, v15;
	vm5 =	veq.s32 v36, v16;
	v33 =	vadd.f32 v38, v33;
	s26 =	sadd.s32 $0x80, s26;
	v36 =	vpop (erf)  }
0x162: {  	s20 =	sand.u32 $0x70, s24;
	v37 =	vsel vm1, $0x0, v37;
	v38 =	vsel vm2, $0x0, v39;
	s15 =	sadd.s32 s15, s26;
	s6 =	sand.u32 $0x7C00, s26;
	v36 =	vsel vm4, $0x0, v36;
	v39 =	vpop (erf)  }
0x163: {  	vm1 =	veq.s32 v34, v2;
	vm2 =	veq.s32 v34, v3;
	s6 =	sor.u32 s20, s6;
	s15 =	sor.u32 $0x380, s15;
	v39 =	vsel vm3, $0x0, v39;
	v40 =	vpop (erf)  }
0x164: {  	vm4 =	veq.s32 v34, v5;
	vm3 =	veq.s32 v34, v4;
	v41 =	vld [tilespmem:s15+$0x0];
	v40 =	vsel vm0, $0x0, v40;
	v42 =	vpop (erf)  }
0x165: {  	vm0 =	veq.s32 v34, v6;
	v43 =	vld [tilespmem:s6+$0x0];
	v42 =	vsel vm6, $0x0, v42;
	vm6 =	veq.s32 v34, v7;
	v44 =	vpop (erf)  }
0x166: {  	v46 =	vnsel vm1, $0x0, v37;
	vm1 =	veq.s32 v34, v8;
	v45 =	vld [tilespmem:s6+$0x80];
	v44 =	vsel vm5, $0x0, v44  }
0x167: {  	v47 =	vnsel vm2, $0x0, v38;
	v48 =	vnsel vm3, $0x0, v36;
	v49 =	vnsel vm4, $0x0, v39;
	v34 =	vld [tilespmem:s6+$0x100]  }
0x168: {  	v51 =	vnsel vm0, $0x0, v40;
	v52 =	vnsel vm6, $0x0, v42;
	v53 =	vnsel vm1, $0x0, v44;
	v50 =	vld [tilespmem:s6+$0x180]  }
0x169: {  	v31 =	vadd.f32 v35, v31;
	v32 =	vadd.f32 v46, v32;
	v54 =	vld [tilespmem:s6+$0x200];
	v41 =	vmul.f32 $1.442695020e+00, v41  }
0x16a: {  	v30 =	vadd.f32 v47, v30;
	v28 =	vadd.f32 v48, v28;
	v35 =	vmul.f32 $1.442695020e+00, v43;
	v43 =	vld [tilespmem:s6+$0x280]  }
0x16b: {  	v29 =	vadd.f32 v49, v29;
	v45 =	vmul.f32 $1.442695020e+00, v45;
	v46 =	vld [tilespmem:s6+$0x300];
	(erf) = vpow2.f32 v41  }
0x16c: {  	v27 =	vadd.f32 v51, v27;
	v34 =	vmul.f32 $1.442695020e+00, v34;
	(erf) = vpow2.f32 v35  }
0x16d: {  	v21 =	vadd.f32 v52, v21;
	v35 =	vmul.f32 $1.442695020e+00, v50;
	(erf) = vpow2.f32 v45  }
0x16e: {  	v22 =	vadd.f32 v53, v22;
	v41 =	vmul.f32 $1.442695020e+00, v54;
	(erf) = vpow2.f32 v34  }
0x16f: {  	s18 =	sadd.s32 $0x10, s18;
	v18 =	vadd.f32 v37, v18;
	v43 =	vmul.f32 $1.442695020e+00, v43;
	(erf) = vpow2.f32 v35  }
0x170: {  	v25 =	vadd.f32 v38, v25;
	v34 =	vld [tilespmem:s18+$0x0];
	v35 =	vmul.f32 $1.442695020e+00, v46;
	(erf) = vpow2.f32 v41  }
0x171: {  	v23 =	vadd.f32 v36, v23;
	v19 =	vadd.f32 v39, v19;
	(erf) = vpow2.f32 v43  }
.Ltmp3:
0x172: {  	v26 =	vadd.f32 v40, v26;
	v24 =	vadd.f32 v42, v24;
	s6 =	sadd.s32 s24, s0;
	s24 =	smov.u32 s28;
	(erf) = vpow2.f32 v35;
	(pc) =	sbr.rel @p0 .LBB2_9-.Ltmp3, $4  }
0x173: {  	v20 =	vadd.f32 v44, v20;
	v36 =	vor.u32 s6, v1  }
0x174: {  	vm1 =	veq.s32 v36, v10;
	vm2 =	veq.s32 v36, v11;
	vm0 =	veq.s32 v36, v17;
	v35 =	vpop (erf)  }
0x175: {  	s25 =	sadd.s32 $0x1, s25;
	vm4 =	veq.s32 v36, v12;
	v35 =	vsel vm0, $0x0, v35;
	vm5 =	veq.s32 v34, v9;
	v37 =	vpop (erf)  }
0x176: {  	s15 =	sand.u32 $0x7, s25;
	s28 =	sadd.s32 $0x10, s28;
	vm3 =	veq.s32 v36, v13;
	vm0 =	veq.s32 v36, v14;
	v38 =	vnsel vm5, $0x0, v35;
	v39 =	vpop (erf)  }
0x177: {  	s6 =	sshll.u32 s15, $0x4;
	s25 =	sadd.s32 $0x80, s26;
	vm5 =	veq.s32 v36, v15;
	vm6 =	veq.s32 v36, v16  }
0x178: {  	v33 =	vadd.f32 v38, v33;
	v37 =	vsel vm1, $0x0, v37;
	v59 =	vsel vm2, $0x0, v39;
	s6 =	sadd.s32 s6, s25  }
0x179: {  	v58 =	vpop (erf);
	s20 =	sand.u32 $0x70, s24;
	vm1 =	veq.s32 v34, v2;
	vm2 =	veq.s32 v34, v3;
	v31 =	vadd.f32 v35, v31;
	s15 =	sand.u32 $0x7C00, s25;
	s6 =	sor.u32 $0x380, s6  }
0x17a: {  	v36 =	vsel vm4, $0x0, v58;
	vm4 =	veq.s32 v34, v5;
	v46 =	vnsel vm1, $0x0, v37;
	s15 =	sor.u32 s20, s15;
	v41 =	vld [tilespmem:s6+$0x0]  }
0x17b: {  	s28 =	sadd.s32 s24, s0;
	v60 =	vpop (erf);
	vm1 =	veq.s32 v34, v8;
	v61 =	vnsel vm2, $0x0, v59;
	v18 =	vadd.f32 v37, v18;
	v43 =	vld [tilespmem:s15+$0x0]  }
0x17c: {  	v25 =	vadd.f32 v59, v25;
	v58 =	vor.u32 s28, v1;
	v39 =	vsel vm3, $0x0, v60;
	v45 =	vld [tilespmem:s15+$0x80]  }
0x17d: {  	v40 =	vpop (erf);
	vm3 =	veq.s32 v34, v4;
	v32 =	vadd.f32 v46, v32;
	v30 =	vadd.f32 v61, v30  }
0x17e: {  	v23 =	vadd.f32 v36, v23;
	vm2 =	veq.s32 v58, v10;
	v40 =	vsel vm0, $0x0, v40;
	v47 =	vld [tilespmem:s15+$0x100]  }
0x17f: {  	vm0 =	veq.s32 v34, v6;
	v48 =	vnsel vm3, $0x0, v36;
	v41 =	vmul.f32 $1.442695020e+00, v41  }
0x180: {  	v49 =	vld [tilespmem:s15+$0x180];
	v50 =	vnsel vm4, $0x0, v39;
	v19 =	vadd.f32 v39, v19;
	v43 =	vmul.f32 $1.442695020e+00, v43  }
0x181: {  	v42 =	vpop (erf);
	vm3 =	veq.s32 v58, v11;
	v45 =	vmul.f32 $1.442695020e+00, v45;
	(erf) = vpow2.f32 v41  }
0x182: {  	v54 =	vld [tilespmem:s15+$0x200];
	vm4 =	veq.s32 v58, v12;
	v42 =	vsel vm5, $0x0, v42;
	(erf) = vpow2.f32 v43  }
0x183: {  	vm5 =	veq.s32 v34, v7;
	v47 =	vmul.f32 $1.442695020e+00, v47;
	(erf) = vpow2.f32 v45  }
0x184: {  	v62 =	vld [tilespmem:s15+$0x280];
	v51 =	vnsel vm0, $0x0, v40;
	v28 =	vadd.f32 v48, v28;
	v29 =	vadd.f32 v50, v29  }
0x185: {  	v63 =	vld [tilespmem:s15+$0x300];
	v44 =	vpop (erf);
	v26 =	vadd.f32 v40, v26;
	v55 =	vmul.f32 $1.442695020e+00, v49;
	(erf) = vpow2.f32 v47  }
0x186: {  	vm0 =	veq.s32 v58, v17;
	v44 =	vsel vm6, $0x0, v44;
	v52 =	vnsel vm5, $0x0, v42  }
0x187: {  	s26 =	sadd.s32 $0x10, s18;
	v27 =	vadd.f32 v51, v27;
	v56 =	vmul.f32 $1.442695020e+00, v54;
	(erf) = vpow2.f32 v55  }
0x188: {  	v34 =	vld [tilespmem:s26+$0x0];
	v24 =	vadd.f32 v42, v24;
	vm5 =	veq.s32 v58, v13;
	vm6 =	veq.s32 v58, v14  }
0x189: {  	v53 =	vnsel vm1, $0x0, v44;
	v57 =	vmul.f32 $1.442695020e+00, v62;
	(erf) = vpow2.f32 v56  }
0x18a: {  	v21 =	vadd.f32 v52, v21;
	v20 =	vadd.f32 v44, v20;
	v35 =	vmul.f32 $1.442695020e+00, v63;
	v59 =	vpop (erf)  }
0x18b: {  	vm1 =	veq.s32 v58, v15;
	v22 =	vadd.f32 v53, v22;
	(erf) = vpow2.f32 v57;
	v60 =	vpop (erf)  }
0x18c: {  	v63 =	vld [tilespmem:$0xD180];
	(erf) = vpow2.f32 v35;
	v36 =	vsel vm0, $0x0, v59;
	vm0 =	veq.s32 v58, v16;
	v61 =	vpop (erf)  }
0x18d: {  	v48 =	vld [tilespmem:$0xD080];
	v37 =	vsel vm2, $0x0, v60;
	vm2 =	veq.s32 v34, v2;
	v38 =	vsel vm3, $0x0, v61  }
0x18e: {  	v49 =	vld [tilespmem:$0xD190];
	v62 =	vpop (erf);
	vm3 =	veq.s32 v34, v3;
	v51 =	vnsel vm2, $0x0, v37;
	v18 =	vadd.f32 v37, v18  }
0x18f: {  	v52 =	vld [tilespmem:$0xD090];
	vm2 =	veq.s32 v34, v5;
	v35 =	vsel vm4, $0x0, v62;
	vm4 =	veq.s32 v34, v4  }
0x190: {  	v53 =	vld [tilespmem:$0xD1A0];
	v47 =	vpop (erf);
	v32 =	vadd.f32 v51, v32;
	v54 =	vnsel vm3, $0x0, v38;
	v25 =	vadd.f32 v38, v25  }
0x191: {  	v55 =	vld [tilespmem:$0xD0A0];
	vm3 =	veq.s32 v34, v6;
	v40 =	vsel vm5, $0x0, v47;
	v18 =	vadd.f32 v63, v18  }
0x192: {  	v56 =	vld [tilespmem:$0xD1B0];
	v50 =	vpop (erf);
	v30 =	vadd.f32 v54, v30;
	v58 =	vnsel vm4, $0x0, v35;
	v32 =	vadd.f32 v48, v32  }
0x193: {  	v23 =	vadd.f32 v35, v23;
	v43 =	vsel vm6, $0x0, v50;
	[tilespmem:$0xD180] =	vst v18;
	v18 =	vadd.f32 v49, v25;
	v25 =	vld [tilespmem:$0xD0B0]  }
0x194: {  	v60 =	vld [tilespmem:$0xD1C0];
	v57 =	vpop (erf);
	v28 =	vadd.f32 v58, v28;
	v61 =	vnsel vm2, $0x0, v40;
	v30 =	vadd.f32 v52, v30;
	[tilespmem:$0xD080] =	vst v32  }
0x195: {  	v19 =	vadd.f32 v40, v19;
	v59 =	vsel vm1, $0x0, v57;
	[tilespmem:$0xD190] =	vst v18;
	v18 =	vadd.f32 v53, v23;
	v23 =	vld [tilespmem:$0xD0C0]  }
0x196: {  	vm1 =	veq.s32 v34, v7;
	v29 =	vadd.f32 v61, v29;
	v28 =	vadd.f32 v55, v28;
	[tilespmem:$0xD090] =	vst v30;
	v30 =	vld [tilespmem:$0xD1D0]  }
0x197: {  	v62 =	vpop (erf);
	v63 =	vnsel vm3, $0x0, v43;
	v26 =	vadd.f32 v43, v26;
	[tilespmem:$0xD1A0] =	vst v18;
	v18 =	vadd.f32 v56, v19;
	v19 =	vld [tilespmem:$0xD0D0]  }
0x198: {  	v37 =	vsel vm0, $0x0, v62;
	v27 =	vadd.f32 v63, v27;
	[tilespmem:$0xD0A0] =	vst v28;
	v28 =	vld [tilespmem:$0xD1E0];
	v25 =	vadd.f32 v25, v29  }
0x199: {  	v24 =	vadd.f32 v59, v24;
	v29 =	vnsel vm1, $0x0, v59;
	[tilespmem:$0xD1B0] =	vst v18;
	v18 =	vadd.f32 v60, v26;
	v26 =	vld [tilespmem:$0xD0E0]  }
0x19a: {  	vm0 =	veq.s32 v34, v8;
	v21 =	vadd.f32 v29, v21;
	[tilespmem:$0xD0B0] =	vst v25;
	v23 =	vadd.f32 v23, v27;
	v25 =	vld [tilespmem:$0xD1F0]  }
0x19b: {  	v20 =	vadd.f32 v37, v20;
	v27 =	vnsel vm0, $0x0, v37;
	[tilespmem:$0xD1C0] =	vst v18;
	v18 =	vadd.f32 v30, v24;
	v24 =	vld [tilespmem:$0xD0F0]  }
0x19c: {  	vm0 =	veq.s32 v34, v9;
	v22 =	vadd.f32 v27, v22;
	[tilespmem:$0xD0C0] =	vst v23;
	v19 =	vadd.f32 v19, v21  }
0x19d: {  	v21 =	vnsel vm0, $0x0, v36;
	v23 =	vadd.f32 v36, v31;
	[tilespmem:$0xD1D0] =	vst v18;
	v18 =	vadd.f32 v28, v20  }
0x19e: {  	v20 =	vadd.f32 v21, v33;
	[tilespmem:$0xD0D0] =	vst v19;
	v19 =	vadd.f32 v26, v22  }
0x19f: {  	[tilespmem:$0xD1E0] =	vst v18;
	v18 =	vadd.f32 v25, v23  }
0x1a0: {  	[tilespmem:$0xD0E0] =	vst v19;
	v19 =	vadd.f32 v24, v20  }
0x1a1: {  	p0 =	seq.s32 s1, $0x10;
	[tilespmem:$0xD1F0] =	vst v18  }
0x1a2: {  	s6 =	simm.s32 @p0 $0x2;
	[tilespmem:$0xD0F0] =	vst v19  }
0x1a3: {  	_ =	swait.ge @p0 [sflag:s6], $0x5C00  }
0x1a4: {  	[sflag:s6] =	ssyncset.done @p0 $0x0  }
0x1a5: {  	[sflag:s6] =	ssyncadd.s32 @p0 $0xFFFFA400;
	s6 =	simm.s32 @p0 $0x4  }
0x1a6: {  	_ =	swait.ge @p0 [sflag:s6], $0xB80  }
0x1a7: {  	[sflag:s6] =	ssyncset.done @p0 $0x0  }
0x1a8: {  	v18 =	vimm.f32 @p0 $-Inf;
	[sflag:s6] =	ssyncadd.s32 @p0 $0xFFFFF480  }
0x1a9: {  	[tilespmem:$0xB420] =	vst @p0 v18  }
0x1aa: {  	[tilespmem:$0xB430] =	vst @p0 v18  }
0x1ab: {  	[tilespmem:$0xB440] =	vst @p0 v18  }
0x1ac: {  	[tilespmem:$0xB450] =	vst @p0 v18  }
0x1ad: {  	[tilespmem:$0xB460] =	vst @p0 v18  }
0x1ae: {  	[tilespmem:$0xB470] =	vst @p0 v18  }
0x1af: {  	[tilespmem:$0xB4A0] =	vst @p0 v18  }
0x1b0: {  	[tilespmem:$0xB4B0] =	vst @p0 v18  }
0x1b1: {  	[tilespmem:$0xB4C0] =	vst @p0 v18  }
0x1b2: {  	[tilespmem:$0xB4D0] =	vst @p0 v18  }
0x1b3: {  	[tilespmem:$0xB4E0] =	vst @p0 v18  }
0x1b4: {  	[tilespmem:$0xB4F0] =	vst @p0 v18  }
0x1b5: {  	[tilespmem:$0xB520] =	vst @p0 v18  }
0x1b6: {  	[tilespmem:$0xB530] =	vst @p0 v18  }
0x1b7: {  	[tilespmem:$0xB540] =	vst @p0 v18  }
0x1b8: {  	[tilespmem:$0xB550] =	vst @p0 v18  }
0x1b9: {  	[tilespmem:$0xB560] =	vst @p0 v18  }
0x1ba: {  	[tilespmem:$0xB570] =	vst @p0 v18  }
0x1bb: {  	[tilespmem:$0xB5A0] =	vst @p0 v18  }
0x1bc: {  	[tilespmem:$0xB5B0] =	vst @p0 v18  }
0x1bd: {  	[tilespmem:$0xB5C0] =	vst @p0 v18  }
0x1be: {  	[tilespmem:$0xB5D0] =	vst @p0 v18  }
0x1bf: {  	[tilespmem:$0xB5E0] =	vst @p0 v18  }
0x1c0: {  	[tilespmem:$0xB5F0] =	vst @p0 v18  }
0x1c1: {  	[tilespmem:$0xB620] =	vst @p0 v18  }
0x1c2: {  	[tilespmem:$0xB630] =	vst @p0 v18  }
0x1c3: {  	[tilespmem:$0xB640] =	vst @p0 v18  }
0x1c4: {  	[tilespmem:$0xB650] =	vst @p0 v18  }
0x1c5: {  	[tilespmem:$0xB660] =	vst @p0 v18  }
0x1c6: {  	[tilespmem:$0xB670] =	vst @p0 v18  }
0x1c7: {  	[tilespmem:$0xB6A0] =	vst @p0 v18  }
0x1c8: {  	[tilespmem:$0xB6B0] =	vst @p0 v18  }
0x1c9: {  	[tilespmem:$0xB6C0] =	vst @p0 v18  }
0x1ca: {  	[tilespmem:$0xB6D0] =	vst @p0 v18  }
0x1cb: {  	[tilespmem:$0xB6E0] =	vst @p0 v18  }
0x1cc: {  	[tilespmem:$0xB6F0] =	vst @p0 v18  }
0x1cd: {  	[tilespmem:$0xB720] =	vst @p0 v18  }
0x1ce: {  	[tilespmem:$0xB730] =	vst @p0 v18  }
0x1cf: {  	[tilespmem:$0xB740] =	vst @p0 v18  }
0x1d0: {  	[tilespmem:$0xB750] =	vst @p0 v18  }
0x1d1: {  	[tilespmem:$0xB760] =	vst @p0 v18  }
0x1d2: {  	[tilespmem:$0xB770] =	vst @p0 v18  }
0x1d3: {  	s6 =	sadd.s32 @!p0 $0x2, s17;
	[tilespmem:$0xB7A0] =	vst @p0 v18  }
0x1d4: {  	[tilespmem:$0xB7B0] =	vst @p0 v18;
	s15 =	smul.u32 @!p0 $0x5C00, s6  }
0x1d5: {  	[tilespmem:$0xB7C0] =	vst @p0 v18  }
0x1d6: {  	[tilespmem:$0xB7D0] =	vst @p0 v18;
	s15 =	sadd.s32 @!p0 s9, s15  }
0x1d7: {  	[tilespmem:$0xB7E0] =	vst @p0 v18;
	s15 =	sshrl.u32 @!p0 s15, $0x3  }
0x1d8: {  	s17 =	simm.s32 @!p0 $0x0;
	[tilespmem:$0xB7F0] =	vst @p0 v18;
	s6 =	smul.u32 @!p0 $0x170, s6;
	s15 =	sadd.s32 @!p0 s3, s15  }
0x1d9: {  	[tilespmem:s17], [sflag:$0x1] =	stream.linear.gather @!p0 [hbm4b:s15+s17], $0x5C00, $0x38;
	[tilespmem:$0xD200] =	vst v63  }
0x1da: {  	s6 =	sadd.s32 @!p0 s4, s6;
	s15 =	simm.s32 @!p0 $0xB800  }
0x1db: {  	[tilespmem:s15], [sflag:$0x3] =	stream.linear.gather @!p0 [hbm4b:s6+s17], $0xB80, $0x38;
	[tilespmem:$0xD200] =	vst v63  }
0x1dc: {  	s6 =	simm.s32 @!p0 $0x2  }
0x1dd: {  	_ =	swait.ge @!p0 [sflag:s6], $0x5C00  }
0x1de: {  	s24 =	simm.s32 $0x0;
	[sflag:s6] =	ssyncset.done @!p0 $0x0  }
0x1df: {  	s17 =	sand.u32 $0x7, s24;
	[sflag:s6] =	ssyncadd.s32 @!p0 $0xFFFFA400;
	s6 =	simm.s32 @!p0 $0x4  }
0x1e0: {  	s15 =	sshll.u32 s17, $0x4;
	_ =	swait.ge @!p0 [sflag:s6], $0xB80  }
0x1e1: {  	s25 =	sand.u32 $0x7C00, s24;
	s15 =	sadd.s32 $0x0, s15;
	[sflag:s6] =	ssyncset.done @!p0 $0x0  }
0x1e2: {  	s20 =	sand.u32 $0x70, s24;
	s18 =	sor.u32 $0x380, s15;
	[sflag:s6] =	ssyncadd.s32 @!p0 $0xFFFFF480  }
0x1e3: {  	s26 =	sor.u32 s20, s25;
	v18 =	vld [tilespmem:s18+$0x5C00]  }
0x1e4: {  	v19 =	vld [tilespmem:s26+$0x5C00]  }
0x1e5: {  	v20 =	vld [tilespmem:s26+$0x5C80]  }
0x1e6: {  	v21 =	vld [tilespmem:s26+$0x5D00]  }
0x1e7: {  	v22 =	vld [tilespmem:s26+$0x5D80]  }
0x1e8: {  	v32 =	vimm.f32 $0.0e+00;
	v29 =	vimm.f32 $0.0e+00;
	v23 =	vld [tilespmem:s26+$0x5E00];
	v18 =	vmul.f32 $1.442695020e+00, v18  }
0x1e9: {  	s28 =	sadd.s32 $0x0, s31;
	v30 =	vimm.f32 $0.0e+00;
	v27 =	vimm.f32 $0.0e+00;
	v24 =	vld [tilespmem:s26+$0x5E80];
	v19 =	vmul.f32 $1.442695020e+00, v19  }
0x1ea: {  	v36 =	vor.u32 s28, v1;
	(erf) = vpow2.f32 v18;
	v18 =	vmul.f32 $1.442695020e+00, v20;
	v20 =	vld [tilespmem:s26+$0x5F00]  }
0x1eb: {  	v31 =	vimm.f32 $0.0e+00;
	v21 =	vmul.f32 $1.442695020e+00, v21;
	(erf) = vpow2.f32 v19  }
0x1ec: {  	v33 =	vimm.f32 $0.0e+00;
	s17 =	simm.s32 $0xC380;
	v19 =	vmul.f32 $1.442695020e+00, v22;
	(erf) = vpow2.f32 v18  }
0x1ed: {  	vm1 =	veq.s32 v36, v10;
	v34 =	vld [tilespmem:s17+$0x0];
	v18 =	vmul.f32 $1.442695020e+00, v23;
	(erf) = vpow2.f32 v21  }
0x1ee: {  	vm2 =	veq.s32 v36, v11;
	v21 =	vmul.f32 $1.442695020e+00, v24;
	(erf) = vpow2.f32 v19  }
0x1ef: {  	vm0 =	veq.s32 v36, v17;
	v19 =	vmul.f32 $1.442695020e+00, v20;
	(erf) = vpow2.f32 v18  }
0x1f0: {  	vm4 =	veq.s32 v36, v12;
	vm3 =	veq.s32 v36, v13;
	(erf) = vpow2.f32 v21  }
0x1f1: {  	v28 =	vimm.f32 $0.0e+00;
	v26 =	vimm.f32 $0.0e+00;
	(erf) = vpow2.f32 v19  }
0x1f2: {  	v25 =	vimm.f32 $0.0e+00;
	vm5 =	veq.s32 v34, v9;
	v22 =	vimm.f32 $0.0e+00  }
0x1f3: {  	v23 =	vimm.f32 $0.0e+00;
	v24 =	vimm.f32 $0.0e+00;
	v20 =	vimm.f32 $0.0e+00;
	v18 =	vpop (erf)  }
0x1f4: {  	s25 =	simm.s32 $0x1;
	v21 =	vimm.f32 $0.0e+00;
	v19 =	vimm.f32 $0.0e+00;
	v35 =	vsel vm0, $0x0, v18;
	v37 =	vpop (erf)  }
0x1f5: {  	s15 =	sand.u32 $0x7, s25;
	s18 =	simm.s32 $0x10;
	s26 =	simm.s32 $0x20;
	vm0 =	veq.s32 v36, v14;
	v18 =	vimm.f32 $0.0e+00;
	v38 =	vnsel vm5, $0x0, v35;
	v39 =	vpop (erf)  }
.LBB2_11:
0x1f6: {  	p0 =	sne.s32 s26, $0xB70;
	s6 =	sshll.u32 s15, $0x4;
	vm6 =	veq.s32 v36, v15;
	vm5 =	veq.s32 v36, v16;
	v33 =	vadd.f32 v38, v33;
	s24 =	sadd.s32 $0x80, s24;
	v36 =	vpop (erf)  }
0x1f7: {  	s15 =	sand.u32 $0x70, s18;
	v37 =	vsel vm1, $0x0, v37;
	v38 =	vsel vm2, $0x0, v39;
	s6 =	sadd.s32 s6, s24;
	s20 =	sand.u32 $0x7C00, s24;
	v36 =	vsel vm4, $0x0, v36;
	v39 =	vpop (erf)  }
0x1f8: {  	vm1 =	veq.s32 v34, v2;
	vm2 =	veq.s32 v34, v3;
	s15 =	sor.u32 s15, s20;
	s6 =	sor.u32 $0x380, s6;
	v39 =	vsel vm3, $0x0, v39;
	v40 =	vpop (erf)  }
0x1f9: {  	vm4 =	veq.s32 v34, v5;
	vm3 =	veq.s32 v34, v4;
	v41 =	vld [tilespmem:s6+$0x5C00];
	v40 =	vsel vm0, $0x0, v40;
	v42 =	vpop (erf)  }
0x1fa: {  	vm0 =	veq.s32 v34, v6;
	v43 =	vld [tilespmem:s15+$0x5C00];
	v42 =	vsel vm6, $0x0, v42;
	vm6 =	veq.s32 v34, v7;
	v44 =	vpop (erf)  }
0x1fb: {  	v46 =	vnsel vm1, $0x0, v37;
	vm1 =	veq.s32 v34, v8;
	v45 =	vld [tilespmem:s15+$0x5C80];
	v44 =	vsel vm5, $0x0, v44  }
0x1fc: {  	v47 =	vnsel vm2, $0x0, v38;
	v48 =	vnsel vm3, $0x0, v36;
	v49 =	vnsel vm4, $0x0, v39;
	v34 =	vld [tilespmem:s15+$0x5D00]  }
0x1fd: {  	v51 =	vnsel vm0, $0x0, v40;
	v52 =	vnsel vm6, $0x0, v42;
	v53 =	vnsel vm1, $0x0, v44;
	v50 =	vld [tilespmem:s15+$0x5D80]  }
0x1fe: {  	v31 =	vadd.f32 v35, v31;
	v32 =	vadd.f32 v46, v32;
	v54 =	vld [tilespmem:s15+$0x5E00];
	v41 =	vmul.f32 $1.442695020e+00, v41  }
0x1ff: {  	v30 =	vadd.f32 v47, v30;
	v28 =	vadd.f32 v48, v28;
	v35 =	vmul.f32 $1.442695020e+00, v43;
	v43 =	vld [tilespmem:s15+$0x5E80]  }
0x200: {  	v29 =	vadd.f32 v49, v29;
	v45 =	vmul.f32 $1.442695020e+00, v45;
	v46 =	vld [tilespmem:s15+$0x5F00];
	(erf) = vpow2.f32 v41  }
0x201: {  	v27 =	vadd.f32 v51, v27;
	v34 =	vmul.f32 $1.442695020e+00, v34;
	(erf) = vpow2.f32 v35  }
0x202: {  	v25 =	vadd.f32 v52, v25;
	v35 =	vmul.f32 $1.442695020e+00, v50;
	(erf) = vpow2.f32 v45  }
0x203: {  	v26 =	vadd.f32 v53, v26;
	v41 =	vmul.f32 $1.442695020e+00, v54;
	(erf) = vpow2.f32 v34  }
0x204: {  	s17 =	sadd.s32 $0x10, s17;
	v22 =	vadd.f32 v37, v22;
	v43 =	vmul.f32 $1.442695020e+00, v43;
	(erf) = vpow2.f32 v35  }
0x205: {  	v23 =	vadd.f32 v38, v23;
	v34 =	vld [tilespmem:s17+$0x0];
	v35 =	vmul.f32 $1.442695020e+00, v46;
	(erf) = vpow2.f32 v41  }
0x206: {  	v20 =	vadd.f32 v36, v20;
	v18 =	vadd.f32 v39, v18;
	(erf) = vpow2.f32 v43  }
.Ltmp4:
0x207: {  	s6 =	sadd.s32 s18, s31;
	s18 =	smov.u32 s26;
	v24 =	vadd.f32 v40, v24;
	v21 =	vadd.f32 v42, v21;
	(erf) = vpow2.f32 v35;
	(pc) =	sbr.rel @p0 .LBB2_11-.Ltmp4, $4  }
0x208: {  	v36 =	vor.u32 s6, v1;
	v19 =	vadd.f32 v44, v19  }
0x209: {  	vm2 =	veq.s32 v36, v11;
	vm0 =	veq.s32 v36, v17;
	vm1 =	veq.s32 v36, v10;
	v35 =	vpop (erf)  }
0x20a: {  	s25 =	sadd.s32 $0x1, s25;
	vm4 =	veq.s32 v36, v12;
	v35 =	vsel vm0, $0x0, v35;
	vm5 =	veq.s32 v34, v9;
	v37 =	vpop (erf)  }
0x20b: {  	s26 =	sadd.s32 $0x10, s26;
	vm3 =	veq.s32 v36, v13;
	s15 =	sand.u32 $0x7, s25;
	vm0 =	veq.s32 v36, v14;
	v38 =	vnsel vm5, $0x0, v35;
	v39 =	vpop (erf)  }
0x20c: {  	vm5 =	veq.s32 v36, v15;
	vm6 =	veq.s32 v36, v16  }
0x20d: {  	s6 =	sshll.u32 s15, $0x4;
	s25 =	sadd.s32 $0x80, s24;
	v33 =	vadd.f32 v38, v33;
	v37 =	vsel vm1, $0x0, v37;
	v38 =	vsel vm2, $0x0, v39  }
0x20e: {  	vm10 =	veq.s32 v34, v2;
	vm11 =	veq.s32 v34, v3;
	vm12 =	veq.s32 v34, v4;
	s6 =	sadd.s32 s6, s25  }
0x20f: {  	v56 =	vpop (erf);
	s20 =	sand.u32 $0x70, s18;
	vm13 =	veq.s32 v34, v5;
	vm14 =	veq.s32 v34, v6;
	vm15 =	veq.s32 v34, v7;
	s15 =	sand.u32 $0x7C00, s25;
	s6 =	sor.u32 $0x380, s6  }
0x210: {  	vm8 =	veq.s32 v34, v8;
	v31 =	vadd.f32 v35, v31;
	v36 =	vsel vm4, $0x0, v56;
	s15 =	sor.u32 s20, s15;
	v41 =	vld [tilespmem:s6+$0x5C00]  }
0x211: {  	v57 =	vpop (erf);
	v46 =	vnsel vm10, $0x0, v37;
	v58 =	vnsel vm11, $0x0, v38;
	v22 =	vadd.f32 v37, v22;
	v43 =	vld [tilespmem:s15+$0x5C00]  }
0x212: {  	v23 =	vadd.f32 v38, v23;
	v39 =	vsel vm3, $0x0, v57;
	v32 =	vadd.f32 v46, v32;
	v45 =	vld [tilespmem:s15+$0x5C80]  }
0x213: {  	s28 =	sadd.s32 s18, s31;
	v40 =	vpop (erf);
	v48 =	vnsel vm12, $0x0, v36;
	v30 =	vadd.f32 v58, v30;
	v20 =	vadd.f32 v36, v20;
	v47 =	vld [tilespmem:s15+$0x5D00]  }
0x214: {  	v46 =	vor.u32 s28, v1;
	v40 =	vsel vm0, $0x0, v40;
	v50 =	vnsel vm13, $0x0, v39  }
0x215: {  	v49 =	vld [tilespmem:s15+$0x5D80];
	v28 =	vadd.f32 v48, v28;
	v18 =	vadd.f32 v39, v18;
	v41 =	vmul.f32 $1.442695020e+00, v41  }
0x216: {  	vm2 =	veq.s32 v46, v10;
	vm9 =	veq.s32 v46, v11;
	v43 =	vmul.f32 $1.442695020e+00, v43  }
0x217: {  	v54 =	vld [tilespmem:s15+$0x5E00];
	vm10 =	veq.s32 v46, v17;
	v45 =	vmul.f32 $1.442695020e+00, v45;
	(erf) = vpow2.f32 v41  }
0x218: {  	vm11 =	veq.s32 v46, v12;
	v61 =	vmul.f32 $1.442695020e+00, v47;
	(erf) = vpow2.f32 v43  }
0x219: {  	v42 =	vpop (erf);
	v59 =	vld [tilespmem:s15+$0x5E80];
	vm12 =	veq.s32 v46, v13;
	vm13 =	veq.s32 v46, v14;
	(erf) = vpow2.f32 v45  }
0x21a: {  	v60 =	vld [tilespmem:s15+$0x5F00];
	v42 =	vsel vm5, $0x0, v42;
	v62 =	vmul.f32 $1.442695020e+00, v49;
	(erf) = vpow2.f32 v61  }
0x21b: {  	s26 =	sadd.s32 $0x10, s17;
	v51 =	vnsel vm14, $0x0, v40;
	v29 =	vadd.f32 v50, v29;
	v24 =	vadd.f32 v40, v24  }
0x21c: {  	v34 =	vld [tilespmem:s26+$0x0];
	v44 =	vpop (erf);
	vm14 =	veq.s32 v46, v15;
	v63 =	vmul.f32 $1.442695020e+00, v54;
	(erf) = vpow2.f32 v62  }
0x21d: {  	v44 =	vsel vm6, $0x0, v44;
	v52 =	vnsel vm15, $0x0, v42;
	v27 =	vadd.f32 v51, v27  }
0x21e: {  	v21 =	vadd.f32 v42, v21;
	v45 =	vmul.f32 $1.442695020e+00, v59;
	(erf) = vpow2.f32 v63  }
0x21f: {  	vm15 =	veq.s32 v46, v16;
	v53 =	vnsel vm8, $0x0, v44;
	v35 =	vmul.f32 $1.442695020e+00, v60  }
0x220: {  	v25 =	vadd.f32 v52, v25;
	v19 =	vadd.f32 v44, v19;
	(erf) = vpow2.f32 v45;
	v47 =	vpop (erf)  }
0x221: {  	v51 =	vld [tilespmem:$0xD180];
	vm8 =	veq.s32 v34, v2;
	v26 =	vadd.f32 v53, v26;
	(erf) = vpow2.f32 v35;
	v48 =	vpop (erf)  }
0x222: {  	v53 =	vld [tilespmem:$0xD080];
	v36 =	vsel vm10, $0x0, v47;
	vm10 =	veq.s32 v34, v4;
	v49 =	vpop (erf);
	v37 =	vsel vm2, $0x0, v48  }
0x223: {  	v54 =	vld [tilespmem:$0xD190];
	v50 =	vpop (erf);
	v38 =	vsel vm9, $0x0, v49;
	vm9 =	veq.s32 v34, v3;
	v56 =	vnsel vm8, $0x0, v37  }
0x224: {  	v57 =	vld [tilespmem:$0xD090];
	v22 =	vadd.f32 v37, v22;
	v35 =	vsel vm11, $0x0, v50;
	vm11 =	veq.s32 v34, v5  }
0x225: {  	v58 =	vld [tilespmem:$0xD1A0];
	v52 =	vpop (erf);
	v32 =	vadd.f32 v56, v32;
	v59 =	vnsel vm9, $0x0, v38;
	v23 =	vadd.f32 v38, v23  }
0x226: {  	v60 =	vld [tilespmem:$0xD0A0];
	v40 =	vsel vm12, $0x0, v52;
	v22 =	vadd.f32 v51, v22;
	vm12 =	veq.s32 v34, v6  }
0x227: {  	v61 =	vld [tilespmem:$0xD1B0];
	v55 =	vpop (erf);
	v30 =	vadd.f32 v59, v30;
	v63 =	vnsel vm10, $0x0, v35;
	v32 =	vadd.f32 v53, v32  }
0x228: {  	v46 =	vld [tilespmem:$0xD0B0];
	v20 =	vadd.f32 v35, v20;
	v43 =	vsel vm13, $0x0, v55;
	v42 =	vadd.f32 v54, v23;
	[tilespmem:$0xD180] =	vst v22  }
0x229: {  	v48 =	vld [tilespmem:$0xD1C0];
	v28 =	vadd.f32 v63, v28;
	v49 =	vnsel vm11, $0x0, v40;
	v30 =	vadd.f32 v57, v30;
	[tilespmem:$0xD080] =	vst v32  }
0x22a: {  	v50 =	vld [tilespmem:$0xD0C0];
	v62 =	vpop (erf);
	v18 =	vadd.f32 v40, v18;
	vm13 =	veq.s32 v34, v7;
	v20 =	vadd.f32 v58, v20;
	[tilespmem:$0xD190] =	vst v42  }
0x22b: {  	v51 =	vld [tilespmem:$0xD1D0];
	v47 =	vsel vm14, $0x0, v62;
	v29 =	vadd.f32 v49, v29;
	v28 =	vadd.f32 v60, v28;
	[tilespmem:$0xD090] =	vst v30  }
0x22c: {  	v54 =	vld [tilespmem:$0xD0D0];
	v53 =	vnsel vm12, $0x0, v43;
	v24 =	vadd.f32 v43, v24;
	v18 =	vadd.f32 v61, v18;
	[tilespmem:$0xD1A0] =	vst v20  }
0x22d: {  	v55 =	vld [tilespmem:$0xD1E0];
	vm14 =	veq.s32 v34, v8;
	v27 =	vadd.f32 v53, v27;
	v23 =	vadd.f32 v46, v29;
	[tilespmem:$0xD0A0] =	vst v28  }
0x22e: {  	v52 =	vpop (erf);
	v57 =	vld [tilespmem:$0xD0E0];
	v56 =	vnsel vm13, $0x0, v47;
	v21 =	vadd.f32 v47, v21;
	[tilespmem:$0xD1B0] =	vst v18;
	v18 =	vadd.f32 v48, v24  }
0x22f: {  	v58 =	vld [tilespmem:$0xD1F0];
	v37 =	vsel vm15, $0x0, v52;
	v25 =	vadd.f32 v56, v25;
	v22 =	vadd.f32 v50, v27;
	[tilespmem:$0xD0B0] =	vst v23  }
0x230: {  	v60 =	vld [tilespmem:$0xD0F0];
	v59 =	vnsel vm14, $0x0, v37;
	v19 =	vadd.f32 v37, v19;
	[tilespmem:$0xD1C0] =	vst v18;
	v18 =	vadd.f32 v51, v21  }
0x231: {  	s1 =	sadd.s32 $0x1, s1;
	vm15 =	veq.s32 v34, v9;
	v26 =	vadd.f32 v59, v26;
	v20 =	vadd.f32 v54, v25;
	[tilespmem:$0xD0C0] =	vst v22  }
0x232: {  	p0 =	sne.s32 s1, $0x11;
	v62 =	vadd.f32 v36, v31;
	v61 =	vnsel vm15, $0x0, v36;
	[tilespmem:$0xD1D0] =	vst v18;
	v18 =	vadd.f32 v55, v19  }
.Ltmp5:
0x233: {  	v63 =	vadd.f32 v57, v26;
	[tilespmem:$0xD0D0] =	vst v20;
	v19 =	vadd.f32 v61, v33;
	(pc) =	sbr.rel @p0 .LBB2_8-.Ltmp5, $4  }
0x234: {  	[tilespmem:$0xD1E0] =	vst v18;
	v18 =	vadd.f32 v58, v62  }
0x235: {  	[tilespmem:$0xD0E0] =	vst v63;
	v19 =	vadd.f32 v60, v19  }
0x236: {  	[tilespmem:$0xD1F0] =	vst v18  }
0x237: {  	s0 =	sadd.s32 $0x1700, s0;
	s31 =	sadd.s32 $0x1700, s31;
	[tilespmem:$0xD0F0] =	vst v19  }
0x238: {  	s0 =	simm.s32 $0xD080  }
0x239: {  	[hbm4b:s12+s2] =	stream.linear.scatter [tilespmem:s0], [sflag:$0x5], $0x80, $0x38;
	[tilespmem:$0xD200] =	vst v63  }
0x23a: {  	s29 =	sadd.s32 $0x1, s29;
	_ =	swait.ge [sflag:s16], $0x80  }
0x23b: {  	p0 =	sne.s32 s29, s14;
	[sflag:s16] =	ssyncset.done $0x0  }
.Ltmp6:
0x23c: {  	s31 =	simm.s32 $0xD180;
	[sflag:s16] =	ssyncadd.s32 $0xFFFFFF80;
	(pc) =	sbr.rel @p0 .LBB2_1-.Ltmp6, $4  }
0x23d: {  	[hbm4b:s13+s2] =	stream.linear.scatter [tilespmem:s31], [sflag:$0x5], $0x80, $0x38;
	[tilespmem:$0xD200] =	vst v63  }
0x23e: {  	_ =	swait.ge [sflag:s16], $0x80  }
0x23f: {  	[sflag:s16] =	ssyncset.done $0x0  }
0x240: {  	[sflag:s16] =	ssyncadd.s32 $0xFFFFFF80  }
0x241: {  	_ =	sfence.sel $0x180000  }
0x242: {  	[bflag:$0x0] =	sbarrier.arrive $0xFFFF  }
0x243: {  	_ =	strace $0x90000047  }
0x244: {  	s0 =	stileid.u32;
	[bflag:$0x2] =	sbarrier.arrive $0xFFFF  }
0x245: {  	p0 =	sne.s32 s0, $0x0;
	s0 =	rddreg [dreg:$0x2]  }
0x246: {  	s0 =	sadd.s32 @!p0 $0x100000, s0  }
0x247: {  	[sflag:s0] =	ssyncadd.tile.s32 @!p0 $0x1;
	_ =	shalt  }
.Lfunc_end2:
_tile_overlayer_lowered:
.L_overlay_start_2:
0x248: {  	(tag) =	ssettag $0x2  }
0x249: {  	s0 =	rddreg [dreg:$0x0];
	s2 =	stileid.u32  }
0x24a: {  	s1 =	rddreg [dreg:$0x1];
	p0 =	sne.s32 s2, $0x0  }
0x24b: {  	s3 =	rddreg [dreg:$0x2];
	[bflag:$0x3] =	sbarrier.arrive $0xFFFF;
	s2 =	simm.s32 @!p0 $0x1C05  }
0x24c: {  	[timem:s3], [sflag:s2] =	dma.local @!p0 [hbm:s0], s1  }
0x24d: {  	s0 =	simm.s32 @!p0 $0x5  }
0x24e: {  	_ =	swait.ge @!p0 [sflag:s0], s1  }
0x24f: {  	s1 =	ssub.s32 @!p0 $0x0, s1;
	[sflag:s0] =	ssyncset.done @!p0 $0x0  }
0x250: {  	[sflag:s0] =	ssyncadd.s32 @!p0 s1  }
0x251: {  	[bflag:$0x3] =	sbarrier.arrive $0xFFFF  }
0x252: {  	_ =	shalt  }

</sc_bundles>
